<compile_context>
chip_gen: v7x
topology: tpu7x:2x2x1
jax: 0.10.2.dev20260603
libtpu: 0.0.44.dev20260713+nightly
codegen_flags: <defaults>
</compile_context>

<pallas_src>
import functools
import math

import jax
import jax.numpy as jnp
import numpy as np
from jax import lax
from jax.experimental import pallas as pl
from jax.experimental.pallas import tpu as pltpu
from jax.experimental.pallas import tpu_sc as plsc

_B, _H, _L, _DK = 1, 12, 2048, 64
_C = _H * _DK


_NTAP = 26
_FIRST_TAPS = (0, 1, 2, 5, 8, 17)
_STAGE_ENDS = ((0, None), (1, 0), (4, None), (7, 1), (16, None), (25, 2))


def _conv_body(x_ref, gamma_ref, beta_ref, wproj_ref, w_ref,
               p_ref, km_ref, curp, acc):
  j = pl.program_id(0)

  @pl.when(j == 0)
  def _init():
    curp[...] = x_ref[...]

  r = jnp.where(j < 2, 0,
      jnp.where(j < 5, 3 - j,
      jnp.where(j < 8, 6 - j,
      jnp.where(j < 17, 12 - j, 21 - j))))
  rolled = pltpu.roll(curp[...], jnp.where(r < 0, r + _L, r), axis=1)
  col = jax.lax.broadcasted_iota(jnp.int32, (_C, _L), 1)
  xs = jnp.where((col >= r) & (col < _L + r), rolled, 0.0)
  t = jnp.dot(w_ref[0], xs, preferred_element_type=jnp.float32)
  first = ((j == 0) | (j == 1) | (j == 2) | (j == 5) | (j == 8) | (j == 17))

  @pl.when(first)
  def _set():
    acc[...] = t

  @pl.when(jnp.logical_not(first))
  def _add():
    acc[...] += t

  def finalize(side_idx):
    a = acc[...]
    mu = jnp.mean(a, axis=1, keepdims=True)
    m2 = jnp.mean(a * a, axis=1, keepdims=True)
    var = m2 - mu * mu
    scale = jax.lax.rsqrt(var + 1e-5) * gamma_ref[...]
    shift = beta_ref[...] - mu * scale
    yh = a * scale + shift
    z = jnp.where(yh > 0, yh, jnp.exp(yh) - 1.0)
    if side_idx is None:
      curp[...] = z
    else:
      p = jnp.dot(z, wproj_ref[...], preferred_element_type=jnp.float32)
      p_ref[side_idx] = p
      for hh in range(4):
        base = 192 * hh
        pm = (p[base:base + 64] + p[base + 64:base + 128] +
              p[base + 128:base + 192]) * (1.0 / 3.0)
        km_ref[side_idx, 64 * hh:64 * hh + 64] = pm

  for jend, side_idx in _STAGE_ENDS:
    @pl.when(j == jend)
    def _fin(side_idx=side_idx):
      finalize(side_idx)


_NEG = -3.0e38
_NPAD = 8192


def _sc_topk_body(qp_hbm, out_hbm, ts, ob):
  wid = lax.axis_index("s") * 2 + lax.axis_index("c")

  @pl.when(wid < _H)
  def _work():
    def padb(vi, c):
      ts[pl.ds(vi * 16, 16)] = jnp.full((16,), _NEG, jnp.float32)
      return c
    lax.fori_loop(0, 128, padb, 0)
    pltpu.sync_copy(qp_hbm.at[wid], ts.at[pl.ds(2048, 6144)])

    def isort(vi, c):
      neg = jnp.where((vi & 1) == 0, jnp.float32(1.0), jnp.float32(-1.0))
      v = ts[pl.ds(vi * 16, 16)] * neg
      ts[pl.ds(vi * 16, 16)] = jnp.sort(v) * neg
      return c
    lax.fori_loop(0, 512, isort, 0)

    for lk in range(5, 14):
      blk = 1 << lk
      dd = blk // 32
      while dd >= 1:
        ldd = dd.bit_length() - 1

        def pair(p, c, dd=dd, ldd=ldd, blk=blk):
          i = (p & (dd - 1)) + ((p >> ldd) << (ldd + 1))
          o1 = i * 16
          o2 = o1 + dd * 16
          a = ts[pl.ds(o1, 16)]
          b = ts[pl.ds(o2, 16)]
          asc = (o1 & blk) == 0
          lo = jnp.minimum(a, b)
          hi = jnp.maximum(a, b)
          ts[pl.ds(o1, 16)] = jnp.where(asc, lo, hi)
          ts[pl.ds(o2, 16)] = jnp.where(asc, hi, lo)
          return c
        lax.fori_loop(0, 256, pair, 0)
        dd //= 2

      def vsort(vi, c, blk=blk):
        neg = jnp.where(((vi * 16) & blk) == 0,
                        jnp.float32(1.0), jnp.float32(-1.0))
        v = ts[pl.ds(vi * 16, 16)] * neg
        ts[pl.ds(vi * 16, 16)] = jnp.sort(v) * neg
        return c
      lax.fori_loop(0, 512, vsort, 0)

    def emit(kv, c):
      v = ts[pl.ds(_NPAD - 16 - kv * 16, 16)]
      ob[pl.ds(kv * 16, 16)] = lax.rev(v, (0,))
      return c
    lax.fori_loop(0, 128, emit, 0)
    pltpu.sync_copy(ob, out_hbm.at[wid])


def _sc_topk(qp):
  mesh = plsc.VectorSubcoreMesh(core_axis_name="c", subcore_axis_name="s")
  return pl.kernel(
      _sc_topk_body,
      out_type=jax.ShapeDtypeStruct((_H, _L), jnp.float32),
      mesh=mesh,
      scratch_types=[
          pltpu.VMEM((_NPAD,), jnp.float32),
          pltpu.VMEM((_L,), jnp.float32),
      ],
      compiler_params=pltpu.CompilerParams(needs_layout_passes=False),
  )(qp)


def _attn_body(qt_ref, km_ref, v_ref, pbq_ref, pbk_ref, attn_ref, ctx_ref):
  s = jnp.sum(pbq_ref[...] * pbk_ref[...], keepdims=True) * 0.125
  a = qt_ref[0] * s
  m = km_ref[0]
  logits = a * m
  mx = jnp.max(logits, axis=1, keepdims=True)
  e = jnp.exp(logits - mx)
  ssum = jnp.sum(e, axis=1, keepdims=True)
  attn = e / ssum
  attn_ref[0] = attn
  ctx_ref[0] = jnp.dot(attn, v_ref[0], preferred_element_type=jnp.float32)


def kernel(Q, K, V, attn_mask, wq0, bq0, wq1, bq1, wq2, bq2,
           wk0, bk0, wk1, bk1, wk2, bk2, gamma, beta,
           proj_q_w, proj_k_w, proj_back_q_w, proj_back_k_w):
  b, h, l, d_k = Q.shape
  del attn_mask

  def prep_w(w0, w1, w2):
    a = jnp.moveaxis(w0, 2, 0)
    b = jnp.moveaxis(w1, 2, 0)
    c = jnp.moveaxis(w2, 2, 0)
    return jnp.concatenate([a, a, b, b, c, c], axis=0)

  del bq0, bq1, bq2, bk0, bk1, bk2

  eye = jnp.eye(32, dtype=jnp.float32)
  def band(w):
    m = eye[:, None, :] * w[0][None, :, None]
    return m.reshape(2048, 32)

  conv_call = pl.pallas_call(
      _conv_body,
      grid=(_NTAP,),
      in_specs=[
          pl.BlockSpec((_C, _L), lambda j: (0, 0)),
          pl.BlockSpec((_C, 1), lambda j: (0, 0)),
          pl.BlockSpec((_C, 1), lambda j: (0, 0)),
          pl.BlockSpec((2048, 32), lambda j: (0, 0)),
          pl.BlockSpec((1, _C, _C), lambda j: (j, 0, 0)),
      ],
      out_specs=[
          pl.BlockSpec((3, _C, 32), lambda j: (0, 0, 0)),
          pl.BlockSpec((3, 256, 32), lambda j: (0, 0, 0)),
      ],
      out_shape=[
          jax.ShapeDtypeStruct((3, _C, 32), jnp.float32),
          jax.ShapeDtypeStruct((3, 256, 32), jnp.float32),
      ],
      scratch_shapes=[
          pltpu.VMEM((_C, _L), jnp.float32),
          pltpu.VMEM((_C, _L), jnp.float32),
      ],
      compiler_params=pltpu.CompilerParams(
          dimension_semantics=("arbitrary",)),
  )

  g2 = gamma[:, None]
  b2 = beta[:, None]
  p_q, _ = conv_call(Q.reshape(_C, _L), g2, b2, band(proj_q_w),
                     prep_w(wq0, wq1, wq2))
  qp = p_q.reshape(_H, 3 * _L)
  q_top = _sc_topk(qp)

  _, km_k = conv_call(K.reshape(_C, _L), g2, b2, band(proj_k_w),
                      prep_w(wk0, wk1, wk2))
  k_mean = km_k.reshape(_H, _L)

  qb = 256
  attn, ctx = pl.pallas_call(
      _attn_body,
      grid=(_H, _L // qb),
      in_specs=[
          pl.BlockSpec((1, qb, 1), lambda hh, j: (hh, j, 0)),
          pl.BlockSpec((1, 1, _L), lambda hh, j: (hh, 0, 0)),
          pl.BlockSpec((1, _L, _DK), lambda hh, j: (hh, 0, 0)),
          pl.BlockSpec((1, _DK), lambda hh, j: (0, 0)),
          pl.BlockSpec((1, _DK), lambda hh, j: (0, 0)),
      ],
      out_specs=[
          pl.BlockSpec((1, qb, _L), lambda hh, j: (hh, j, 0)),
          pl.BlockSpec((1, qb, _DK), lambda hh, j: (hh, j, 0)),
      ],
      out_shape=[
          jax.ShapeDtypeStruct((_H, _L, _L), jnp.float32),
          jax.ShapeDtypeStruct((_H, _L, _DK), jnp.float32),
      ],
      compiler_params=pltpu.CompilerParams(
          dimension_semantics=("arbitrary", "arbitrary")),
  )(q_top[:, :, None], k_mean[:, None, :], V[0],
    proj_back_q_w.reshape(1, _DK), proj_back_k_w.reshape(1, _DK))

  return (ctx.reshape(b, h, l, d_k), attn.reshape(b, h, l, l))

# --- scband reference (transcript-rebuilt; emitter-appended) ---
"""Pipeline reference for scband-kitty-cat-conv-33243046871202 (READ-ONLY COPY).

The authoritative reference and input builder live on the scoring server;
editing this copy changes nothing except your own understanding.
"""

import jax, jax.numpy as jnp
import numpy as np
import math

B, H, L, DK = 1, 12, 2048, 64
C = H * DK
FILTERS = [1, 3, 9]
PADS = [0, 1, 4]

def _conv1d(x, w, b, pad):
    out = jax.lax.conv_general_dilated(x, w, window_strides=(1,), padding=[(pad, pad)], dimension_numbers=('NCH', 'OIH', 'NCH'))
    return out + b[None, :, None]

def _bn(x, gamma, beta, eps=1e-5):
    mean = jnp.mean(x, axis=(0, 2), keepdims=True)
    var = jnp.mean((x - mean) ** 2, axis=(0, 2), keepdims=True)
    xhat = (x - mean) / jnp.sqrt(var + eps)
    return xhat * gamma[None, :, None] + beta[None, :, None]

def setup_inputs(seed: int = 0):
    key = jax.random.key(seed)
    ks = jax.random.split(key, 24)
    inp = {}
    inp['Q'] = jax.random.normal(ks[0], (B, H, L, DK), jnp.float32)
    inp['K'] = jax.random.normal(ks[1], (B, H, L, DK), jnp.float32)
    inp['V'] = jax.random.normal(ks[2], (B, H, L, DK), jnp.float32)
    inp['attn_mask'] = jnp.zeros((1, 1, L, L), jnp.bool_)
    idx = 3
    for j, f in enumerate(FILTERS):
        std = math.sqrt(2.0 / (C * f))
        bound = 1.0 / math.sqrt(C * f)
        inp['wq%d' % j] = jax.random.normal(ks[idx], (C, C, f), jnp.float32) * std; idx += 1
        inp['bq%d' % j] = jax.random.uniform(ks[idx], (C,), jnp.float32, -bound, bound); idx += 1
        inp['wk%d' % j] = jax.random.normal(ks[idx], (C, C, f), jnp.float32) * std; idx += 1
        inp['bk%d' % j] = jax.random.uniform(ks[idx], (C,), jnp.float32, -bound, bound); idx += 1
    inp['gamma'] = jnp.ones((C,), jnp.float32)
    inp['beta'] = jnp.zeros((C,), jnp.float32)
    lb = 1.0 / math.sqrt(DK)
    inp['proj_q_w'] = jax.random.uniform(ks[idx], (1, DK), jnp.float32, minval=-lb, maxval=lb); idx += 1
    inp['proj_k_w'] = jax.random.uniform(ks[idx], (1, DK), jnp.float32, minval=-lb, maxval=lb); idx += 1
    inp['proj_back_q_w'] = jax.random.uniform(ks[idx], (DK, 1), jnp.float32, minval=-1.0, maxval=1.0); idx += 1
    inp['proj_back_k_w'] = jax.random.uniform(ks[idx], (DK, 1), jnp.float32, minval=-1.0, maxval=1.0); idx += 1
    return inp

def reference(Q, K, V, attn_mask, wq0, bq0, wq1, bq1, wq2, bq2, wk0, bk0, wk1, bk1, wk2, bk2, gamma, beta, proj_q_w, proj_k_w, proj_back_q_w, proj_back_k_w):
    b, h, l, d_k = Q.shape
    l_k = K.shape[2]
    Qr = Q.reshape(b, h * d_k, l)
    Kr = K.reshape(b, h * d_k, l_k)
    wq = [wq0, wq1, wq2]; bq = [bq0, bq1, bq2]
    wk = [wk0, wk1, wk2]; bk = [bk0, bk1, bk2]
    Q_l = []; K_l = []
    for i in range(3):
        Qr = jax.nn.elu(_bn(_conv1d(Qr, wq[i], bq[i], PADS[i]), gamma, beta))
        Kr = jax.nn.elu(_bn(_conv1d(Kr, wk[i], bk[i], PADS[i]), gamma, beta))
        Q_l.append(jax.nn.elu(_bn(_conv1d(Qr, wq[i], bq[i], PADS[i]), gamma, beta)))
        K_l.append(jax.nn.elu(_bn(_conv1d(Kr, wk[i], bk[i], PADS[i]), gamma, beta)))
    Q_p = jnp.concatenate(Q_l, axis=0).reshape(b, h, l * 3, -1)
    K_p = jnp.concatenate(K_l, axis=0).reshape(b, h, l_k * 3, -1)
    Q_proj = Q_p @ proj_q_w.T
    K_proj = K_p @ proj_k_w.T
    Q_top = jax.lax.top_k(Q_proj[..., 0], l)[0][..., None]
    Qn = Q_top @ proj_back_q_w.T
    K_mean = jnp.mean(K_proj.reshape(b, h, 3, l_k), axis=2)
    K_vals, index = jax.lax.top_k(K_mean, l_k)
    Kn = K_vals[..., None] @ proj_back_k_w.T
    scores = jnp.einsum('bhqd,bhkd->bhqk', Qn, Kn) / np.sqrt(d_k)
    inv_index = jnp.argsort(index, axis=-1)
    inv_full = jnp.broadcast_to(inv_index[:, :, None, :], (b, h, l, l_k))
    scores_f = jnp.take_along_axis(scores, inv_full, axis=-1)
    attn = jax.nn.softmax(scores_f, axis=-1)
    context = jnp.einsum('bhqk,bhkd->bhqd', attn, V)
    return (context, attn)

if __name__ == "__main__":
    import jax
    _d = setup_inputs()
    print(jax.jit(kernel)(*tuple(_d.values())))

</pallas_src>

<mosaic_0001>
#map = affine_map<(d0, d1) -> (0, 0)>
module attributes {stable_mosaic.version = 14 : i64} {
  func.func @_sc_topk_body(%arg0: i32, %arg1: i32, %arg2: memref<12x6144xf32, #tpu.memory_space<hbm>>, %arg3: memref<12x2048xf32, #tpu.memory_space<hbm>>, %arg4: memref<8192xf32, #tpu.memory_space<vmem>>, %arg5: memref<2048xf32, #tpu.memory_space<vmem>>) attributes {dimension_semantics = [#tpu.dimension_semantics<core_parallel>, #tpu.dimension_semantics<subcore_parallel>], iteration_bounds = array<i64: 2, 16>, scalar_prefetch = 0 : i64, scratch_operands = 2 : i64, tpu.core_type = #tpu.core_type<sc_vector_subcore>, window_params = [{transform_indices = #map}, {transform_indices = #map}]} {
    %mul3A = arith.constant 2 : i32
    %mul3A_0 = arith.muli %arg1, %mul3A : i32
    %add3A = arith.addi %mul3A_0, %arg0 : i32
    %lt3A = arith.constant 12 : i32
    %lt3A_1 = arith.cmpi slt, %add3A, %lt3A : i32
    %convert_element_type3A = arith.extui %lt3A_1 : i1 to i32
    %cond3A = arith.constant 0 : i32
    %cond3A_2 = arith.cmpi ne, %convert_element_type3A, %cond3A : i32
    scf.if %cond3A_2 {
      %scan3A = arith.constant 0 : i32
      %scan3A_3 = arith.constant 0 : i32
      %scan3A_4 = arith.constant 128 : i32
      %scan3A_5 = arith.addi %scan3A_3, %scan3A_4 : i32
      %scan3A_6 = arith.constant 1 : i32
      scf.for %scan3A_344 = %scan3A_3 to %scan3A_5 step %scan3A_6  : i32 {
        %broadcast_in_dim3A = arith.constant -3.000000e+38 : f32
        %broadcast_in_dim3A_345 = vector.broadcast %broadcast_in_dim3A : f32 to vector<16xf32>
        %mul3A_346 = arith.constant 16 : i32
        %mul3A_347 = arith.muli %scan3A_344, %mul3A_346 : i32
        %swap3A = arith.index_cast %mul3A_347 : i32 to index
        %swap3A_348 = tpu.vector_load %arg4[%swap3A] {strides = array<i32>} : memref<8192xf32, #tpu.memory_space<vmem>>, vector<16xf32>,
        tpu.vector_store %arg4[%swap3A], %broadcast_in_dim3A_345 {strides = array<i32>} : memref<8192xf32, #tpu.memory_space<vmem>>, vector<16xf32>,
      }
      %scan3A_7 = arith.constant 128 : i32
      "tpu.region"() ({
        %run_scoped3A = tpu.sem_alloc : memref<!tpu.dma_semaphore, #tpu.memory_space<semaphore_mem>>
        %dma_start3A = arith.constant 2048 : i32
        %dma_start3A_344 = tpu.memref_slice %arg4[%dma_start3A] : memref<8192xf32, #tpu.memory_space<vmem>> -> memref<6144xf32, #tpu.memory_space<vmem>>
        %dma_start3A_345 = arith.constant 0 : i32
        %dma_start3A_346 = tpu.memref_slice %arg2[%add3A, %dma_start3A_345] : memref<12x6144xf32, #tpu.memory_space<hbm>> -> memref<1x6144xf32, #tpu.memory_space<hbm>>
        %dma_start3A_347 = tpu.memref_squeeze %dma_start3A_346 : memref<1x6144xf32, #tpu.memory_space<hbm>> -> memref<6144xf32, #tpu.memory_space<hbm>>
        %dma_start3A_348 = arith.constant 2048 : i32
        %dma_start3A_349 = tpu.memref_slice %arg4[%dma_start3A_348] : memref<8192xf32, #tpu.memory_space<vmem>> -> memref<6144xf32, #tpu.memory_space<vmem>>
        %dma_start3A_350 = arith.constant 0 : i32
        %dma_start3A_351 = tpu.memref_slice %arg2[%add3A, %dma_start3A_350] : memref<12x6144xf32, #tpu.memory_space<hbm>> -> memref<1x6144xf32, #tpu.memory_space<hbm>>
        %dma_start3A_352 = tpu.memref_squeeze %dma_start3A_351 : memref<1x6144xf32, #tpu.memory_space<hbm>> -> memref<6144xf32, #tpu.memory_space<hbm>>
        tpu.enqueue_dma source(%dma_start3A_352 : memref<6144xf32, #tpu.memory_space<hbm>>) target(%dma_start3A_349 : memref<6144xf32, #tpu.memory_space<vmem>>) target_semaphore(%run_scoped3A : memref<!tpu.dma_semaphore, #tpu.memory_space<semaphore_mem>>)
        %dma_wait3A = arith.constant 2048 : i32
        %dma_wait3A_353 = tpu.memref_slice %arg4[%dma_wait3A] : memref<8192xf32, #tpu.memory_space<vmem>> -> memref<6144xf32, #tpu.memory_space<vmem>>
        %dma_wait3A_354 = arith.constant 0 : i32
        %dma_wait3A_355 = tpu.memref_slice %arg2[%add3A, %dma_wait3A_354] : memref<12x6144xf32, #tpu.memory_space<hbm>> -> memref<1x6144xf32, #tpu.memory_space<hbm>>
        %dma_wait3A_356 = tpu.memref_squeeze %dma_wait3A_355 : memref<1x6144xf32, #tpu.memory_space<hbm>> -> memref<6144xf32, #tpu.memory_space<hbm>>
        %dma_wait3A_357 = arith.constant 2048 : i32
        %dma_wait3A_358 = tpu.memref_slice %arg4[%dma_wait3A_357] : memref<8192xf32, #tpu.memory_space<vmem>> -> memref<6144xf32, #tpu.memory_space<vmem>>
        %dma_wait3A_359 = arith.constant 0 : i32
        %dma_wait3A_360 = tpu.memref_slice %arg2[%add3A, %dma_wait3A_359] : memref<12x6144xf32, #tpu.memory_space<hbm>> -> memref<1x6144xf32, #tpu.memory_space<hbm>>
        %dma_wait3A_361 = tpu.memref_squeeze %dma_wait3A_360 : memref<1x6144xf32, #tpu.memory_space<hbm>> -> memref<6144xf32, #tpu.memory_space<hbm>>
        tpu.wait_dma2 semaphore(%run_scoped3A : memref<!tpu.dma_semaphore, #tpu.memory_space<semaphore_mem>>) src(%dma_wait3A_361 : memref<6144xf32, #tpu.memory_space<hbm>>) dst(%dma_wait3A_358 : memref<6144xf32, #tpu.memory_space<vmem>>)
        tpu.yield
      }) : () -> ()
      %scan3A_8 = arith.constant 0 : i32
      %scan3A_9 = arith.constant 0 : i32
      %scan3A_10 = arith.constant 512 : i32
      %scan3A_11 = arith.addi %scan3A_9, %scan3A_10 : i32
      %scan3A_12 = arith.constant 1 : i32
      scf.for %scan3A_344 = %scan3A_9 to %scan3A_11 step %scan3A_12  : i32 {
        %and3A = arith.constant 1 : i32
        %and3A_345 = arith.andi %scan3A_344, %and3A : i32
        %eq3A = arith.constant 0 : i32
        %eq3A_346 = arith.cmpi eq, %and3A_345, %eq3A : i32
        %jit3A = arith.constant 1.000000e+00 : f32
        %jit3A_347 = arith.constant -1.000000e+00 : f32
        %select_n3A = arith.select %eq3A_346, %jit3A, %jit3A_347 : f32
        %mul3A_348 = arith.constant 16 : i32
        %mul3A_349 = arith.muli %scan3A_344, %mul3A_348 : i32
        %get3A = arith.index_cast %mul3A_349 : i32 to index
        %get3A_350 = tpu.vector_load %arg4[%get3A] {strides = array<i32>} : memref<8192xf32, #tpu.memory_space<vmem>>, vector<16xf32>,
        %mul3A_351 = vector.broadcast %select_n3A : f32 to vector<16xf32>
        %mul3A_352 = arith.mulf %get3A_350, %mul3A_351 : vector<16xf32>
        %sort3A = arith.constant dense<true> : vector<16xi1>
        %sort3A_353, %sort3A_354, %sort3A_355 = tpu.sort %mul3A_352, %mul3A_352 masked %sort3A : (vector<16xf32>, vector<16xf32>, vector<16xi1>) -> (vector<16xi1>, vector<16xf32>, vector<16xf32>)
        %mul3A_356 = vector.broadcast %select_n3A : f32 to vector<16xf32>
        %mul3A_357 = arith.mulf %sort3A_354, %mul3A_356 : vector<16xf32>
        %mul3A_358 = arith.constant 16 : i32
        %mul3A_359 = arith.muli %scan3A_344, %mul3A_358 : i32
        %swap3A = arith.index_cast %mul3A_359 : i32 to index
        %swap3A_360 = tpu.vector_load %arg4[%swap3A] {strides = array<i32>} : memref<8192xf32, #tpu.memory_space<vmem>>, vector<16xf32>,
        tpu.vector_store %arg4[%swap3A], %mul3A_357 {strides = array<i32>} : memref<8192xf32, #tpu.memory_space<vmem>>, vector<16xf32>,
      }
      %scan3A_13 = arith.constant 512 : i32
      %scan3A_14 = arith.constant 0 : i32
      %scan3A_15 = arith.constant 0 : i32
      %scan3A_16 = arith.constant 256 : i32
      %scan3A_17 = arith.addi %scan3A_15, %scan3A_16 : i32
      %scan3A_18 = arith.constant 1 : i32
      scf.for %scan3A_344 = %scan3A_15 to %scan3A_17 step %scan3A_18  : i32 {
        %and3A = arith.constant 0 : i32
        %and3A_345 = arith.andi %scan3A_344, %and3A : i32
        %shift_right_arithmetic3A = arith.constant 0 : i32
        %shift_right_arithmetic3A_346 = arith.shrsi %scan3A_344, %shift_right_arithmetic3A : i32
        %shift_left3A = arith.constant 1 : i32
        %shift_left3A_347 = arith.shli %shift_right_arithmetic3A_346, %shift_left3A : i32
        %add3A_348 = arith.addi %and3A_345, %shift_left3A_347 : i32
        %mul3A_349 = arith.constant 16 : i32
        %mul3A_350 = arith.muli %add3A_348, %mul3A_349 : i32
        %add3A_351 = arith.constant 16 : i32
        %add3A_352 = arith.addi %mul3A_350, %add3A_351 : i32
        %get3A = arith.index_cast %mul3A_350 : i32 to index
        %get3A_353 = tpu.vector_load %arg4[%get3A] {strides = array<i32>} : memref<8192xf32, #tpu.memory_space<vmem>>, vector<16xf32>,
        %get3A_354 = arith.index_cast %add3A_352 : i32 to index
        %get3A_355 = tpu.vector_load %arg4[%get3A_354] {strides = array<i32>} : memref<8192xf32, #tpu.memory_space<vmem>>, vector<16xf32>,
        %and3A_356 = arith.constant 32 : i32
        %and3A_357 = arith.andi %mul3A_350, %and3A_356 : i32
        %eq3A = arith.constant 0 : i32
        %eq3A_358 = arith.cmpi eq, %and3A_357, %eq3A : i32
        %min3A = arith.minimumf %get3A_353, %get3A_355 : vector<16xf32>
        %max3A = arith.maximumf %get3A_353, %get3A_355 : vector<16xf32>
        %select_n3A = arith.select %eq3A_358, %min3A, %max3A : vector<16xf32>
        %swap3A = arith.index_cast %mul3A_350 : i32 to index
        %swap3A_359 = tpu.vector_load %arg4[%swap3A] {strides = array<i32>} : memref<8192xf32, #tpu.memory_space<vmem>>, vector<16xf32>,
        tpu.vector_store %arg4[%swap3A], %select_n3A {strides = array<i32>} : memref<8192xf32, #tpu.memory_space<vmem>>, vector<16xf32>,
        %select_n3A_360 = arith.select %eq3A_358, %max3A, %min3A : vector<16xf32>
        %swap3A_361 = arith.index_cast %add3A_352 : i32 to index
        %swap3A_362 = tpu.vector_load %arg4[%swap3A_361] {strides = array<i32>} : memref<8192xf32, #tpu.memory_space<vmem>>, vector<16xf32>,
        tpu.vector_store %arg4[%swap3A_361], %select_n3A_360 {strides = array<i32>} : memref<8192xf32, #tpu.memory_space<vmem>>, vector<16xf32>,
      }
      %scan3A_19 = arith.constant 256 : i32
      %scan3A_20 = arith.constant 0 : i32
      %scan3A_21 = arith.constant 0 : i32
      %scan3A_22 = arith.constant 512 : i32
      %scan3A_23 = arith.addi %scan3A_21, %scan3A_22 : i32
      %scan3A_24 = arith.constant 1 : i32
      scf.for %scan3A_344 = %scan3A_21 to %scan3A_23 step %scan3A_24  : i32 {
        %mul3A_345 = arith.constant 16 : i32
        %mul3A_346 = arith.muli %scan3A_344, %mul3A_345 : i32
        %and3A = arith.constant 32 : i32
        %and3A_347 = arith.andi %mul3A_346, %and3A : i32
        %eq3A = arith.constant 0 : i32
        %eq3A_348 = arith.cmpi eq, %and3A_347, %eq3A : i32
        %jit3A = arith.constant 1.000000e+00 : f32
        %jit3A_349 = arith.constant -1.000000e+00 : f32
        %select_n3A = arith.select %eq3A_348, %jit3A, %jit3A_349 : f32
        %mul3A_350 = arith.constant 16 : i32
        %mul3A_351 = arith.muli %scan3A_344, %mul3A_350 : i32
        %get3A = arith.index_cast %mul3A_351 : i32 to index
        %get3A_352 = tpu.vector_load %arg4[%get3A] {strides = array<i32>} : memref<8192xf32, #tpu.memory_space<vmem>>, vector<16xf32>,
        %mul3A_353 = vector.broadcast %select_n3A : f32 to vector<16xf32>
        %mul3A_354 = arith.mulf %get3A_352, %mul3A_353 : vector<16xf32>
        %sort3A = arith.constant dense<true> : vector<16xi1>
        %sort3A_355, %sort3A_356, %sort3A_357 = tpu.sort %mul3A_354, %mul3A_354 masked %sort3A : (vector<16xf32>, vector<16xf32>, vector<16xi1>) -> (vector<16xi1>, vector<16xf32>, vector<16xf32>)
        %mul3A_358 = vector.broadcast %select_n3A : f32 to vector<16xf32>
        %mul3A_359 = arith.mulf %sort3A_356, %mul3A_358 : vector<16xf32>
        %mul3A_360 = arith.constant 16 : i32
        %mul3A_361 = arith.muli %scan3A_344, %mul3A_360 : i32
        %swap3A = arith.index_cast %mul3A_361 : i32 to index
        %swap3A_362 = tpu.vector_load %arg4[%swap3A] {strides = array<i32>} : memref<8192xf32, #tpu.memory_space<vmem>>, vector<16xf32>,
        tpu.vector_store %arg4[%swap3A], %mul3A_359 {strides = array<i32>} : memref<8192xf32, #tpu.memory_space<vmem>>, vector<16xf32>,
      }
      %scan3A_25 = arith.constant 512 : i32
      %scan3A_26 = arith.constant 0 : i32
      %scan3A_27 = arith.constant 0 : i32
      %scan3A_28 = arith.constant 256 : i32
      %scan3A_29 = arith.addi %scan3A_27, %scan3A_28 : i32
      %scan3A_30 = arith.constant 1 : i32
      scf.for %scan3A_344 = %scan3A_27 to %scan3A_29 step %scan3A_30  : i32 {
        %and3A = arith.constant 1 : i32
        %and3A_345 = arith.andi %scan3A_344, %and3A : i32
        %shift_right_arithmetic3A = arith.constant 1 : i32
        %shift_right_arithmetic3A_346 = arith.shrsi %scan3A_344, %shift_right_arithmetic3A : i32
        %shift_left3A = arith.constant 2 : i32
        %shift_left3A_347 = arith.shli %shift_right_arithmetic3A_346, %shift_left3A : i32
        %add3A_348 = arith.addi %and3A_345, %shift_left3A_347 : i32
        %mul3A_349 = arith.constant 16 : i32
        %mul3A_350 = arith.muli %add3A_348, %mul3A_349 : i32
        %add3A_351 = arith.constant 32 : i32
        %add3A_352 = arith.addi %mul3A_350, %add3A_351 : i32
        %get3A = arith.index_cast %mul3A_350 : i32 to index
        %get3A_353 = tpu.vector_load %arg4[%get3A] {strides = array<i32>} : memref<8192xf32, #tpu.memory_space<vmem>>, vector<16xf32>,
        %get3A_354 = arith.index_cast %add3A_352 : i32 to index
        %get3A_355 = tpu.vector_load %arg4[%get3A_354] {strides = array<i32>} : memref<8192xf32, #tpu.memory_space<vmem>>, vector<16xf32>,
        %and3A_356 = arith.constant 64 : i32
        %and3A_357 = arith.andi %mul3A_350, %and3A_356 : i32
        %eq3A = arith.constant 0 : i32
        %eq3A_358 = arith.cmpi eq, %and3A_357, %eq3A : i32
        %min3A = arith.minimumf %get3A_353, %get3A_355 : vector<16xf32>
        %max3A = arith.maximumf %get3A_353, %get3A_355 : vector<16xf32>
        %select_n3A = arith.select %eq3A_358, %min3A, %max3A : vector<16xf32>
        %swap3A = arith.index_cast %mul3A_350 : i32 to index
        %swap3A_359 = tpu.vector_load %arg4[%swap3A] {strides = array<i32>} : memref<8192xf32, #tpu.memory_space<vmem>>, vector<16xf32>,
        tpu.vector_store %arg4[%swap3A], %select_n3A {strides = array<i32>} : memref<8192xf32, #tpu.memory_space<vmem>>, vector<16xf32>,
        %select_n3A_360 = arith.select %eq3A_358, %max3A, %min3A : vector<16xf32>
        %swap3A_361 = arith.index_cast %add3A_352 : i32 to index
        %swap3A_362 = tpu.vector_load %arg4[%swap3A_361] {strides = array<i32>} : memref<8192xf32, #tpu.memory_space<vmem>>, vector<16xf32>,
        tpu.vector_store %arg4[%swap3A_361], %select_n3A_360 {strides = array<i32>} : memref<8192xf32, #tpu.memory_space<vmem>>, vector<16xf32>,
      }
      %scan3A_31 = arith.constant 256 : i32
      %scan3A_32 = arith.constant 0 : i32
      %scan3A_33 = arith.constant 0 : i32
      %scan3A_34 = arith.constant 256 : i32
      %scan3A_35 = arith.addi %scan3A_33, %scan3A_34 : i32
      %scan3A_36 = arith.constant 1 : i32
      scf.for %scan3A_344 = %scan3A_33 to %scan3A_35 step %scan3A_36  : i32 {
        %and3A = arith.constant 0 : i32
        %and3A_345 = arith.andi %scan3A_344, %and3A : i32
        %shift_right_arithmetic3A = arith.constant 0 : i32
        %shift_right_arithmetic3A_346 = arith.shrsi %scan3A_344, %shift_right_arithmetic3A : i32
        %shift_left3A = arith.constant 1 : i32
        %shift_left3A_347 = arith.shli %shift_right_arithmetic3A_346, %shift_left3A : i32
        %add3A_348 = arith.addi %and3A_345, %shift_left3A_347 : i32
        %mul3A_349 = arith.constant 16 : i32
        %mul3A_350 = arith.muli %add3A_348, %mul3A_349 : i32
        %add3A_351 = arith.constant 16 : i32
        %add3A_352 = arith.addi %mul3A_350, %add3A_351 : i32
        %get3A = arith.index_cast %mul3A_350 : i32 to index
        %get3A_353 = tpu.vector_load %arg4[%get3A] {strides = array<i32>} : memref<8192xf32, #tpu.memory_space<vmem>>, vector<16xf32>,
        %get3A_354 = arith.index_cast %add3A_352 : i32 to index
        %get3A_355 = tpu.vector_load %arg4[%get3A_354] {strides = array<i32>} : memref<8192xf32, #tpu.memory_space<vmem>>, vector<16xf32>,
        %and3A_356 = arith.constant 64 : i32
        %and3A_357 = arith.andi %mul3A_350, %and3A_356 : i32
        %eq3A = arith.constant 0 : i32
        %eq3A_358 = arith.cmpi eq, %and3A_357, %eq3A : i32
        %min3A = arith.minimumf %get3A_353, %get3A_355 : vector<16xf32>
        %max3A = arith.maximumf %get3A_353, %get3A_355 : vector<16xf32>
        %select_n3A = arith.select %eq3A_358, %min3A, %max3A : vector<16xf32>
        %swap3A = arith.index_cast %mul3A_350 : i32 to index
        %swap3A_359 = tpu.vector_load %arg4[%swap3A] {strides = array<i32>} : memref<8192xf32, #tpu.memory_space<vmem>>, vector<16xf32>,
        tpu.vector_store %arg4[%swap3A], %select_n3A {strides = array<i32>} : memref<8192xf32, #tpu.memory_space<vmem>>, vector<16xf32>,
        %select_n3A_360 = arith.select %eq3A_358, %max3A, %min3A : vector<16xf32>
        %swap3A_361 = arith.index_cast %add3A_352 : i32 to index
        %swap3A_362 = tpu.vector_load %arg4[%swap3A_361] {strides = array<i32>} : memref<8192xf32, #tpu.memory_space<vmem>>, vector<16xf32>,
        tpu.vector_store %arg4[%swap3A_361], %select_n3A_360 {strides = array<i32>} : memref<8192xf32, #tpu.memory_space<vmem>>, vector<16xf32>,
      }
      %scan3A_37 = arith.constant 256 : i32
      %scan3A_38 = arith.constant 0 : i32
      %scan3A_39 = arith.constant 0 : i32
      %scan3A_40 = arith.constant 512 : i32
      %scan3A_41 = arith.addi %scan3A_39, %scan3A_40 : i32
      %scan3A_42 = arith.constant 1 : i32
      scf.for %scan3A_344 = %scan3A_39 to %scan3A_41 step %scan3A_42  : i32 {
        %mul3A_345 = arith.constant 16 : i32
        %mul3A_346 = arith.muli %scan3A_344, %mul3A_345 : i32
        %and3A = arith.constant 64 : i32
        %and3A_347 = arith.andi %mul3A_346, %and3A : i32
        %eq3A = arith.constant 0 : i32
        %eq3A_348 = arith.cmpi eq, %and3A_347, %eq3A : i32
        %jit3A = arith.constant 1.000000e+00 : f32
        %jit3A_349 = arith.constant -1.000000e+00 : f32
        %select_n3A = arith.select %eq3A_348, %jit3A, %jit3A_349 : f32
        %mul3A_350 = arith.constant 16 : i32
        %mul3A_351 = arith.muli %scan3A_344, %mul3A_350 : i32
        %get3A = arith.index_cast %mul3A_351 : i32 to index
        %get3A_352 = tpu.vector_load %arg4[%get3A] {strides = array<i32>} : memref<8192xf32, #tpu.memory_space<vmem>>, vector<16xf32>,
        %mul3A_353 = vector.broadcast %select_n3A : f32 to vector<16xf32>
        %mul3A_354 = arith.mulf %get3A_352, %mul3A_353 : vector<16xf32>
        %sort3A = arith.constant dense<true> : vector<16xi1>
        %sort3A_355, %sort3A_356, %sort3A_357 = tpu.sort %mul3A_354, %mul3A_354 masked %sort3A : (vector<16xf32>, vector<16xf32>, vector<16xi1>) -> (vector<16xi1>, vector<16xf32>, vector<16xf32>)
        %mul3A_358 = vector.broadcast %select_n3A : f32 to vector<16xf32>
        %mul3A_359 = arith.mulf %sort3A_356, %mul3A_358 : vector<16xf32>
        %mul3A_360 = arith.constant 16 : i32
        %mul3A_361 = arith.muli %scan3A_344, %mul3A_360 : i32
        %swap3A = arith.index_cast %mul3A_361 : i32 to index
        %swap3A_362 = tpu.vector_load %arg4[%swap3A] {strides = array<i32>} : memref<8192xf32, #tpu.memory_space<vmem>>, vector<16xf32>,
        tpu.vector_store %arg4[%swap3A], %mul3A_359 {strides = array<i32>} : memref<8192xf32, #tpu.memory_space<vmem>>, vector<16xf32>,
      }
      %scan3A_43 = arith.constant 512 : i32
      %scan3A_44 = arith.constant 0 : i32
      %scan3A_45 = arith.constant 0 : i32
      %scan3A_46 = arith.constant 256 : i32
      %scan3A_47 = arith.addi %scan3A_45, %scan3A_46 : i32
      %scan3A_48 = arith.constant 1 : i32
      scf.for %scan3A_344 = %scan3A_45 to %scan3A_47 step %scan3A_48  : i32 {
        %and3A = arith.constant 3 : i32
        %and3A_345 = arith.andi %scan3A_344, %and3A : i32
        %shift_right_arithmetic3A = arith.constant 2 : i32
        %shift_right_arithmetic3A_346 = arith.shrsi %scan3A_344, %shift_right_arithmetic3A : i32
        %shift_left3A = arith.constant 3 : i32
        %shift_left3A_347 = arith.shli %shift_right_arithmetic3A_346, %shift_left3A : i32
        %add3A_348 = arith.addi %and3A_345, %shift_left3A_347 : i32
        %mul3A_349 = arith.constant 16 : i32
        %mul3A_350 = arith.muli %add3A_348, %mul3A_349 : i32
        %add3A_351 = arith.constant 64 : i32
        %add3A_352 = arith.addi %mul3A_350, %add3A_351 : i32
        %get3A = arith.index_cast %mul3A_350 : i32 to index
        %get3A_353 = tpu.vector_load %arg4[%get3A] {strides = array<i32>} : memref<8192xf32, #tpu.memory_space<vmem>>, vector<16xf32>,
        %get3A_354 = arith.index_cast %add3A_352 : i32 to index
        %get3A_355 = tpu.vector_load %arg4[%get3A_354] {strides = array<i32>} : memref<8192xf32, #tpu.memory_space<vmem>>, vector<16xf32>,
        %and3A_356 = arith.constant 128 : i32
        %and3A_357 = arith.andi %mul3A_350, %and3A_356 : i32
        %eq3A = arith.constant 0 : i32
        %eq3A_358 = arith.cmpi eq, %and3A_357, %eq3A : i32
        %min3A = arith.minimumf %get3A_353, %get3A_355 : vector<16xf32>
        %max3A = arith.maximumf %get3A_353, %get3A_355 : vector<16xf32>
        %select_n3A = arith.select %eq3A_358, %min3A, %max3A : vector<16xf32>
        %swap3A = arith.index_cast %mul3A_350 : i32 to index
        %swap3A_359 = tpu.vector_load %arg4[%swap3A] {strides = array<i32>} : memref<8192xf32, #tpu.memory_space<vmem>>, vector<16xf32>,
        tpu.vector_store %arg4[%swap3A], %select_n3A {strides = array<i32>} : memref<8192xf32, #tpu.memory_space<vmem>>, vector<16xf32>,
        %select_n3A_360 = arith.select %eq3A_358, %max3A, %min3A : vector<16xf32>
        %swap3A_361 = arith.index_cast %add3A_352 : i32 to index
        %swap3A_362 = tpu.vector_load %arg4[%swap3A_361] {strides = array<i32>} : memref<8192xf32, #tpu.memory_space<vmem>>, vector<16xf32>,
        tpu.vector_store %arg4[%swap3A_361], %select_n3A_360 {strides = array<i32>} : memref<8192xf32, #tpu.memory_space<vmem>>, vector<16xf32>,
      }
      %scan3A_49 = arith.constant 256 : i32
      %scan3A_50 = arith.constant 0 : i32
      %scan3A_51 = arith.constant 0 : i32
      %scan3A_52 = arith.constant 256 : i32
      %scan3A_53 = arith.addi %scan3A_51, %scan3A_52 : i32
      %scan3A_54 = arith.constant 1 : i32
      scf.for %scan3A_344 = %scan3A_51 to %scan3A_53 step %scan3A_54  : i32 {
        %and3A = arith.constant 1 : i32
        %and3A_345 = arith.andi %scan3A_344, %and3A : i32
        %shift_right_arithmetic3A = arith.constant 1 : i32
        %shift_right_arithmetic3A_346 = arith.shrsi %scan3A_344, %shift_right_arithmetic3A : i32
        %shift_left3A = arith.constant 2 : i32
        %shift_left3A_347 = arith.shli %shift_right_arithmetic3A_346, %shift_left3A : i32
        %add3A_348 = arith.addi %and3A_345, %shift_left3A_347 : i32
        %mul3A_349 = arith.constant 16 : i32
        %mul3A_350 = arith.muli %add3A_348, %mul3A_349 : i32
        %add3A_351 = arith.constant 32 : i32
        %add3A_352 = arith.addi %mul3A_350, %add3A_351 : i32
        %get3A = arith.index_cast %mul3A_350 : i32 to index
        %get3A_353 = tpu.vector_load %arg4[%get3A] {strides = array<i32>} : memref<8192xf32, #tpu.memory_space<vmem>>, vector<16xf32>,
        %get3A_354 = arith.index_cast %add3A_352 : i32 to index
        %get3A_355 = tpu.vector_load %arg4[%get3A_354] {strides = array<i32>} : memref<8192xf32, #tpu.memory_space<vmem>>, vector<16xf32>,
        %and3A_356 = arith.constant 128 : i32
        %and3A_357 = arith.andi %mul3A_350, %and3A_356 : i32
        %eq3A = arith.constant 0 : i32
        %eq3A_358 = arith.cmpi eq, %and3A_357, %eq3A : i32
        %min3A = arith.minimumf %get3A_353, %get3A_355 : vector<16xf32>
        %max3A = arith.maximumf %get3A_353, %get3A_355 : vector<16xf32>
        %select_n3A = arith.select %eq3A_358, %min3A, %max3A : vector<16xf32>
        %swap3A = arith.index_cast %mul3A_350 : i32 to index
        %swap3A_359 = tpu.vector_load %arg4[%swap3A] {strides = array<i32>} : memref<8192xf32, #tpu.memory_space<vmem>>, vector<16xf32>,
        tpu.vector_store %arg4[%swap3A], %select_n3A {strides = array<i32>} : memref<8192xf32, #tpu.memory_space<vmem>>, vector<16xf32>,
        %select_n3A_360 = arith.select %eq3A_358, %max3A, %min3A : vector<16xf32>
        %swap3A_361 = arith.index_cast %add3A_352 : i32 to index
        %swap3A_362 = tpu.vector_load %arg4[%swap3A_361] {strides = array<i32>} : memref<8192xf32, #tpu.memory_space<vmem>>, vector<16xf32>,
        tpu.vector_store %arg4[%swap3A_361], %select_n3A_360 {strides = array<i32>} : memref<8192xf32, #tpu.memory_space<vmem>>, vector<16xf32>,
      }
      %scan3A_55 = arith.constant 256 : i32
      %scan3A_56 = arith.constant 0 : i32
      %scan3A_57 = arith.constant 0 : i32
      %scan3A_58 = arith.constant 256 : i32
      %scan3A_59 = arith.addi %scan3A_57, %scan3A_58 : i32
      %scan3A_60 = arith.constant 1 : i32
      scf.for %scan3A_344 = %scan3A_57 to %scan3A_59 step %scan3A_60  : i32 {
        %and3A = arith.constant 0 : i32
        %and3A_345 = arith.andi %scan3A_344, %and3A : i32
        %shift_right_arithmetic3A = arith.constant 0 : i32
        %shift_right_arithmetic3A_346 = arith.shrsi %scan3A_344, %shift_right_arithmetic3A : i32
        %shift_left3A = arith.constant 1 : i32
        %shift_left3A_347 = arith.shli %shift_right_arithmetic3A_346, %shift_left3A : i32
        %add3A_348 = arith.addi %and3A_345, %shift_left3A_347 : i32
        %mul3A_349 = arith.constant 16 : i32
        %mul3A_350 = arith.muli %add3A_348, %mul3A_349 : i32
        %add3A_351 = arith.constant 16 : i32
        %add3A_352 = arith.addi %mul3A_350, %add3A_351 : i32
        %get3A = arith.index_cast %mul3A_350 : i32 to index
        %get3A_353 = tpu.vector_load %arg4[%get3A] {strides = array<i32>} : memref<8192xf32, #tpu.memory_space<vmem>>, vector<16xf32>,
        %get3A_354 = arith.index_cast %add3A_352 : i32 to index
        %get3A_355 = tpu.vector_load %arg4[%get3A_354] {strides = array<i32>} : memref<8192xf32, #tpu.memory_space<vmem>>, vector<16xf32>,
        %and3A_356 = arith.constant 128 : i32
        %and3A_357 = arith.andi %mul3A_350, %and3A_356 : i32
        %eq3A = arith.constant 0 : i32
        %eq3A_358 = arith.cmpi eq, %and3A_357, %eq3A : i32
        %min3A = arith.minimumf %get3A_353, %get3A_355 : vector<16xf32>
        %max3A = arith.maximumf %get3A_353, %get3A_355 : vector<16xf32>
        %select_n3A = arith.select %eq3A_358, %min3A, %max3A : vector<16xf32>
        %swap3A = arith.index_cast %mul3A_350 : i32 to index
        %swap3A_359 = tpu.vector_load %arg4[%swap3A] {strides = array<i32>} : memref<8192xf32, #tpu.memory_space<vmem>>, vector<16xf32>,
        tpu.vector_store %arg4[%swap3A], %select_n3A {strides = array<i32>} : memref<8192xf32, #tpu.memory_space<vmem>>, vector<16xf32>,
        %select_n3A_360 = arith.select %eq3A_358, %max3A, %min3A : vector<16xf32>
        %swap3A_361 = arith.index_cast %add3A_352 : i32 to index
        %swap3A_362 = tpu.vector_load %arg4[%swap3A_361] {strides = array<i32>} : memref<8192xf32, #tpu.memory_space<vmem>>, vector<16xf32>,
        tpu.vector_store %arg4[%swap3A_361], %select_n3A_360 {strides = array<i32>} : memref<8192xf32, #tpu.memory_space<vmem>>, vector<16xf32>,
      }
      %scan3A_61 = arith.constant 256 : i32
      %scan3A_62 = arith.constant 0 : i32
      %scan3A_63 = arith.constant 0 : i32
      %scan3A_64 = arith.constant 512 : i32
      %scan3A_65 = arith.addi %scan3A_63, %scan3A_64 : i32
      %scan3A_66 = arith.constant 1 : i32
      scf.for %scan3A_344 = %scan3A_63 to %scan3A_65 step %scan3A_66  : i32 {
        %mul3A_345 = arith.constant 16 : i32
        %mul3A_346 = arith.muli %scan3A_344, %mul3A_345 : i32
        %and3A = arith.constant 128 : i32
        %and3A_347 = arith.andi %mul3A_346, %and3A : i32
        %eq3A = arith.constant 0 : i32
        %eq3A_348 = arith.cmpi eq, %and3A_347, %eq3A : i32
        %jit3A = arith.constant 1.000000e+00 : f32
        %jit3A_349 = arith.constant -1.000000e+00 : f32
        %select_n3A = arith.select %eq3A_348, %jit3A, %jit3A_349 : f32
        %mul3A_350 = arith.constant 16 : i32
        %mul3A_351 = arith.muli %scan3A_344, %mul3A_350 : i32
        %get3A = arith.index_cast %mul3A_351 : i32 to index
        %get3A_352 = tpu.vector_load %arg4[%get3A] {strides = array<i32>} : memref<8192xf32, #tpu.memory_space<vmem>>, vector<16xf32>,
        %mul3A_353 = vector.broadcast %select_n3A : f32 to vector<16xf32>
        %mul3A_354 = arith.mulf %get3A_352, %mul3A_353 : vector<16xf32>
        %sort3A = arith.constant dense<true> : vector<16xi1>
        %sort3A_355, %sort3A_356, %sort3A_357 = tpu.sort %mul3A_354, %mul3A_354 masked %sort3A : (vector<16xf32>, vector<16xf32>, vector<16xi1>) -> (vector<16xi1>, vector<16xf32>, vector<16xf32>)
        %mul3A_358 = vector.broadcast %select_n3A : f32 to vector<16xf32>
        %mul3A_359 = arith.mulf %sort3A_356, %mul3A_358 : vector<16xf32>
        %mul3A_360 = arith.constant 16 : i32
        %mul3A_361 = arith.muli %scan3A_344, %mul3A_360 : i32
        %swap3A = arith.index_cast %mul3A_361 : i32 to index
        %swap3A_362 = tpu.vector_load %arg4[%swap3A] {strides = array<i32>} : memref<8192xf32, #tpu.memory_space<vmem>>, vector<16xf32>,
        tpu.vector_store %arg4[%swap3A], %mul3A_359 {strides = array<i32>} : memref<8192xf32, #tpu.memory_space<vmem>>, vector<16xf32>,
      }
      %scan3A_67 = arith.constant 512 : i32
      %scan3A_68 = arith.constant 0 : i32
      %scan3A_69 = arith.constant 0 : i32
      %scan3A_70 = arith.constant 256 : i32
      %scan3A_71 = arith.addi %scan3A_69, %scan3A_70 : i32
      %scan3A_72 = arith.constant 1 : i32
      scf.for %scan3A_344 = %scan3A_69 to %scan3A_71 step %scan3A_72  : i32 {
        %and3A = arith.constant 7 : i32
        %and3A_345 = arith.andi %scan3A_344, %and3A : i32
        %shift_right_arithmetic3A = arith.constant 3 : i32
        %shift_right_arithmetic3A_346 = arith.shrsi %scan3A_344, %shift_right_arithmetic3A : i32
        %shift_left3A = arith.constant 4 : i32
        %shift_left3A_347 = arith.shli %shift_right_arithmetic3A_346, %shift_left3A : i32
        %add3A_348 = arith.addi %and3A_345, %shift_left3A_347 : i32
        %mul3A_349 = arith.constant 16 : i32
        %mul3A_350 = arith.muli %add3A_348, %mul3A_349 : i32
        %add3A_351 = arith.constant 128 : i32
        %add3A_352 = arith.addi %mul3A_350, %add3A_351 : i32
        %get3A = arith.index_cast %mul3A_350 : i32 to index
        %get3A_353 = tpu.vector_load %arg4[%get3A] {strides = array<i32>} : memref<8192xf32, #tpu.memory_space<vmem>>, vector<16xf32>,
        %get3A_354 = arith.index_cast %add3A_352 : i32 to index
        %get3A_355 = tpu.vector_load %arg4[%get3A_354] {strides = array<i32>} : memref<8192xf32, #tpu.memory_space<vmem>>, vector<16xf32>,
        %and3A_356 = arith.constant 256 : i32
        %and3A_357 = arith.andi %mul3A_350, %and3A_356 : i32
        %eq3A = arith.constant 0 : i32
        %eq3A_358 = arith.cmpi eq, %and3A_357, %eq3A : i32
        %min3A = arith.minimumf %get3A_353, %get3A_355 : vector<16xf32>
        %max3A = arith.maximumf %get3A_353, %get3A_355 : vector<16xf32>
        %select_n3A = arith.select %eq3A_358, %min3A, %max3A : vector<16xf32>
        %swap3A = arith.index_cast %mul3A_350 : i32 to index
        %swap3A_359 = tpu.vector_load %arg4[%swap3A] {strides = array<i32>} : memref<8192xf32, #tpu.memory_space<vmem>>, vector<16xf32>,
        tpu.vector_store %arg4[%swap3A], %select_n3A {strides = array<i32>} : memref<8192xf32, #tpu.memory_space<vmem>>, vector<16xf32>,
        %select_n3A_360 = arith.select %eq3A_358, %max3A, %min3A : vector<16xf32>
        %swap3A_361 = arith.index_cast %add3A_352 : i32 to index
        %swap3A_362 = tpu.vector_load %arg4[%swap3A_361] {strides = array<i32>} : memref<8192xf32, #tpu.memory_space<vmem>>, vector<16xf32>,
        tpu.vector_store %arg4[%swap3A_361], %select_n3A_360 {strides = array<i32>} : memref<8192xf32, #tpu.memory_space<vmem>>, vector<16xf32>,
      }
      %scan3A_73 = arith.constant 256 : i32
      %scan3A_74 = arith.constant 0 : i32
      %scan3A_75 = arith.constant 0 : i32
      %scan3A_76 = arith.constant 256 : i32
      %scan3A_77 = arith.addi %scan3A_75, %scan3A_76 : i32
      %scan3A_78 = arith.constant 1 : i32
      scf.for %scan3A_344 = %scan3A_75 to %scan3A_77 step %scan3A_78  : i32 {
        %and3A = arith.constant 3 : i32
        %and3A_345 = arith.andi %scan3A_344, %and3A : i32
        %shift_right_arithmetic3A = arith.constant 2 : i32
        %shift_right_arithmetic3A_346 = arith.shrsi %scan3A_344, %shift_right_arithmetic3A : i32
        %shift_left3A = arith.constant 3 : i32
        %shift_left3A_347 = arith.shli %shift_right_arithmetic3A_346, %shift_left3A : i32
        %add3A_348 = arith.addi %and3A_345, %shift_left3A_347 : i32
        %mul3A_349 = arith.constant 16 : i32
        %mul3A_350 = arith.muli %add3A_348, %mul3A_349 : i32
        %add3A_351 = arith.constant 64 : i32
        %add3A_352 = arith.addi %mul3A_350, %add3A_351 : i32
        %get3A = arith.index_cast %mul3A_350 : i32 to index
        %get3A_353 = tpu.vector_load %arg4[%get3A] {strides = array<i32>} : memref<8192xf32, #tpu.memory_space<vmem>>, vector<16xf32>,
        %get3A_354 = arith.index_cast %add3A_352 : i32 to index
        %get3A_355 = tpu.vector_load %arg4[%get3A_354] {strides = array<i32>} : memref<8192xf32, #tpu.memory_space<vmem>>, vector<16xf32>,
        %and3A_356 = arith.constant 256 : i32
        %and3A_357 = arith.andi %mul3A_350, %and3A_356 : i32
        %eq3A = arith.constant 0 : i32
        %eq3A_358 = arith.cmpi eq, %and3A_357, %eq3A : i32
        %min3A = arith.minimumf %get3A_353, %get3A_355 : vector<16xf32>
        %max3A = arith.maximumf %get3A_353, %get3A_355 : vector<16xf32>
        %select_n3A = arith.select %eq3A_358, %min3A, %max3A : vector<16xf32>
        %swap3A = arith.index_cast %mul3A_350 : i32 to index
        %swap3A_359 = tpu.vector_load %arg4[%swap3A] {strides = array<i32>} : memref<8192xf32, #tpu.memory_space<vmem>>, vector<16xf32>,
        tpu.vector_store %arg4[%swap3A], %select_n3A {strides = array<i32>} : memref<8192xf32, #tpu.memory_space<vmem>>, vector<16xf32>,
        %select_n3A_360 = arith.select %eq3A_358, %max3A, %min3A : vector<16xf32>
        %swap3A_361 = arith.index_cast %add3A_352 : i32 to index
        %swap3A_362 = tpu.vector_load %arg4[%swap3A_361] {strides = array<i32>} : memref<8192xf32, #tpu.memory_space<vmem>>, vector<16xf32>,
        tpu.vector_store %arg4[%swap3A_361], %select_n3A_360 {strides = array<i32>} : memref<8192xf32, #tpu.memory_space<vmem>>, vector<16xf32>,
      }
      %scan3A_79 = arith.constant 256 : i32
      %scan3A_80 = arith.constant 0 : i32
      %scan3A_81 = arith.constant 0 : i32
      %scan3A_82 = arith.constant 256 : i32
      %scan3A_83 = arith.addi %scan3A_81, %scan3A_82 : i32
      %scan3A_84 = arith.constant 1 : i32
      scf.for %scan3A_344 = %scan3A_81 to %scan3A_83 step %scan3A_84  : i32 {
        %and3A = arith.constant 1 : i32
        %and3A_345 = arith.andi %scan3A_344, %and3A : i32
        %shift_right_arithmetic3A = arith.constant 1 : i32
        %shift_right_arithmetic3A_346 = arith.shrsi %scan3A_344, %shift_right_arithmetic3A : i32
        %shift_left3A = arith.constant 2 : i32
        %shift_left3A_347 = arith.shli %shift_right_arithmetic3A_346, %shift_left3A : i32
        %add3A_348 = arith.addi %and3A_345, %shift_left3A_347 : i32
        %mul3A_349 = arith.constant 16 : i32
        %mul3A_350 = arith.muli %add3A_348, %mul3A_349 : i32
        %add3A_351 = arith.constant 32 : i32
        %add3A_352 = arith.addi %mul3A_350, %add3A_351 : i32
        %get3A = arith.index_cast %mul3A_350 : i32 to index
        %get3A_353 = tpu.vector_load %arg4[%get3A] {strides = array<i32>} : memref<8192xf32, #tpu.memory_space<vmem>>, vector<16xf32>,
        %get3A_354 = arith.index_cast %add3A_352 : i32 to index
        %get3A_355 = tpu.vector_load %arg4[%get3A_354] {strides = array<i32>} : memref<8192xf32, #tpu.memory_space<vmem>>, vector<16xf32>,
        %and3A_356 = arith.constant 256 : i32
        %and3A_357 = arith.andi %mul3A_350, %and3A_356 : i32
        %eq3A = arith.constant 0 : i32
        %eq3A_358 = arith.cmpi eq, %and3A_357, %eq3A : i32
        %min3A = arith.minimumf %get3A_353, %get3A_355 : vector<16xf32>
        %max3A = arith.maximumf %get3A_353, %get3A_355 : vector<16xf32>
        %select_n3A = arith.select %eq3A_358, %min3A, %max3A : vector<16xf32>
        %swap3A = arith.index_cast %mul3A_350 : i32 to index
        %swap3A_359 = tpu.vector_load %arg4[%swap3A] {strides = array<i32>} : memref<8192xf32, #tpu.memory_space<vmem>>, vector<16xf32>,
        tpu.vector_store %arg4[%swap3A], %select_n3A {strides = array<i32>} : memref<8192xf32, #tpu.memory_space<vmem>>, vector<16xf32>,
        %select_n3A_360 = arith.select %eq3A_358, %max3A, %min3A : vector<16xf32>
        %swap3A_361 = arith.index_cast %add3A_352 : i32 to index
        %swap3A_362 = tpu.vector_load %arg4[%swap3A_361] {strides = array<i32>} : memref<8192xf32, #tpu.memory_space<vmem>>, vector<16xf32>,
        tpu.vector_store %arg4[%swap3A_361], %select_n3A_360 {strides = array<i32>} : memref<8192xf32, #tpu.memory_space<vmem>>, vector<16xf32>,
      }
      %scan3A_85 = arith.constant 256 : i32
      %scan3A_86 = arith.constant 0 : i32
      %scan3A_87 = arith.constant 0 : i32
      %scan3A_88 = arith.constant 256 : i32
      %scan3A_89 = arith.addi %scan3A_87, %scan3A_88 : i32
      %scan3A_90 = arith.constant 1 : i32
      scf.for %scan3A_344 = %scan3A_87 to %scan3A_89 step %scan3A_90  : i32 {
        %and3A = arith.constant 0 : i32
        %and3A_345 = arith.andi %scan3A_344, %and3A : i32
        %shift_right_arithmetic3A = arith.constant 0 : i32
        %shift_right_arithmetic3A_346 = arith.shrsi %scan3A_344, %shift_right_arithmetic3A : i32
        %shift_left3A = arith.constant 1 : i32
        %shift_left3A_347 = arith.shli %shift_right_arithmetic3A_346, %shift_left3A : i32
        %add3A_348 = arith.addi %and3A_345, %shift_left3A_347 : i32
        %mul3A_349 = arith.constant 16 : i32
        %mul3A_350 = arith.muli %add3A_348, %mul3A_349 : i32
        %add3A_351 = arith.constant 16 : i32
        %add3A_352 = arith.addi %mul3A_350, %add3A_351 : i32
        %get3A = arith.index_cast %mul3A_350 : i32 to index
        %get3A_353 = tpu.vector_load %arg4[%get3A] {strides = array<i32>} : memref<8192xf32, #tpu.memory_space<vmem>>, vector<16xf32>,
        %get3A_354 = arith.index_cast %add3A_352 : i32 to index
        %get3A_355 = tpu.vector_load %arg4[%get3A_354] {strides = array<i32>} : memref<8192xf32, #tpu.memory_space<vmem>>, vector<16xf32>,
        %and3A_356 = arith.constant 256 : i32
        %and3A_357 = arith.andi %mul3A_350, %and3A_356 : i32
        %eq3A = arith.constant 0 : i32
        %eq3A_358 = arith.cmpi eq, %and3A_357, %eq3A : i32
        %min3A = arith.minimumf %get3A_353, %get3A_355 : vector<16xf32>
        %max3A = arith.maximumf %get3A_353, %get3A_355 : vector<16xf32>
        %select_n3A = arith.select %eq3A_358, %min3A, %max3A : vector<16xf32>
        %swap3A = arith.index_cast %mul3A_350 : i32 to index
        %swap3A_359 = tpu.vector_load %arg4[%swap3A] {strides = array<i32>} : memref<8192xf32, #tpu.memory_space<vmem>>, vector<16xf32>,
        tpu.vector_store %arg4[%swap3A], %select_n3A {strides = array<i32>} : memref<8192xf32, #tpu.memory_space<vmem>>, vector<16xf32>,
        %select_n3A_360 = arith.select %eq3A_358, %max3A, %min3A : vector<16xf32>
        %swap3A_361 = arith.index_cast %add3A_352 : i32 to index
        %swap3A_362 = tpu.vector_load %arg4[%swap3A_361] {strides = array<i32>} : memref<8192xf32, #tpu.memory_space<vmem>>, vector<16xf32>,
        tpu.vector_store %arg4[%swap3A_361], %select_n3A_360 {strides = array<i32>} : memref<8192xf32, #tpu.memory_space<vmem>>, vector<16xf32>,
      }
      %scan3A_91 = arith.constant 256 : i32
      %scan3A_92 = arith.constant 0 : i32
      %scan3A_93 = arith.constant 0 : i32
      %scan3A_94 = arith.constant 512 : i32
      %scan3A_95 = arith.addi %scan3A_93, %scan3A_94 : i32
      %scan3A_96 = arith.constant 1 : i32
      scf.for %scan3A_344 = %scan3A_93 to %scan3A_95 step %scan3A_96  : i32 {
        %mul3A_345 = arith.constant 16 : i32
        %mul3A_346 = arith.muli %scan3A_344, %mul3A_345 : i32
        %and3A = arith.constant 256 : i32
        %and3A_347 = arith.andi %mul3A_346, %and3A : i32
        %eq3A = arith.constant 0 : i32
        %eq3A_348 = arith.cmpi eq, %and3A_347, %eq3A : i32
        %jit3A = arith.constant 1.000000e+00 : f32
        %jit3A_349 = arith.constant -1.000000e+00 : f32
        %select_n3A = arith.select %eq3A_348, %jit3A, %jit3A_349 : f32
        %mul3A_350 = arith.constant 16 : i32
        %mul3A_351 = arith.muli %scan3A_344, %mul3A_350 : i32
        %get3A = arith.index_cast %mul3A_351 : i32 to index
        %get3A_352 = tpu.vector_load %arg4[%get3A] {strides = array<i32>} : memref<8192xf32, #tpu.memory_space<vmem>>, vector<16xf32>,
        %mul3A_353 = vector.broadcast %select_n3A : f32 to vector<16xf32>
        %mul3A_354 = arith.mulf %get3A_352, %mul3A_353 : vector<16xf32>
        %sort3A = arith.constant dense<true> : vector<16xi1>
        %sort3A_355, %sort3A_356, %sort3A_357 = tpu.sort %mul3A_354, %mul3A_354 masked %sort3A : (vector<16xf32>, vector<16xf32>, vector<16xi1>) -> (vector<16xi1>, vector<16xf32>, vector<16xf32>)
        %mul3A_358 = vector.broadcast %select_n3A : f32 to vector<16xf32>
        %mul3A_359 = arith.mulf %sort3A_356, %mul3A_358 : vector<16xf32>
        %mul3A_360 = arith.constant 16 : i32
        %mul3A_361 = arith.muli %scan3A_344, %mul3A_360 : i32
        %swap3A = arith.index_cast %mul3A_361 : i32 to index
        %swap3A_362 = tpu.vector_load %arg4[%swap3A] {strides = array<i32>} : memref<8192xf32, #tpu.memory_space<vmem>>, vector<16xf32>,
        tpu.vector_store %arg4[%swap3A], %mul3A_359 {strides = array<i32>} : memref<8192xf32, #tpu.memory_space<vmem>>, vector<16xf32>,
      }
      %scan3A_97 = arith.constant 512 : i32
      %scan3A_98 = arith.constant 0 : i32
      %scan3A_99 = arith.constant 0 : i32
      %scan3A_100 = arith.constant 256 : i32
      %scan3A_101 = arith.addi %scan3A_99, %scan3A_100 : i32
      %scan3A_102 = arith.constant 1 : i32
      scf.for %scan3A_344 = %scan3A_99 to %scan3A_101 step %scan3A_102  : i32 {
        %and3A = arith.constant 15 : i32
        %and3A_345 = arith.andi %scan3A_344, %and3A : i32
        %shift_right_arithmetic3A = arith.constant 4 : i32
        %shift_right_arithmetic3A_346 = arith.shrsi %scan3A_344, %shift_right_arithmetic3A : i32
        %shift_left3A = arith.constant 5 : i32
        %shift_left3A_347 = arith.shli %shift_right_arithmetic3A_346, %shift_left3A : i32
        %add3A_348 = arith.addi %and3A_345, %shift_left3A_347 : i32
        %mul3A_349 = arith.constant 16 : i32
        %mul3A_350 = arith.muli %add3A_348, %mul3A_349 : i32
        %add3A_351 = arith.constant 256 : i32
        %add3A_352 = arith.addi %mul3A_350, %add3A_351 : i32
        %get3A = arith.index_cast %mul3A_350 : i32 to index
        %get3A_353 = tpu.vector_load %arg4[%get3A] {strides = array<i32>} : memref<8192xf32, #tpu.memory_space<vmem>>, vector<16xf32>,
        %get3A_354 = arith.index_cast %add3A_352 : i32 to index
        %get3A_355 = tpu.vector_load %arg4[%get3A_354] {strides = array<i32>} : memref<8192xf32, #tpu.memory_space<vmem>>, vector<16xf32>,
        %and3A_356 = arith.constant 512 : i32
        %and3A_357 = arith.andi %mul3A_350, %and3A_356 : i32
        %eq3A = arith.constant 0 : i32
        %eq3A_358 = arith.cmpi eq, %and3A_357, %eq3A : i32
        %min3A = arith.minimumf %get3A_353, %get3A_355 : vector<16xf32>
        %max3A = arith.maximumf %get3A_353, %get3A_355 : vector<16xf32>
        %select_n3A = arith.select %eq3A_358, %min3A, %max3A : vector<16xf32>
        %swap3A = arith.index_cast %mul3A_350 : i32 to index
        %swap3A_359 = tpu.vector_load %arg4[%swap3A] {strides = array<i32>} : memref<8192xf32, #tpu.memory_space<vmem>>, vector<16xf32>,
        tpu.vector_store %arg4[%swap3A], %select_n3A {strides = array<i32>} : memref<8192xf32, #tpu.memory_space<vmem>>, vector<16xf32>,
        %select_n3A_360 = arith.select %eq3A_358, %max3A, %min3A : vector<16xf32>
        %swap3A_361 = arith.index_cast %add3A_352 : i32 to index
        %swap3A_362 = tpu.vector_load %arg4[%swap3A_361] {strides = array<i32>} : memref<8192xf32, #tpu.memory_space<vmem>>, vector<16xf32>,
        tpu.vector_store %arg4[%swap3A_361], %select_n3A_360 {strides = array<i32>} : memref<8192xf32, #tpu.memory_space<vmem>>, vector<16xf32>,
      }
      %scan3A_103 = arith.constant 256 : i32
      %scan3A_104 = arith.constant 0 : i32
      %scan3A_105 = arith.constant 0 : i32
      %scan3A_106 = arith.constant 256 : i32
      %scan3A_107 = arith.addi %scan3A_105, %scan3A_106 : i32
      %scan3A_108 = arith.constant 1 : i32
      scf.for %scan3A_344 = %scan3A_105 to %scan3A_107 step %scan3A_108  : i32 {
        %and3A = arith.constant 7 : i32
        %and3A_345 = arith.andi %scan3A_344, %and3A : i32
        %shift_right_arithmetic3A = arith.constant 3 : i32
        %shift_right_arithmetic3A_346 = arith.shrsi %scan3A_344, %shift_right_arithmetic3A : i32
        %shift_left3A = arith.constant 4 : i32
        %shift_left3A_347 = arith.shli %shift_right_arithmetic3A_346, %shift_left3A : i32
        %add3A_348 = arith.addi %and3A_345, %shift_left3A_347 : i32
        %mul3A_349 = arith.constant 16 : i32
        %mul3A_350 = arith.muli %add3A_348, %mul3A_349 : i32
        %add3A_351 = arith.constant 128 : i32
        %add3A_352 = arith.addi %mul3A_350, %add3A_351 : i32
        %get3A = arith.index_cast %mul3A_350 : i32 to index
        %get3A_353 = tpu.vector_load %arg4[%get3A] {strides = array<i32>} : memref<8192xf32, #tpu.memory_space<vmem>>, vector<16xf32>,
        %get3A_354 = arith.index_cast %add3A_352 : i32 to index
        %get3A_355 = tpu.vector_load %arg4[%get3A_354] {strides = array<i32>} : memref<8192xf32, #tpu.memory_space<vmem>>, vector<16xf32>,
        %and3A_356 = arith.constant 512 : i32
        %and3A_357 = arith.andi %mul3A_350, %and3A_356 : i32
        %eq3A = arith.constant 0 : i32
        %eq3A_358 = arith.cmpi eq, %and3A_357, %eq3A : i32
        %min3A = arith.minimumf %get3A_353, %get3A_355 : vector<16xf32>
        %max3A = arith.maximumf %get3A_353, %get3A_355 : vector<16xf32>
        %select_n3A = arith.select %eq3A_358, %min3A, %max3A : vector<16xf32>
        %swap3A = arith.index_cast %mul3A_350 : i32 to index
        %swap3A_359 = tpu.vector_load %arg4[%swap3A] {strides = array<i32>} : memref<8192xf32, #tpu.memory_space<vmem>>, vector<16xf32>,
        tpu.vector_store %arg4[%swap3A], %select_n3A {strides = array<i32>} : memref<8192xf32, #tpu.memory_space<vmem>>, vector<16xf32>,
        %select_n3A_360 = arith.select %eq3A_358, %max3A, %min3A : vector<16xf32>
        %swap3A_361 = arith.index_cast %add3A_352 : i32 to index
        %swap3A_362 = tpu.vector_load %arg4[%swap3A_361] {strides = array<i32>} : memref<8192xf32, #tpu.memory_space<vmem>>, vector<16xf32>,
        tpu.vector_store %arg4[%swap3A_361], %select_n3A_360 {strides = array<i32>} : memref<8192xf32, #tpu.memory_space<vmem>>, vector<16xf32>,
      }
      %scan3A_109 = arith.constant 256 : i32
      %scan3A_110 = arith.constant 0 : i32
      %scan3A_111 = arith.constant 0 : i32
      %scan3A_112 = arith.constant 256 : i32
      %scan3A_113 = arith.addi %scan3A_111, %scan3A_112 : i32
      %scan3A_114 = arith.constant 1 : i32
      scf.for %scan3A_344 = %scan3A_111 to %scan3A_113 step %scan3A_114  : i32 {
        %and3A = arith.constant 3 : i32
        %and3A_345 = arith.andi %scan3A_344, %and3A : i32
        %shift_right_arithmetic3A = arith.constant 2 : i32
        %shift_right_arithmetic3A_346 = arith.shrsi %scan3A_344, %shift_right_arithmetic3A : i32
        %shift_left3A = arith.constant 3 : i32
        %shift_left3A_347 = arith.shli %shift_right_arithmetic3A_346, %shift_left3A : i32
        %add3A_348 = arith.addi %and3A_345, %shift_left3A_347 : i32
        %mul3A_349 = arith.constant 16 : i32
        %mul3A_350 = arith.muli %add3A_348, %mul3A_349 : i32
        %add3A_351 = arith.constant 64 : i32
        %add3A_352 = arith.addi %mul3A_350, %add3A_351 : i32
        %get3A = arith.index_cast %mul3A_350 : i32 to index
        %get3A_353 = tpu.vector_load %arg4[%get3A] {strides = array<i32>} : memref<8192xf32, #tpu.memory_space<vmem>>, vector<16xf32>,
        %get3A_354 = arith.index_cast %add3A_352 : i32 to index
        %get3A_355 = tpu.vector_load %arg4[%get3A_354] {strides = array<i32>} : memref<8192xf32, #tpu.memory_space<vmem>>, vector<16xf32>,
        %and3A_356 = arith.constant 512 : i32
        %and3A_357 = arith.andi %mul3A_350, %and3A_356 : i32
        %eq3A = arith.constant 0 : i32
        %eq3A_358 = arith.cmpi eq, %and3A_357, %eq3A : i32
        %min3A = arith.minimumf %get3A_353, %get3A_355 : vector<16xf32>
        %max3A = arith.maximumf %get3A_353, %get3A_355 : vector<16xf32>
        %select_n3A = arith.select %eq3A_358, %min3A, %max3A : vector<16xf32>
        %swap3A = arith.index_cast %mul3A_350 : i32 to index
        %swap3A_359 = tpu.vector_load %arg4[%swap3A] {strides = array<i32>} : memref<8192xf32, #tpu.memory_space<vmem>>, vector<16xf32>,
        tpu.vector_store %arg4[%swap3A], %select_n3A {strides = array<i32>} : memref<8192xf32, #tpu.memory_space<vmem>>, vector<16xf32>,
        %select_n3A_360 = arith.select %eq3A_358, %max3A, %min3A : vector<16xf32>
        %swap3A_361 = arith.index_cast %add3A_352 : i32 to index
        %swap3A_362 = tpu.vector_load %arg4[%swap3A_361] {strides = array<i32>} : memref<8192xf32, #tpu.memory_space<vmem>>, vector<16xf32>,
        tpu.vector_store %arg4[%swap3A_361], %select_n3A_360 {strides = array<i32>} : memref<8192xf32, #tpu.memory_space<vmem>>, vector<16xf32>,
      }
      %scan3A_115 = arith.constant 256 : i32
      %scan3A_116 = arith.constant 0 : i32
      %scan3A_117 = arith.constant 0 : i32
      %scan3A_118 = arith.constant 256 : i32
      %scan3A_119 = arith.addi %scan3A_117, %scan3A_118 : i32
      %scan3A_120 = arith.constant 1 : i32
      scf.for %scan3A_344 = %scan3A_117 to %scan3A_119 step %scan3A_120  : i32 {
        %and3A = arith.constant 1 : i32
        %and3A_345 = arith.andi %scan3A_344, %and3A : i32
        %shift_right_arithmetic3A = arith.constant 1 : i32
        %shift_right_arithmetic3A_346 = arith.shrsi %scan3A_344, %shift_right_arithmetic3A : i32
        %shift_left3A = arith.constant 2 : i32
        %shift_left3A_347 = arith.shli %shift_right_arithmetic3A_346, %shift_left3A : i32
        %add3A_348 = arith.addi %and3A_345, %shift_left3A_347 : i32
        %mul3A_349 = arith.constant 16 : i32
        %mul3A_350 = arith.muli %add3A_348, %mul3A_349 : i32
        %add3A_351 = arith.constant 32 : i32
        %add3A_352 = arith.addi %mul3A_350, %add3A_351 : i32
        %get3A = arith.index_cast %mul3A_350 : i32 to index
        %get3A_353 = tpu.vector_load %arg4[%get3A] {strides = array<i32>} : memref<8192xf32, #tpu.memory_space<vmem>>, vector<16xf32>,
        %get3A_354 = arith.index_cast %add3A_352 : i32 to index
        %get3A_355 = tpu.vector_load %arg4[%get3A_354] {strides = array<i32>} : memref<8192xf32, #tpu.memory_space<vmem>>, vector<16xf32>,
        %and3A_356 = arith.constant 512 : i32
        %and3A_357 = arith.andi %mul3A_350, %and3A_356 : i32
        %eq3A = arith.constant 0 : i32
        %eq3A_358 = arith.cmpi eq, %and3A_357, %eq3A : i32
        %min3A = arith.minimumf %get3A_353, %get3A_355 : vector<16xf32>
        %max3A = arith.maximumf %get3A_353, %get3A_355 : vector<16xf32>
        %select_n3A = arith.select %eq3A_358, %min3A, %max3A : vector<16xf32>
        %swap3A = arith.index_cast %mul3A_350 : i32 to index
        %swap3A_359 = tpu.vector_load %arg4[%swap3A] {strides = array<i32>} : memref<8192xf32, #tpu.memory_space<vmem>>, vector<16xf32>,
        tpu.vector_store %arg4[%swap3A], %select_n3A {strides = array<i32>} : memref<8192xf32, #tpu.memory_space<vmem>>, vector<16xf32>,
        %select_n3A_360 = arith.select %eq3A_358, %max3A, %min3A : vector<16xf32>
        %swap3A_361 = arith.index_cast %add3A_352 : i32 to index
        %swap3A_362 = tpu.vector_load %arg4[%swap3A_361] {strides = array<i32>} : memref<8192xf32, #tpu.memory_space<vmem>>, vector<16xf32>,
        tpu.vector_store %arg4[%swap3A_361], %select_n3A_360 {strides = array<i32>} : memref<8192xf32, #tpu.memory_space<vmem>>, vector<16xf32>,
      }
      %scan3A_121 = arith.constant 256 : i32
      %scan3A_122 = arith.constant 0 : i32
      %scan3A_123 = arith.constant 0 : i32
      %scan3A_124 = arith.constant 256 : i32
      %scan3A_125 = arith.addi %scan3A_123, %scan3A_124 : i32
      %scan3A_126 = arith.constant 1 : i32
      scf.for %scan3A_344 = %scan3A_123 to %scan3A_125 step %scan3A_126  : i32 {
        %and3A = arith.constant 0 : i32
        %and3A_345 = arith.andi %scan3A_344, %and3A : i32
        %shift_right_arithmetic3A = arith.constant 0 : i32
        %shift_right_arithmetic3A_346 = arith.shrsi %scan3A_344, %shift_right_arithmetic3A : i32
        %shift_left3A = arith.constant 1 : i32
        %shift_left3A_347 = arith.shli %shift_right_arithmetic3A_346, %shift_left3A : i32
        %add3A_348 = arith.addi %and3A_345, %shift_left3A_347 : i32
        %mul3A_349 = arith.constant 16 : i32
        %mul3A_350 = arith.muli %add3A_348, %mul3A_349 : i32
        %add3A_351 = arith.constant 16 : i32
        %add3A_352 = arith.addi %mul3A_350, %add3A_351 : i32
        %get3A = arith.index_cast %mul3A_350 : i32 to index
        %get3A_353 = tpu.vector_load %arg4[%get3A] {strides = array<i32>} : memref<8192xf32, #tpu.memory_space<vmem>>, vector<16xf32>,
        %get3A_354 = arith.index_cast %add3A_352 : i32 to index
        %get3A_355 = tpu.vector_load %arg4[%get3A_354] {strides = array<i32>} : memref<8192xf32, #tpu.memory_space<vmem>>, vector<16xf32>,
        %and3A_356 = arith.constant 512 : i32
        %and3A_357 = arith.andi %mul3A_350, %and3A_356 : i32
        %eq3A = arith.constant 0 : i32
        %eq3A_358 = arith.cmpi eq, %and3A_357, %eq3A : i32
        %min3A = arith.minimumf %get3A_353, %get3A_355 : vector<16xf32>
        %max3A = arith.maximumf %get3A_353, %get3A_355 : vector<16xf32>
        %select_n3A = arith.select %eq3A_358, %min3A, %max3A : vector<16xf32>
        %swap3A = arith.index_cast %mul3A_350 : i32 to index
        %swap3A_359 = tpu.vector_load %arg4[%swap3A] {strides = array<i32>} : memref<8192xf32, #tpu.memory_space<vmem>>, vector<16xf32>,
        tpu.vector_store %arg4[%swap3A], %select_n3A {strides = array<i32>} : memref<8192xf32, #tpu.memory_space<vmem>>, vector<16xf32>,
        %select_n3A_360 = arith.select %eq3A_358, %max3A, %min3A : vector<16xf32>
        %swap3A_361 = arith.index_cast %add3A_352 : i32 to index
        %swap3A_362 = tpu.vector_load %arg4[%swap3A_361] {strides = array<i32>} : memref<8192xf32, #tpu.memory_space<vmem>>, vector<16xf32>,
        tpu.vector_store %arg4[%swap3A_361], %select_n3A_360 {strides = array<i32>} : memref<8192xf32, #tpu.memory_space<vmem>>, vector<16xf32>,
      }
      %scan3A_127 = arith.constant 256 : i32
      %scan3A_128 = arith.constant 0 : i32
      %scan3A_129 = arith.constant 0 : i32
      %scan3A_130 = arith.constant 512 : i32
      %scan3A_131 = arith.addi %scan3A_129, %scan3A_130 : i32
      %scan3A_132 = arith.constant 1 : i32
      scf.for %scan3A_344 = %scan3A_129 to %scan3A_131 step %scan3A_132  : i32 {
        %mul3A_345 = arith.constant 16 : i32
        %mul3A_346 = arith.muli %scan3A_344, %mul3A_345 : i32
        %and3A = arith.constant 512 : i32
        %and3A_347 = arith.andi %mul3A_346, %and3A : i32
        %eq3A = arith.constant 0 : i32
        %eq3A_348 = arith.cmpi eq, %and3A_347, %eq3A : i32
        %jit3A = arith.constant 1.000000e+00 : f32
        %jit3A_349 = arith.constant -1.000000e+00 : f32
        %select_n3A = arith.select %eq3A_348, %jit3A, %jit3A_349 : f32
        %mul3A_350 = arith.constant 16 : i32
        %mul3A_351 = arith.muli %scan3A_344, %mul3A_350 : i32
        %get3A = arith.index_cast %mul3A_351 : i32 to index
        %get3A_352 = tpu.vector_load %arg4[%get3A] {strides = array<i32>} : memref<8192xf32, #tpu.memory_space<vmem>>, vector<16xf32>,
        %mul3A_353 = vector.broadcast %select_n3A : f32 to vector<16xf32>
        %mul3A_354 = arith.mulf %get3A_352, %mul3A_353 : vector<16xf32>
        %sort3A = arith.constant dense<true> : vector<16xi1>
        %sort3A_355, %sort3A_356, %sort3A_357 = tpu.sort %mul3A_354, %mul3A_354 masked %sort3A : (vector<16xf32>, vector<16xf32>, vector<16xi1>) -> (vector<16xi1>, vector<16xf32>, vector<16xf32>)
        %mul3A_358 = vector.broadcast %select_n3A : f32 to vector<16xf32>
        %mul3A_359 = arith.mulf %sort3A_356, %mul3A_358 : vector<16xf32>
        %mul3A_360 = arith.constant 16 : i32
        %mul3A_361 = arith.muli %scan3A_344, %mul3A_360 : i32
        %swap3A = arith.index_cast %mul3A_361 : i32 to index
        %swap3A_362 = tpu.vector_load %arg4[%swap3A] {strides = array<i32>} : memref<8192xf32, #tpu.memory_space<vmem>>, vector<16xf32>,
        tpu.vector_store %arg4[%swap3A], %mul3A_359 {strides = array<i32>} : memref<8192xf32, #tpu.memory_space<vmem>>, vector<16xf32>,
      }
      %scan3A_133 = arith.constant 512 : i32
      %scan3A_134 = arith.constant 0 : i32
      %scan3A_135 = arith.constant 0 : i32
      %scan3A_136 = arith.constant 256 : i32
      %scan3A_137 = arith.addi %scan3A_135, %scan3A_136 : i32
      %scan3A_138 = arith.constant 1 : i32
      scf.for %scan3A_344 = %scan3A_135 to %scan3A_137 step %scan3A_138  : i32 {
        %and3A = arith.constant 31 : i32
        %and3A_345 = arith.andi %scan3A_344, %and3A : i32
        %shift_right_arithmetic3A = arith.constant 5 : i32
        %shift_right_arithmetic3A_346 = arith.shrsi %scan3A_344, %shift_right_arithmetic3A : i32
        %shift_left3A = arith.constant 6 : i32
        %shift_left3A_347 = arith.shli %shift_right_arithmetic3A_346, %shift_left3A : i32
        %add3A_348 = arith.addi %and3A_345, %shift_left3A_347 : i32
        %mul3A_349 = arith.constant 16 : i32
        %mul3A_350 = arith.muli %add3A_348, %mul3A_349 : i32
        %add3A_351 = arith.constant 512 : i32
        %add3A_352 = arith.addi %mul3A_350, %add3A_351 : i32
        %get3A = arith.index_cast %mul3A_350 : i32 to index
        %get3A_353 = tpu.vector_load %arg4[%get3A] {strides = array<i32>} : memref<8192xf32, #tpu.memory_space<vmem>>, vector<16xf32>,
        %get3A_354 = arith.index_cast %add3A_352 : i32 to index
        %get3A_355 = tpu.vector_load %arg4[%get3A_354] {strides = array<i32>} : memref<8192xf32, #tpu.memory_space<vmem>>, vector<16xf32>,
        %and3A_356 = arith.constant 1024 : i32
        %and3A_357 = arith.andi %mul3A_350, %and3A_356 : i32
        %eq3A = arith.constant 0 : i32
        %eq3A_358 = arith.cmpi eq, %and3A_357, %eq3A : i32
        %min3A = arith.minimumf %get3A_353, %get3A_355 : vector<16xf32>
        %max3A = arith.maximumf %get3A_353, %get3A_355 : vector<16xf32>
        %select_n3A = arith.select %eq3A_358, %min3A, %max3A : vector<16xf32>
        %swap3A = arith.index_cast %mul3A_350 : i32 to index
        %swap3A_359 = tpu.vector_load %arg4[%swap3A] {strides = array<i32>} : memref<8192xf32, #tpu.memory_space<vmem>>, vector<16xf32>,
        tpu.vector_store %arg4[%swap3A], %select_n3A {strides = array<i32>} : memref<8192xf32, #tpu.memory_space<vmem>>, vector<16xf32>,
        %select_n3A_360 = arith.select %eq3A_358, %max3A, %min3A : vector<16xf32>
        %swap3A_361 = arith.index_cast %add3A_352 : i32 to index
        %swap3A_362 = tpu.vector_load %arg4[%swap3A_361] {strides = array<i32>} : memref<8192xf32, #tpu.memory_space<vmem>>, vector<16xf32>,
        tpu.vector_store %arg4[%swap3A_361], %select_n3A_360 {strides = array<i32>} : memref<8192xf32, #tpu.memory_space<vmem>>, vector<16xf32>,
      }
      %scan3A_139 = arith.constant 256 : i32
      %scan3A_140 = arith.constant 0 : i32
      %scan3A_141 = arith.constant 0 : i32
      %scan3A_142 = arith.constant 256 : i32
      %scan3A_143 = arith.addi %scan3A_141, %scan3A_142 : i32
      %scan3A_144 = arith.constant 1 : i32
      scf.for %scan3A_344 = %scan3A_141 to %scan3A_143 step %scan3A_144  : i32 {
        %and3A = arith.constant 15 : i32
        %and3A_345 = arith.andi %scan3A_344, %and3A : i32
        %shift_right_arithmetic3A = arith.constant 4 : i32
        %shift_right_arithmetic3A_346 = arith.shrsi %scan3A_344, %shift_right_arithmetic3A : i32
        %shift_left3A = arith.constant 5 : i32
        %shift_left3A_347 = arith.shli %shift_right_arithmetic3A_346, %shift_left3A : i32
        %add3A_348 = arith.addi %and3A_345, %shift_left3A_347 : i32
        %mul3A_349 = arith.constant 16 : i32
        %mul3A_350 = arith.muli %add3A_348, %mul3A_349 : i32
        %add3A_351 = arith.constant 256 : i32
        %add3A_352 = arith.addi %mul3A_350, %add3A_351 : i32
        %get3A = arith.index_cast %mul3A_350 : i32 to index
        %get3A_353 = tpu.vector_load %arg4[%get3A] {strides = array<i32>} : memref<8192xf32, #tpu.memory_space<vmem>>, vector<16xf32>,
        %get3A_354 = arith.index_cast %add3A_352 : i32 to index
        %get3A_355 = tpu.vector_load %arg4[%get3A_354] {strides = array<i32>} : memref<8192xf32, #tpu.memory_space<vmem>>, vector<16xf32>,
        %and3A_356 = arith.constant 1024 : i32
        %and3A_357 = arith.andi %mul3A_350, %and3A_356 : i32
        %eq3A = arith.constant 0 : i32
        %eq3A_358 = arith.cmpi eq, %and3A_357, %eq3A : i32
        %min3A = arith.minimumf %get3A_353, %get3A_355 : vector<16xf32>
        %max3A = arith.maximumf %get3A_353, %get3A_355 : vector<16xf32>
        %select_n3A = arith.select %eq3A_358, %min3A, %max3A : vector<16xf32>
        %swap3A = arith.index_cast %mul3A_350 : i32 to index
        %swap3A_359 = tpu.vector_load %arg4[%swap3A] {strides = array<i32>} : memref<8192xf32, #tpu.memory_space<vmem>>, vector<16xf32>,
        tpu.vector_store %arg4[%swap3A], %select_n3A {strides = array<i32>} : memref<8192xf32, #tpu.memory_space<vmem>>, vector<16xf32>,
        %select_n3A_360 = arith.select %eq3A_358, %max3A, %min3A : vector<16xf32>
        %swap3A_361 = arith.index_cast %add3A_352 : i32 to index
        %swap3A_362 = tpu.vector_load %arg4[%swap3A_361] {strides = array<i32>} : memref<8192xf32, #tpu.memory_space<vmem>>, vector<16xf32>,
        tpu.vector_store %arg4[%swap3A_361], %select_n3A_360 {strides = array<i32>} : memref<8192xf32, #tpu.memory_space<vmem>>, vector<16xf32>,
      }
      %scan3A_145 = arith.constant 256 : i32
      %scan3A_146 = arith.constant 0 : i32
      %scan3A_147 = arith.constant 0 : i32
      %scan3A_148 = arith.constant 256 : i32
      %scan3A_149 = arith.addi %scan3A_147, %scan3A_148 : i32
      %scan3A_150 = arith.constant 1 : i32
      scf.for %scan3A_344 = %scan3A_147 to %scan3A_149 step %scan3A_150  : i32 {
        %and3A = arith.constant 7 : i32
        %and3A_345 = arith.andi %scan3A_344, %and3A : i32
        %shift_right_arithmetic3A = arith.constant 3 : i32
        %shift_right_arithmetic3A_346 = arith.shrsi %scan3A_344, %shift_right_arithmetic3A : i32
        %shift_left3A = arith.constant 4 : i32
        %shift_left3A_347 = arith.shli %shift_right_arithmetic3A_346, %shift_left3A : i32
        %add3A_348 = arith.addi %and3A_345, %shift_left3A_347 : i32
        %mul3A_349 = arith.constant 16 : i32
        %mul3A_350 = arith.muli %add3A_348, %mul3A_349 : i32
        %add3A_351 = arith.constant 128 : i32
        %add3A_352 = arith.addi %mul3A_350, %add3A_351 : i32
        %get3A = arith.index_cast %mul3A_350 : i32 to index
        %get3A_353 = tpu.vector_load %arg4[%get3A] {strides = array<i32>} : memref<8192xf32, #tpu.memory_space<vmem>>, vector<16xf32>,
        %get3A_354 = arith.index_cast %add3A_352 : i32 to index
        %get3A_355 = tpu.vector_load %arg4[%get3A_354] {strides = array<i32>} : memref<8192xf32, #tpu.memory_space<vmem>>, vector<16xf32>,
        %and3A_356 = arith.constant 1024 : i32
        %and3A_357 = arith.andi %mul3A_350, %and3A_356 : i32
        %eq3A = arith.constant 0 : i32
        %eq3A_358 = arith.cmpi eq, %and3A_357, %eq3A : i32
        %min3A = arith.minimumf %get3A_353, %get3A_355 : vector<16xf32>
        %max3A = arith.maximumf %get3A_353, %get3A_355 : vector<16xf32>
        %select_n3A = arith.select %eq3A_358, %min3A, %max3A : vector<16xf32>
        %swap3A = arith.index_cast %mul3A_350 : i32 to index
        %swap3A_359 = tpu.vector_load %arg4[%swap3A] {strides = array<i32>} : memref<8192xf32, #tpu.memory_space<vmem>>, vector<16xf32>,
        tpu.vector_store %arg4[%swap3A], %select_n3A {strides = array<i32>} : memref<8192xf32, #tpu.memory_space<vmem>>, vector<16xf32>,
        %select_n3A_360 = arith.select %eq3A_358, %max3A, %min3A : vector<16xf32>
        %swap3A_361 = arith.index_cast %add3A_352 : i32 to index
        %swap3A_362 = tpu.vector_load %arg4[%swap3A_361] {strides = array<i32>} : memref<8192xf32, #tpu.memory_space<vmem>>, vector<16xf32>,
        tpu.vector_store %arg4[%swap3A_361], %select_n3A_360 {strides = array<i32>} : memref<8192xf32, #tpu.memory_space<vmem>>, vector<16xf32>,
      }
      %scan3A_151 = arith.constant 256 : i32
      %scan3A_152 = arith.constant 0 : i32
      %scan3A_153 = arith.constant 0 : i32
      %scan3A_154 = arith.constant 256 : i32
      %scan3A_155 = arith.addi %scan3A_153, %scan3A_154 : i32
      %scan3A_156 = arith.constant 1 : i32
      scf.for %scan3A_344 = %scan3A_153 to %scan3A_155 step %scan3A_156  : i32 {
        %and3A = arith.constant 3 : i32
        %and3A_345 = arith.andi %scan3A_344, %and3A : i32
        %shift_right_arithmetic3A = arith.constant 2 : i32
        %shift_right_arithmetic3A_346 = arith.shrsi %scan3A_344, %shift_right_arithmetic3A : i32
        %shift_left3A = arith.constant 3 : i32
        %shift_left3A_347 = arith.shli %shift_right_arithmetic3A_346, %shift_left3A : i32
        %add3A_348 = arith.addi %and3A_345, %shift_left3A_347 : i32
        %mul3A_349 = arith.constant 16 : i32
        %mul3A_350 = arith.muli %add3A_348, %mul3A_349 : i32
        %add3A_351 = arith.constant 64 : i32
        %add3A_352 = arith.addi %mul3A_350, %add3A_351 : i32
        %get3A = arith.index_cast %mul3A_350 : i32 to index
        %get3A_353 = tpu.vector_load %arg4[%get3A] {strides = array<i32>} : memref<8192xf32, #tpu.memory_space<vmem>>, vector<16xf32>,
        %get3A_354 = arith.index_cast %add3A_352 : i32 to index
        %get3A_355 = tpu.vector_load %arg4[%get3A_354] {strides = array<i32>} : memref<8192xf32, #tpu.memory_space<vmem>>, vector<16xf32>,
        %and3A_356 = arith.constant 1024 : i32
        %and3A_357 = arith.andi %mul3A_350, %and3A_356 : i32
        %eq3A = arith.constant 0 : i32
        %eq3A_358 = arith.cmpi eq, %and3A_357, %eq3A : i32
        %min3A = arith.minimumf %get3A_353, %get3A_355 : vector<16xf32>
        %max3A = arith.maximumf %get3A_353, %get3A_355 : vector<16xf32>
        %select_n3A = arith.select %eq3A_358, %min3A, %max3A : vector<16xf32>
        %swap3A = arith.index_cast %mul3A_350 : i32 to index
        %swap3A_359 = tpu.vector_load %arg4[%swap3A] {strides = array<i32>} : memref<8192xf32, #tpu.memory_space<vmem>>, vector<16xf32>,
        tpu.vector_store %arg4[%swap3A], %select_n3A {strides = array<i32>} : memref<8192xf32, #tpu.memory_space<vmem>>, vector<16xf32>,
        %select_n3A_360 = arith.select %eq3A_358, %max3A, %min3A : vector<16xf32>
        %swap3A_361 = arith.index_cast %add3A_352 : i32 to index
        %swap3A_362 = tpu.vector_load %arg4[%swap3A_361] {strides = array<i32>} : memref<8192xf32, #tpu.memory_space<vmem>>, vector<16xf32>,
        tpu.vector_store %arg4[%swap3A_361], %select_n3A_360 {strides = array<i32>} : memref<8192xf32, #tpu.memory_space<vmem>>, vector<16xf32>,
      }
      %scan3A_157 = arith.constant 256 : i32
      %scan3A_158 = arith.constant 0 : i32
      %scan3A_159 = arith.constant 0 : i32
      %scan3A_160 = arith.constant 256 : i32
      %scan3A_161 = arith.addi %scan3A_159, %scan3A_160 : i32
      %scan3A_162 = arith.constant 1 : i32
      scf.for %scan3A_344 = %scan3A_159 to %scan3A_161 step %scan3A_162  : i32 {
        %and3A = arith.constant 1 : i32
        %and3A_345 = arith.andi %scan3A_344, %and3A : i32
        %shift_right_arithmetic3A = arith.constant 1 : i32
        %shift_right_arithmetic3A_346 = arith.shrsi %scan3A_344, %shift_right_arithmetic3A : i32
        %shift_left3A = arith.constant 2 : i32
        %shift_left3A_347 = arith.shli %shift_right_arithmetic3A_346, %shift_left3A : i32
        %add3A_348 = arith.addi %and3A_345, %shift_left3A_347 : i32
        %mul3A_349 = arith.constant 16 : i32
        %mul3A_350 = arith.muli %add3A_348, %mul3A_349 : i32
        %add3A_351 = arith.constant 32 : i32
        %add3A_352 = arith.addi %mul3A_350, %add3A_351 : i32
        %get3A = arith.index_cast %mul3A_350 : i32 to index
        %get3A_353 = tpu.vector_load %arg4[%get3A] {strides = array<i32>} : memref<8192xf32, #tpu.memory_space<vmem>>, vector<16xf32>,
        %get3A_354 = arith.index_cast %add3A_352 : i32 to index
        %get3A_355 = tpu.vector_load %arg4[%get3A_354] {strides = array<i32>} : memref<8192xf32, #tpu.memory_space<vmem>>, vector<16xf32>,
        %and3A_356 = arith.constant 1024 : i32
        %and3A_357 = arith.andi %mul3A_350, %and3A_356 : i32
        %eq3A = arith.constant 0 : i32
        %eq3A_358 = arith.cmpi eq, %and3A_357, %eq3A : i32
        %min3A = arith.minimumf %get3A_353, %get3A_355 : vector<16xf32>
        %max3A = arith.maximumf %get3A_353, %get3A_355 : vector<16xf32>
        %select_n3A = arith.select %eq3A_358, %min3A, %max3A : vector<16xf32>
        %swap3A = arith.index_cast %mul3A_350 : i32 to index
        %swap3A_359 = tpu.vector_load %arg4[%swap3A] {strides = array<i32>} : memref<8192xf32, #tpu.memory_space<vmem>>, vector<16xf32>,
        tpu.vector_store %arg4[%swap3A], %select_n3A {strides = array<i32>} : memref<8192xf32, #tpu.memory_space<vmem>>, vector<16xf32>,
        %select_n3A_360 = arith.select %eq3A_358, %max3A, %min3A : vector<16xf32>
        %swap3A_361 = arith.index_cast %add3A_352 : i32 to index
        %swap3A_362 = tpu.vector_load %arg4[%swap3A_361] {strides = array<i32>} : memref<8192xf32, #tpu.memory_space<vmem>>, vector<16xf32>,
        tpu.vector_store %arg4[%swap3A_361], %select_n3A_360 {strides = array<i32>} : memref<8192xf32, #tpu.memory_space<vmem>>, vector<16xf32>,
      }
      %scan3A_163 = arith.constant 256 : i32
      %scan3A_164 = arith.constant 0 : i32
      %scan3A_165 = arith.constant 0 : i32
      %scan3A_166 = arith.constant 256 : i32
      %scan3A_167 = arith.addi %scan3A_165, %scan3A_166 : i32
      %scan3A_168 = arith.constant 1 : i32
      scf.for %scan3A_344 = %scan3A_165 to %scan3A_167 step %scan3A_168  : i32 {
        %and3A = arith.constant 0 : i32
        %and3A_345 = arith.andi %scan3A_344, %and3A : i32
        %shift_right_arithmetic3A = arith.constant 0 : i32
        %shift_right_arithmetic3A_346 = arith.shrsi %scan3A_344, %shift_right_arithmetic3A : i32
        %shift_left3A = arith.constant 1 : i32
        %shift_left3A_347 = arith.shli %shift_right_arithmetic3A_346, %shift_left3A : i32
        %add3A_348 = arith.addi %and3A_345, %shift_left3A_347 : i32
        %mul3A_349 = arith.constant 16 : i32
        %mul3A_350 = arith.muli %add3A_348, %mul3A_349 : i32
        %add3A_351 = arith.constant 16 : i32
        %add3A_352 = arith.addi %mul3A_350, %add3A_351 : i32
        %get3A = arith.index_cast %mul3A_350 : i32 to index
        %get3A_353 = tpu.vector_load %arg4[%get3A] {strides = array<i32>} : memref<8192xf32, #tpu.memory_space<vmem>>, vector<16xf32>,
        %get3A_354 = arith.index_cast %add3A_352 : i32 to index
        %get3A_355 = tpu.vector_load %arg4[%get3A_354] {strides = array<i32>} : memref<8192xf32, #tpu.memory_space<vmem>>, vector<16xf32>,
        %and3A_356 = arith.constant 1024 : i32
        %and3A_357 = arith.andi %mul3A_350, %and3A_356 : i32
        %eq3A = arith.constant 0 : i32
        %eq3A_358 = arith.cmpi eq, %and3A_357, %eq3A : i32
        %min3A = arith.minimumf %get3A_353, %get3A_355 : vector<16xf32>
        %max3A = arith.maximumf %get3A_353, %get3A_355 : vector<16xf32>
        %select_n3A = arith.select %eq3A_358, %min3A, %max3A : vector<16xf32>
        %swap3A = arith.index_cast %mul3A_350 : i32 to index
        %swap3A_359 = tpu.vector_load %arg4[%swap3A] {strides = array<i32>} : memref<8192xf32, #tpu.memory_space<vmem>>, vector<16xf32>,
        tpu.vector_store %arg4[%swap3A], %select_n3A {strides = array<i32>} : memref<8192xf32, #tpu.memory_space<vmem>>, vector<16xf32>,
        %select_n3A_360 = arith.select %eq3A_358, %max3A, %min3A : vector<16xf32>
        %swap3A_361 = arith.index_cast %add3A_352 : i32 to index
        %swap3A_362 = tpu.vector_load %arg4[%swap3A_361] {strides = array<i32>} : memref<8192xf32, #tpu.memory_space<vmem>>, vector<16xf32>,
        tpu.vector_store %arg4[%swap3A_361], %select_n3A_360 {strides = array<i32>} : memref<8192xf32, #tpu.memory_space<vmem>>, vector<16xf32>,
      }
      %scan3A_169 = arith.constant 256 : i32
      %scan3A_170 = arith.constant 0 : i32
      %scan3A_171 = arith.constant 0 : i32
      %scan3A_172 = arith.constant 512 : i32
      %scan3A_173 = arith.addi %scan3A_171, %scan3A_172 : i32
      %scan3A_174 = arith.constant 1 : i32
      scf.for %scan3A_344 = %scan3A_171 to %scan3A_173 step %scan3A_174  : i32 {
        %mul3A_345 = arith.constant 16 : i32
        %mul3A_346 = arith.muli %scan3A_344, %mul3A_345 : i32
        %and3A = arith.constant 1024 : i32
        %and3A_347 = arith.andi %mul3A_346, %and3A : i32
        %eq3A = arith.constant 0 : i32
        %eq3A_348 = arith.cmpi eq, %and3A_347, %eq3A : i32
        %jit3A = arith.constant 1.000000e+00 : f32
        %jit3A_349 = arith.constant -1.000000e+00 : f32
        %select_n3A = arith.select %eq3A_348, %jit3A, %jit3A_349 : f32
        %mul3A_350 = arith.constant 16 : i32
        %mul3A_351 = arith.muli %scan3A_344, %mul3A_350 : i32
        %get3A = arith.index_cast %mul3A_351 : i32 to index
        %get3A_352 = tpu.vector_load %arg4[%get3A] {strides = array<i32>} : memref<8192xf32, #tpu.memory_space<vmem>>, vector<16xf32>,
        %mul3A_353 = vector.broadcast %select_n3A : f32 to vector<16xf32>
        %mul3A_354 = arith.mulf %get3A_352, %mul3A_353 : vector<16xf32>
        %sort3A = arith.constant dense<true> : vector<16xi1>
        %sort3A_355, %sort3A_356, %sort3A_357 = tpu.sort %mul3A_354, %mul3A_354 masked %sort3A : (vector<16xf32>, vector<16xf32>, vector<16xi1>) -> (vector<16xi1>, vector<16xf32>, vector<16xf32>)
        %mul3A_358 = vector.broadcast %select_n3A : f32 to vector<16xf32>
        %mul3A_359 = arith.mulf %sort3A_356, %mul3A_358 : vector<16xf32>
        %mul3A_360 = arith.constant 16 : i32
        %mul3A_361 = arith.muli %scan3A_344, %mul3A_360 : i32
        %swap3A = arith.index_cast %mul3A_361 : i32 to index
        %swap3A_362 = tpu.vector_load %arg4[%swap3A] {strides = array<i32>} : memref<8192xf32, #tpu.memory_space<vmem>>, vector<16xf32>,
        tpu.vector_store %arg4[%swap3A], %mul3A_359 {strides = array<i32>} : memref<8192xf32, #tpu.memory_space<vmem>>, vector<16xf32>,
      }
      %scan3A_175 = arith.constant 512 : i32
      %scan3A_176 = arith.constant 0 : i32
      %scan3A_177 = arith.constant 0 : i32
      %scan3A_178 = arith.constant 256 : i32
      %scan3A_179 = arith.addi %scan3A_177, %scan3A_178 : i32
      %scan3A_180 = arith.constant 1 : i32
      scf.for %scan3A_344 = %scan3A_177 to %scan3A_179 step %scan3A_180  : i32 {
        %and3A = arith.constant 63 : i32
        %and3A_345 = arith.andi %scan3A_344, %and3A : i32
        %shift_right_arithmetic3A = arith.constant 6 : i32
        %shift_right_arithmetic3A_346 = arith.shrsi %scan3A_344, %shift_right_arithmetic3A : i32
        %shift_left3A = arith.constant 7 : i32
        %shift_left3A_347 = arith.shli %shift_right_arithmetic3A_346, %shift_left3A : i32
        %add3A_348 = arith.addi %and3A_345, %shift_left3A_347 : i32
        %mul3A_349 = arith.constant 16 : i32
        %mul3A_350 = arith.muli %add3A_348, %mul3A_349 : i32
        %add3A_351 = arith.constant 1024 : i32
        %add3A_352 = arith.addi %mul3A_350, %add3A_351 : i32
        %get3A = arith.index_cast %mul3A_350 : i32 to index
        %get3A_353 = tpu.vector_load %arg4[%get3A] {strides = array<i32>} : memref<8192xf32, #tpu.memory_space<vmem>>, vector<16xf32>,
        %get3A_354 = arith.index_cast %add3A_352 : i32 to index
        %get3A_355 = tpu.vector_load %arg4[%get3A_354] {strides = array<i32>} : memref<8192xf32, #tpu.memory_space<vmem>>, vector<16xf32>,
        %and3A_356 = arith.constant 2048 : i32
        %and3A_357 = arith.andi %mul3A_350, %and3A_356 : i32
        %eq3A = arith.constant 0 : i32
        %eq3A_358 = arith.cmpi eq, %and3A_357, %eq3A : i32
        %min3A = arith.minimumf %get3A_353, %get3A_355 : vector<16xf32>
        %max3A = arith.maximumf %get3A_353, %get3A_355 : vector<16xf32>
        %select_n3A = arith.select %eq3A_358, %min3A, %max3A : vector<16xf32>
        %swap3A = arith.index_cast %mul3A_350 : i32 to index
        %swap3A_359 = tpu.vector_load %arg4[%swap3A] {strides = array<i32>} : memref<8192xf32, #tpu.memory_space<vmem>>, vector<16xf32>,
        tpu.vector_store %arg4[%swap3A], %select_n3A {strides = array<i32>} : memref<8192xf32, #tpu.memory_space<vmem>>, vector<16xf32>,
        %select_n3A_360 = arith.select %eq3A_358, %max3A, %min3A : vector<16xf32>
        %swap3A_361 = arith.index_cast %add3A_352 : i32 to index
        %swap3A_362 = tpu.vector_load %arg4[%swap3A_361] {strides = array<i32>} : memref<8192xf32, #tpu.memory_space<vmem>>, vector<16xf32>,
        tpu.vector_store %arg4[%swap3A_361], %select_n3A_360 {strides = array<i32>} : memref<8192xf32, #tpu.memory_space<vmem>>, vector<16xf32>,
      }
      %scan3A_181 = arith.constant 256 : i32
      %scan3A_182 = arith.constant 0 : i32
      %scan3A_183 = arith.constant 0 : i32
      %scan3A_184 = arith.constant 256 : i32
      %scan3A_185 = arith.addi %scan3A_183, %scan3A_184 : i32
      %scan3A_186 = arith.constant 1 : i32
      scf.for %scan3A_344 = %scan3A_183 to %scan3A_185 step %scan3A_186  : i32 {
        %and3A = arith.constant 31 : i32
        %and3A_345 = arith.andi %scan3A_344, %and3A : i32
        %shift_right_arithmetic3A = arith.constant 5 : i32
        %shift_right_arithmetic3A_346 = arith.shrsi %scan3A_344, %shift_right_arithmetic3A : i32
        %shift_left3A = arith.constant 6 : i32
        %shift_left3A_347 = arith.shli %shift_right_arithmetic3A_346, %shift_left3A : i32
        %add3A_348 = arith.addi %and3A_345, %shift_left3A_347 : i32
        %mul3A_349 = arith.constant 16 : i32
        %mul3A_350 = arith.muli %add3A_348, %mul3A_349 : i32
        %add3A_351 = arith.constant 512 : i32
        %add3A_352 = arith.addi %mul3A_350, %add3A_351 : i32
        %get3A = arith.index_cast %mul3A_350 : i32 to index
        %get3A_353 = tpu.vector_load %arg4[%get3A] {strides = array<i32>} : memref<8192xf32, #tpu.memory_space<vmem>>, vector<16xf32>,
        %get3A_354 = arith.index_cast %add3A_352 : i32 to index
        %get3A_355 = tpu.vector_load %arg4[%get3A_354] {strides = array<i32>} : memref<8192xf32, #tpu.memory_space<vmem>>, vector<16xf32>,
        %and3A_356 = arith.constant 2048 : i32
        %and3A_357 = arith.andi %mul3A_350, %and3A_356 : i32
        %eq3A = arith.constant 0 : i32
        %eq3A_358 = arith.cmpi eq, %and3A_357, %eq3A : i32
        %min3A = arith.minimumf %get3A_353, %get3A_355 : vector<16xf32>
        %max3A = arith.maximumf %get3A_353, %get3A_355 : vector<16xf32>
        %select_n3A = arith.select %eq3A_358, %min3A, %max3A : vector<16xf32>
        %swap3A = arith.index_cast %mul3A_350 : i32 to index
        %swap3A_359 = tpu.vector_load %arg4[%swap3A] {strides = array<i32>} : memref<8192xf32, #tpu.memory_space<vmem>>, vector<16xf32>,
        tpu.vector_store %arg4[%swap3A], %select_n3A {strides = array<i32>} : memref<8192xf32, #tpu.memory_space<vmem>>, vector<16xf32>,
        %select_n3A_360 = arith.select %eq3A_358, %max3A, %min3A : vector<16xf32>
        %swap3A_361 = arith.index_cast %add3A_352 : i32 to index
        %swap3A_362 = tpu.vector_load %arg4[%swap3A_361] {strides = array<i32>} : memref<8192xf32, #tpu.memory_space<vmem>>, vector<16xf32>,
        tpu.vector_store %arg4[%swap3A_361], %select_n3A_360 {strides = array<i32>} : memref<8192xf32, #tpu.memory_space<vmem>>, vector<16xf32>,
      }
      %scan3A_187 = arith.constant 256 : i32
      %scan3A_188 = arith.constant 0 : i32
      %scan3A_189 = arith.constant 0 : i32
      %scan3A_190 = arith.constant 256 : i32
      %scan3A_191 = arith.addi %scan3A_189, %scan3A_190 : i32
      %scan3A_192 = arith.constant 1 : i32
      scf.for %scan3A_344 = %scan3A_189 to %scan3A_191 step %scan3A_192  : i32 {
        %and3A = arith.constant 15 : i32
        %and3A_345 = arith.andi %scan3A_344, %and3A : i32
        %shift_right_arithmetic3A = arith.constant 4 : i32
        %shift_right_arithmetic3A_346 = arith.shrsi %scan3A_344, %shift_right_arithmetic3A : i32
        %shift_left3A = arith.constant 5 : i32
        %shift_left3A_347 = arith.shli %shift_right_arithmetic3A_346, %shift_left3A : i32
        %add3A_348 = arith.addi %and3A_345, %shift_left3A_347 : i32
        %mul3A_349 = arith.constant 16 : i32
        %mul3A_350 = arith.muli %add3A_348, %mul3A_349 : i32
        %add3A_351 = arith.constant 256 : i32
        %add3A_352 = arith.addi %mul3A_350, %add3A_351 : i32
        %get3A = arith.index_cast %mul3A_350 : i32 to index
        %get3A_353 = tpu.vector_load %arg4[%get3A] {strides = array<i32>} : memref<8192xf32, #tpu.memory_space<vmem>>, vector<16xf32>,
        %get3A_354 = arith.index_cast %add3A_352 : i32 to index
        %get3A_355 = tpu.vector_load %arg4[%get3A_354] {strides = array<i32>} : memref<8192xf32, #tpu.memory_space<vmem>>, vector<16xf32>,
        %and3A_356 = arith.constant 2048 : i32
        %and3A_357 = arith.andi %mul3A_350, %and3A_356 : i32
        %eq3A = arith.constant 0 : i32
        %eq3A_358 = arith.cmpi eq, %and3A_357, %eq3A : i32
        %min3A = arith.minimumf %get3A_353, %get3A_355 : vector<16xf32>
        %max3A = arith.maximumf %get3A_353, %get3A_355 : vector<16xf32>
        %select_n3A = arith.select %eq3A_358, %min3A, %max3A : vector<16xf32>
        %swap3A = arith.index_cast %mul3A_350 : i32 to index
        %swap3A_359 = tpu.vector_load %arg4[%swap3A] {strides = array<i32>} : memref<8192xf32, #tpu.memory_space<vmem>>, vector<16xf32>,
        tpu.vector_store %arg4[%swap3A], %select_n3A {strides = array<i32>} : memref<8192xf32, #tpu.memory_space<vmem>>, vector<16xf32>,
        %select_n3A_360 = arith.select %eq3A_358, %max3A, %min3A : vector<16xf32>
        %swap3A_361 = arith.index_cast %add3A_352 : i32 to index
        %swap3A_362 = tpu.vector_load %arg4[%swap3A_361] {strides = array<i32>} : memref<8192xf32, #tpu.memory_space<vmem>>, vector<16xf32>,
        tpu.vector_store %arg4[%swap3A_361], %select_n3A_360 {strides = array<i32>} : memref<8192xf32, #tpu.memory_space<vmem>>, vector<16xf32>,
      }
      %scan3A_193 = arith.constant 256 : i32
      %scan3A_194 = arith.constant 0 : i32
      %scan3A_195 = arith.constant 0 : i32
      %scan3A_196 = arith.constant 256 : i32
      %scan3A_197 = arith.addi %scan3A_195, %scan3A_196 : i32
      %scan3A_198 = arith.constant 1 : i32
      scf.for %scan3A_344 = %scan3A_195 to %scan3A_197 step %scan3A_198  : i32 {
        %and3A = arith.constant 7 : i32
        %and3A_345 = arith.andi %scan3A_344, %and3A : i32
        %shift_right_arithmetic3A = arith.constant 3 : i32
        %shift_right_arithmetic3A_346 = arith.shrsi %scan3A_344, %shift_right_arithmetic3A : i32
        %shift_left3A = arith.constant 4 : i32
        %shift_left3A_347 = arith.shli %shift_right_arithmetic3A_346, %shift_left3A : i32
        %add3A_348 = arith.addi %and3A_345, %shift_left3A_347 : i32
        %mul3A_349 = arith.constant 16 : i32
        %mul3A_350 = arith.muli %add3A_348, %mul3A_349 : i32
        %add3A_351 = arith.constant 128 : i32
        %add3A_352 = arith.addi %mul3A_350, %add3A_351 : i32
        %get3A = arith.index_cast %mul3A_350 : i32 to index
        %get3A_353 = tpu.vector_load %arg4[%get3A] {strides = array<i32>} : memref<8192xf32, #tpu.memory_space<vmem>>, vector<16xf32>,
        %get3A_354 = arith.index_cast %add3A_352 : i32 to index
        %get3A_355 = tpu.vector_load %arg4[%get3A_354] {strides = array<i32>} : memref<8192xf32, #tpu.memory_space<vmem>>, vector<16xf32>,
        %and3A_356 = arith.constant 2048 : i32
        %and3A_357 = arith.andi %mul3A_350, %and3A_356 : i32
        %eq3A = arith.constant 0 : i32
        %eq3A_358 = arith.cmpi eq, %and3A_357, %eq3A : i32
        %min3A = arith.minimumf %get3A_353, %get3A_355 : vector<16xf32>
        %max3A = arith.maximumf %get3A_353, %get3A_355 : vector<16xf32>
        %select_n3A = arith.select %eq3A_358, %min3A, %max3A : vector<16xf32>
        %swap3A = arith.index_cast %mul3A_350 : i32 to index
        %swap3A_359 = tpu.vector_load %arg4[%swap3A] {strides = array<i32>} : memref<8192xf32, #tpu.memory_space<vmem>>, vector<16xf32>,
        tpu.vector_store %arg4[%swap3A], %select_n3A {strides = array<i32>} : memref<8192xf32, #tpu.memory_space<vmem>>, vector<16xf32>,
        %select_n3A_360 = arith.select %eq3A_358, %max3A, %min3A : vector<16xf32>
        %swap3A_361 = arith.index_cast %add3A_352 : i32 to index
        %swap3A_362 = tpu.vector_load %arg4[%swap3A_361] {strides = array<i32>} : memref<8192xf32, #tpu.memory_space<vmem>>, vector<16xf32>,
        tpu.vector_store %arg4[%swap3A_361], %select_n3A_360 {strides = array<i32>} : memref<8192xf32, #tpu.memory_space<vmem>>, vector<16xf32>,
      }
      %scan3A_199 = arith.constant 256 : i32
      %scan3A_200 = arith.constant 0 : i32
      %scan3A_201 = arith.constant 0 : i32
      %scan3A_202 = arith.constant 256 : i32
      %scan3A_203 = arith.addi %scan3A_201, %scan3A_202 : i32
      %scan3A_204 = arith.constant 1 : i32
      scf.for %scan3A_344 = %scan3A_201 to %scan3A_203 step %scan3A_204  : i32 {
        %and3A = arith.constant 3 : i32
        %and3A_345 = arith.andi %scan3A_344, %and3A : i32
        %shift_right_arithmetic3A = arith.constant 2 : i32
        %shift_right_arithmetic3A_346 = arith.shrsi %scan3A_344, %shift_right_arithmetic3A : i32
        %shift_left3A = arith.constant 3 : i32
        %shift_left3A_347 = arith.shli %shift_right_arithmetic3A_346, %shift_left3A : i32
        %add3A_348 = arith.addi %and3A_345, %shift_left3A_347 : i32
        %mul3A_349 = arith.constant 16 : i32
        %mul3A_350 = arith.muli %add3A_348, %mul3A_349 : i32
        %add3A_351 = arith.constant 64 : i32
        %add3A_352 = arith.addi %mul3A_350, %add3A_351 : i32
        %get3A = arith.index_cast %mul3A_350 : i32 to index
        %get3A_353 = tpu.vector_load %arg4[%get3A] {strides = array<i32>} : memref<8192xf32, #tpu.memory_space<vmem>>, vector<16xf32>,
        %get3A_354 = arith.index_cast %add3A_352 : i32 to index
        %get3A_355 = tpu.vector_load %arg4[%get3A_354] {strides = array<i32>} : memref<8192xf32, #tpu.memory_space<vmem>>, vector<16xf32>,
        %and3A_356 = arith.constant 2048 : i32
        %and3A_357 = arith.andi %mul3A_350, %and3A_356 : i32
        %eq3A = arith.constant 0 : i32
        %eq3A_358 = arith.cmpi eq, %and3A_357, %eq3A : i32
        %min3A = arith.minimumf %get3A_353, %get3A_355 : vector<16xf32>
        %max3A = arith.maximumf %get3A_353, %get3A_355 : vector<16xf32>
        %select_n3A = arith.select %eq3A_358, %min3A, %max3A : vector<16xf32>
        %swap3A = arith.index_cast %mul3A_350 : i32 to index
        %swap3A_359 = tpu.vector_load %arg4[%swap3A] {strides = array<i32>} : memref<8192xf32, #tpu.memory_space<vmem>>, vector<16xf32>,
        tpu.vector_store %arg4[%swap3A], %select_n3A {strides = array<i32>} : memref<8192xf32, #tpu.memory_space<vmem>>, vector<16xf32>,
        %select_n3A_360 = arith.select %eq3A_358, %max3A, %min3A : vector<16xf32>
        %swap3A_361 = arith.index_cast %add3A_352 : i32 to index
        %swap3A_362 = tpu.vector_load %arg4[%swap3A_361] {strides = array<i32>} : memref<8192xf32, #tpu.memory_space<vmem>>, vector<16xf32>,
        tpu.vector_store %arg4[%swap3A_361], %select_n3A_360 {strides = array<i32>} : memref<8192xf32, #tpu.memory_space<vmem>>, vector<16xf32>,
      }
      %scan3A_205 = arith.constant 256 : i32
      %scan3A_206 = arith.constant 0 : i32
      %scan3A_207 = arith.constant 0 : i32
      %scan3A_208 = arith.constant 256 : i32
      %scan3A_209 = arith.addi %scan3A_207, %scan3A_208 : i32
      %scan3A_210 = arith.constant 1 : i32
      scf.for %scan3A_344 = %scan3A_207 to %scan3A_209 step %scan3A_210  : i32 {
        %and3A = arith.constant 1 : i32
        %and3A_345 = arith.andi %scan3A_344, %and3A : i32
        %shift_right_arithmetic3A = arith.constant 1 : i32
        %shift_right_arithmetic3A_346 = arith.shrsi %scan3A_344, %shift_right_arithmetic3A : i32
        %shift_left3A = arith.constant 2 : i32
        %shift_left3A_347 = arith.shli %shift_right_arithmetic3A_346, %shift_left3A : i32
        %add3A_348 = arith.addi %and3A_345, %shift_left3A_347 : i32
        %mul3A_349 = arith.constant 16 : i32
        %mul3A_350 = arith.muli %add3A_348, %mul3A_349 : i32
        %add3A_351 = arith.constant 32 : i32
        %add3A_352 = arith.addi %mul3A_350, %add3A_351 : i32
        %get3A = arith.index_cast %mul3A_350 : i32 to index
        %get3A_353 = tpu.vector_load %arg4[%get3A] {strides = array<i32>} : memref<8192xf32, #tpu.memory_space<vmem>>, vector<16xf32>,
        %get3A_354 = arith.index_cast %add3A_352 : i32 to index
        %get3A_355 = tpu.vector_load %arg4[%get3A_354] {strides = array<i32>} : memref<8192xf32, #tpu.memory_space<vmem>>, vector<16xf32>,
        %and3A_356 = arith.constant 2048 : i32
        %and3A_357 = arith.andi %mul3A_350, %and3A_356 : i32
        %eq3A = arith.constant 0 : i32
        %eq3A_358 = arith.cmpi eq, %and3A_357, %eq3A : i32
        %min3A = arith.minimumf %get3A_353, %get3A_355 : vector<16xf32>
        %max3A = arith.maximumf %get3A_353, %get3A_355 : vector<16xf32>
        %select_n3A = arith.select %eq3A_358, %min3A, %max3A : vector<16xf32>
        %swap3A = arith.index_cast %mul3A_350 : i32 to index
        %swap3A_359 = tpu.vector_load %arg4[%swap3A] {strides = array<i32>} : memref<8192xf32, #tpu.memory_space<vmem>>, vector<16xf32>,
        tpu.vector_store %arg4[%swap3A], %select_n3A {strides = array<i32>} : memref<8192xf32, #tpu.memory_space<vmem>>, vector<16xf32>,
        %select_n3A_360 = arith.select %eq3A_358, %max3A, %min3A : vector<16xf32>
        %swap3A_361 = arith.index_cast %add3A_352 : i32 to index
        %swap3A_362 = tpu.vector_load %arg4[%swap3A_361] {strides = array<i32>} : memref<8192xf32, #tpu.memory_space<vmem>>, vector<16xf32>,
        tpu.vector_store %arg4[%swap3A_361], %select_n3A_360 {strides = array<i32>} : memref<8192xf32, #tpu.memory_space<vmem>>, vector<16xf32>,
      }
      %scan3A_211 = arith.constant 256 : i32
      %scan3A_212 = arith.constant 0 : i32
      %scan3A_213 = arith.constant 0 : i32
      %scan3A_214 = arith.constant 256 : i32
      %scan3A_215 = arith.addi %scan3A_213, %scan3A_214 : i32
      %scan3A_216 = arith.constant 1 : i32
      scf.for %scan3A_344 = %scan3A_213 to %scan3A_215 step %scan3A_216  : i32 {
        %and3A = arith.constant 0 : i32
        %and3A_345 = arith.andi %scan3A_344, %and3A : i32
        %shift_right_arithmetic3A = arith.constant 0 : i32
        %shift_right_arithmetic3A_346 = arith.shrsi %scan3A_344, %shift_right_arithmetic3A : i32
        %shift_left3A = arith.constant 1 : i32
        %shift_left3A_347 = arith.shli %shift_right_arithmetic3A_346, %shift_left3A : i32
        %add3A_348 = arith.addi %and3A_345, %shift_left3A_347 : i32
        %mul3A_349 = arith.constant 16 : i32
        %mul3A_350 = arith.muli %add3A_348, %mul3A_349 : i32
        %add3A_351 = arith.constant 16 : i32
        %add3A_352 = arith.addi %mul3A_350, %add3A_351 : i32
        %get3A = arith.index_cast %mul3A_350 : i32 to index
        %get3A_353 = tpu.vector_load %arg4[%get3A] {strides = array<i32>} : memref<8192xf32, #tpu.memory_space<vmem>>, vector<16xf32>,
        %get3A_354 = arith.index_cast %add3A_352 : i32 to index
        %get3A_355 = tpu.vector_load %arg4[%get3A_354] {strides = array<i32>} : memref<8192xf32, #tpu.memory_space<vmem>>, vector<16xf32>,
        %and3A_356 = arith.constant 2048 : i32
        %and3A_357 = arith.andi %mul3A_350, %and3A_356 : i32
        %eq3A = arith.constant 0 : i32
        %eq3A_358 = arith.cmpi eq, %and3A_357, %eq3A : i32
        %min3A = arith.minimumf %get3A_353, %get3A_355 : vector<16xf32>
        %max3A = arith.maximumf %get3A_353, %get3A_355 : vector<16xf32>
        %select_n3A = arith.select %eq3A_358, %min3A, %max3A : vector<16xf32>
        %swap3A = arith.index_cast %mul3A_350 : i32 to index
        %swap3A_359 = tpu.vector_load %arg4[%swap3A] {strides = array<i32>} : memref<8192xf32, #tpu.memory_space<vmem>>, vector<16xf32>,
        tpu.vector_store %arg4[%swap3A], %select_n3A {strides = array<i32>} : memref<8192xf32, #tpu.memory_space<vmem>>, vector<16xf32>,
        %select_n3A_360 = arith.select %eq3A_358, %max3A, %min3A : vector<16xf32>
        %swap3A_361 = arith.index_cast %add3A_352 : i32 to index
        %swap3A_362 = tpu.vector_load %arg4[%swap3A_361] {strides = array<i32>} : memref<8192xf32, #tpu.memory_space<vmem>>, vector<16xf32>,
        tpu.vector_store %arg4[%swap3A_361], %select_n3A_360 {strides = array<i32>} : memref<8192xf32, #tpu.memory_space<vmem>>, vector<16xf32>,
      }
      %scan3A_217 = arith.constant 256 : i32
      %scan3A_218 = arith.constant 0 : i32
      %scan3A_219 = arith.constant 0 : i32
      %scan3A_220 = arith.constant 512 : i32
      %scan3A_221 = arith.addi %scan3A_219, %scan3A_220 : i32
      %scan3A_222 = arith.constant 1 : i32
      scf.for %scan3A_344 = %scan3A_219 to %scan3A_221 step %scan3A_222  : i32 {
        %mul3A_345 = arith.constant 16 : i32
        %mul3A_346 = arith.muli %scan3A_344, %mul3A_345 : i32
        %and3A = arith.constant 2048 : i32
        %and3A_347 = arith.andi %mul3A_346, %and3A : i32
        %eq3A = arith.constant 0 : i32
        %eq3A_348 = arith.cmpi eq, %and3A_347, %eq3A : i32
        %jit3A = arith.constant 1.000000e+00 : f32
        %jit3A_349 = arith.constant -1.000000e+00 : f32
        %select_n3A = arith.select %eq3A_348, %jit3A, %jit3A_349 : f32
        %mul3A_350 = arith.constant 16 : i32
        %mul3A_351 = arith.muli %scan3A_344, %mul3A_350 : i32
        %get3A = arith.index_cast %mul3A_351 : i32 to index
        %get3A_352 = tpu.vector_load %arg4[%get3A] {strides = array<i32>} : memref<8192xf32, #tpu.memory_space<vmem>>, vector<16xf32>,
        %mul3A_353 = vector.broadcast %select_n3A : f32 to vector<16xf32>
        %mul3A_354 = arith.mulf %get3A_352, %mul3A_353 : vector<16xf32>
        %sort3A = arith.constant dense<true> : vector<16xi1>
        %sort3A_355, %sort3A_356, %sort3A_357 = tpu.sort %mul3A_354, %mul3A_354 masked %sort3A : (vector<16xf32>, vector<16xf32>, vector<16xi1>) -> (vector<16xi1>, vector<16xf32>, vector<16xf32>)
        %mul3A_358 = vector.broadcast %select_n3A : f32 to vector<16xf32>
        %mul3A_359 = arith.mulf %sort3A_356, %mul3A_358 : vector<16xf32>
        %mul3A_360 = arith.constant 16 : i32
        %mul3A_361 = arith.muli %scan3A_344, %mul3A_360 : i32
        %swap3A = arith.index_cast %mul3A_361 : i32 to index
        %swap3A_362 = tpu.vector_load %arg4[%swap3A] {strides = array<i32>} : memref<8192xf32, #tpu.memory_space<vmem>>, vector<16xf32>,
        tpu.vector_store %arg4[%swap3A], %mul3A_359 {strides = array<i32>} : memref<8192xf32, #tpu.memory_space<vmem>>, vector<16xf32>,
      }
      %scan3A_223 = arith.constant 512 : i32
      %scan3A_224 = arith.constant 0 : i32
      %scan3A_225 = arith.constant 0 : i32
      %scan3A_226 = arith.constant 256 : i32
      %scan3A_227 = arith.addi %scan3A_225, %scan3A_226 : i32
      %scan3A_228 = arith.constant 1 : i32
      scf.for %scan3A_344 = %scan3A_225 to %scan3A_227 step %scan3A_228  : i32 {
        %and3A = arith.constant 127 : i32
        %and3A_345 = arith.andi %scan3A_344, %and3A : i32
        %shift_right_arithmetic3A = arith.constant 7 : i32
        %shift_right_arithmetic3A_346 = arith.shrsi %scan3A_344, %shift_right_arithmetic3A : i32
        %shift_left3A = arith.constant 8 : i32
        %shift_left3A_347 = arith.shli %shift_right_arithmetic3A_346, %shift_left3A : i32
        %add3A_348 = arith.addi %and3A_345, %shift_left3A_347 : i32
        %mul3A_349 = arith.constant 16 : i32
        %mul3A_350 = arith.muli %add3A_348, %mul3A_349 : i32
        %add3A_351 = arith.constant 2048 : i32
        %add3A_352 = arith.addi %mul3A_350, %add3A_351 : i32
        %get3A = arith.index_cast %mul3A_350 : i32 to index
        %get3A_353 = tpu.vector_load %arg4[%get3A] {strides = array<i32>} : memref<8192xf32, #tpu.memory_space<vmem>>, vector<16xf32>,
        %get3A_354 = arith.index_cast %add3A_352 : i32 to index
        %get3A_355 = tpu.vector_load %arg4[%get3A_354] {strides = array<i32>} : memref<8192xf32, #tpu.memory_space<vmem>>, vector<16xf32>,
        %and3A_356 = arith.constant 4096 : i32
        %and3A_357 = arith.andi %mul3A_350, %and3A_356 : i32
        %eq3A = arith.constant 0 : i32
        %eq3A_358 = arith.cmpi eq, %and3A_357, %eq3A : i32
        %min3A = arith.minimumf %get3A_353, %get3A_355 : vector<16xf32>
        %max3A = arith.maximumf %get3A_353, %get3A_355 : vector<16xf32>
        %select_n3A = arith.select %eq3A_358, %min3A, %max3A : vector<16xf32>
        %swap3A = arith.index_cast %mul3A_350 : i32 to index
        %swap3A_359 = tpu.vector_load %arg4[%swap3A] {strides = array<i32>} : memref<8192xf32, #tpu.memory_space<vmem>>, vector<16xf32>,
        tpu.vector_store %arg4[%swap3A], %select_n3A {strides = array<i32>} : memref<8192xf32, #tpu.memory_space<vmem>>, vector<16xf32>,
        %select_n3A_360 = arith.select %eq3A_358, %max3A, %min3A : vector<16xf32>
        %swap3A_361 = arith.index_cast %add3A_352 : i32 to index
        %swap3A_362 = tpu.vector_load %arg4[%swap3A_361] {strides = array<i32>} : memref<8192xf32, #tpu.memory_space<vmem>>, vector<16xf32>,
        tpu.vector_store %arg4[%swap3A_361], %select_n3A_360 {strides = array<i32>} : memref<8192xf32, #tpu.memory_space<vmem>>, vector<16xf32>,
      }
      %scan3A_229 = arith.constant 256 : i32
      %scan3A_230 = arith.constant 0 : i32
      %scan3A_231 = arith.constant 0 : i32
      %scan3A_232 = arith.constant 256 : i32
      %scan3A_233 = arith.addi %scan3A_231, %scan3A_232 : i32
      %scan3A_234 = arith.constant 1 : i32
      scf.for %scan3A_344 = %scan3A_231 to %scan3A_233 step %scan3A_234  : i32 {
        %and3A = arith.constant 63 : i32
        %and3A_345 = arith.andi %scan3A_344, %and3A : i32
        %shift_right_arithmetic3A = arith.constant 6 : i32
        %shift_right_arithmetic3A_346 = arith.shrsi %scan3A_344, %shift_right_arithmetic3A : i32
        %shift_left3A = arith.constant 7 : i32
        %shift_left3A_347 = arith.shli %shift_right_arithmetic3A_346, %shift_left3A : i32
        %add3A_348 = arith.addi %and3A_345, %shift_left3A_347 : i32
        %mul3A_349 = arith.constant 16 : i32
        %mul3A_350 = arith.muli %add3A_348, %mul3A_349 : i32
        %add3A_351 = arith.constant 1024 : i32
        %add3A_352 = arith.addi %mul3A_350, %add3A_351 : i32
        %get3A = arith.index_cast %mul3A_350 : i32 to index
        %get3A_353 = tpu.vector_load %arg4[%get3A] {strides = array<i32>} : memref<8192xf32, #tpu.memory_space<vmem>>, vector<16xf32>,
        %get3A_354 = arith.index_cast %add3A_352 : i32 to index
        %get3A_355 = tpu.vector_load %arg4[%get3A_354] {strides = array<i32>} : memref<8192xf32, #tpu.memory_space<vmem>>, vector<16xf32>,
        %and3A_356 = arith.constant 4096 : i32
        %and3A_357 = arith.andi %mul3A_350, %and3A_356 : i32
        %eq3A = arith.constant 0 : i32
        %eq3A_358 = arith.cmpi eq, %and3A_357, %eq3A : i32
        %min3A = arith.minimumf %get3A_353, %get3A_355 : vector<16xf32>
        %max3A = arith.maximumf %get3A_353, %get3A_355 : vector<16xf32>
        %select_n3A = arith.select %eq3A_358, %min3A, %max3A : vector<16xf32>
        %swap3A = arith.index_cast %mul3A_350 : i32 to index
        %swap3A_359 = tpu.vector_load %arg4[%swap3A] {strides = array<i32>} : memref<8192xf32, #tpu.memory_space<vmem>>, vector<16xf32>,
        tpu.vector_store %arg4[%swap3A], %select_n3A {strides = array<i32>} : memref<8192xf32, #tpu.memory_space<vmem>>, vector<16xf32>,
        %select_n3A_360 = arith.select %eq3A_358, %max3A, %min3A : vector<16xf32>
        %swap3A_361 = arith.index_cast %add3A_352 : i32 to index
        %swap3A_362 = tpu.vector_load %arg4[%swap3A_361] {strides = array<i32>} : memref<8192xf32, #tpu.memory_space<vmem>>, vector<16xf32>,
        tpu.vector_store %arg4[%swap3A_361], %select_n3A_360 {strides = array<i32>} : memref<8192xf32, #tpu.memory_space<vmem>>, vector<16xf32>,
      }
      %scan3A_235 = arith.constant 256 : i32
      %scan3A_236 = arith.constant 0 : i32
      %scan3A_237 = arith.constant 0 : i32
      %scan3A_238 = arith.constant 256 : i32
      %scan3A_239 = arith.addi %scan3A_237, %scan3A_238 : i32
      %scan3A_240 = arith.constant 1 : i32
      scf.for %scan3A_344 = %scan3A_237 to %scan3A_239 step %scan3A_240  : i32 {
        %and3A = arith.constant 31 : i32
        %and3A_345 = arith.andi %scan3A_344, %and3A : i32
        %shift_right_arithmetic3A = arith.constant 5 : i32
        %shift_right_arithmetic3A_346 = arith.shrsi %scan3A_344, %shift_right_arithmetic3A : i32
        %shift_left3A = arith.constant 6 : i32
        %shift_left3A_347 = arith.shli %shift_right_arithmetic3A_346, %shift_left3A : i32
        %add3A_348 = arith.addi %and3A_345, %shift_left3A_347 : i32
        %mul3A_349 = arith.constant 16 : i32
        %mul3A_350 = arith.muli %add3A_348, %mul3A_349 : i32
        %add3A_351 = arith.constant 512 : i32
        %add3A_352 = arith.addi %mul3A_350, %add3A_351 : i32
        %get3A = arith.index_cast %mul3A_350 : i32 to index
        %get3A_353 = tpu.vector_load %arg4[%get3A] {strides = array<i32>} : memref<8192xf32, #tpu.memory_space<vmem>>, vector<16xf32>,
        %get3A_354 = arith.index_cast %add3A_352 : i32 to index
        %get3A_355 = tpu.vector_load %arg4[%get3A_354] {strides = array<i32>} : memref<8192xf32, #tpu.memory_space<vmem>>, vector<16xf32>,
        %and3A_356 = arith.constant 4096 : i32
        %and3A_357 = arith.andi %mul3A_350, %and3A_356 : i32
        %eq3A = arith.constant 0 : i32
        %eq3A_358 = arith.cmpi eq, %and3A_357, %eq3A : i32
        %min3A = arith.minimumf %get3A_353, %get3A_355 : vector<16xf32>
        %max3A = arith.maximumf %get3A_353, %get3A_355 : vector<16xf32>
        %select_n3A = arith.select %eq3A_358, %min3A, %max3A : vector<16xf32>
        %swap3A = arith.index_cast %mul3A_350 : i32 to index
        %swap3A_359 = tpu.vector_load %arg4[%swap3A] {strides = array<i32>} : memref<8192xf32, #tpu.memory_space<vmem>>, vector<16xf32>,
        tpu.vector_store %arg4[%swap3A], %select_n3A {strides = array<i32>} : memref<8192xf32, #tpu.memory_space<vmem>>, vector<16xf32>,
        %select_n3A_360 = arith.select %eq3A_358, %max3A, %min3A : vector<16xf32>
        %swap3A_361 = arith.index_cast %add3A_352 : i32 to index
        %swap3A_362 = tpu.vector_load %arg4[%swap3A_361] {strides = array<i32>} : memref<8192xf32, #tpu.memory_space<vmem>>, vector<16xf32>,
        tpu.vector_store %arg4[%swap3A_361], %select_n3A_360 {strides = array<i32>} : memref<8192xf32, #tpu.memory_space<vmem>>, vector<16xf32>,
      }
      %scan3A_241 = arith.constant 256 : i32
      %scan3A_242 = arith.constant 0 : i32
      %scan3A_243 = arith.constant 0 : i32
      %scan3A_244 = arith.constant 256 : i32
      %scan3A_245 = arith.addi %scan3A_243, %scan3A_244 : i32
      %scan3A_246 = arith.constant 1 : i32
      scf.for %scan3A_344 = %scan3A_243 to %scan3A_245 step %scan3A_246  : i32 {
        %and3A = arith.constant 15 : i32
        %and3A_345 = arith.andi %scan3A_344, %and3A : i32
        %shift_right_arithmetic3A = arith.constant 4 : i32
        %shift_right_arithmetic3A_346 = arith.shrsi %scan3A_344, %shift_right_arithmetic3A : i32
        %shift_left3A = arith.constant 5 : i32
        %shift_left3A_347 = arith.shli %shift_right_arithmetic3A_346, %shift_left3A : i32
        %add3A_348 = arith.addi %and3A_345, %shift_left3A_347 : i32
        %mul3A_349 = arith.constant 16 : i32
        %mul3A_350 = arith.muli %add3A_348, %mul3A_349 : i32
        %add3A_351 = arith.constant 256 : i32
        %add3A_352 = arith.addi %mul3A_350, %add3A_351 : i32
        %get3A = arith.index_cast %mul3A_350 : i32 to index
        %get3A_353 = tpu.vector_load %arg4[%get3A] {strides = array<i32>} : memref<8192xf32, #tpu.memory_space<vmem>>, vector<16xf32>,
        %get3A_354 = arith.index_cast %add3A_352 : i32 to index
        %get3A_355 = tpu.vector_load %arg4[%get3A_354] {strides = array<i32>} : memref<8192xf32, #tpu.memory_space<vmem>>, vector<16xf32>,
        %and3A_356 = arith.constant 4096 : i32
        %and3A_357 = arith.andi %mul3A_350, %and3A_356 : i32
        %eq3A = arith.constant 0 : i32
        %eq3A_358 = arith.cmpi eq, %and3A_357, %eq3A : i32
        %min3A = arith.minimumf %get3A_353, %get3A_355 : vector<16xf32>
        %max3A = arith.maximumf %get3A_353, %get3A_355 : vector<16xf32>
        %select_n3A = arith.select %eq3A_358, %min3A, %max3A : vector<16xf32>
        %swap3A = arith.index_cast %mul3A_350 : i32 to index
        %swap3A_359 = tpu.vector_load %arg4[%swap3A] {strides = array<i32>} : memref<8192xf32, #tpu.memory_space<vmem>>, vector<16xf32>,
        tpu.vector_store %arg4[%swap3A], %select_n3A {strides = array<i32>} : memref<8192xf32, #tpu.memory_space<vmem>>, vector<16xf32>,
        %select_n3A_360 = arith.select %eq3A_358, %max3A, %min3A : vector<16xf32>
        %swap3A_361 = arith.index_cast %add3A_352 : i32 to index
        %swap3A_362 = tpu.vector_load %arg4[%swap3A_361] {strides = array<i32>} : memref<8192xf32, #tpu.memory_space<vmem>>, vector<16xf32>,
        tpu.vector_store %arg4[%swap3A_361], %select_n3A_360 {strides = array<i32>} : memref<8192xf32, #tpu.memory_space<vmem>>, vector<16xf32>,
      }
      %scan3A_247 = arith.constant 256 : i32
      %scan3A_248 = arith.constant 0 : i32
      %scan3A_249 = arith.constant 0 : i32
      %scan3A_250 = arith.constant 256 : i32
      %scan3A_251 = arith.addi %scan3A_249, %scan3A_250 : i32
      %scan3A_252 = arith.constant 1 : i32
      scf.for %scan3A_344 = %scan3A_249 to %scan3A_251 step %scan3A_252  : i32 {
        %and3A = arith.constant 7 : i32
        %and3A_345 = arith.andi %scan3A_344, %and3A : i32
        %shift_right_arithmetic3A = arith.constant 3 : i32
        %shift_right_arithmetic3A_346 = arith.shrsi %scan3A_344, %shift_right_arithmetic3A : i32
        %shift_left3A = arith.constant 4 : i32
        %shift_left3A_347 = arith.shli %shift_right_arithmetic3A_346, %shift_left3A : i32
        %add3A_348 = arith.addi %and3A_345, %shift_left3A_347 : i32
        %mul3A_349 = arith.constant 16 : i32
        %mul3A_350 = arith.muli %add3A_348, %mul3A_349 : i32
        %add3A_351 = arith.constant 128 : i32
        %add3A_352 = arith.addi %mul3A_350, %add3A_351 : i32
        %get3A = arith.index_cast %mul3A_350 : i32 to index
        %get3A_353 = tpu.vector_load %arg4[%get3A] {strides = array<i32>} : memref<8192xf32, #tpu.memory_space<vmem>>, vector<16xf32>,
        %get3A_354 = arith.index_cast %add3A_352 : i32 to index
        %get3A_355 = tpu.vector_load %arg4[%get3A_354] {strides = array<i32>} : memref<8192xf32, #tpu.memory_space<vmem>>, vector<16xf32>,
        %and3A_356 = arith.constant 4096 : i32
        %and3A_357 = arith.andi %mul3A_350, %and3A_356 : i32
        %eq3A = arith.constant 0 : i32
        %eq3A_358 = arith.cmpi eq, %and3A_357, %eq3A : i32
        %min3A = arith.minimumf %get3A_353, %get3A_355 : vector<16xf32>
        %max3A = arith.maximumf %get3A_353, %get3A_355 : vector<16xf32>
        %select_n3A = arith.select %eq3A_358, %min3A, %max3A : vector<16xf32>
        %swap3A = arith.index_cast %mul3A_350 : i32 to index
        %swap3A_359 = tpu.vector_load %arg4[%swap3A] {strides = array<i32>} : memref<8192xf32, #tpu.memory_space<vmem>>, vector<16xf32>,
        tpu.vector_store %arg4[%swap3A], %select_n3A {strides = array<i32>} : memref<8192xf32, #tpu.memory_space<vmem>>, vector<16xf32>,
        %select_n3A_360 = arith.select %eq3A_358, %max3A, %min3A : vector<16xf32>
        %swap3A_361 = arith.index_cast %add3A_352 : i32 to index
        %swap3A_362 = tpu.vector_load %arg4[%swap3A_361] {strides = array<i32>} : memref<8192xf32, #tpu.memory_space<vmem>>, vector<16xf32>,
        tpu.vector_store %arg4[%swap3A_361], %select_n3A_360 {strides = array<i32>} : memref<8192xf32, #tpu.memory_space<vmem>>, vector<16xf32>,
      }
      %scan3A_253 = arith.constant 256 : i32
      %scan3A_254 = arith.constant 0 : i32
      %scan3A_255 = arith.constant 0 : i32
      %scan3A_256 = arith.constant 256 : i32
      %scan3A_257 = arith.addi %scan3A_255, %scan3A_256 : i32
      %scan3A_258 = arith.constant 1 : i32
      scf.for %scan3A_344 = %scan3A_255 to %scan3A_257 step %scan3A_258  : i32 {
        %and3A = arith.constant 3 : i32
        %and3A_345 = arith.andi %scan3A_344, %and3A : i32
        %shift_right_arithmetic3A = arith.constant 2 : i32
        %shift_right_arithmetic3A_346 = arith.shrsi %scan3A_344, %shift_right_arithmetic3A : i32
        %shift_left3A = arith.constant 3 : i32
        %shift_left3A_347 = arith.shli %shift_right_arithmetic3A_346, %shift_left3A : i32
        %add3A_348 = arith.addi %and3A_345, %shift_left3A_347 : i32
        %mul3A_349 = arith.constant 16 : i32
        %mul3A_350 = arith.muli %add3A_348, %mul3A_349 : i32
        %add3A_351 = arith.constant 64 : i32
        %add3A_352 = arith.addi %mul3A_350, %add3A_351 : i32
        %get3A = arith.index_cast %mul3A_350 : i32 to index
        %get3A_353 = tpu.vector_load %arg4[%get3A] {strides = array<i32>} : memref<8192xf32, #tpu.memory_space<vmem>>, vector<16xf32>,
        %get3A_354 = arith.index_cast %add3A_352 : i32 to index
        %get3A_355 = tpu.vector_load %arg4[%get3A_354] {strides = array<i32>} : memref<8192xf32, #tpu.memory_space<vmem>>, vector<16xf32>,
        %and3A_356 = arith.constant 4096 : i32
        %and3A_357 = arith.andi %mul3A_350, %and3A_356 : i32
        %eq3A = arith.constant 0 : i32
        %eq3A_358 = arith.cmpi eq, %and3A_357, %eq3A : i32
        %min3A = arith.minimumf %get3A_353, %get3A_355 : vector<16xf32>
        %max3A = arith.maximumf %get3A_353, %get3A_355 : vector<16xf32>
        %select_n3A = arith.select %eq3A_358, %min3A, %max3A : vector<16xf32>
        %swap3A = arith.index_cast %mul3A_350 : i32 to index
        %swap3A_359 = tpu.vector_load %arg4[%swap3A] {strides = array<i32>} : memref<8192xf32, #tpu.memory_space<vmem>>, vector<16xf32>,
        tpu.vector_store %arg4[%swap3A], %select_n3A {strides = array<i32>} : memref<8192xf32, #tpu.memory_space<vmem>>, vector<16xf32>,
        %select_n3A_360 = arith.select %eq3A_358, %max3A, %min3A : vector<16xf32>
        %swap3A_361 = arith.index_cast %add3A_352 : i32 to index
        %swap3A_362 = tpu.vector_load %arg4[%swap3A_361] {strides = array<i32>} : memref<8192xf32, #tpu.memory_space<vmem>>, vector<16xf32>,
        tpu.vector_store %arg4[%swap3A_361], %select_n3A_360 {strides = array<i32>} : memref<8192xf32, #tpu.memory_space<vmem>>, vector<16xf32>,
      }
      %scan3A_259 = arith.constant 256 : i32
      %scan3A_260 = arith.constant 0 : i32
      %scan3A_261 = arith.constant 0 : i32
      %scan3A_262 = arith.constant 256 : i32
      %scan3A_263 = arith.addi %scan3A_261, %scan3A_262 : i32
      %scan3A_264 = arith.constant 1 : i32
      scf.for %scan3A_344 = %scan3A_261 to %scan3A_263 step %scan3A_264  : i32 {
        %and3A = arith.constant 1 : i32
        %and3A_345 = arith.andi %scan3A_344, %and3A : i32
        %shift_right_arithmetic3A = arith.constant 1 : i32
        %shift_right_arithmetic3A_346 = arith.shrsi %scan3A_344, %shift_right_arithmetic3A : i32
        %shift_left3A = arith.constant 2 : i32
        %shift_left3A_347 = arith.shli %shift_right_arithmetic3A_346, %shift_left3A : i32
        %add3A_348 = arith.addi %and3A_345, %shift_left3A_347 : i32
        %mul3A_349 = arith.constant 16 : i32
        %mul3A_350 = arith.muli %add3A_348, %mul3A_349 : i32
        %add3A_351 = arith.constant 32 : i32
        %add3A_352 = arith.addi %mul3A_350, %add3A_351 : i32
        %get3A = arith.index_cast %mul3A_350 : i32 to index
        %get3A_353 = tpu.vector_load %arg4[%get3A] {strides = array<i32>} : memref<8192xf32, #tpu.memory_space<vmem>>, vector<16xf32>,
        %get3A_354 = arith.index_cast %add3A_352 : i32 to index
        %get3A_355 = tpu.vector_load %arg4[%get3A_354] {strides = array<i32>} : memref<8192xf32, #tpu.memory_space<vmem>>, vector<16xf32>,
        %and3A_356 = arith.constant 4096 : i32
        %and3A_357 = arith.andi %mul3A_350, %and3A_356 : i32
        %eq3A = arith.constant 0 : i32
        %eq3A_358 = arith.cmpi eq, %and3A_357, %eq3A : i32
        %min3A = arith.minimumf %get3A_353, %get3A_355 : vector<16xf32>
        %max3A = arith.maximumf %get3A_353, %get3A_355 : vector<16xf32>
        %select_n3A = arith.select %eq3A_358, %min3A, %max3A : vector<16xf32>
        %swap3A = arith.index_cast %mul3A_350 : i32 to index
        %swap3A_359 = tpu.vector_load %arg4[%swap3A] {strides = array<i32>} : memref<8192xf32, #tpu.memory_space<vmem>>, vector<16xf32>,
        tpu.vector_store %arg4[%swap3A], %select_n3A {strides = array<i32>} : memref<8192xf32, #tpu.memory_space<vmem>>, vector<16xf32>,
        %select_n3A_360 = arith.select %eq3A_358, %max3A, %min3A : vector<16xf32>
        %swap3A_361 = arith.index_cast %add3A_352 : i32 to index
        %swap3A_362 = tpu.vector_load %arg4[%swap3A_361] {strides = array<i32>} : memref<8192xf32, #tpu.memory_space<vmem>>, vector<16xf32>,
        tpu.vector_store %arg4[%swap3A_361], %select_n3A_360 {strides = array<i32>} : memref<8192xf32, #tpu.memory_space<vmem>>, vector<16xf32>,
      }
      %scan3A_265 = arith.constant 256 : i32
      %scan3A_266 = arith.constant 0 : i32
      %scan3A_267 = arith.constant 0 : i32
      %scan3A_268 = arith.constant 256 : i32
      %scan3A_269 = arith.addi %scan3A_267, %scan3A_268 : i32
      %scan3A_270 = arith.constant 1 : i32
      scf.for %scan3A_344 = %scan3A_267 to %scan3A_269 step %scan3A_270  : i32 {
        %and3A = arith.constant 0 : i32
        %and3A_345 = arith.andi %scan3A_344, %and3A : i32
        %shift_right_arithmetic3A = arith.constant 0 : i32
        %shift_right_arithmetic3A_346 = arith.shrsi %scan3A_344, %shift_right_arithmetic3A : i32
        %shift_left3A = arith.constant 1 : i32
        %shift_left3A_347 = arith.shli %shift_right_arithmetic3A_346, %shift_left3A : i32
        %add3A_348 = arith.addi %and3A_345, %shift_left3A_347 : i32
        %mul3A_349 = arith.constant 16 : i32
        %mul3A_350 = arith.muli %add3A_348, %mul3A_349 : i32
        %add3A_351 = arith.constant 16 : i32
        %add3A_352 = arith.addi %mul3A_350, %add3A_351 : i32
        %get3A = arith.index_cast %mul3A_350 : i32 to index
        %get3A_353 = tpu.vector_load %arg4[%get3A] {strides = array<i32>} : memref<8192xf32, #tpu.memory_space<vmem>>, vector<16xf32>,
        %get3A_354 = arith.index_cast %add3A_352 : i32 to index
        %get3A_355 = tpu.vector_load %arg4[%get3A_354] {strides = array<i32>} : memref<8192xf32, #tpu.memory_space<vmem>>, vector<16xf32>,
        %and3A_356 = arith.constant 4096 : i32
        %and3A_357 = arith.andi %mul3A_350, %and3A_356 : i32
        %eq3A = arith.constant 0 : i32
        %eq3A_358 = arith.cmpi eq, %and3A_357, %eq3A : i32
        %min3A = arith.minimumf %get3A_353, %get3A_355 : vector<16xf32>
        %max3A = arith.maximumf %get3A_353, %get3A_355 : vector<16xf32>
        %select_n3A = arith.select %eq3A_358, %min3A, %max3A : vector<16xf32>
        %swap3A = arith.index_cast %mul3A_350 : i32 to index
        %swap3A_359 = tpu.vector_load %arg4[%swap3A] {strides = array<i32>} : memref<8192xf32, #tpu.memory_space<vmem>>, vector<16xf32>,
        tpu.vector_store %arg4[%swap3A], %select_n3A {strides = array<i32>} : memref<8192xf32, #tpu.memory_space<vmem>>, vector<16xf32>,
        %select_n3A_360 = arith.select %eq3A_358, %max3A, %min3A : vector<16xf32>
        %swap3A_361 = arith.index_cast %add3A_352 : i32 to index
        %swap3A_362 = tpu.vector_load %arg4[%swap3A_361] {strides = array<i32>} : memref<8192xf32, #tpu.memory_space<vmem>>, vector<16xf32>,
        tpu.vector_store %arg4[%swap3A_361], %select_n3A_360 {strides = array<i32>} : memref<8192xf32, #tpu.memory_space<vmem>>, vector<16xf32>,
      }
      %scan3A_271 = arith.constant 256 : i32
      %scan3A_272 = arith.constant 0 : i32
      %scan3A_273 = arith.constant 0 : i32
      %scan3A_274 = arith.constant 512 : i32
      %scan3A_275 = arith.addi %scan3A_273, %scan3A_274 : i32
      %scan3A_276 = arith.constant 1 : i32
      scf.for %scan3A_344 = %scan3A_273 to %scan3A_275 step %scan3A_276  : i32 {
        %mul3A_345 = arith.constant 16 : i32
        %mul3A_346 = arith.muli %scan3A_344, %mul3A_345 : i32
        %and3A = arith.constant 4096 : i32
        %and3A_347 = arith.andi %mul3A_346, %and3A : i32
        %eq3A = arith.constant 0 : i32
        %eq3A_348 = arith.cmpi eq, %and3A_347, %eq3A : i32
        %jit3A = arith.constant 1.000000e+00 : f32
        %jit3A_349 = arith.constant -1.000000e+00 : f32
        %select_n3A = arith.select %eq3A_348, %jit3A, %jit3A_349 : f32
        %mul3A_350 = arith.constant 16 : i32
        %mul3A_351 = arith.muli %scan3A_344, %mul3A_350 : i32
        %get3A = arith.index_cast %mul3A_351 : i32 to index
        %get3A_352 = tpu.vector_load %arg4[%get3A] {strides = array<i32>} : memref<8192xf32, #tpu.memory_space<vmem>>, vector<16xf32>,
        %mul3A_353 = vector.broadcast %select_n3A : f32 to vector<16xf32>
        %mul3A_354 = arith.mulf %get3A_352, %mul3A_353 : vector<16xf32>
        %sort3A = arith.constant dense<true> : vector<16xi1>
        %sort3A_355, %sort3A_356, %sort3A_357 = tpu.sort %mul3A_354, %mul3A_354 masked %sort3A : (vector<16xf32>, vector<16xf32>, vector<16xi1>) -> (vector<16xi1>, vector<16xf32>, vector<16xf32>)
        %mul3A_358 = vector.broadcast %select_n3A : f32 to vector<16xf32>
        %mul3A_359 = arith.mulf %sort3A_356, %mul3A_358 : vector<16xf32>
        %mul3A_360 = arith.constant 16 : i32
        %mul3A_361 = arith.muli %scan3A_344, %mul3A_360 : i32
        %swap3A = arith.index_cast %mul3A_361 : i32 to index
        %swap3A_362 = tpu.vector_load %arg4[%swap3A] {strides = array<i32>} : memref<8192xf32, #tpu.memory_space<vmem>>, vector<16xf32>,
        tpu.vector_store %arg4[%swap3A], %mul3A_359 {strides = array<i32>} : memref<8192xf32, #tpu.memory_space<vmem>>, vector<16xf32>,
      }
      %scan3A_277 = arith.constant 512 : i32
      %scan3A_278 = arith.constant 0 : i32
      %scan3A_279 = arith.constant 0 : i32
      %scan3A_280 = arith.constant 256 : i32
      %scan3A_281 = arith.addi %scan3A_279, %scan3A_280 : i32
      %scan3A_282 = arith.constant 1 : i32
      scf.for %scan3A_344 = %scan3A_279 to %scan3A_281 step %scan3A_282  : i32 {
        %and3A = arith.constant 255 : i32
        %and3A_345 = arith.andi %scan3A_344, %and3A : i32
        %shift_right_arithmetic3A = arith.constant 8 : i32
        %shift_right_arithmetic3A_346 = arith.shrsi %scan3A_344, %shift_right_arithmetic3A : i32
        %shift_left3A = arith.constant 9 : i32
        %shift_left3A_347 = arith.shli %shift_right_arithmetic3A_346, %shift_left3A : i32
        %add3A_348 = arith.addi %and3A_345, %shift_left3A_347 : i32
        %mul3A_349 = arith.constant 16 : i32
        %mul3A_350 = arith.muli %add3A_348, %mul3A_349 : i32
        %add3A_351 = arith.constant 4096 : i32
        %add3A_352 = arith.addi %mul3A_350, %add3A_351 : i32
        %get3A = arith.index_cast %mul3A_350 : i32 to index
        %get3A_353 = tpu.vector_load %arg4[%get3A] {strides = array<i32>} : memref<8192xf32, #tpu.memory_space<vmem>>, vector<16xf32>,
        %get3A_354 = arith.index_cast %add3A_352 : i32 to index
        %get3A_355 = tpu.vector_load %arg4[%get3A_354] {strides = array<i32>} : memref<8192xf32, #tpu.memory_space<vmem>>, vector<16xf32>,
        %and3A_356 = arith.constant 8192 : i32
        %and3A_357 = arith.andi %mul3A_350, %and3A_356 : i32
        %eq3A = arith.constant 0 : i32
        %eq3A_358 = arith.cmpi eq, %and3A_357, %eq3A : i32
        %min3A = arith.minimumf %get3A_353, %get3A_355 : vector<16xf32>
        %max3A = arith.maximumf %get3A_353, %get3A_355 : vector<16xf32>
        %select_n3A = arith.select %eq3A_358, %min3A, %max3A : vector<16xf32>
        %swap3A = arith.index_cast %mul3A_350 : i32 to index
        %swap3A_359 = tpu.vector_load %arg4[%swap3A] {strides = array<i32>} : memref<8192xf32, #tpu.memory_space<vmem>>, vector<16xf32>,
        tpu.vector_store %arg4[%swap3A], %select_n3A {strides = array<i32>} : memref<8192xf32, #tpu.memory_space<vmem>>, vector<16xf32>,
        %select_n3A_360 = arith.select %eq3A_358, %max3A, %min3A : vector<16xf32>
        %swap3A_361 = arith.index_cast %add3A_352 : i32 to index
        %swap3A_362 = tpu.vector_load %arg4[%swap3A_361] {strides = array<i32>} : memref<8192xf32, #tpu.memory_space<vmem>>, vector<16xf32>,
        tpu.vector_store %arg4[%swap3A_361], %select_n3A_360 {strides = array<i32>} : memref<8192xf32, #tpu.memory_space<vmem>>, vector<16xf32>,
      }
      %scan3A_283 = arith.constant 256 : i32
      %scan3A_284 = arith.constant 0 : i32
      %scan3A_285 = arith.constant 0 : i32
      %scan3A_286 = arith.constant 256 : i32
      %scan3A_287 = arith.addi %scan3A_285, %scan3A_286 : i32
      %scan3A_288 = arith.constant 1 : i32
      scf.for %scan3A_344 = %scan3A_285 to %scan3A_287 step %scan3A_288  : i32 {
        %and3A = arith.constant 127 : i32
        %and3A_345 = arith.andi %scan3A_344, %and3A : i32
        %shift_right_arithmetic3A = arith.constant 7 : i32
        %shift_right_arithmetic3A_346 = arith.shrsi %scan3A_344, %shift_right_arithmetic3A : i32
        %shift_left3A = arith.constant 8 : i32
        %shift_left3A_347 = arith.shli %shift_right_arithmetic3A_346, %shift_left3A : i32
        %add3A_348 = arith.addi %and3A_345, %shift_left3A_347 : i32
        %mul3A_349 = arith.constant 16 : i32
        %mul3A_350 = arith.muli %add3A_348, %mul3A_349 : i32
        %add3A_351 = arith.constant 2048 : i32
        %add3A_352 = arith.addi %mul3A_350, %add3A_351 : i32
        %get3A = arith.index_cast %mul3A_350 : i32 to index
        %get3A_353 = tpu.vector_load %arg4[%get3A] {strides = array<i32>} : memref<8192xf32, #tpu.memory_space<vmem>>, vector<16xf32>,
        %get3A_354 = arith.index_cast %add3A_352 : i32 to index
        %get3A_355 = tpu.vector_load %arg4[%get3A_354] {strides = array<i32>} : memref<8192xf32, #tpu.memory_space<vmem>>, vector<16xf32>,
        %and3A_356 = arith.constant 8192 : i32
        %and3A_357 = arith.andi %mul3A_350, %and3A_356 : i32
        %eq3A = arith.constant 0 : i32
        %eq3A_358 = arith.cmpi eq, %and3A_357, %eq3A : i32
        %min3A = arith.minimumf %get3A_353, %get3A_355 : vector<16xf32>
        %max3A = arith.maximumf %get3A_353, %get3A_355 : vector<16xf32>
        %select_n3A = arith.select %eq3A_358, %min3A, %max3A : vector<16xf32>
        %swap3A = arith.index_cast %mul3A_350 : i32 to index
        %swap3A_359 = tpu.vector_load %arg4[%swap3A] {strides = array<i32>} : memref<8192xf32, #tpu.memory_space<vmem>>, vector<16xf32>,
        tpu.vector_store %arg4[%swap3A], %select_n3A {strides = array<i32>} : memref<8192xf32, #tpu.memory_space<vmem>>, vector<16xf32>,
        %select_n3A_360 = arith.select %eq3A_358, %max3A, %min3A : vector<16xf32>
        %swap3A_361 = arith.index_cast %add3A_352 : i32 to index
        %swap3A_362 = tpu.vector_load %arg4[%swap3A_361] {strides = array<i32>} : memref<8192xf32, #tpu.memory_space<vmem>>, vector<16xf32>,
        tpu.vector_store %arg4[%swap3A_361], %select_n3A_360 {strides = array<i32>} : memref<8192xf32, #tpu.memory_space<vmem>>, vector<16xf32>,
      }
      %scan3A_289 = arith.constant 256 : i32
      %scan3A_290 = arith.constant 0 : i32
      %scan3A_291 = arith.constant 0 : i32
      %scan3A_292 = arith.constant 256 : i32
      %scan3A_293 = arith.addi %scan3A_291, %scan3A_292 : i32
      %scan3A_294 = arith.constant 1 : i32
      scf.for %scan3A_344 = %scan3A_291 to %scan3A_293 step %scan3A_294  : i32 {
        %and3A = arith.constant 63 : i32
        %and3A_345 = arith.andi %scan3A_344, %and3A : i32
        %shift_right_arithmetic3A = arith.constant 6 : i32
        %shift_right_arithmetic3A_346 = arith.shrsi %scan3A_344, %shift_right_arithmetic3A : i32
        %shift_left3A = arith.constant 7 : i32
        %shift_left3A_347 = arith.shli %shift_right_arithmetic3A_346, %shift_left3A : i32
        %add3A_348 = arith.addi %and3A_345, %shift_left3A_347 : i32
        %mul3A_349 = arith.constant 16 : i32
        %mul3A_350 = arith.muli %add3A_348, %mul3A_349 : i32
        %add3A_351 = arith.constant 1024 : i32
        %add3A_352 = arith.addi %mul3A_350, %add3A_351 : i32
        %get3A = arith.index_cast %mul3A_350 : i32 to index
        %get3A_353 = tpu.vector_load %arg4[%get3A] {strides = array<i32>} : memref<8192xf32, #tpu.memory_space<vmem>>, vector<16xf32>,
        %get3A_354 = arith.index_cast %add3A_352 : i32 to index
        %get3A_355 = tpu.vector_load %arg4[%get3A_354] {strides = array<i32>} : memref<8192xf32, #tpu.memory_space<vmem>>, vector<16xf32>,
        %and3A_356 = arith.constant 8192 : i32
        %and3A_357 = arith.andi %mul3A_350, %and3A_356 : i32
        %eq3A = arith.constant 0 : i32
        %eq3A_358 = arith.cmpi eq, %and3A_357, %eq3A : i32
        %min3A = arith.minimumf %get3A_353, %get3A_355 : vector<16xf32>
        %max3A = arith.maximumf %get3A_353, %get3A_355 : vector<16xf32>
        %select_n3A = arith.select %eq3A_358, %min3A, %max3A : vector<16xf32>
        %swap3A = arith.index_cast %mul3A_350 : i32 to index
        %swap3A_359 = tpu.vector_load %arg4[%swap3A] {strides = array<i32>} : memref<8192xf32, #tpu.memory_space<vmem>>, vector<16xf32>,
        tpu.vector_store %arg4[%swap3A], %select_n3A {strides = array<i32>} : memref<8192xf32, #tpu.memory_space<vmem>>, vector<16xf32>,
        %select_n3A_360 = arith.select %eq3A_358, %max3A, %min3A : vector<16xf32>
        %swap3A_361 = arith.index_cast %add3A_352 : i32 to index
        %swap3A_362 = tpu.vector_load %arg4[%swap3A_361] {strides = array<i32>} : memref<8192xf32, #tpu.memory_space<vmem>>, vector<16xf32>,
        tpu.vector_store %arg4[%swap3A_361], %select_n3A_360 {strides = array<i32>} : memref<8192xf32, #tpu.memory_space<vmem>>, vector<16xf32>,
      }
      %scan3A_295 = arith.constant 256 : i32
      %scan3A_296 = arith.constant 0 : i32
      %scan3A_297 = arith.constant 0 : i32
      %scan3A_298 = arith.constant 256 : i32
      %scan3A_299 = arith.addi %scan3A_297, %scan3A_298 : i32
      %scan3A_300 = arith.constant 1 : i32
      scf.for %scan3A_344 = %scan3A_297 to %scan3A_299 step %scan3A_300  : i32 {
        %and3A = arith.constant 31 : i32
        %and3A_345 = arith.andi %scan3A_344, %and3A : i32
        %shift_right_arithmetic3A = arith.constant 5 : i32
        %shift_right_arithmetic3A_346 = arith.shrsi %scan3A_344, %shift_right_arithmetic3A : i32
        %shift_left3A = arith.constant 6 : i32
        %shift_left3A_347 = arith.shli %shift_right_arithmetic3A_346, %shift_left3A : i32
        %add3A_348 = arith.addi %and3A_345, %shift_left3A_347 : i32
        %mul3A_349 = arith.constant 16 : i32
        %mul3A_350 = arith.muli %add3A_348, %mul3A_349 : i32
        %add3A_351 = arith.constant 512 : i32
        %add3A_352 = arith.addi %mul3A_350, %add3A_351 : i32
        %get3A = arith.index_cast %mul3A_350 : i32 to index
        %get3A_353 = tpu.vector_load %arg4[%get3A] {strides = array<i32>} : memref<8192xf32, #tpu.memory_space<vmem>>, vector<16xf32>,
        %get3A_354 = arith.index_cast %add3A_352 : i32 to index
        %get3A_355 = tpu.vector_load %arg4[%get3A_354] {strides = array<i32>} : memref<8192xf32, #tpu.memory_space<vmem>>, vector<16xf32>,
        %and3A_356 = arith.constant 8192 : i32
        %and3A_357 = arith.andi %mul3A_350, %and3A_356 : i32
        %eq3A = arith.constant 0 : i32
        %eq3A_358 = arith.cmpi eq, %and3A_357, %eq3A : i32
        %min3A = arith.minimumf %get3A_353, %get3A_355 : vector<16xf32>
        %max3A = arith.maximumf %get3A_353, %get3A_355 : vector<16xf32>
        %select_n3A = arith.select %eq3A_358, %min3A, %max3A : vector<16xf32>
        %swap3A = arith.index_cast %mul3A_350 : i32 to index
        %swap3A_359 = tpu.vector_load %arg4[%swap3A] {strides = array<i32>} : memref<8192xf32, #tpu.memory_space<vmem>>, vector<16xf32>,
        tpu.vector_store %arg4[%swap3A], %select_n3A {strides = array<i32>} : memref<8192xf32, #tpu.memory_space<vmem>>, vector<16xf32>,
        %select_n3A_360 = arith.select %eq3A_358, %max3A, %min3A : vector<16xf32>
        %swap3A_361 = arith.index_cast %add3A_352 : i32 to index
        %swap3A_362 = tpu.vector_load %arg4[%swap3A_361] {strides = array<i32>} : memref<8192xf32, #tpu.memory_space<vmem>>, vector<16xf32>,
        tpu.vector_store %arg4[%swap3A_361], %select_n3A_360 {strides = array<i32>} : memref<8192xf32, #tpu.memory_space<vmem>>, vector<16xf32>,
      }
      %scan3A_301 = arith.constant 256 : i32
      %scan3A_302 = arith.constant 0 : i32
      %scan3A_303 = arith.constant 0 : i32
      %scan3A_304 = arith.constant 256 : i32
      %scan3A_305 = arith.addi %scan3A_303, %scan3A_304 : i32
      %scan3A_306 = arith.constant 1 : i32
      scf.for %scan3A_344 = %scan3A_303 to %scan3A_305 step %scan3A_306  : i32 {
        %and3A = arith.constant 15 : i32
        %and3A_345 = arith.andi %scan3A_344, %and3A : i32
        %shift_right_arithmetic3A = arith.constant 4 : i32
        %shift_right_arithmetic3A_346 = arith.shrsi %scan3A_344, %shift_right_arithmetic3A : i32
        %shift_left3A = arith.constant 5 : i32
        %shift_left3A_347 = arith.shli %shift_right_arithmetic3A_346, %shift_left3A : i32
        %add3A_348 = arith.addi %and3A_345, %shift_left3A_347 : i32
        %mul3A_349 = arith.constant 16 : i32
        %mul3A_350 = arith.muli %add3A_348, %mul3A_349 : i32
        %add3A_351 = arith.constant 256 : i32
        %add3A_352 = arith.addi %mul3A_350, %add3A_351 : i32
        %get3A = arith.index_cast %mul3A_350 : i32 to index
        %get3A_353 = tpu.vector_load %arg4[%get3A] {strides = array<i32>} : memref<8192xf32, #tpu.memory_space<vmem>>, vector<16xf32>,
        %get3A_354 = arith.index_cast %add3A_352 : i32 to index
        %get3A_355 = tpu.vector_load %arg4[%get3A_354] {strides = array<i32>} : memref<8192xf32, #tpu.memory_space<vmem>>, vector<16xf32>,
        %and3A_356 = arith.constant 8192 : i32
        %and3A_357 = arith.andi %mul3A_350, %and3A_356 : i32
        %eq3A = arith.constant 0 : i32
        %eq3A_358 = arith.cmpi eq, %and3A_357, %eq3A : i32
        %min3A = arith.minimumf %get3A_353, %get3A_355 : vector<16xf32>
        %max3A = arith.maximumf %get3A_353, %get3A_355 : vector<16xf32>
        %select_n3A = arith.select %eq3A_358, %min3A, %max3A : vector<16xf32>
        %swap3A = arith.index_cast %mul3A_350 : i32 to index
        %swap3A_359 = tpu.vector_load %arg4[%swap3A] {strides = array<i32>} : memref<8192xf32, #tpu.memory_space<vmem>>, vector<16xf32>,
        tpu.vector_store %arg4[%swap3A], %select_n3A {strides = array<i32>} : memref<8192xf32, #tpu.memory_space<vmem>>, vector<16xf32>,
        %select_n3A_360 = arith.select %eq3A_358, %max3A, %min3A : vector<16xf32>
        %swap3A_361 = arith.index_cast %add3A_352 : i32 to index
        %swap3A_362 = tpu.vector_load %arg4[%swap3A_361] {strides = array<i32>} : memref<8192xf32, #tpu.memory_space<vmem>>, vector<16xf32>,
        tpu.vector_store %arg4[%swap3A_361], %select_n3A_360 {strides = array<i32>} : memref<8192xf32, #tpu.memory_space<vmem>>, vector<16xf32>,
      }
      %scan3A_307 = arith.constant 256 : i32
      %scan3A_308 = arith.constant 0 : i32
      %scan3A_309 = arith.constant 0 : i32
      %scan3A_310 = arith.constant 256 : i32
      %scan3A_311 = arith.addi %scan3A_309, %scan3A_310 : i32
      %scan3A_312 = arith.constant 1 : i32
      scf.for %scan3A_344 = %scan3A_309 to %scan3A_311 step %scan3A_312  : i32 {
        %and3A = arith.constant 7 : i32
        %and3A_345 = arith.andi %scan3A_344, %and3A : i32
        %shift_right_arithmetic3A = arith.constant 3 : i32
        %shift_right_arithmetic3A_346 = arith.shrsi %scan3A_344, %shift_right_arithmetic3A : i32
        %shift_left3A = arith.constant 4 : i32
        %shift_left3A_347 = arith.shli %shift_right_arithmetic3A_346, %shift_left3A : i32
        %add3A_348 = arith.addi %and3A_345, %shift_left3A_347 : i32
        %mul3A_349 = arith.constant 16 : i32
        %mul3A_350 = arith.muli %add3A_348, %mul3A_349 : i32
        %add3A_351 = arith.constant 128 : i32
        %add3A_352 = arith.addi %mul3A_350, %add3A_351 : i32
        %get3A = arith.index_cast %mul3A_350 : i32 to index
        %get3A_353 = tpu.vector_load %arg4[%get3A] {strides = array<i32>} : memref<8192xf32, #tpu.memory_space<vmem>>, vector<16xf32>,
        %get3A_354 = arith.index_cast %add3A_352 : i32 to index
        %get3A_355 = tpu.vector_load %arg4[%get3A_354] {strides = array<i32>} : memref<8192xf32, #tpu.memory_space<vmem>>, vector<16xf32>,
        %and3A_356 = arith.constant 8192 : i32
        %and3A_357 = arith.andi %mul3A_350, %and3A_356 : i32
        %eq3A = arith.constant 0 : i32
        %eq3A_358 = arith.cmpi eq, %and3A_357, %eq3A : i32
        %min3A = arith.minimumf %get3A_353, %get3A_355 : vector<16xf32>
        %max3A = arith.maximumf %get3A_353, %get3A_355 : vector<16xf32>
        %select_n3A = arith.select %eq3A_358, %min3A, %max3A : vector<16xf32>
        %swap3A = arith.index_cast %mul3A_350 : i32 to index
        %swap3A_359 = tpu.vector_load %arg4[%swap3A] {strides = array<i32>} : memref<8192xf32, #tpu.memory_space<vmem>>, vector<16xf32>,
        tpu.vector_store %arg4[%swap3A], %select_n3A {strides = array<i32>} : memref<8192xf32, #tpu.memory_space<vmem>>, vector<16xf32>,
        %select_n3A_360 = arith.select %eq3A_358, %max3A, %min3A : vector<16xf32>
        %swap3A_361 = arith.index_cast %add3A_352 : i32 to index
        %swap3A_362 = tpu.vector_load %arg4[%swap3A_361] {strides = array<i32>} : memref<8192xf32, #tpu.memory_space<vmem>>, vector<16xf32>,
        tpu.vector_store %arg4[%swap3A_361], %select_n3A_360 {strides = array<i32>} : memref<8192xf32, #tpu.memory_space<vmem>>, vector<16xf32>,
      }
      %scan3A_313 = arith.constant 256 : i32
      %scan3A_314 = arith.constant 0 : i32
      %scan3A_315 = arith.constant 0 : i32
      %scan3A_316 = arith.constant 256 : i32
      %scan3A_317 = arith.addi %scan3A_315, %scan3A_316 : i32
      %scan3A_318 = arith.constant 1 : i32
      scf.for %scan3A_344 = %scan3A_315 to %scan3A_317 step %scan3A_318  : i32 {
        %and3A = arith.constant 3 : i32
        %and3A_345 = arith.andi %scan3A_344, %and3A : i32
        %shift_right_arithmetic3A = arith.constant 2 : i32
        %shift_right_arithmetic3A_346 = arith.shrsi %scan3A_344, %shift_right_arithmetic3A : i32
        %shift_left3A = arith.constant 3 : i32
        %shift_left3A_347 = arith.shli %shift_right_arithmetic3A_346, %shift_left3A : i32
        %add3A_348 = arith.addi %and3A_345, %shift_left3A_347 : i32
        %mul3A_349 = arith.constant 16 : i32
        %mul3A_350 = arith.muli %add3A_348, %mul3A_349 : i32
        %add3A_351 = arith.constant 64 : i32
        %add3A_352 = arith.addi %mul3A_350, %add3A_351 : i32
        %get3A = arith.index_cast %mul3A_350 : i32 to index
        %get3A_353 = tpu.vector_load %arg4[%get3A] {strides = array<i32>} : memref<8192xf32, #tpu.memory_space<vmem>>, vector<16xf32>,
        %get3A_354 = arith.index_cast %add3A_352 : i32 to index
        %get3A_355 = tpu.vector_load %arg4[%get3A_354] {strides = array<i32>} : memref<8192xf32, #tpu.memory_space<vmem>>, vector<16xf32>,
        %and3A_356 = arith.constant 8192 : i32
        %and3A_357 = arith.andi %mul3A_350, %and3A_356 : i32
        %eq3A = arith.constant 0 : i32
        %eq3A_358 = arith.cmpi eq, %and3A_357, %eq3A : i32
        %min3A = arith.minimumf %get3A_353, %get3A_355 : vector<16xf32>
        %max3A = arith.maximumf %get3A_353, %get3A_355 : vector<16xf32>
        %select_n3A = arith.select %eq3A_358, %min3A, %max3A : vector<16xf32>
        %swap3A = arith.index_cast %mul3A_350 : i32 to index
        %swap3A_359 = tpu.vector_load %arg4[%swap3A] {strides = array<i32>} : memref<8192xf32, #tpu.memory_space<vmem>>, vector<16xf32>,
        tpu.vector_store %arg4[%swap3A], %select_n3A {strides = array<i32>} : memref<8192xf32, #tpu.memory_space<vmem>>, vector<16xf32>,
        %select_n3A_360 = arith.select %eq3A_358, %max3A, %min3A : vector<16xf32>
        %swap3A_361 = arith.index_cast %add3A_352 : i32 to index
        %swap3A_362 = tpu.vector_load %arg4[%swap3A_361] {strides = array<i32>} : memref<8192xf32, #tpu.memory_space<vmem>>, vector<16xf32>,
        tpu.vector_store %arg4[%swap3A_361], %select_n3A_360 {strides = array<i32>} : memref<8192xf32, #tpu.memory_space<vmem>>, vector<16xf32>,
      }
      %scan3A_319 = arith.constant 256 : i32
      %scan3A_320 = arith.constant 0 : i32
      %scan3A_321 = arith.constant 0 : i32
      %scan3A_322 = arith.constant 256 : i32
      %scan3A_323 = arith.addi %scan3A_321, %scan3A_322 : i32
      %scan3A_324 = arith.constant 1 : i32
      scf.for %scan3A_344 = %scan3A_321 to %scan3A_323 step %scan3A_324  : i32 {
        %and3A = arith.constant 1 : i32
        %and3A_345 = arith.andi %scan3A_344, %and3A : i32
        %shift_right_arithmetic3A = arith.constant 1 : i32
        %shift_right_arithmetic3A_346 = arith.shrsi %scan3A_344, %shift_right_arithmetic3A : i32
        %shift_left3A = arith.constant 2 : i32
        %shift_left3A_347 = arith.shli %shift_right_arithmetic3A_346, %shift_left3A : i32
        %add3A_348 = arith.addi %and3A_345, %shift_left3A_347 : i32
        %mul3A_349 = arith.constant 16 : i32
        %mul3A_350 = arith.muli %add3A_348, %mul3A_349 : i32
        %add3A_351 = arith.constant 32 : i32
        %add3A_352 = arith.addi %mul3A_350, %add3A_351 : i32
        %get3A = arith.index_cast %mul3A_350 : i32 to index
        %get3A_353 = tpu.vector_load %arg4[%get3A] {strides = array<i32>} : memref<8192xf32, #tpu.memory_space<vmem>>, vector<16xf32>,
        %get3A_354 = arith.index_cast %add3A_352 : i32 to index
        %get3A_355 = tpu.vector_load %arg4[%get3A_354] {strides = array<i32>} : memref<8192xf32, #tpu.memory_space<vmem>>, vector<16xf32>,
        %and3A_356 = arith.constant 8192 : i32
        %and3A_357 = arith.andi %mul3A_350, %and3A_356 : i32
        %eq3A = arith.constant 0 : i32
        %eq3A_358 = arith.cmpi eq, %and3A_357, %eq3A : i32
        %min3A = arith.minimumf %get3A_353, %get3A_355 : vector<16xf32>
        %max3A = arith.maximumf %get3A_353, %get3A_355 : vector<16xf32>
        %select_n3A = arith.select %eq3A_358, %min3A, %max3A : vector<16xf32>
        %swap3A = arith.index_cast %mul3A_350 : i32 to index
        %swap3A_359 = tpu.vector_load %arg4[%swap3A] {strides = array<i32>} : memref<8192xf32, #tpu.memory_space<vmem>>, vector<16xf32>,
        tpu.vector_store %arg4[%swap3A], %select_n3A {strides = array<i32>} : memref<8192xf32, #tpu.memory_space<vmem>>, vector<16xf32>,
        %select_n3A_360 = arith.select %eq3A_358, %max3A, %min3A : vector<16xf32>
        %swap3A_361 = arith.index_cast %add3A_352 : i32 to index
        %swap3A_362 = tpu.vector_load %arg4[%swap3A_361] {strides = array<i32>} : memref<8192xf32, #tpu.memory_space<vmem>>, vector<16xf32>,
        tpu.vector_store %arg4[%swap3A_361], %select_n3A_360 {strides = array<i32>} : memref<8192xf32, #tpu.memory_space<vmem>>, vector<16xf32>,
      }
      %scan3A_325 = arith.constant 256 : i32
      %scan3A_326 = arith.constant 0 : i32
      %scan3A_327 = arith.constant 0 : i32
      %scan3A_328 = arith.constant 256 : i32
      %scan3A_329 = arith.addi %scan3A_327, %scan3A_328 : i32
      %scan3A_330 = arith.constant 1 : i32
      scf.for %scan3A_344 = %scan3A_327 to %scan3A_329 step %scan3A_330  : i32 {
        %and3A = arith.constant 0 : i32
        %and3A_345 = arith.andi %scan3A_344, %and3A : i32
        %shift_right_arithmetic3A = arith.constant 0 : i32
        %shift_right_arithmetic3A_346 = arith.shrsi %scan3A_344, %shift_right_arithmetic3A : i32
        %shift_left3A = arith.constant 1 : i32
        %shift_left3A_347 = arith.shli %shift_right_arithmetic3A_346, %shift_left3A : i32
        %add3A_348 = arith.addi %and3A_345, %shift_left3A_347 : i32
        %mul3A_349 = arith.constant 16 : i32
        %mul3A_350 = arith.muli %add3A_348, %mul3A_349 : i32
        %add3A_351 = arith.constant 16 : i32
        %add3A_352 = arith.addi %mul3A_350, %add3A_351 : i32
        %get3A = arith.index_cast %mul3A_350 : i32 to index
        %get3A_353 = tpu.vector_load %arg4[%get3A] {strides = array<i32>} : memref<8192xf32, #tpu.memory_space<vmem>>, vector<16xf32>,
        %get3A_354 = arith.index_cast %add3A_352 : i32 to index
        %get3A_355 = tpu.vector_load %arg4[%get3A_354] {strides = array<i32>} : memref<8192xf32, #tpu.memory_space<vmem>>, vector<16xf32>,
        %and3A_356 = arith.constant 8192 : i32
        %and3A_357 = arith.andi %mul3A_350, %and3A_356 : i32
        %eq3A = arith.constant 0 : i32
        %eq3A_358 = arith.cmpi eq, %and3A_357, %eq3A : i32
        %min3A = arith.minimumf %get3A_353, %get3A_355 : vector<16xf32>
        %max3A = arith.maximumf %get3A_353, %get3A_355 : vector<16xf32>
        %select_n3A = arith.select %eq3A_358, %min3A, %max3A : vector<16xf32>
        %swap3A = arith.index_cast %mul3A_350 : i32 to index
        %swap3A_359 = tpu.vector_load %arg4[%swap3A] {strides = array<i32>} : memref<8192xf32, #tpu.memory_space<vmem>>, vector<16xf32>,
        tpu.vector_store %arg4[%swap3A], %select_n3A {strides = array<i32>} : memref<8192xf32, #tpu.memory_space<vmem>>, vector<16xf32>,
        %select_n3A_360 = arith.select %eq3A_358, %max3A, %min3A : vector<16xf32>
        %swap3A_361 = arith.index_cast %add3A_352 : i32 to index
        %swap3A_362 = tpu.vector_load %arg4[%swap3A_361] {strides = array<i32>} : memref<8192xf32, #tpu.memory_space<vmem>>, vector<16xf32>,
        tpu.vector_store %arg4[%swap3A_361], %select_n3A_360 {strides = array<i32>} : memref<8192xf32, #tpu.memory_space<vmem>>, vector<16xf32>,
      }
      %scan3A_331 = arith.constant 256 : i32
      %scan3A_332 = arith.constant 0 : i32
      %scan3A_333 = arith.constant 0 : i32
      %scan3A_334 = arith.constant 512 : i32
      %scan3A_335 = arith.addi %scan3A_333, %scan3A_334 : i32
      %scan3A_336 = arith.constant 1 : i32
      scf.for %scan3A_344 = %scan3A_333 to %scan3A_335 step %scan3A_336  : i32 {
        %mul3A_345 = arith.constant 16 : i32
        %mul3A_346 = arith.muli %scan3A_344, %mul3A_345 : i32
        %and3A = arith.constant 8192 : i32
        %and3A_347 = arith.andi %mul3A_346, %and3A : i32
        %eq3A = arith.constant 0 : i32
        %eq3A_348 = arith.cmpi eq, %and3A_347, %eq3A : i32
        %jit3A = arith.constant 1.000000e+00 : f32
        %jit3A_349 = arith.constant -1.000000e+00 : f32
        %select_n3A = arith.select %eq3A_348, %jit3A, %jit3A_349 : f32
        %mul3A_350 = arith.constant 16 : i32
        %mul3A_351 = arith.muli %scan3A_344, %mul3A_350 : i32
        %get3A = arith.index_cast %mul3A_351 : i32 to index
        %get3A_352 = tpu.vector_load %arg4[%get3A] {strides = array<i32>} : memref<8192xf32, #tpu.memory_space<vmem>>, vector<16xf32>,
        %mul3A_353 = vector.broadcast %select_n3A : f32 to vector<16xf32>
        %mul3A_354 = arith.mulf %get3A_352, %mul3A_353 : vector<16xf32>
        %sort3A = arith.constant dense<true> : vector<16xi1>
        %sort3A_355, %sort3A_356, %sort3A_357 = tpu.sort %mul3A_354, %mul3A_354 masked %sort3A : (vector<16xf32>, vector<16xf32>, vector<16xi1>) -> (vector<16xi1>, vector<16xf32>, vector<16xf32>)
        %mul3A_358 = vector.broadcast %select_n3A : f32 to vector<16xf32>
        %mul3A_359 = arith.mulf %sort3A_356, %mul3A_358 : vector<16xf32>
        %mul3A_360 = arith.constant 16 : i32
        %mul3A_361 = arith.muli %scan3A_344, %mul3A_360 : i32
        %swap3A = arith.index_cast %mul3A_361 : i32 to index
        %swap3A_362 = tpu.vector_load %arg4[%swap3A] {strides = array<i32>} : memref<8192xf32, #tpu.memory_space<vmem>>, vector<16xf32>,
        tpu.vector_store %arg4[%swap3A], %mul3A_359 {strides = array<i32>} : memref<8192xf32, #tpu.memory_space<vmem>>, vector<16xf32>,
      }
      %scan3A_337 = arith.constant 512 : i32
      %scan3A_338 = arith.constant 0 : i32
      %scan3A_339 = arith.constant 0 : i32
      %scan3A_340 = arith.constant 128 : i32
      %scan3A_341 = arith.addi %scan3A_339, %scan3A_340 : i32
      %scan3A_342 = arith.constant 1 : i32
      scf.for %scan3A_344 = %scan3A_339 to %scan3A_341 step %scan3A_342  : i32 {
        %mul3A_345 = arith.constant 16 : i32
        %mul3A_346 = arith.muli %scan3A_344, %mul3A_345 : i32
        %sub3A = arith.constant 8176 : i32
        %sub3A_347 = arith.subi %sub3A, %mul3A_346 : i32
        %get3A = arith.index_cast %sub3A_347 : i32 to index
        %get3A_348 = tpu.vector_load %arg4[%get3A] {strides = array<i32>} : memref<8192xf32, #tpu.memory_space<vmem>>, vector<16xf32>,
        %rev3A = arith.constant 15 : i32
        %rev3A_349 = vector.broadcast %rev3A : i32 to vector<16xi32>
        %rev3A_350 = tpu.iota {dimensions = array<i32: 0>} : vector<16xi32>
        %rev3A_351 = arith.subi %rev3A_349, %rev3A_350 : vector<16xi32>
        %rev3A_352 = tpu.dynamic_gather %get3A_348[%rev3A_351] in [0] : vector<16xf32>, vector<16xi32> -> vector<16xf32>
        %mul3A_353 = arith.constant 16 : i32
        %mul3A_354 = arith.muli %scan3A_344, %mul3A_353 : i32
        %swap3A = arith.index_cast %mul3A_354 : i32 to index
        %swap3A_355 = tpu.vector_load %arg5[%swap3A] {strides = array<i32>} : memref<2048xf32, #tpu.memory_space<vmem>>, vector<16xf32>,
        tpu.vector_store %arg5[%swap3A], %rev3A_352 {strides = array<i32>} : memref<2048xf32, #tpu.memory_space<vmem>>, vector<16xf32>,
      }
      %scan3A_343 = arith.constant 128 : i32
      "tpu.region"() ({
        %run_scoped3A = tpu.sem_alloc : memref<!tpu.dma_semaphore, #tpu.memory_space<semaphore_mem>>
        %dma_start3A = arith.constant 0 : i32
        %dma_start3A_344 = tpu.memref_slice %arg3[%add3A, %dma_start3A] : memref<12x2048xf32, #tpu.memory_space<hbm>> -> memref<1x2048xf32, #tpu.memory_space<hbm>>
        %dma_start3A_345 = tpu.memref_squeeze %dma_start3A_344 : memref<1x2048xf32, #tpu.memory_space<hbm>> -> memref<2048xf32, #tpu.memory_space<hbm>>
        %dma_start3A_346 = arith.constant 0 : i32
        %dma_start3A_347 = tpu.memref_slice %arg3[%add3A, %dma_start3A_346] : memref<12x2048xf32, #tpu.memory_space<hbm>> -> memref<1x2048xf32, #tpu.memory_space<hbm>>
        %dma_start3A_348 = tpu.memref_squeeze %dma_start3A_347 : memref<1x2048xf32, #tpu.memory_space<hbm>> -> memref<2048xf32, #tpu.memory_space<hbm>>
        tpu.enqueue_dma source(%arg5 : memref<2048xf32, #tpu.memory_space<vmem>>) target(%dma_start3A_348 : memref<2048xf32, #tpu.memory_space<hbm>>) target_semaphore(%run_scoped3A : memref<!tpu.dma_semaphore, #tpu.memory_space<semaphore_mem>>)
        %dma_wait3A = arith.constant 0 : i32
        %dma_wait3A_349 = tpu.memref_slice %arg3[%add3A, %dma_wait3A] : memref<12x2048xf32, #tpu.memory_space<hbm>> -> memref<1x2048xf32, #tpu.memory_space<hbm>>
        %dma_wait3A_350 = tpu.memref_squeeze %dma_wait3A_349 : memref<1x2048xf32, #tpu.memory_space<hbm>> -> memref<2048xf32, #tpu.memory_space<hbm>>
        %dma_wait3A_351 = arith.constant 0 : i32
        %dma_wait3A_352 = tpu.memref_slice %arg3[%add3A, %dma_wait3A_351] : memref<12x2048xf32, #tpu.memory_space<hbm>> -> memref<1x2048xf32, #tpu.memory_space<hbm>>
        %dma_wait3A_353 = tpu.memref_squeeze %dma_wait3A_352 : memref<1x2048xf32, #tpu.memory_space<hbm>> -> memref<2048xf32, #tpu.memory_space<hbm>>
        tpu.wait_dma2 semaphore(%run_scoped3A : memref<!tpu.dma_semaphore, #tpu.memory_space<semaphore_mem>>) src(%arg5 : memref<2048xf32, #tpu.memory_space<vmem>>) dst(%dma_wait3A_353 : memref<2048xf32, #tpu.memory_space<hbm>>)
        tpu.yield
      }) : () -> ()
    } else {
    }
    return
  }
}

module attributes {stable_mosaic.version = 14 : i64} {
  func.func @_conv_body(%arg0: i32, %arg1: memref<768x2048xf32, #tpu.memory_space<vmem>>, %arg2: memref<768x1xf32, #tpu.memory_space<vmem>>, %arg3: memref<768x1xf32, #tpu.memory_space<vmem>>, %arg4: memref<2048x32xf32, #tpu.memory_space<vmem>>, %arg5: memref<1x768x768xf32, #tpu.memory_space<vmem>>, %arg6: memref<3x768x32xf32, #tpu.memory_space<vmem>>, %arg7: memref<3x256x32xf32, #tpu.memory_space<vmem>>, %arg8: memref<768x2048xf32, #tpu.memory_space<vmem>>, %arg9: memref<768x2048xf32, #tpu.memory_space<vmem>>) attributes {dimension_semantics = [#tpu.dimension_semantics<arbitrary>], iteration_bounds = array<i64: 26>, scalar_prefetch = 0 : i64, scratch_operands = 2 : i64, tpu.core_type = #tpu.core_type<tc>, window_params = [{pipeline_mode = #tpu.pipeline_mode<synchronous>, transform_indices = @transform_0, window_bounds = array<i64: 768, 2048>}, {pipeline_mode = #tpu.pipeline_mode<synchronous>, transform_indices = @transform_1, window_bounds = array<i64: 768, 1>}, {pipeline_mode = #tpu.pipeline_mode<synchronous>, transform_indices = @transform_2, window_bounds = array<i64: 768, 1>}, {pipeline_mode = #tpu.pipeline_mode<synchronous>, transform_indices = @transform_3, window_bounds = array<i64: 2048, 32>}, {transform_indices = @transform_4, window_bounds = array<i64: 1, 768, 768>}, {pipeline_mode = #tpu.pipeline_mode<synchronous>, transform_indices = @transform_5, window_bounds = array<i64: 3, 768, 32>}, {pipeline_mode = #tpu.pipeline_mode<synchronous>, transform_indices = @transform_6, window_bounds = array<i64: 3, 256, 32>}]} {
    %eq3A = arith.constant 0 : i32
    %eq3A_0 = arith.cmpi eq, %arg0, %eq3A : i32
    %convert_element_type3A = arith.extui %eq3A_0 : i1 to i32
    %cond3A = arith.constant 0 : i32
    %cond3A_1 = arith.cmpi ne, %convert_element_type3A, %cond3A : i32
    scf.if %cond3A_1 {
      %get3A_91 = arith.constant 0 : index
      %get3A_92 = arith.constant 0 : index
      %get3A_93 = vector.load %arg1[%get3A_91, %get3A_92] : memref<768x2048xf32, #tpu.memory_space<vmem>>, vector<768x2048xf32>
      %swap3A = arith.constant 0 : index
      %swap3A_94 = arith.constant 0 : index
      %swap3A_95 = vector.load %arg8[%swap3A, %swap3A_94] : memref<768x2048xf32, #tpu.memory_space<vmem>>, vector<768x2048xf32>
      tpu.vector_store %arg8[%swap3A, %swap3A_94], %get3A_93 {strides = array<i32>} : memref<768x2048xf32, #tpu.memory_space<vmem>>, vector<768x2048xf32>,
    } else {
    }
    %lt3A = arith.constant 2 : i32
    %lt3A_2 = arith.cmpi slt, %arg0, %lt3A : i32
    %lt3A_3 = arith.constant 5 : i32
    %lt3A_4 = arith.cmpi slt, %arg0, %lt3A_3 : i32
    %sub3A = arith.constant 3 : i32
    %sub3A_5 = arith.subi %sub3A, %arg0 : i32
    %lt3A_6 = arith.constant 8 : i32
    %lt3A_7 = arith.cmpi slt, %arg0, %lt3A_6 : i32
    %sub3A_8 = arith.constant 6 : i32
    %sub3A_9 = arith.subi %sub3A_8, %arg0 : i32
    %lt3A_10 = arith.constant 17 : i32
    %lt3A_11 = arith.cmpi slt, %arg0, %lt3A_10 : i32
    %sub3A_12 = arith.constant 12 : i32
    %sub3A_13 = arith.subi %sub3A_12, %arg0 : i32
    %sub3A_14 = arith.constant 21 : i32
    %sub3A_15 = arith.subi %sub3A_14, %arg0 : i32
    %select_n3A = arith.select %lt3A_11, %sub3A_13, %sub3A_15 : i32
    %select_n3A_16 = arith.select %lt3A_7, %sub3A_9, %select_n3A : i32
    %select_n3A_17 = arith.select %lt3A_4, %sub3A_5, %select_n3A_16 : i32
    %jit3A = arith.constant 0 : i32
    %select_n3A_18 = arith.select %lt3A_2, %jit3A, %select_n3A_17 : i32
    %get3A = arith.constant 0 : index
    %get3A_19 = arith.constant 0 : index
    %get3A_20 = vector.load %arg8[%get3A, %get3A_19] : memref<768x2048xf32, #tpu.memory_space<vmem>>, vector<768x2048xf32>
    %lt3A_21 = arith.constant 0 : i32
    %lt3A_22 = arith.cmpi slt, %select_n3A_18, %lt3A_21 : i32
    %add3A = arith.constant 2048 : i32
    %add3A_23 = arith.addi %select_n3A_18, %add3A : i32
    %select_n3A_24 = arith.select %lt3A_22, %add3A_23, %select_n3A_18 : i32
    %roll3A = tpu.dynamic_rotate %get3A_20 by %select_n3A_24 dim 1 : vector<768x2048xf32>, i32 -> vector<768x2048xf32>
    %iota3A = tpu.iota {dimensions = array<i32: 1>} : vector<768x2048xi32>
    %ge3A = vector.broadcast %select_n3A_18 : i32 to vector<768x2048xi32>
    %ge3A_25 = arith.cmpi sge, %iota3A, %ge3A : vector<768x2048xi32>
    %add3A_26 = arith.constant 2048 : i32
    %add3A_27 = arith.addi %add3A_26, %select_n3A_18 : i32
    %lt3A_28 = vector.broadcast %add3A_27 : i32 to vector<768x2048xi32>
    %lt3A_29 = arith.cmpi slt, %iota3A, %lt3A_28 : vector<768x2048xi32>
    %and3A = arith.andi %ge3A_25, %lt3A_29 : vector<768x2048xi1>
    %jit3A_30 = arith.constant 0.000000e+00 : f32
    %broadcast_in_dim3A = vector.broadcast %jit3A_30 : f32 to vector<768x2048xf32>
    %select_n3A_31 = arith.select %and3A, %roll3A, %broadcast_in_dim3A : vector<768x2048xi1>, vector<768x2048xf32>
    %get3A_32 = arith.constant 0 : index
    %get3A_33 = arith.constant 0 : index
    %get3A_34 = arith.constant 0 : index
    %get3A_35 = vector.load %arg5[%get3A_32, %get3A_33, %get3A_34] : memref<1x768x768xf32, #tpu.memory_space<vmem>>, vector<1x768x768xf32>
    %get3A_36 = vector.shape_cast %get3A_35 : vector<1x768x768xf32> to vector<768x768xf32>
    %dot_general3A = arith.constant dense<0.000000e+00> : vector<768x2048xf32>
    %dot_general3A_37 = tpu.matmul %get3A_36, %select_n3A_31, %dot_general3A {dimension_numbers = #tpu.dot_dimension_numbers<[1], [0], [0], [1], [0, 0, 1, 1], [], []>, transpose_lhs_hint = false} : vector<768x768xf32>, vector<768x2048xf32>, vector<768x2048xf32> -> vector<768x2048xf32>
    %eq3A_38 = arith.constant 0 : i32
    %eq3A_39 = arith.cmpi eq, %arg0, %eq3A_38 : i32
    %eq3A_40 = arith.constant 1 : i32
    %eq3A_41 = arith.cmpi eq, %arg0, %eq3A_40 : i32
    %or3A = arith.ori %eq3A_39, %eq3A_41 : i1
    %eq3A_42 = arith.constant 2 : i32
    %eq3A_43 = arith.cmpi eq, %arg0, %eq3A_42 : i32
    %or3A_44 = arith.ori %or3A, %eq3A_43 : i1
    %eq3A_45 = arith.constant 5 : i32
    %eq3A_46 = arith.cmpi eq, %arg0, %eq3A_45 : i32
    %or3A_47 = arith.ori %or3A_44, %eq3A_46 : i1
    %eq3A_48 = arith.constant 8 : i32
    %eq3A_49 = arith.cmpi eq, %arg0, %eq3A_48 : i32
    %or3A_50 = arith.ori %or3A_47, %eq3A_49 : i1
    %eq3A_51 = arith.constant 17 : i32
    %eq3A_52 = arith.cmpi eq, %arg0, %eq3A_51 : i32
    %or3A_53 = arith.ori %or3A_50, %eq3A_52 : i1
    %convert_element_type3A_54 = arith.extui %or3A_53 : i1 to i32
    %cond3A_55 = arith.constant 0 : i32
    %cond3A_56 = arith.cmpi ne, %convert_element_type3A_54, %cond3A_55 : i32
    scf.if %cond3A_56 {
      %swap3A = arith.constant 0 : index
      %swap3A_91 = arith.constant 0 : index
      %swap3A_92 = vector.load %arg9[%swap3A, %swap3A_91] : memref<768x2048xf32, #tpu.memory_space<vmem>>, vector<768x2048xf32>
      tpu.vector_store %arg9[%swap3A, %swap3A_91], %dot_general3A_37 {strides = array<i32>} : memref<768x2048xf32, #tpu.memory_space<vmem>>, vector<768x2048xf32>,
    } else {
    }
    %not3A = arith.constant true
    %not3A_57 = arith.xori %or3A_53, %not3A : i1
    %convert_element_type3A_58 = arith.extui %not3A_57 : i1 to i32
    %cond3A_59 = arith.constant 0 : i32
    %cond3A_60 = arith.cmpi ne, %convert_element_type3A_58, %cond3A_59 : i32
    scf.if %cond3A_60 {
      %get3A_91 = arith.constant 0 : index
      %get3A_92 = arith.constant 0 : index
      %get3A_93 = vector.load %arg9[%get3A_91, %get3A_92] : memref<768x2048xf32, #tpu.memory_space<vmem>>, vector<768x2048xf32>
      %add3A_94 = arith.addf %get3A_93, %dot_general3A_37 : vector<768x2048xf32>
      %swap3A = arith.constant 0 : index
      %swap3A_95 = arith.constant 0 : index
      %swap3A_96 = vector.load %arg9[%swap3A, %swap3A_95] : memref<768x2048xf32, #tpu.memory_space<vmem>>, vector<768x2048xf32>
      tpu.vector_store %arg9[%swap3A, %swap3A_95], %add3A_94 {strides = array<i32>} : memref<768x2048xf32, #tpu.memory_space<vmem>>, vector<768x2048xf32>,
    } else {
    }
    %eq3A_61 = arith.constant 0 : i32
    %eq3A_62 = arith.cmpi eq, %arg0, %eq3A_61 : i32
    %convert_element_type3A_63 = arith.extui %eq3A_62 : i1 to i32
    %cond3A_64 = arith.constant 0 : i32
    %cond3A_65 = arith.cmpi ne, %convert_element_type3A_63, %cond3A_64 : i32
    scf.if %cond3A_65 {
      %get3A_91 = arith.constant 0 : index
      %get3A_92 = arith.constant 0 : index
      %get3A_93 = vector.load %arg9[%get3A_91, %get3A_92] : memref<768x2048xf32, #tpu.memory_space<vmem>>, vector<768x2048xf32>
      %reduce_sum3A = arith.constant dense<0.000000e+00> : vector<768xf32>
      %reduce_sum3A_94 = vector.multi_reduction <add>, %get3A_93, %reduce_sum3A [1] : vector<768x2048xf32> to vector<768xf32>
      %broadcast_in_dim3A_95 = vector.shape_cast %reduce_sum3A_94 : vector<768xf32> to vector<768x1xf32>
      %div3A = arith.constant 2.048000e+03 : f32
      %div3A_96 = vector.broadcast %div3A : f32 to vector<768x1xf32>
      %div3A_97 = arith.divf %broadcast_in_dim3A_95, %div3A_96 : vector<768x1xf32>
      %mul3A = arith.mulf %get3A_93, %get3A_93 : vector<768x2048xf32>
      %reduce_sum3A_98 = arith.constant dense<0.000000e+00> : vector<768xf32>
      %reduce_sum3A_99 = vector.multi_reduction <add>, %mul3A, %reduce_sum3A_98 [1] : vector<768x2048xf32> to vector<768xf32>
      %broadcast_in_dim3A_100 = vector.shape_cast %reduce_sum3A_99 : vector<768xf32> to vector<768x1xf32>
      %div3A_101 = arith.constant 2.048000e+03 : f32
      %div3A_102 = vector.broadcast %div3A_101 : f32 to vector<768x1xf32>
      %div3A_103 = arith.divf %broadcast_in_dim3A_100, %div3A_102 : vector<768x1xf32>
      %mul3A_104 = arith.mulf %div3A_97, %div3A_97 : vector<768x1xf32>
      %sub3A_105 = arith.subf %div3A_103, %mul3A_104 : vector<768x1xf32>
      %add3A_106 = arith.constant 9.99999974E-6 : f32
      %add3A_107 = vector.broadcast %add3A_106 : f32 to vector<768x1xf32>
      %add3A_108 = arith.addf %sub3A_105, %add3A_107 : vector<768x1xf32>
      %rsqrt3A = math.rsqrt %add3A_108 : vector<768x1xf32>
      %get3A_109 = arith.constant 0 : index
      %get3A_110 = arith.constant 0 : index
      %get3A_111 = vector.load %arg2[%get3A_109, %get3A_110] : memref<768x1xf32, #tpu.memory_space<vmem>>, vector<768x1xf32>
      %mul3A_112 = arith.mulf %rsqrt3A, %get3A_111 : vector<768x1xf32>
      %get3A_113 = arith.constant 0 : index
      %get3A_114 = arith.constant 0 : index
      %get3A_115 = vector.load %arg3[%get3A_113, %get3A_114] : memref<768x1xf32, #tpu.memory_space<vmem>>, vector<768x1xf32>
      %mul3A_116 = arith.mulf %div3A_97, %mul3A_112 : vector<768x1xf32>
      %sub3A_117 = arith.subf %get3A_115, %mul3A_116 : vector<768x1xf32>
      %mul3A_118 = vector.broadcast %mul3A_112 : vector<768x1xf32> to vector<768x2048xf32>
      %mul3A_119 = arith.mulf %get3A_93, %mul3A_118 : vector<768x2048xf32>
      %add3A_120 = vector.broadcast %sub3A_117 : vector<768x1xf32> to vector<768x2048xf32>
      %add3A_121 = arith.addf %mul3A_119, %add3A_120 : vector<768x2048xf32>
      %gt3A = arith.constant 0.000000e+00 : f32
      %gt3A_122 = vector.broadcast %gt3A : f32 to vector<768x2048xf32>
      %gt3A_123 = arith.cmpf ogt, %add3A_121, %gt3A_122 : vector<768x2048xf32>
      %exp3A = math.exp %add3A_121 : vector<768x2048xf32>
      %sub3A_124 = arith.constant 1.000000e+00 : f32
      %sub3A_125 = vector.broadcast %sub3A_124 : f32 to vector<768x2048xf32>
      %sub3A_126 = arith.subf %exp3A, %sub3A_125 : vector<768x2048xf32>
      %select_n3A_127 = arith.select %gt3A_123, %add3A_121, %sub3A_126 : vector<768x2048xi1>, vector<768x2048xf32>
      %swap3A = arith.constant 0 : index
      %swap3A_128 = arith.constant 0 : index
      %swap3A_129 = vector.load %arg8[%swap3A, %swap3A_128] : memref<768x2048xf32, #tpu.memory_space<vmem>>, vector<768x2048xf32>
      tpu.vector_store %arg8[%swap3A, %swap3A_128], %select_n3A_127 {strides = array<i32>} : memref<768x2048xf32, #tpu.memory_space<vmem>>, vector<768x2048xf32>,
    } else {
    }
    %eq3A_66 = arith.constant 1 : i32
    %eq3A_67 = arith.cmpi eq, %arg0, %eq3A_66 : i32
    %convert_element_type3A_68 = arith.extui %eq3A_67 : i1 to i32
    %cond3A_69 = arith.constant 0 : i32
    %cond3A_70 = arith.cmpi ne, %convert_element_type3A_68, %cond3A_69 : i32
    scf.if %cond3A_70 {
      %get3A_91 = arith.constant 0 : index
      %get3A_92 = arith.constant 0 : index
      %get3A_93 = vector.load %arg9[%get3A_91, %get3A_92] : memref<768x2048xf32, #tpu.memory_space<vmem>>, vector<768x2048xf32>
      %reduce_sum3A = arith.constant dense<0.000000e+00> : vector<768xf32>
      %reduce_sum3A_94 = vector.multi_reduction <add>, %get3A_93, %reduce_sum3A [1] : vector<768x2048xf32> to vector<768xf32>
      %broadcast_in_dim3A_95 = vector.shape_cast %reduce_sum3A_94 : vector<768xf32> to vector<768x1xf32>
      %div3A = arith.constant 2.048000e+03 : f32
      %div3A_96 = vector.broadcast %div3A : f32 to vector<768x1xf32>
      %div3A_97 = arith.divf %broadcast_in_dim3A_95, %div3A_96 : vector<768x1xf32>
      %mul3A = arith.mulf %get3A_93, %get3A_93 : vector<768x2048xf32>
      %reduce_sum3A_98 = arith.constant dense<0.000000e+00> : vector<768xf32>
      %reduce_sum3A_99 = vector.multi_reduction <add>, %mul3A, %reduce_sum3A_98 [1] : vector<768x2048xf32> to vector<768xf32>
      %broadcast_in_dim3A_100 = vector.shape_cast %reduce_sum3A_99 : vector<768xf32> to vector<768x1xf32>
      %div3A_101 = arith.constant 2.048000e+03 : f32
      %div3A_102 = vector.broadcast %div3A_101 : f32 to vector<768x1xf32>
      %div3A_103 = arith.divf %broadcast_in_dim3A_100, %div3A_102 : vector<768x1xf32>
      %mul3A_104 = arith.mulf %div3A_97, %div3A_97 : vector<768x1xf32>
      %sub3A_105 = arith.subf %div3A_103, %mul3A_104 : vector<768x1xf32>
      %add3A_106 = arith.constant 9.99999974E-6 : f32
      %add3A_107 = vector.broadcast %add3A_106 : f32 to vector<768x1xf32>
      %add3A_108 = arith.addf %sub3A_105, %add3A_107 : vector<768x1xf32>
      %rsqrt3A = math.rsqrt %add3A_108 : vector<768x1xf32>
      %get3A_109 = arith.constant 0 : index
      %get3A_110 = arith.constant 0 : index
      %get3A_111 = vector.load %arg2[%get3A_109, %get3A_110] : memref<768x1xf32, #tpu.memory_space<vmem>>, vector<768x1xf32>
      %mul3A_112 = arith.mulf %rsqrt3A, %get3A_111 : vector<768x1xf32>
      %get3A_113 = arith.constant 0 : index
      %get3A_114 = arith.constant 0 : index
      %get3A_115 = vector.load %arg3[%get3A_113, %get3A_114] : memref<768x1xf32, #tpu.memory_space<vmem>>, vector<768x1xf32>
      %mul3A_116 = arith.mulf %div3A_97, %mul3A_112 : vector<768x1xf32>
      %sub3A_117 = arith.subf %get3A_115, %mul3A_116 : vector<768x1xf32>
      %mul3A_118 = vector.broadcast %mul3A_112 : vector<768x1xf32> to vector<768x2048xf32>
      %mul3A_119 = arith.mulf %get3A_93, %mul3A_118 : vector<768x2048xf32>
      %add3A_120 = vector.broadcast %sub3A_117 : vector<768x1xf32> to vector<768x2048xf32>
      %add3A_121 = arith.addf %mul3A_119, %add3A_120 : vector<768x2048xf32>
      %gt3A = arith.constant 0.000000e+00 : f32
      %gt3A_122 = vector.broadcast %gt3A : f32 to vector<768x2048xf32>
      %gt3A_123 = arith.cmpf ogt, %add3A_121, %gt3A_122 : vector<768x2048xf32>
      %exp3A = math.exp %add3A_121 : vector<768x2048xf32>
      %sub3A_124 = arith.constant 1.000000e+00 : f32
      %sub3A_125 = vector.broadcast %sub3A_124 : f32 to vector<768x2048xf32>
      %sub3A_126 = arith.subf %exp3A, %sub3A_125 : vector<768x2048xf32>
      %select_n3A_127 = arith.select %gt3A_123, %add3A_121, %sub3A_126 : vector<768x2048xi1>, vector<768x2048xf32>
      %get3A_128 = arith.constant 0 : index
      %get3A_129 = arith.constant 0 : index
      %get3A_130 = vector.load %arg4[%get3A_128, %get3A_129] : memref<2048x32xf32, #tpu.memory_space<vmem>>, vector<2048x32xf32>
      %dot_general3A_131 = arith.constant dense<0.000000e+00> : vector<768x32xf32>
      %dot_general3A_132 = tpu.matmul %select_n3A_127, %get3A_130, %dot_general3A_131 {dimension_numbers = #tpu.dot_dimension_numbers<[1], [0], [0], [1], [0, 0, 1, 1], [], []>, transpose_lhs_hint = false} : vector<768x2048xf32>, vector<2048x32xf32>, vector<768x32xf32> -> vector<768x32xf32>
      %swap3A = arith.constant 0 : index
      %swap3A_133 = arith.constant 0 : index
      %swap3A_134 = arith.constant 0 : index
      %swap3A_135 = vector.load %arg6[%swap3A, %swap3A_133, %swap3A_134] : memref<3x768x32xf32, #tpu.memory_space<vmem>>, vector<1x768x32xf32>
      %swap3A_136 = vector.shape_cast %swap3A_135 : vector<1x768x32xf32> to vector<768x32xf32>
      %swap3A_137 = vector.shape_cast %dot_general3A_132 : vector<768x32xf32> to vector<1x768x32xf32>
      tpu.vector_store %arg6[%swap3A, %swap3A_133, %swap3A_134], %swap3A_137 {strides = array<i32>} : memref<3x768x32xf32, #tpu.memory_space<vmem>>, vector<1x768x32xf32>,
      %slice3A = vector.extract_strided_slice %dot_general3A_132 {offsets = [0, 0], sizes = [64, 32], strides = [1, 1]} : vector<768x32xf32> to vector<64x32xf32>
      %slice3A_138 = vector.extract_strided_slice %dot_general3A_132 {offsets = [64, 0], sizes = [64, 32], strides = [1, 1]} : vector<768x32xf32> to vector<64x32xf32>
      %add3A_139 = arith.addf %slice3A, %slice3A_138 : vector<64x32xf32>
      %slice3A_140 = vector.extract_strided_slice %dot_general3A_132 {offsets = [128, 0], sizes = [64, 32], strides = [1, 1]} : vector<768x32xf32> to vector<64x32xf32>
      %add3A_141 = arith.addf %add3A_139, %slice3A_140 : vector<64x32xf32>
      %mul3A_142 = arith.constant 0.333333343 : f32
      %mul3A_143 = vector.broadcast %mul3A_142 : f32 to vector<64x32xf32>
      %mul3A_144 = arith.mulf %add3A_141, %mul3A_143 : vector<64x32xf32>
      %swap3A_145 = arith.constant 0 : index
      %swap3A_146 = arith.constant 0 : index
      %swap3A_147 = arith.constant 0 : index
      %swap3A_148 = vector.load %arg7[%swap3A_145, %swap3A_146, %swap3A_147] : memref<3x256x32xf32, #tpu.memory_space<vmem>>, vector<1x64x32xf32>
      %swap3A_149 = vector.shape_cast %swap3A_148 : vector<1x64x32xf32> to vector<64x32xf32>
      %swap3A_150 = vector.shape_cast %mul3A_144 : vector<64x32xf32> to vector<1x64x32xf32>
      tpu.vector_store %arg7[%swap3A_145, %swap3A_146, %swap3A_147], %swap3A_150 {strides = array<i32>} : memref<3x256x32xf32, #tpu.memory_space<vmem>>, vector<1x64x32xf32>,
      %slice3A_151 = vector.extract_strided_slice %dot_general3A_132 {offsets = [192, 0], sizes = [64, 32], strides = [1, 1]} : vector<768x32xf32> to vector<64x32xf32>
      %slice3A_152 = vector.extract_strided_slice %dot_general3A_132 {offsets = [256, 0], sizes = [64, 32], strides = [1, 1]} : vector<768x32xf32> to vector<64x32xf32>
      %add3A_153 = arith.addf %slice3A_151, %slice3A_152 : vector<64x32xf32>
      %slice3A_154 = vector.extract_strided_slice %dot_general3A_132 {offsets = [320, 0], sizes = [64, 32], strides = [1, 1]} : vector<768x32xf32> to vector<64x32xf32>
      %add3A_155 = arith.addf %add3A_153, %slice3A_154 : vector<64x32xf32>
      %mul3A_156 = arith.constant 0.333333343 : f32
      %mul3A_157 = vector.broadcast %mul3A_156 : f32 to vector<64x32xf32>
      %mul3A_158 = arith.mulf %add3A_155, %mul3A_157 : vector<64x32xf32>
      %swap3A_159 = arith.constant 0 : index
      %swap3A_160 = arith.constant 64 : index
      %swap3A_161 = arith.constant 0 : index
      %swap3A_162 = vector.load %arg7[%swap3A_159, %swap3A_160, %swap3A_161] : memref<3x256x32xf32, #tpu.memory_space<vmem>>, vector<1x64x32xf32>
      %swap3A_163 = vector.shape_cast %swap3A_162 : vector<1x64x32xf32> to vector<64x32xf32>
      %swap3A_164 = vector.shape_cast %mul3A_158 : vector<64x32xf32> to vector<1x64x32xf32>
      tpu.vector_store %arg7[%swap3A_159, %swap3A_160, %swap3A_161], %swap3A_164 {strides = array<i32>} : memref<3x256x32xf32, #tpu.memory_space<vmem>>, vector<1x64x32xf32>,
      %slice3A_165 = vector.extract_strided_slice %dot_general3A_132 {offsets = [384, 0], sizes = [64, 32], strides = [1, 1]} : vector<768x32xf32> to vector<64x32xf32>
      %slice3A_166 = vector.extract_strided_slice %dot_general3A_132 {offsets = [448, 0], sizes = [64, 32], strides = [1, 1]} : vector<768x32xf32> to vector<64x32xf32>
      %add3A_167 = arith.addf %slice3A_165, %slice3A_166 : vector<64x32xf32>
      %slice3A_168 = vector.extract_strided_slice %dot_general3A_132 {offsets = [512, 0], sizes = [64, 32], strides = [1, 1]} : vector<768x32xf32> to vector<64x32xf32>
      %add3A_169 = arith.addf %add3A_167, %slice3A_168 : vector<64x32xf32>
      %mul3A_170 = arith.constant 0.333333343 : f32
      %mul3A_171 = vector.broadcast %mul3A_170 : f32 to vector<64x32xf32>
      %mul3A_172 = arith.mulf %add3A_169, %mul3A_171 : vector<64x32xf32>
      %swap3A_173 = arith.constant 0 : index
      %swap3A_174 = arith.constant 128 : index
      %swap3A_175 = arith.constant 0 : index
      %swap3A_176 = vector.load %arg7[%swap3A_173, %swap3A_174, %swap3A_175] : memref<3x256x32xf32, #tpu.memory_space<vmem>>, vector<1x64x32xf32>
      %swap3A_177 = vector.shape_cast %swap3A_176 : vector<1x64x32xf32> to vector<64x32xf32>
      %swap3A_178 = vector.shape_cast %mul3A_172 : vector<64x32xf32> to vector<1x64x32xf32>
      tpu.vector_store %arg7[%swap3A_173, %swap3A_174, %swap3A_175], %swap3A_178 {strides = array<i32>} : memref<3x256x32xf32, #tpu.memory_space<vmem>>, vector<1x64x32xf32>,
      %slice3A_179 = vector.extract_strided_slice %dot_general3A_132 {offsets = [576, 0], sizes = [64, 32], strides = [1, 1]} : vector<768x32xf32> to vector<64x32xf32>
      %slice3A_180 = vector.extract_strided_slice %dot_general3A_132 {offsets = [640, 0], sizes = [64, 32], strides = [1, 1]} : vector<768x32xf32> to vector<64x32xf32>
      %add3A_181 = arith.addf %slice3A_179, %slice3A_180 : vector<64x32xf32>
      %slice3A_182 = vector.extract_strided_slice %dot_general3A_132 {offsets = [704, 0], sizes = [64, 32], strides = [1, 1]} : vector<768x32xf32> to vector<64x32xf32>
      %add3A_183 = arith.addf %add3A_181, %slice3A_182 : vector<64x32xf32>
      %mul3A_184 = arith.constant 0.333333343 : f32
      %mul3A_185 = vector.broadcast %mul3A_184 : f32 to vector<64x32xf32>
      %mul3A_186 = arith.mulf %add3A_183, %mul3A_185 : vector<64x32xf32>
      %swap3A_187 = arith.constant 0 : index
      %swap3A_188 = arith.constant 192 : index
      %swap3A_189 = arith.constant 0 : index
      %swap3A_190 = vector.load %arg7[%swap3A_187, %swap3A_188, %swap3A_189] : memref<3x256x32xf32, #tpu.memory_space<vmem>>, vector<1x64x32xf32>
      %swap3A_191 = vector.shape_cast %swap3A_190 : vector<1x64x32xf32> to vector<64x32xf32>
      %swap3A_192 = vector.shape_cast %mul3A_186 : vector<64x32xf32> to vector<1x64x32xf32>
      tpu.vector_store %arg7[%swap3A_187, %swap3A_188, %swap3A_189], %swap3A_192 {strides = array<i32>} : memref<3x256x32xf32, #tpu.memory_space<vmem>>, vector<1x64x32xf32>,
    } else {
    }
    %eq3A_71 = arith.constant 4 : i32
    %eq3A_72 = arith.cmpi eq, %arg0, %eq3A_71 : i32
    %convert_element_type3A_73 = arith.extui %eq3A_72 : i1 to i32
    %cond3A_74 = arith.constant 0 : i32
    %cond3A_75 = arith.cmpi ne, %convert_element_type3A_73, %cond3A_74 : i32
    scf.if %cond3A_75 {
      %get3A_91 = arith.constant 0 : index
      %get3A_92 = arith.constant 0 : index
      %get3A_93 = vector.load %arg9[%get3A_91, %get3A_92] : memref<768x2048xf32, #tpu.memory_space<vmem>>, vector<768x2048xf32>
      %reduce_sum3A = arith.constant dense<0.000000e+00> : vector<768xf32>
      %reduce_sum3A_94 = vector.multi_reduction <add>, %get3A_93, %reduce_sum3A [1] : vector<768x2048xf32> to vector<768xf32>
      %broadcast_in_dim3A_95 = vector.shape_cast %reduce_sum3A_94 : vector<768xf32> to vector<768x1xf32>
      %div3A = arith.constant 2.048000e+03 : f32
      %div3A_96 = vector.broadcast %div3A : f32 to vector<768x1xf32>
      %div3A_97 = arith.divf %broadcast_in_dim3A_95, %div3A_96 : vector<768x1xf32>
      %mul3A = arith.mulf %get3A_93, %get3A_93 : vector<768x2048xf32>
      %reduce_sum3A_98 = arith.constant dense<0.000000e+00> : vector<768xf32>
      %reduce_sum3A_99 = vector.multi_reduction <add>, %mul3A, %reduce_sum3A_98 [1] : vector<768x2048xf32> to vector<768xf32>
      %broadcast_in_dim3A_100 = vector.shape_cast %reduce_sum3A_99 : vector<768xf32> to vector<768x1xf32>
      %div3A_101 = arith.constant 2.048000e+03 : f32
      %div3A_102 = vector.broadcast %div3A_101 : f32 to vector<768x1xf32>
      %div3A_103 = arith.divf %broadcast_in_dim3A_100, %div3A_102 : vector<768x1xf32>
      %mul3A_104 = arith.mulf %div3A_97, %div3A_97 : vector<768x1xf32>
      %sub3A_105 = arith.subf %div3A_103, %mul3A_104 : vector<768x1xf32>
      %add3A_106 = arith.constant 9.99999974E-6 : f32
      %add3A_107 = vector.broadcast %add3A_106 : f32 to vector<768x1xf32>
      %add3A_108 = arith.addf %sub3A_105, %add3A_107 : vector<768x1xf32>
      %rsqrt3A = math.rsqrt %add3A_108 : vector<768x1xf32>
      %get3A_109 = arith.constant 0 : index
      %get3A_110 = arith.constant 0 : index
      %get3A_111 = vector.load %arg2[%get3A_109, %get3A_110] : memref<768x1xf32, #tpu.memory_space<vmem>>, vector<768x1xf32>
      %mul3A_112 = arith.mulf %rsqrt3A, %get3A_111 : vector<768x1xf32>
      %get3A_113 = arith.constant 0 : index
      %get3A_114 = arith.constant 0 : index
      %get3A_115 = vector.load %arg3[%get3A_113, %get3A_114] : memref<768x1xf32, #tpu.memory_space<vmem>>, vector<768x1xf32>
      %mul3A_116 = arith.mulf %div3A_97, %mul3A_112 : vector<768x1xf32>
      %sub3A_117 = arith.subf %get3A_115, %mul3A_116 : vector<768x1xf32>
      %mul3A_118 = vector.broadcast %mul3A_112 : vector<768x1xf32> to vector<768x2048xf32>
      %mul3A_119 = arith.mulf %get3A_93, %mul3A_118 : vector<768x2048xf32>
      %add3A_120 = vector.broadcast %sub3A_117 : vector<768x1xf32> to vector<768x2048xf32>
      %add3A_121 = arith.addf %mul3A_119, %add3A_120 : vector<768x2048xf32>
      %gt3A = arith.constant 0.000000e+00 : f32
      %gt3A_122 = vector.broadcast %gt3A : f32 to vector<768x2048xf32>
      %gt3A_123 = arith.cmpf ogt, %add3A_121, %gt3A_122 : vector<768x2048xf32>
      %exp3A = math.exp %add3A_121 : vector<768x2048xf32>
      %sub3A_124 = arith.constant 1.000000e+00 : f32
      %sub3A_125 = vector.broadcast %sub3A_124 : f32 to vector<768x2048xf32>
      %sub3A_126 = arith.subf %exp3A, %sub3A_125 : vector<768x2048xf32>
      %select_n3A_127 = arith.select %gt3A_123, %add3A_121, %sub3A_126 : vector<768x2048xi1>, vector<768x2048xf32>
      %swap3A = arith.constant 0 : index
      %swap3A_128 = arith.constant 0 : index
      %swap3A_129 = vector.load %arg8[%swap3A, %swap3A_128] : memref<768x2048xf32, #tpu.memory_space<vmem>>, vector<768x2048xf32>
      tpu.vector_store %arg8[%swap3A, %swap3A_128], %select_n3A_127 {strides = array<i32>} : memref<768x2048xf32, #tpu.memory_space<vmem>>, vector<768x2048xf32>,
    } else {
    }
    %eq3A_76 = arith.constant 7 : i32
    %eq3A_77 = arith.cmpi eq, %arg0, %eq3A_76 : i32
    %convert_element_type3A_78 = arith.extui %eq3A_77 : i1 to i32
    %cond3A_79 = arith.constant 0 : i32
    %cond3A_80 = arith.cmpi ne, %convert_element_type3A_78, %cond3A_79 : i32
    scf.if %cond3A_80 {
      %get3A_91 = arith.constant 0 : index
      %get3A_92 = arith.constant 0 : index
      %get3A_93 = vector.load %arg9[%get3A_91, %get3A_92] : memref<768x2048xf32, #tpu.memory_space<vmem>>, vector<768x2048xf32>
      %reduce_sum3A = arith.constant dense<0.000000e+00> : vector<768xf32>
      %reduce_sum3A_94 = vector.multi_reduction <add>, %get3A_93, %reduce_sum3A [1] : vector<768x2048xf32> to vector<768xf32>
      %broadcast_in_dim3A_95 = vector.shape_cast %reduce_sum3A_94 : vector<768xf32> to vector<768x1xf32>
      %div3A = arith.constant 2.048000e+03 : f32
      %div3A_96 = vector.broadcast %div3A : f32 to vector<768x1xf32>
      %div3A_97 = arith.divf %broadcast_in_dim3A_95, %div3A_96 : vector<768x1xf32>
      %mul3A = arith.mulf %get3A_93, %get3A_93 : vector<768x2048xf32>
      %reduce_sum3A_98 = arith.constant dense<0.000000e+00> : vector<768xf32>
      %reduce_sum3A_99 = vector.multi_reduction <add>, %mul3A, %reduce_sum3A_98 [1] : vector<768x2048xf32> to vector<768xf32>
      %broadcast_in_dim3A_100 = vector.shape_cast %reduce_sum3A_99 : vector<768xf32> to vector<768x1xf32>
      %div3A_101 = arith.constant 2.048000e+03 : f32
      %div3A_102 = vector.broadcast %div3A_101 : f32 to vector<768x1xf32>
      %div3A_103 = arith.divf %broadcast_in_dim3A_100, %div3A_102 : vector<768x1xf32>
      %mul3A_104 = arith.mulf %div3A_97, %div3A_97 : vector<768x1xf32>
      %sub3A_105 = arith.subf %div3A_103, %mul3A_104 : vector<768x1xf32>
      %add3A_106 = arith.constant 9.99999974E-6 : f32
      %add3A_107 = vector.broadcast %add3A_106 : f32 to vector<768x1xf32>
      %add3A_108 = arith.addf %sub3A_105, %add3A_107 : vector<768x1xf32>
      %rsqrt3A = math.rsqrt %add3A_108 : vector<768x1xf32>
      %get3A_109 = arith.constant 0 : index
      %get3A_110 = arith.constant 0 : index
      %get3A_111 = vector.load %arg2[%get3A_109, %get3A_110] : memref<768x1xf32, #tpu.memory_space<vmem>>, vector<768x1xf32>
      %mul3A_112 = arith.mulf %rsqrt3A, %get3A_111 : vector<768x1xf32>
      %get3A_113 = arith.constant 0 : index
      %get3A_114 = arith.constant 0 : index
      %get3A_115 = vector.load %arg3[%get3A_113, %get3A_114] : memref<768x1xf32, #tpu.memory_space<vmem>>, vector<768x1xf32>
      %mul3A_116 = arith.mulf %div3A_97, %mul3A_112 : vector<768x1xf32>
      %sub3A_117 = arith.subf %get3A_115, %mul3A_116 : vector<768x1xf32>
      %mul3A_118 = vector.broadcast %mul3A_112 : vector<768x1xf32> to vector<768x2048xf32>
      %mul3A_119 = arith.mulf %get3A_93, %mul3A_118 : vector<768x2048xf32>
      %add3A_120 = vector.broadcast %sub3A_117 : vector<768x1xf32> to vector<768x2048xf32>
      %add3A_121 = arith.addf %mul3A_119, %add3A_120 : vector<768x2048xf32>
      %gt3A = arith.constant 0.000000e+00 : f32
      %gt3A_122 = vector.broadcast %gt3A : f32 to vector<768x2048xf32>
      %gt3A_123 = arith.cmpf ogt, %add3A_121, %gt3A_122 : vector<768x2048xf32>
      %exp3A = math.exp %add3A_121 : vector<768x2048xf32>
      %sub3A_124 = arith.constant 1.000000e+00 : f32
      %sub3A_125 = vector.broadcast %sub3A_124 : f32 to vector<768x2048xf32>
      %sub3A_126 = arith.subf %exp3A, %sub3A_125 : vector<768x2048xf32>
      %select_n3A_127 = arith.select %gt3A_123, %add3A_121, %sub3A_126 : vector<768x2048xi1>, vector<768x2048xf32>
      %get3A_128 = arith.constant 0 : index
      %get3A_129 = arith.constant 0 : index
      %get3A_130 = vector.load %arg4[%get3A_128, %get3A_129] : memref<2048x32xf32, #tpu.memory_space<vmem>>, vector<2048x32xf32>
      %dot_general3A_131 = arith.constant dense<0.000000e+00> : vector<768x32xf32>
      %dot_general3A_132 = tpu.matmul %select_n3A_127, %get3A_130, %dot_general3A_131 {dimension_numbers = #tpu.dot_dimension_numbers<[1], [0], [0], [1], [0, 0, 1, 1], [], []>, transpose_lhs_hint = false} : vector<768x2048xf32>, vector<2048x32xf32>, vector<768x32xf32> -> vector<768x32xf32>
      %swap3A = arith.constant 1 : index
      %swap3A_133 = arith.constant 0 : index
      %swap3A_134 = arith.constant 0 : index
      %swap3A_135 = vector.load %arg6[%swap3A, %swap3A_133, %swap3A_134] : memref<3x768x32xf32, #tpu.memory_space<vmem>>, vector<1x768x32xf32>
      %swap3A_136 = vector.shape_cast %swap3A_135 : vector<1x768x32xf32> to vector<768x32xf32>
      %swap3A_137 = vector.shape_cast %dot_general3A_132 : vector<768x32xf32> to vector<1x768x32xf32>
      tpu.vector_store %arg6[%swap3A, %swap3A_133, %swap3A_134], %swap3A_137 {strides = array<i32>} : memref<3x768x32xf32, #tpu.memory_space<vmem>>, vector<1x768x32xf32>,
      %slice3A = vector.extract_strided_slice %dot_general3A_132 {offsets = [0, 0], sizes = [64, 32], strides = [1, 1]} : vector<768x32xf32> to vector<64x32xf32>
      %slice3A_138 = vector.extract_strided_slice %dot_general3A_132 {offsets = [64, 0], sizes = [64, 32], strides = [1, 1]} : vector<768x32xf32> to vector<64x32xf32>
      %add3A_139 = arith.addf %slice3A, %slice3A_138 : vector<64x32xf32>
      %slice3A_140 = vector.extract_strided_slice %dot_general3A_132 {offsets = [128, 0], sizes = [64, 32], strides = [1, 1]} : vector<768x32xf32> to vector<64x32xf32>
      %add3A_141 = arith.addf %add3A_139, %slice3A_140 : vector<64x32xf32>
      %mul3A_142 = arith.constant 0.333333343 : f32
      %mul3A_143 = vector.broadcast %mul3A_142 : f32 to vector<64x32xf32>
      %mul3A_144 = arith.mulf %add3A_141, %mul3A_143 : vector<64x32xf32>
      %swap3A_145 = arith.constant 1 : index
      %swap3A_146 = arith.constant 0 : index
      %swap3A_147 = arith.constant 0 : index
      %swap3A_148 = vector.load %arg7[%swap3A_145, %swap3A_146, %swap3A_147] : memref<3x256x32xf32, #tpu.memory_space<vmem>>, vector<1x64x32xf32>
      %swap3A_149 = vector.shape_cast %swap3A_148 : vector<1x64x32xf32> to vector<64x32xf32>
      %swap3A_150 = vector.shape_cast %mul3A_144 : vector<64x32xf32> to vector<1x64x32xf32>
      tpu.vector_store %arg7[%swap3A_145, %swap3A_146, %swap3A_147], %swap3A_150 {strides = array<i32>} : memref<3x256x32xf32, #tpu.memory_space<vmem>>, vector<1x64x32xf32>,
      %slice3A_151 = vector.extract_strided_slice %dot_general3A_132 {offsets = [192, 0], sizes = [64, 32], strides = [1, 1]} : vector<768x32xf32> to vector<64x32xf32>
      %slice3A_152 = vector.extract_strided_slice %dot_general3A_132 {offsets = [256, 0], sizes = [64, 32], strides = [1, 1]} : vector<768x32xf32> to vector<64x32xf32>
      %add3A_153 = arith.addf %slice3A_151, %slice3A_152 : vector<64x32xf32>
      %slice3A_154 = vector.extract_strided_slice %dot_general3A_132 {offsets = [320, 0], sizes = [64, 32], strides = [1, 1]} : vector<768x32xf32> to vector<64x32xf32>
      %add3A_155 = arith.addf %add3A_153, %slice3A_154 : vector<64x32xf32>
      %mul3A_156 = arith.constant 0.333333343 : f32
      %mul3A_157 = vector.broadcast %mul3A_156 : f32 to vector<64x32xf32>
      %mul3A_158 = arith.mulf %add3A_155, %mul3A_157 : vector<64x32xf32>
      %swap3A_159 = arith.constant 1 : index
      %swap3A_160 = arith.constant 64 : index
      %swap3A_161 = arith.constant 0 : index
      %swap3A_162 = vector.load %arg7[%swap3A_159, %swap3A_160, %swap3A_161] : memref<3x256x32xf32, #tpu.memory_space<vmem>>, vector<1x64x32xf32>
      %swap3A_163 = vector.shape_cast %swap3A_162 : vector<1x64x32xf32> to vector<64x32xf32>
      %swap3A_164 = vector.shape_cast %mul3A_158 : vector<64x32xf32> to vector<1x64x32xf32>
      tpu.vector_store %arg7[%swap3A_159, %swap3A_160, %swap3A_161], %swap3A_164 {strides = array<i32>} : memref<3x256x32xf32, #tpu.memory_space<vmem>>, vector<1x64x32xf32>,
      %slice3A_165 = vector.extract_strided_slice %dot_general3A_132 {offsets = [384, 0], sizes = [64, 32], strides = [1, 1]} : vector<768x32xf32> to vector<64x32xf32>
      %slice3A_166 = vector.extract_strided_slice %dot_general3A_132 {offsets = [448, 0], sizes = [64, 32], strides = [1, 1]} : vector<768x32xf32> to vector<64x32xf32>
      %add3A_167 = arith.addf %slice3A_165, %slice3A_166 : vector<64x32xf32>
      %slice3A_168 = vector.extract_strided_slice %dot_general3A_132 {offsets = [512, 0], sizes = [64, 32], strides = [1, 1]} : vector<768x32xf32> to vector<64x32xf32>
      %add3A_169 = arith.addf %add3A_167, %slice3A_168 : vector<64x32xf32>
      %mul3A_170 = arith.constant 0.333333343 : f32
      %mul3A_171 = vector.broadcast %mul3A_170 : f32 to vector<64x32xf32>
      %mul3A_172 = arith.mulf %add3A_169, %mul3A_171 : vector<64x32xf32>
      %swap3A_173 = arith.constant 1 : index
      %swap3A_174 = arith.constant 128 : index
      %swap3A_175 = arith.constant 0 : index
      %swap3A_176 = vector.load %arg7[%swap3A_173, %swap3A_174, %swap3A_175] : memref<3x256x32xf32, #tpu.memory_space<vmem>>, vector<1x64x32xf32>
      %swap3A_177 = vector.shape_cast %swap3A_176 : vector<1x64x32xf32> to vector<64x32xf32>
      %swap3A_178 = vector.shape_cast %mul3A_172 : vector<64x32xf32> to vector<1x64x32xf32>
      tpu.vector_store %arg7[%swap3A_173, %swap3A_174, %swap3A_175], %swap3A_178 {strides = array<i32>} : memref<3x256x32xf32, #tpu.memory_space<vmem>>, vector<1x64x32xf32>,
      %slice3A_179 = vector.extract_strided_slice %dot_general3A_132 {offsets = [576, 0], sizes = [64, 32], strides = [1, 1]} : vector<768x32xf32> to vector<64x32xf32>
      %slice3A_180 = vector.extract_strided_slice %dot_general3A_132 {offsets = [640, 0], sizes = [64, 32], strides = [1, 1]} : vector<768x32xf32> to vector<64x32xf32>
      %add3A_181 = arith.addf %slice3A_179, %slice3A_180 : vector<64x32xf32>
      %slice3A_182 = vector.extract_strided_slice %dot_general3A_132 {offsets = [704, 0], sizes = [64, 32], strides = [1, 1]} : vector<768x32xf32> to vector<64x32xf32>
      %add3A_183 = arith.addf %add3A_181, %slice3A_182 : vector<64x32xf32>
      %mul3A_184 = arith.constant 0.333333343 : f32
      %mul3A_185 = vector.broadcast %mul3A_184 : f32 to vector<64x32xf32>
      %mul3A_186 = arith.mulf %add3A_183, %mul3A_185 : vector<64x32xf32>
      %swap3A_187 = arith.constant 1 : index
      %swap3A_188 = arith.constant 192 : index
      %swap3A_189 = arith.constant 0 : index
      %swap3A_190 = vector.load %arg7[%swap3A_187, %swap3A_188, %swap3A_189] : memref<3x256x32xf32, #tpu.memory_space<vmem>>, vector<1x64x32xf32>
      %swap3A_191 = vector.shape_cast %swap3A_190 : vector<1x64x32xf32> to vector<64x32xf32>
      %swap3A_192 = vector.shape_cast %mul3A_186 : vector<64x32xf32> to vector<1x64x32xf32>
      tpu.vector_store %arg7[%swap3A_187, %swap3A_188, %swap3A_189], %swap3A_192 {strides = array<i32>} : memref<3x256x32xf32, #tpu.memory_space<vmem>>, vector<1x64x32xf32>,
    } else {
    }
    %eq3A_81 = arith.constant 16 : i32
    %eq3A_82 = arith.cmpi eq, %arg0, %eq3A_81 : i32
    %convert_element_type3A_83 = arith.extui %eq3A_82 : i1 to i32
    %cond3A_84 = arith.constant 0 : i32
    %cond3A_85 = arith.cmpi ne, %convert_element_type3A_83, %cond3A_84 : i32
    scf.if %cond3A_85 {
      %get3A_91 = arith.constant 0 : index
      %get3A_92 = arith.constant 0 : index
      %get3A_93 = vector.load %arg9[%get3A_91, %get3A_92] : memref<768x2048xf32, #tpu.memory_space<vmem>>, vector<768x2048xf32>
      %reduce_sum3A = arith.constant dense<0.000000e+00> : vector<768xf32>
      %reduce_sum3A_94 = vector.multi_reduction <add>, %get3A_93, %reduce_sum3A [1] : vector<768x2048xf32> to vector<768xf32>
      %broadcast_in_dim3A_95 = vector.shape_cast %reduce_sum3A_94 : vector<768xf32> to vector<768x1xf32>
      %div3A = arith.constant 2.048000e+03 : f32
      %div3A_96 = vector.broadcast %div3A : f32 to vector<768x1xf32>
      %div3A_97 = arith.divf %broadcast_in_dim3A_95, %div3A_96 : vector<768x1xf32>
      %mul3A = arith.mulf %get3A_93, %get3A_93 : vector<768x2048xf32>
      %reduce_sum3A_98 = arith.constant dense<0.000000e+00> : vector<768xf32>
      %reduce_sum3A_99 = vector.multi_reduction <add>, %mul3A, %reduce_sum3A_98 [1] : vector<768x2048xf32> to vector<768xf32>
      %broadcast_in_dim3A_100 = vector.shape_cast %reduce_sum3A_99 : vector<768xf32> to vector<768x1xf32>
      %div3A_101 = arith.constant 2.048000e+03 : f32
      %div3A_102 = vector.broadcast %div3A_101 : f32 to vector<768x1xf32>
      %div3A_103 = arith.divf %broadcast_in_dim3A_100, %div3A_102 : vector<768x1xf32>
      %mul3A_104 = arith.mulf %div3A_97, %div3A_97 : vector<768x1xf32>
      %sub3A_105 = arith.subf %div3A_103, %mul3A_104 : vector<768x1xf32>
      %add3A_106 = arith.constant 9.99999974E-6 : f32
      %add3A_107 = vector.broadcast %add3A_106 : f32 to vector<768x1xf32>
      %add3A_108 = arith.addf %sub3A_105, %add3A_107 : vector<768x1xf32>
      %rsqrt3A = math.rsqrt %add3A_108 : vector<768x1xf32>
      %get3A_109 = arith.constant 0 : index
      %get3A_110 = arith.constant 0 : index
      %get3A_111 = vector.load %arg2[%get3A_109, %get3A_110] : memref<768x1xf32, #tpu.memory_space<vmem>>, vector<768x1xf32>
      %mul3A_112 = arith.mulf %rsqrt3A, %get3A_111 : vector<768x1xf32>
      %get3A_113 = arith.constant 0 : index
      %get3A_114 = arith.constant 0 : index
      %get3A_115 = vector.load %arg3[%get3A_113, %get3A_114] : memref<768x1xf32, #tpu.memory_space<vmem>>, vector<768x1xf32>
      %mul3A_116 = arith.mulf %div3A_97, %mul3A_112 : vector<768x1xf32>
      %sub3A_117 = arith.subf %get3A_115, %mul3A_116 : vector<768x1xf32>
      %mul3A_118 = vector.broadcast %mul3A_112 : vector<768x1xf32> to vector<768x2048xf32>
      %mul3A_119 = arith.mulf %get3A_93, %mul3A_118 : vector<768x2048xf32>
      %add3A_120 = vector.broadcast %sub3A_117 : vector<768x1xf32> to vector<768x2048xf32>
      %add3A_121 = arith.addf %mul3A_119, %add3A_120 : vector<768x2048xf32>
      %gt3A = arith.constant 0.000000e+00 : f32
      %gt3A_122 = vector.broadcast %gt3A : f32 to vector<768x2048xf32>
      %gt3A_123 = arith.cmpf ogt, %add3A_121, %gt3A_122 : vector<768x2048xf32>
      %exp3A = math.exp %add3A_121 : vector<768x2048xf32>
      %sub3A_124 = arith.constant 1.000000e+00 : f32
      %sub3A_125 = vector.broadcast %sub3A_124 : f32 to vector<768x2048xf32>
      %sub3A_126 = arith.subf %exp3A, %sub3A_125 : vector<768x2048xf32>
      %select_n3A_127 = arith.select %gt3A_123, %add3A_121, %sub3A_126 : vector<768x2048xi1>, vector<768x2048xf32>
      %swap3A = arith.constant 0 : index
      %swap3A_128 = arith.constant 0 : index
      %swap3A_129 = vector.load %arg8[%swap3A, %swap3A_128] : memref<768x2048xf32, #tpu.memory_space<vmem>>, vector<768x2048xf32>
      tpu.vector_store %arg8[%swap3A, %swap3A_128], %select_n3A_127 {strides = array<i32>} : memref<768x2048xf32, #tpu.memory_space<vmem>>, vector<768x2048xf32>,
    } else {
    }
    %eq3A_86 = arith.constant 25 : i32
    %eq3A_87 = arith.cmpi eq, %arg0, %eq3A_86 : i32
    %convert_element_type3A_88 = arith.extui %eq3A_87 : i1 to i32
    %cond3A_89 = arith.constant 0 : i32
    %cond3A_90 = arith.cmpi ne, %convert_element_type3A_88, %cond3A_89 : i32
    scf.if %cond3A_90 {
      %get3A_91 = arith.constant 0 : index
      %get3A_92 = arith.constant 0 : index
      %get3A_93 = vector.load %arg9[%get3A_91, %get3A_92] : memref<768x2048xf32, #tpu.memory_space<vmem>>, vector<768x2048xf32>
      %reduce_sum3A = arith.constant dense<0.000000e+00> : vector<768xf32>
      %reduce_sum3A_94 = vector.multi_reduction <add>, %get3A_93, %reduce_sum3A [1] : vector<768x2048xf32> to vector<768xf32>
      %broadcast_in_dim3A_95 = vector.shape_cast %reduce_sum3A_94 : vector<768xf32> to vector<768x1xf32>
      %div3A = arith.constant 2.048000e+03 : f32
      %div3A_96 = vector.broadcast %div3A : f32 to vector<768x1xf32>
      %div3A_97 = arith.divf %broadcast_in_dim3A_95, %div3A_96 : vector<768x1xf32>
      %mul3A = arith.mulf %get3A_93, %get3A_93 : vector<768x2048xf32>
      %reduce_sum3A_98 = arith.constant dense<0.000000e+00> : vector<768xf32>
      %reduce_sum3A_99 = vector.multi_reduction <add>, %mul3A, %reduce_sum3A_98 [1] : vector<768x2048xf32> to vector<768xf32>
      %broadcast_in_dim3A_100 = vector.shape_cast %reduce_sum3A_99 : vector<768xf32> to vector<768x1xf32>
      %div3A_101 = arith.constant 2.048000e+03 : f32
      %div3A_102 = vector.broadcast %div3A_101 : f32 to vector<768x1xf32>
      %div3A_103 = arith.divf %broadcast_in_dim3A_100, %div3A_102 : vector<768x1xf32>
      %mul3A_104 = arith.mulf %div3A_97, %div3A_97 : vector<768x1xf32>
      %sub3A_105 = arith.subf %div3A_103, %mul3A_104 : vector<768x1xf32>
      %add3A_106 = arith.constant 9.99999974E-6 : f32
      %add3A_107 = vector.broadcast %add3A_106 : f32 to vector<768x1xf32>
      %add3A_108 = arith.addf %sub3A_105, %add3A_107 : vector<768x1xf32>
      %rsqrt3A = math.rsqrt %add3A_108 : vector<768x1xf32>
      %get3A_109 = arith.constant 0 : index
      %get3A_110 = arith.constant 0 : index
      %get3A_111 = vector.load %arg2[%get3A_109, %get3A_110] : memref<768x1xf32, #tpu.memory_space<vmem>>, vector<768x1xf32>
      %mul3A_112 = arith.mulf %rsqrt3A, %get3A_111 : vector<768x1xf32>
      %get3A_113 = arith.constant 0 : index
      %get3A_114 = arith.constant 0 : index
      %get3A_115 = vector.load %arg3[%get3A_113, %get3A_114] : memref<768x1xf32, #tpu.memory_space<vmem>>, vector<768x1xf32>
      %mul3A_116 = arith.mulf %div3A_97, %mul3A_112 : vector<768x1xf32>
      %sub3A_117 = arith.subf %get3A_115, %mul3A_116 : vector<768x1xf32>
      %mul3A_118 = vector.broadcast %mul3A_112 : vector<768x1xf32> to vector<768x2048xf32>
      %mul3A_119 = arith.mulf %get3A_93, %mul3A_118 : vector<768x2048xf32>
      %add3A_120 = vector.broadcast %sub3A_117 : vector<768x1xf32> to vector<768x2048xf32>
      %add3A_121 = arith.addf %mul3A_119, %add3A_120 : vector<768x2048xf32>
      %gt3A = arith.constant 0.000000e+00 : f32
      %gt3A_122 = vector.broadcast %gt3A : f32 to vector<768x2048xf32>
      %gt3A_123 = arith.cmpf ogt, %add3A_121, %gt3A_122 : vector<768x2048xf32>
      %exp3A = math.exp %add3A_121 : vector<768x2048xf32>
      %sub3A_124 = arith.constant 1.000000e+00 : f32
      %sub3A_125 = vector.broadcast %sub3A_124 : f32 to vector<768x2048xf32>
      %sub3A_126 = arith.subf %exp3A, %sub3A_125 : vector<768x2048xf32>
      %select_n3A_127 = arith.select %gt3A_123, %add3A_121, %sub3A_126 : vector<768x2048xi1>, vector<768x2048xf32>
      %get3A_128 = arith.constant 0 : index
      %get3A_129 = arith.constant 0 : index
      %get3A_130 = vector.load %arg4[%get3A_128, %get3A_129] : memref<2048x32xf32, #tpu.memory_space<vmem>>, vector<2048x32xf32>
      %dot_general3A_131 = arith.constant dense<0.000000e+00> : vector<768x32xf32>
      %dot_general3A_132 = tpu.matmul %select_n3A_127, %get3A_130, %dot_general3A_131 {dimension_numbers = #tpu.dot_dimension_numbers<[1], [0], [0], [1], [0, 0, 1, 1], [], []>, transpose_lhs_hint = false} : vector<768x2048xf32>, vector<2048x32xf32>, vector<768x32xf32> -> vector<768x32xf32>
      %swap3A = arith.constant 2 : index
      %swap3A_133 = arith.constant 0 : index
      %swap3A_134 = arith.constant 0 : index
      %swap3A_135 = vector.load %arg6[%swap3A, %swap3A_133, %swap3A_134] : memref<3x768x32xf32, #tpu.memory_space<vmem>>, vector<1x768x32xf32>
      %swap3A_136 = vector.shape_cast %swap3A_135 : vector<1x768x32xf32> to vector<768x32xf32>
      %swap3A_137 = vector.shape_cast %dot_general3A_132 : vector<768x32xf32> to vector<1x768x32xf32>
      tpu.vector_store %arg6[%swap3A, %swap3A_133, %swap3A_134], %swap3A_137 {strides = array<i32>} : memref<3x768x32xf32, #tpu.memory_space<vmem>>, vector<1x768x32xf32>,
      %slice3A = vector.extract_strided_slice %dot_general3A_132 {offsets = [0, 0], sizes = [64, 32], strides = [1, 1]} : vector<768x32xf32> to vector<64x32xf32>
      %slice3A_138 = vector.extract_strided_slice %dot_general3A_132 {offsets = [64, 0], sizes = [64, 32], strides = [1, 1]} : vector<768x32xf32> to vector<64x32xf32>
      %add3A_139 = arith.addf %slice3A, %slice3A_138 : vector<64x32xf32>
      %slice3A_140 = vector.extract_strided_slice %dot_general3A_132 {offsets = [128, 0], sizes = [64, 32], strides = [1, 1]} : vector<768x32xf32> to vector<64x32xf32>
      %add3A_141 = arith.addf %add3A_139, %slice3A_140 : vector<64x32xf32>
      %mul3A_142 = arith.constant 0.333333343 : f32
      %mul3A_143 = vector.broadcast %mul3A_142 : f32 to vector<64x32xf32>
      %mul3A_144 = arith.mulf %add3A_141, %mul3A_143 : vector<64x32xf32>
      %swap3A_145 = arith.constant 2 : index
      %swap3A_146 = arith.constant 0 : index
      %swap3A_147 = arith.constant 0 : index
      %swap3A_148 = vector.load %arg7[%swap3A_145, %swap3A_146, %swap3A_147] : memref<3x256x32xf32, #tpu.memory_space<vmem>>, vector<1x64x32xf32>
      %swap3A_149 = vector.shape_cast %swap3A_148 : vector<1x64x32xf32> to vector<64x32xf32>
      %swap3A_150 = vector.shape_cast %mul3A_144 : vector<64x32xf32> to vector<1x64x32xf32>
      tpu.vector_store %arg7[%swap3A_145, %swap3A_146, %swap3A_147], %swap3A_150 {strides = array<i32>} : memref<3x256x32xf32, #tpu.memory_space<vmem>>, vector<1x64x32xf32>,
      %slice3A_151 = vector.extract_strided_slice %dot_general3A_132 {offsets = [192, 0], sizes = [64, 32], strides = [1, 1]} : vector<768x32xf32> to vector<64x32xf32>
      %slice3A_152 = vector.extract_strided_slice %dot_general3A_132 {offsets = [256, 0], sizes = [64, 32], strides = [1, 1]} : vector<768x32xf32> to vector<64x32xf32>
      %add3A_153 = arith.addf %slice3A_151, %slice3A_152 : vector<64x32xf32>
      %slice3A_154 = vector.extract_strided_slice %dot_general3A_132 {offsets = [320, 0], sizes = [64, 32], strides = [1, 1]} : vector<768x32xf32> to vector<64x32xf32>
      %add3A_155 = arith.addf %add3A_153, %slice3A_154 : vector<64x32xf32>
      %mul3A_156 = arith.constant 0.333333343 : f32
      %mul3A_157 = vector.broadcast %mul3A_156 : f32 to vector<64x32xf32>
      %mul3A_158 = arith.mulf %add3A_155, %mul3A_157 : vector<64x32xf32>
      %swap3A_159 = arith.constant 2 : index
      %swap3A_160 = arith.constant 64 : index
      %swap3A_161 = arith.constant 0 : index
      %swap3A_162 = vector.load %arg7[%swap3A_159, %swap3A_160, %swap3A_161] : memref<3x256x32xf32, #tpu.memory_space<vmem>>, vector<1x64x32xf32>
      %swap3A_163 = vector.shape_cast %swap3A_162 : vector<1x64x32xf32> to vector<64x32xf32>
      %swap3A_164 = vector.shape_cast %mul3A_158 : vector<64x32xf32> to vector<1x64x32xf32>
      tpu.vector_store %arg7[%swap3A_159, %swap3A_160, %swap3A_161], %swap3A_164 {strides = array<i32>} : memref<3x256x32xf32, #tpu.memory_space<vmem>>, vector<1x64x32xf32>,
      %slice3A_165 = vector.extract_strided_slice %dot_general3A_132 {offsets = [384, 0], sizes = [64, 32], strides = [1, 1]} : vector<768x32xf32> to vector<64x32xf32>
      %slice3A_166 = vector.extract_strided_slice %dot_general3A_132 {offsets = [448, 0], sizes = [64, 32], strides = [1, 1]} : vector<768x32xf32> to vector<64x32xf32>
      %add3A_167 = arith.addf %slice3A_165, %slice3A_166 : vector<64x32xf32>
      %slice3A_168 = vector.extract_strided_slice %dot_general3A_132 {offsets = [512, 0], sizes = [64, 32], strides = [1, 1]} : vector<768x32xf32> to vector<64x32xf32>
      %add3A_169 = arith.addf %add3A_167, %slice3A_168 : vector<64x32xf32>
      %mul3A_170 = arith.constant 0.333333343 : f32
      %mul3A_171 = vector.broadcast %mul3A_170 : f32 to vector<64x32xf32>
      %mul3A_172 = arith.mulf %add3A_169, %mul3A_171 : vector<64x32xf32>
      %swap3A_173 = arith.constant 2 : index
      %swap3A_174 = arith.constant 128 : index
      %swap3A_175 = arith.constant 0 : index
      %swap3A_176 = vector.load %arg7[%swap3A_173, %swap3A_174, %swap3A_175] : memref<3x256x32xf32, #tpu.memory_space<vmem>>, vector<1x64x32xf32>
      %swap3A_177 = vector.shape_cast %swap3A_176 : vector<1x64x32xf32> to vector<64x32xf32>
      %swap3A_178 = vector.shape_cast %mul3A_172 : vector<64x32xf32> to vector<1x64x32xf32>
      tpu.vector_store %arg7[%swap3A_173, %swap3A_174, %swap3A_175], %swap3A_178 {strides = array<i32>} : memref<3x256x32xf32, #tpu.memory_space<vmem>>, vector<1x64x32xf32>,
      %slice3A_179 = vector.extract_strided_slice %dot_general3A_132 {offsets = [576, 0], sizes = [64, 32], strides = [1, 1]} : vector<768x32xf32> to vector<64x32xf32>
      %slice3A_180 = vector.extract_strided_slice %dot_general3A_132 {offsets = [640, 0], sizes = [64, 32], strides = [1, 1]} : vector<768x32xf32> to vector<64x32xf32>
      %add3A_181 = arith.addf %slice3A_179, %slice3A_180 : vector<64x32xf32>
      %slice3A_182 = vector.extract_strided_slice %dot_general3A_132 {offsets = [704, 0], sizes = [64, 32], strides = [1, 1]} : vector<768x32xf32> to vector<64x32xf32>
      %add3A_183 = arith.addf %add3A_181, %slice3A_182 : vector<64x32xf32>
      %mul3A_184 = arith.constant 0.333333343 : f32
      %mul3A_185 = vector.broadcast %mul3A_184 : f32 to vector<64x32xf32>
      %mul3A_186 = arith.mulf %add3A_183, %mul3A_185 : vector<64x32xf32>
      %swap3A_187 = arith.constant 2 : index
      %swap3A_188 = arith.constant 192 : index
      %swap3A_189 = arith.constant 0 : index
      %swap3A_190 = vector.load %arg7[%swap3A_187, %swap3A_188, %swap3A_189] : memref<3x256x32xf32, #tpu.memory_space<vmem>>, vector<1x64x32xf32>
      %swap3A_191 = vector.shape_cast %swap3A_190 : vector<1x64x32xf32> to vector<64x32xf32>
      %swap3A_192 = vector.shape_cast %mul3A_186 : vector<64x32xf32> to vector<1x64x32xf32>
      tpu.vector_store %arg7[%swap3A_187, %swap3A_188, %swap3A_189], %swap3A_192 {strides = array<i32>} : memref<3x256x32xf32, #tpu.memory_space<vmem>>, vector<1x64x32xf32>,
    } else {
    }
    return
  }
  func.func @transform_0(%arg0: i32) -> (i32, i32) {
    %c0_i32 = arith.constant 0 : i32
    %c0_i32_0 = arith.constant 0 : i32
    %c0_i32_1 = arith.constant 0 : i32
    return %c0_i32, %c0_i32_0 : i32, i32
  }
  func.func @transform_1(%arg0: i32) -> (i32, i32) {
    %c0_i32 = arith.constant 0 : i32
    %c0_i32_0 = arith.constant 0 : i32
    %c0_i32_1 = arith.constant 0 : i32
    return %c0_i32, %c0_i32_0 : i32, i32
  }
  func.func @transform_2(%arg0: i32) -> (i32, i32) {
    %c0_i32 = arith.constant 0 : i32
    %c0_i32_0 = arith.constant 0 : i32
    %c0_i32_1 = arith.constant 0 : i32
    return %c0_i32, %c0_i32_0 : i32, i32
  }
  func.func @transform_3(%arg0: i32) -> (i32, i32) {
    %c0_i32 = arith.constant 0 : i32
    %c0_i32_0 = arith.constant 0 : i32
    %c0_i32_1 = arith.constant 0 : i32
    return %c0_i32, %c0_i32_0 : i32, i32
  }
  func.func @transform_4(%arg0: i32) -> (i32, i32, i32) {
    %c0_i32 = arith.constant 0 : i32
    %c0_i32_0 = arith.constant 0 : i32
    %c0_i32_1 = arith.constant 0 : i32
    return %arg0, %c0_i32, %c0_i32_0 : i32, i32, i32
  }
  func.func @transform_5(%arg0: i32) -> (i32, i32, i32) {
    %c0_i32 = arith.constant 0 : i32
    %c0_i32_0 = arith.constant 0 : i32
    %c0_i32_1 = arith.constant 0 : i32
    %c0_i32_2 = arith.constant 0 : i32
    return %c0_i32, %c0_i32_0, %c0_i32_1 : i32, i32, i32
  }
  func.func @transform_6(%arg0: i32) -> (i32, i32, i32) {
    %c0_i32 = arith.constant 0 : i32
    %c0_i32_0 = arith.constant 0 : i32
    %c0_i32_1 = arith.constant 0 : i32
    %c0_i32_2 = arith.constant 0 : i32
    return %c0_i32, %c0_i32_0, %c0_i32_1 : i32, i32, i32
  }
}

module attributes {stable_mosaic.version = 14 : i64} {
  func.func @_conv_body(%arg0: i32, %arg1: memref<768x2048xf32, #tpu.memory_space<vmem>>, %arg2: memref<768x1xf32, #tpu.memory_space<vmem>>, %arg3: memref<768x1xf32, #tpu.memory_space<vmem>>, %arg4: memref<2048x32xf32, #tpu.memory_space<vmem>>, %arg5: memref<1x768x768xf32, #tpu.memory_space<vmem>>, %arg6: memref<3x768x32xf32, #tpu.memory_space<vmem>>, %arg7: memref<3x256x32xf32, #tpu.memory_space<vmem>>, %arg8: memref<768x2048xf32, #tpu.memory_space<vmem>>, %arg9: memref<768x2048xf32, #tpu.memory_space<vmem>>) attributes {dimension_semantics = [#tpu.dimension_semantics<arbitrary>], iteration_bounds = array<i64: 26>, scalar_prefetch = 0 : i64, scratch_operands = 2 : i64, tpu.core_type = #tpu.core_type<tc>, window_params = [{pipeline_mode = #tpu.pipeline_mode<synchronous>, transform_indices = @transform_0, window_bounds = array<i64: 768, 2048>}, {pipeline_mode = #tpu.pipeline_mode<synchronous>, transform_indices = @transform_1, window_bounds = array<i64: 768, 1>}, {pipeline_mode = #tpu.pipeline_mode<synchronous>, transform_indices = @transform_2, window_bounds = array<i64: 768, 1>}, {pipeline_mode = #tpu.pipeline_mode<synchronous>, transform_indices = @transform_3, window_bounds = array<i64: 2048, 32>}, {transform_indices = @transform_4, window_bounds = array<i64: 1, 768, 768>}, {pipeline_mode = #tpu.pipeline_mode<synchronous>, transform_indices = @transform_5, window_bounds = array<i64: 3, 768, 32>}, {pipeline_mode = #tpu.pipeline_mode<synchronous>, transform_indices = @transform_6, window_bounds = array<i64: 3, 256, 32>}]} {
    %eq3A = arith.constant 0 : i32
    %eq3A_0 = arith.cmpi eq, %arg0, %eq3A : i32
    %convert_element_type3A = arith.extui %eq3A_0 : i1 to i32
    %cond3A = arith.constant 0 : i32
    %cond3A_1 = arith.cmpi ne, %convert_element_type3A, %cond3A : i32
    scf.if %cond3A_1 {
      %get3A_91 = arith.constant 0 : index
      %get3A_92 = arith.constant 0 : index
      %get3A_93 = vector.load %arg1[%get3A_91, %get3A_92] : memref<768x2048xf32, #tpu.memory_space<vmem>>, vector<768x2048xf32>
      %swap3A = arith.constant 0 : index
      %swap3A_94 = arith.constant 0 : index
      %swap3A_95 = vector.load %arg8[%swap3A, %swap3A_94] : memref<768x2048xf32, #tpu.memory_space<vmem>>, vector<768x2048xf32>
      tpu.vector_store %arg8[%swap3A, %swap3A_94], %get3A_93 {strides = array<i32>} : memref<768x2048xf32, #tpu.memory_space<vmem>>, vector<768x2048xf32>,
    } else {
    }
    %lt3A = arith.constant 2 : i32
    %lt3A_2 = arith.cmpi slt, %arg0, %lt3A : i32
    %lt3A_3 = arith.constant 5 : i32
    %lt3A_4 = arith.cmpi slt, %arg0, %lt3A_3 : i32
    %sub3A = arith.constant 3 : i32
    %sub3A_5 = arith.subi %sub3A, %arg0 : i32
    %lt3A_6 = arith.constant 8 : i32
    %lt3A_7 = arith.cmpi slt, %arg0, %lt3A_6 : i32
    %sub3A_8 = arith.constant 6 : i32
    %sub3A_9 = arith.subi %sub3A_8, %arg0 : i32
    %lt3A_10 = arith.constant 17 : i32
    %lt3A_11 = arith.cmpi slt, %arg0, %lt3A_10 : i32
    %sub3A_12 = arith.constant 12 : i32
    %sub3A_13 = arith.subi %sub3A_12, %arg0 : i32
    %sub3A_14 = arith.constant 21 : i32
    %sub3A_15 = arith.subi %sub3A_14, %arg0 : i32
    %select_n3A = arith.select %lt3A_11, %sub3A_13, %sub3A_15 : i32
    %select_n3A_16 = arith.select %lt3A_7, %sub3A_9, %select_n3A : i32
    %select_n3A_17 = arith.select %lt3A_4, %sub3A_5, %select_n3A_16 : i32
    %jit3A = arith.constant 0 : i32
    %select_n3A_18 = arith.select %lt3A_2, %jit3A, %select_n3A_17 : i32
    %get3A = arith.constant 0 : index
    %get3A_19 = arith.constant 0 : index
    %get3A_20 = vector.load %arg8[%get3A, %get3A_19] : memref<768x2048xf32, #tpu.memory_space<vmem>>, vector<768x2048xf32>
    %lt3A_21 = arith.constant 0 : i32
    %lt3A_22 = arith.cmpi slt, %select_n3A_18, %lt3A_21 : i32
    %add3A = arith.constant 2048 : i32
    %add3A_23 = arith.addi %select_n3A_18, %add3A : i32
    %select_n3A_24 = arith.select %lt3A_22, %add3A_23, %select_n3A_18 : i32
    %roll3A = tpu.dynamic_rotate %get3A_20 by %select_n3A_24 dim 1 : vector<768x2048xf32>, i32 -> vector<768x2048xf32>
    %iota3A = tpu.iota {dimensions = array<i32: 1>} : vector<768x2048xi32>
    %ge3A = vector.broadcast %select_n3A_18 : i32 to vector<768x2048xi32>
    %ge3A_25 = arith.cmpi sge, %iota3A, %ge3A : vector<768x2048xi32>
    %add3A_26 = arith.constant 2048 : i32
    %add3A_27 = arith.addi %add3A_26, %select_n3A_18 : i32
    %lt3A_28 = vector.broadcast %add3A_27 : i32 to vector<768x2048xi32>
    %lt3A_29 = arith.cmpi slt, %iota3A, %lt3A_28 : vector<768x2048xi32>
    %and3A = arith.andi %ge3A_25, %lt3A_29 : vector<768x2048xi1>
    %jit3A_30 = arith.constant 0.000000e+00 : f32
    %broadcast_in_dim3A = vector.broadcast %jit3A_30 : f32 to vector<768x2048xf32>
    %select_n3A_31 = arith.select %and3A, %roll3A, %broadcast_in_dim3A : vector<768x2048xi1>, vector<768x2048xf32>
    %get3A_32 = arith.constant 0 : index
    %get3A_33 = arith.constant 0 : index
    %get3A_34 = arith.constant 0 : index
    %get3A_35 = vector.load %arg5[%get3A_32, %get3A_33, %get3A_34] : memref<1x768x768xf32, #tpu.memory_space<vmem>>, vector<1x768x768xf32>
    %get3A_36 = vector.shape_cast %get3A_35 : vector<1x768x768xf32> to vector<768x768xf32>
    %dot_general3A = arith.constant dense<0.000000e+00> : vector<768x2048xf32>
    %dot_general3A_37 = tpu.matmul %get3A_36, %select_n3A_31, %dot_general3A {dimension_numbers = #tpu.dot_dimension_numbers<[1], [0], [0], [1], [0, 0, 1, 1], [], []>, transpose_lhs_hint = false} : vector<768x768xf32>, vector<768x2048xf32>, vector<768x2048xf32> -> vector<768x2048xf32>
    %eq3A_38 = arith.constant 0 : i32
    %eq3A_39 = arith.cmpi eq, %arg0, %eq3A_38 : i32
    %eq3A_40 = arith.constant 1 : i32
    %eq3A_41 = arith.cmpi eq, %arg0, %eq3A_40 : i32
    %or3A = arith.ori %eq3A_39, %eq3A_41 : i1
    %eq3A_42 = arith.constant 2 : i32
    %eq3A_43 = arith.cmpi eq, %arg0, %eq3A_42 : i32
    %or3A_44 = arith.ori %or3A, %eq3A_43 : i1
    %eq3A_45 = arith.constant 5 : i32
    %eq3A_46 = arith.cmpi eq, %arg0, %eq3A_45 : i32
    %or3A_47 = arith.ori %or3A_44, %eq3A_46 : i1
    %eq3A_48 = arith.constant 8 : i32
    %eq3A_49 = arith.cmpi eq, %arg0, %eq3A_48 : i32
    %or3A_50 = arith.ori %or3A_47, %eq3A_49 : i1
    %eq3A_51 = arith.constant 17 : i32
    %eq3A_52 = arith.cmpi eq, %arg0, %eq3A_51 : i32
    %or3A_53 = arith.ori %or3A_50, %eq3A_52 : i1
    %convert_element_type3A_54 = arith.extui %or3A_53 : i1 to i32
    %cond3A_55 = arith.constant 0 : i32
    %cond3A_56 = arith.cmpi ne, %convert_element_type3A_54, %cond3A_55 : i32
    scf.if %cond3A_56 {
      %swap3A = arith.constant 0 : index
      %swap3A_91 = arith.constant 0 : index
      %swap3A_92 = vector.load %arg9[%swap3A, %swap3A_91] : memref<768x2048xf32, #tpu.memory_space<vmem>>, vector<768x2048xf32>
      tpu.vector_store %arg9[%swap3A, %swap3A_91], %dot_general3A_37 {strides = array<i32>} : memref<768x2048xf32, #tpu.memory_space<vmem>>, vector<768x2048xf32>,
    } else {
    }
    %not3A = arith.constant true
    %not3A_57 = arith.xori %or3A_53, %not3A : i1
    %convert_element_type3A_58 = arith.extui %not3A_57 : i1 to i32
    %cond3A_59 = arith.constant 0 : i32
    %cond3A_60 = arith.cmpi ne, %convert_element_type3A_58, %cond3A_59 : i32
    scf.if %cond3A_60 {
      %get3A_91 = arith.constant 0 : index
      %get3A_92 = arith.constant 0 : index
      %get3A_93 = vector.load %arg9[%get3A_91, %get3A_92] : memref<768x2048xf32, #tpu.memory_space<vmem>>, vector<768x2048xf32>
      %add3A_94 = arith.addf %get3A_93, %dot_general3A_37 : vector<768x2048xf32>
      %swap3A = arith.constant 0 : index
      %swap3A_95 = arith.constant 0 : index
      %swap3A_96 = vector.load %arg9[%swap3A, %swap3A_95] : memref<768x2048xf32, #tpu.memory_space<vmem>>, vector<768x2048xf32>
      tpu.vector_store %arg9[%swap3A, %swap3A_95], %add3A_94 {strides = array<i32>} : memref<768x2048xf32, #tpu.memory_space<vmem>>, vector<768x2048xf32>,
    } else {
    }
    %eq3A_61 = arith.constant 0 : i32
    %eq3A_62 = arith.cmpi eq, %arg0, %eq3A_61 : i32
    %convert_element_type3A_63 = arith.extui %eq3A_62 : i1 to i32
    %cond3A_64 = arith.constant 0 : i32
    %cond3A_65 = arith.cmpi ne, %convert_element_type3A_63, %cond3A_64 : i32
    scf.if %cond3A_65 {
      %get3A_91 = arith.constant 0 : index
      %get3A_92 = arith.constant 0 : index
      %get3A_93 = vector.load %arg9[%get3A_91, %get3A_92] : memref<768x2048xf32, #tpu.memory_space<vmem>>, vector<768x2048xf32>
      %reduce_sum3A = arith.constant dense<0.000000e+00> : vector<768xf32>
      %reduce_sum3A_94 = vector.multi_reduction <add>, %get3A_93, %reduce_sum3A [1] : vector<768x2048xf32> to vector<768xf32>
      %broadcast_in_dim3A_95 = vector.shape_cast %reduce_sum3A_94 : vector<768xf32> to vector<768x1xf32>
      %div3A = arith.constant 2.048000e+03 : f32
      %div3A_96 = vector.broadcast %div3A : f32 to vector<768x1xf32>
      %div3A_97 = arith.divf %broadcast_in_dim3A_95, %div3A_96 : vector<768x1xf32>
      %mul3A = arith.mulf %get3A_93, %get3A_93 : vector<768x2048xf32>
      %reduce_sum3A_98 = arith.constant dense<0.000000e+00> : vector<768xf32>
      %reduce_sum3A_99 = vector.multi_reduction <add>, %mul3A, %reduce_sum3A_98 [1] : vector<768x2048xf32> to vector<768xf32>
      %broadcast_in_dim3A_100 = vector.shape_cast %reduce_sum3A_99 : vector<768xf32> to vector<768x1xf32>
      %div3A_101 = arith.constant 2.048000e+03 : f32
      %div3A_102 = vector.broadcast %div3A_101 : f32 to vector<768x1xf32>
      %div3A_103 = arith.divf %broadcast_in_dim3A_100, %div3A_102 : vector<768x1xf32>
      %mul3A_104 = arith.mulf %div3A_97, %div3A_97 : vector<768x1xf32>
      %sub3A_105 = arith.subf %div3A_103, %mul3A_104 : vector<768x1xf32>
      %add3A_106 = arith.constant 9.99999974E-6 : f32
      %add3A_107 = vector.broadcast %add3A_106 : f32 to vector<768x1xf32>
      %add3A_108 = arith.addf %sub3A_105, %add3A_107 : vector<768x1xf32>
      %rsqrt3A = math.rsqrt %add3A_108 : vector<768x1xf32>
      %get3A_109 = arith.constant 0 : index
      %get3A_110 = arith.constant 0 : index
      %get3A_111 = vector.load %arg2[%get3A_109, %get3A_110] : memref<768x1xf32, #tpu.memory_space<vmem>>, vector<768x1xf32>
      %mul3A_112 = arith.mulf %rsqrt3A, %get3A_111 : vector<768x1xf32>
      %get3A_113 = arith.constant 0 : index
      %get3A_114 = arith.constant 0 : index
      %get3A_115 = vector.load %arg3[%get3A_113, %get3A_114] : memref<768x1xf32, #tpu.memory_space<vmem>>, vector<768x1xf32>
      %mul3A_116 = arith.mulf %div3A_97, %mul3A_112 : vector<768x1xf32>
      %sub3A_117 = arith.subf %get3A_115, %mul3A_116 : vector<768x1xf32>
      %mul3A_118 = vector.broadcast %mul3A_112 : vector<768x1xf32> to vector<768x2048xf32>
      %mul3A_119 = arith.mulf %get3A_93, %mul3A_118 : vector<768x2048xf32>
      %add3A_120 = vector.broadcast %sub3A_117 : vector<768x1xf32> to vector<768x2048xf32>
      %add3A_121 = arith.addf %mul3A_119, %add3A_120 : vector<768x2048xf32>
      %gt3A = arith.constant 0.000000e+00 : f32
      %gt3A_122 = vector.broadcast %gt3A : f32 to vector<768x2048xf32>
      %gt3A_123 = arith.cmpf ogt, %add3A_121, %gt3A_122 : vector<768x2048xf32>
      %exp3A = math.exp %add3A_121 : vector<768x2048xf32>
      %sub3A_124 = arith.constant 1.000000e+00 : f32
      %sub3A_125 = vector.broadcast %sub3A_124 : f32 to vector<768x2048xf32>
      %sub3A_126 = arith.subf %exp3A, %sub3A_125 : vector<768x2048xf32>
      %select_n3A_127 = arith.select %gt3A_123, %add3A_121, %sub3A_126 : vector<768x2048xi1>, vector<768x2048xf32>
      %swap3A = arith.constant 0 : index
      %swap3A_128 = arith.constant 0 : index
      %swap3A_129 = vector.load %arg8[%swap3A, %swap3A_128] : memref<768x2048xf32, #tpu.memory_space<vmem>>, vector<768x2048xf32>
      tpu.vector_store %arg8[%swap3A, %swap3A_128], %select_n3A_127 {strides = array<i32>} : memref<768x2048xf32, #tpu.memory_space<vmem>>, vector<768x2048xf32>,
    } else {
    }
    %eq3A_66 = arith.constant 1 : i32
    %eq3A_67 = arith.cmpi eq, %arg0, %eq3A_66 : i32
    %convert_element_type3A_68 = arith.extui %eq3A_67 : i1 to i32
    %cond3A_69 = arith.constant 0 : i32
    %cond3A_70 = arith.cmpi ne, %convert_element_type3A_68, %cond3A_69 : i32
    scf.if %cond3A_70 {
      %get3A_91 = arith.constant 0 : index
      %get3A_92 = arith.constant 0 : index
      %get3A_93 = vector.load %arg9[%get3A_91, %get3A_92] : memref<768x2048xf32, #tpu.memory_space<vmem>>, vector<768x2048xf32>
      %reduce_sum3A = arith.constant dense<0.000000e+00> : vector<768xf32>
      %reduce_sum3A_94 = vector.multi_reduction <add>, %get3A_93, %reduce_sum3A [1] : vector<768x2048xf32> to vector<768xf32>
      %broadcast_in_dim3A_95 = vector.shape_cast %reduce_sum3A_94 : vector<768xf32> to vector<768x1xf32>
      %div3A = arith.constant 2.048000e+03 : f32
      %div3A_96 = vector.broadcast %div3A : f32 to vector<768x1xf32>
      %div3A_97 = arith.divf %broadcast_in_dim3A_95, %div3A_96 : vector<768x1xf32>
      %mul3A = arith.mulf %get3A_93, %get3A_93 : vector<768x2048xf32>
      %reduce_sum3A_98 = arith.constant dense<0.000000e+00> : vector<768xf32>
      %reduce_sum3A_99 = vector.multi_reduction <add>, %mul3A, %reduce_sum3A_98 [1] : vector<768x2048xf32> to vector<768xf32>
      %broadcast_in_dim3A_100 = vector.shape_cast %reduce_sum3A_99 : vector<768xf32> to vector<768x1xf32>
      %div3A_101 = arith.constant 2.048000e+03 : f32
      %div3A_102 = vector.broadcast %div3A_101 : f32 to vector<768x1xf32>
      %div3A_103 = arith.divf %broadcast_in_dim3A_100, %div3A_102 : vector<768x1xf32>
      %mul3A_104 = arith.mulf %div3A_97, %div3A_97 : vector<768x1xf32>
      %sub3A_105 = arith.subf %div3A_103, %mul3A_104 : vector<768x1xf32>
      %add3A_106 = arith.constant 9.99999974E-6 : f32
      %add3A_107 = vector.broadcast %add3A_106 : f32 to vector<768x1xf32>
      %add3A_108 = arith.addf %sub3A_105, %add3A_107 : vector<768x1xf32>
      %rsqrt3A = math.rsqrt %add3A_108 : vector<768x1xf32>
      %get3A_109 = arith.constant 0 : index
      %get3A_110 = arith.constant 0 : index
      %get3A_111 = vector.load %arg2[%get3A_109, %get3A_110] : memref<768x1xf32, #tpu.memory_space<vmem>>, vector<768x1xf32>
      %mul3A_112 = arith.mulf %rsqrt3A, %get3A_111 : vector<768x1xf32>
      %get3A_113 = arith.constant 0 : index
      %get3A_114 = arith.constant 0 : index
      %get3A_115 = vector.load %arg3[%get3A_113, %get3A_114] : memref<768x1xf32, #tpu.memory_space<vmem>>, vector<768x1xf32>
      %mul3A_116 = arith.mulf %div3A_97, %mul3A_112 : vector<768x1xf32>
      %sub3A_117 = arith.subf %get3A_115, %mul3A_116 : vector<768x1xf32>
      %mul3A_118 = vector.broadcast %mul3A_112 : vector<768x1xf32> to vector<768x2048xf32>
      %mul3A_119 = arith.mulf %get3A_93, %mul3A_118 : vector<768x2048xf32>
      %add3A_120 = vector.broadcast %sub3A_117 : vector<768x1xf32> to vector<768x2048xf32>
      %add3A_121 = arith.addf %mul3A_119, %add3A_120 : vector<768x2048xf32>
      %gt3A = arith.constant 0.000000e+00 : f32
      %gt3A_122 = vector.broadcast %gt3A : f32 to vector<768x2048xf32>
      %gt3A_123 = arith.cmpf ogt, %add3A_121, %gt3A_122 : vector<768x2048xf32>
      %exp3A = math.exp %add3A_121 : vector<768x2048xf32>
      %sub3A_124 = arith.constant 1.000000e+00 : f32
      %sub3A_125 = vector.broadcast %sub3A_124 : f32 to vector<768x2048xf32>
      %sub3A_126 = arith.subf %exp3A, %sub3A_125 : vector<768x2048xf32>
      %select_n3A_127 = arith.select %gt3A_123, %add3A_121, %sub3A_126 : vector<768x2048xi1>, vector<768x2048xf32>
      %get3A_128 = arith.constant 0 : index
      %get3A_129 = arith.constant 0 : index
      %get3A_130 = vector.load %arg4[%get3A_128, %get3A_129] : memref<2048x32xf32, #tpu.memory_space<vmem>>, vector<2048x32xf32>
      %dot_general3A_131 = arith.constant dense<0.000000e+00> : vector<768x32xf32>
      %dot_general3A_132 = tpu.matmul %select_n3A_127, %get3A_130, %dot_general3A_131 {dimension_numbers = #tpu.dot_dimension_numbers<[1], [0], [0], [1], [0, 0, 1, 1], [], []>, transpose_lhs_hint = false} : vector<768x2048xf32>, vector<2048x32xf32>, vector<768x32xf32> -> vector<768x32xf32>
      %swap3A = arith.constant 0 : index
      %swap3A_133 = arith.constant 0 : index
      %swap3A_134 = arith.constant 0 : index
      %swap3A_135 = vector.load %arg6[%swap3A, %swap3A_133, %swap3A_134] : memref<3x768x32xf32, #tpu.memory_space<vmem>>, vector<1x768x32xf32>
      %swap3A_136 = vector.shape_cast %swap3A_135 : vector<1x768x32xf32> to vector<768x32xf32>
      %swap3A_137 = vector.shape_cast %dot_general3A_132 : vector<768x32xf32> to vector<1x768x32xf32>
      tpu.vector_store %arg6[%swap3A, %swap3A_133, %swap3A_134], %swap3A_137 {strides = array<i32>} : memref<3x768x32xf32, #tpu.memory_space<vmem>>, vector<1x768x32xf32>,
      %slice3A = vector.extract_strided_slice %dot_general3A_132 {offsets = [0, 0], sizes = [64, 32], strides = [1, 1]} : vector<768x32xf32> to vector<64x32xf32>
      %slice3A_138 = vector.extract_strided_slice %dot_general3A_132 {offsets = [64, 0], sizes = [64, 32], strides = [1, 1]} : vector<768x32xf32> to vector<64x32xf32>
      %add3A_139 = arith.addf %slice3A, %slice3A_138 : vector<64x32xf32>
      %slice3A_140 = vector.extract_strided_slice %dot_general3A_132 {offsets = [128, 0], sizes = [64, 32], strides = [1, 1]} : vector<768x32xf32> to vector<64x32xf32>
      %add3A_141 = arith.addf %add3A_139, %slice3A_140 : vector<64x32xf32>
      %mul3A_142 = arith.constant 0.333333343 : f32
      %mul3A_143 = vector.broadcast %mul3A_142 : f32 to vector<64x32xf32>
      %mul3A_144 = arith.mulf %add3A_141, %mul3A_143 : vector<64x32xf32>
      %swap3A_145 = arith.constant 0 : index
      %swap3A_146 = arith.constant 0 : index
      %swap3A_147 = arith.constant 0 : index
      %swap3A_148 = vector.load %arg7[%swap3A_145, %swap3A_146, %swap3A_147] : memref<3x256x32xf32, #tpu.memory_space<vmem>>, vector<1x64x32xf32>
      %swap3A_149 = vector.shape_cast %swap3A_148 : vector<1x64x32xf32> to vector<64x32xf32>
      %swap3A_150 = vector.shape_cast %mul3A_144 : vector<64x32xf32> to vector<1x64x32xf32>
      tpu.vector_store %arg7[%swap3A_145, %swap3A_146, %swap3A_147], %swap3A_150 {strides = array<i32>} : memref<3x256x32xf32, #tpu.memory_space<vmem>>, vector<1x64x32xf32>,
      %slice3A_151 = vector.extract_strided_slice %dot_general3A_132 {offsets = [192, 0], sizes = [64, 32], strides = [1, 1]} : vector<768x32xf32> to vector<64x32xf32>
      %slice3A_152 = vector.extract_strided_slice %dot_general3A_132 {offsets = [256, 0], sizes = [64, 32], strides = [1, 1]} : vector<768x32xf32> to vector<64x32xf32>
      %add3A_153 = arith.addf %slice3A_151, %slice3A_152 : vector<64x32xf32>
      %slice3A_154 = vector.extract_strided_slice %dot_general3A_132 {offsets = [320, 0], sizes = [64, 32], strides = [1, 1]} : vector<768x32xf32> to vector<64x32xf32>
      %add3A_155 = arith.addf %add3A_153, %slice3A_154 : vector<64x32xf32>
      %mul3A_156 = arith.constant 0.333333343 : f32
      %mul3A_157 = vector.broadcast %mul3A_156 : f32 to vector<64x32xf32>
      %mul3A_158 = arith.mulf %add3A_155, %mul3A_157 : vector<64x32xf32>
      %swap3A_159 = arith.constant 0 : index
      %swap3A_160 = arith.constant 64 : index
      %swap3A_161 = arith.constant 0 : index
      %swap3A_162 = vector.load %arg7[%swap3A_159, %swap3A_160, %swap3A_161] : memref<3x256x32xf32, #tpu.memory_space<vmem>>, vector<1x64x32xf32>
      %swap3A_163 = vector.shape_cast %swap3A_162 : vector<1x64x32xf32> to vector<64x32xf32>
      %swap3A_164 = vector.shape_cast %mul3A_158 : vector<64x32xf32> to vector<1x64x32xf32>
      tpu.vector_store %arg7[%swap3A_159, %swap3A_160, %swap3A_161], %swap3A_164 {strides = array<i32>} : memref<3x256x32xf32, #tpu.memory_space<vmem>>, vector<1x64x32xf32>,
      %slice3A_165 = vector.extract_strided_slice %dot_general3A_132 {offsets = [384, 0], sizes = [64, 32], strides = [1, 1]} : vector<768x32xf32> to vector<64x32xf32>
      %slice3A_166 = vector.extract_strided_slice %dot_general3A_132 {offsets = [448, 0], sizes = [64, 32], strides = [1, 1]} : vector<768x32xf32> to vector<64x32xf32>
      %add3A_167 = arith.addf %slice3A_165, %slice3A_166 : vector<64x32xf32>
      %slice3A_168 = vector.extract_strided_slice %dot_general3A_132 {offsets = [512, 0], sizes = [64, 32], strides = [1, 1]} : vector<768x32xf32> to vector<64x32xf32>
      %add3A_169 = arith.addf %add3A_167, %slice3A_168 : vector<64x32xf32>
      %mul3A_170 = arith.constant 0.333333343 : f32
      %mul3A_171 = vector.broadcast %mul3A_170 : f32 to vector<64x32xf32>
      %mul3A_172 = arith.mulf %add3A_169, %mul3A_171 : vector<64x32xf32>
      %swap3A_173 = arith.constant 0 : index
      %swap3A_174 = arith.constant 128 : index
      %swap3A_175 = arith.constant 0 : index
      %swap3A_176 = vector.load %arg7[%swap3A_173, %swap3A_174, %swap3A_175] : memref<3x256x32xf32, #tpu.memory_space<vmem>>, vector<1x64x32xf32>
      %swap3A_177 = vector.shape_cast %swap3A_176 : vector<1x64x32xf32> to vector<64x32xf32>
      %swap3A_178 = vector.shape_cast %mul3A_172 : vector<64x32xf32> to vector<1x64x32xf32>
      tpu.vector_store %arg7[%swap3A_173, %swap3A_174, %swap3A_175], %swap3A_178 {strides = array<i32>} : memref<3x256x32xf32, #tpu.memory_space<vmem>>, vector<1x64x32xf32>,
      %slice3A_179 = vector.extract_strided_slice %dot_general3A_132 {offsets = [576, 0], sizes = [64, 32], strides = [1, 1]} : vector<768x32xf32> to vector<64x32xf32>
      %slice3A_180 = vector.extract_strided_slice %dot_general3A_132 {offsets = [640, 0], sizes = [64, 32], strides = [1, 1]} : vector<768x32xf32> to vector<64x32xf32>
      %add3A_181 = arith.addf %slice3A_179, %slice3A_180 : vector<64x32xf32>
      %slice3A_182 = vector.extract_strided_slice %dot_general3A_132 {offsets = [704, 0], sizes = [64, 32], strides = [1, 1]} : vector<768x32xf32> to vector<64x32xf32>
      %add3A_183 = arith.addf %add3A_181, %slice3A_182 : vector<64x32xf32>
      %mul3A_184 = arith.constant 0.333333343 : f32
      %mul3A_185 = vector.broadcast %mul3A_184 : f32 to vector<64x32xf32>
      %mul3A_186 = arith.mulf %add3A_183, %mul3A_185 : vector<64x32xf32>
      %swap3A_187 = arith.constant 0 : index
      %swap3A_188 = arith.constant 192 : index
      %swap3A_189 = arith.constant 0 : index
      %swap3A_190 = vector.load %arg7[%swap3A_187, %swap3A_188, %swap3A_189] : memref<3x256x32xf32, #tpu.memory_space<vmem>>, vector<1x64x32xf32>
      %swap3A_191 = vector.shape_cast %swap3A_190 : vector<1x64x32xf32> to vector<64x32xf32>
      %swap3A_192 = vector.shape_cast %mul3A_186 : vector<64x32xf32> to vector<1x64x32xf32>
      tpu.vector_store %arg7[%swap3A_187, %swap3A_188, %swap3A_189], %swap3A_192 {strides = array<i32>} : memref<3x256x32xf32, #tpu.memory_space<vmem>>, vector<1x64x32xf32>,
    } else {
    }
    %eq3A_71 = arith.constant 4 : i32
    %eq3A_72 = arith.cmpi eq, %arg0, %eq3A_71 : i32
    %convert_element_type3A_73 = arith.extui %eq3A_72 : i1 to i32
    %cond3A_74 = arith.constant 0 : i32
    %cond3A_75 = arith.cmpi ne, %convert_element_type3A_73, %cond3A_74 : i32
    scf.if %cond3A_75 {
      %get3A_91 = arith.constant 0 : index
      %get3A_92 = arith.constant 0 : index
      %get3A_93 = vector.load %arg9[%get3A_91, %get3A_92] : memref<768x2048xf32, #tpu.memory_space<vmem>>, vector<768x2048xf32>
      %reduce_sum3A = arith.constant dense<0.000000e+00> : vector<768xf32>
      %reduce_sum3A_94 = vector.multi_reduction <add>, %get3A_93, %reduce_sum3A [1] : vector<768x2048xf32> to vector<768xf32>
      %broadcast_in_dim3A_95 = vector.shape_cast %reduce_sum3A_94 : vector<768xf32> to vector<768x1xf32>
      %div3A = arith.constant 2.048000e+03 : f32
      %div3A_96 = vector.broadcast %div3A : f32 to vector<768x1xf32>
      %div3A_97 = arith.divf %broadcast_in_dim3A_95, %div3A_96 : vector<768x1xf32>
      %mul3A = arith.mulf %get3A_93, %get3A_93 : vector<768x2048xf32>
      %reduce_sum3A_98 = arith.constant dense<0.000000e+00> : vector<768xf32>
      %reduce_sum3A_99 = vector.multi_reduction <add>, %mul3A, %reduce_sum3A_98 [1] : vector<768x2048xf32> to vector<768xf32>
      %broadcast_in_dim3A_100 = vector.shape_cast %reduce_sum3A_99 : vector<768xf32> to vector<768x1xf32>
      %div3A_101 = arith.constant 2.048000e+03 : f32
      %div3A_102 = vector.broadcast %div3A_101 : f32 to vector<768x1xf32>
      %div3A_103 = arith.divf %broadcast_in_dim3A_100, %div3A_102 : vector<768x1xf32>
      %mul3A_104 = arith.mulf %div3A_97, %div3A_97 : vector<768x1xf32>
      %sub3A_105 = arith.subf %div3A_103, %mul3A_104 : vector<768x1xf32>
      %add3A_106 = arith.constant 9.99999974E-6 : f32
      %add3A_107 = vector.broadcast %add3A_106 : f32 to vector<768x1xf32>
      %add3A_108 = arith.addf %sub3A_105, %add3A_107 : vector<768x1xf32>
      %rsqrt3A = math.rsqrt %add3A_108 : vector<768x1xf32>
      %get3A_109 = arith.constant 0 : index
      %get3A_110 = arith.constant 0 : index
      %get3A_111 = vector.load %arg2[%get3A_109, %get3A_110] : memref<768x1xf32, #tpu.memory_space<vmem>>, vector<768x1xf32>
      %mul3A_112 = arith.mulf %rsqrt3A, %get3A_111 : vector<768x1xf32>
      %get3A_113 = arith.constant 0 : index
      %get3A_114 = arith.constant 0 : index
      %get3A_115 = vector.load %arg3[%get3A_113, %get3A_114] : memref<768x1xf32, #tpu.memory_space<vmem>>, vector<768x1xf32>
      %mul3A_116 = arith.mulf %div3A_97, %mul3A_112 : vector<768x1xf32>
      %sub3A_117 = arith.subf %get3A_115, %mul3A_116 : vector<768x1xf32>
      %mul3A_118 = vector.broadcast %mul3A_112 : vector<768x1xf32> to vector<768x2048xf32>
      %mul3A_119 = arith.mulf %get3A_93, %mul3A_118 : vector<768x2048xf32>
      %add3A_120 = vector.broadcast %sub3A_117 : vector<768x1xf32> to vector<768x2048xf32>
      %add3A_121 = arith.addf %mul3A_119, %add3A_120 : vector<768x2048xf32>
      %gt3A = arith.constant 0.000000e+00 : f32
      %gt3A_122 = vector.broadcast %gt3A : f32 to vector<768x2048xf32>
      %gt3A_123 = arith.cmpf ogt, %add3A_121, %gt3A_122 : vector<768x2048xf32>
      %exp3A = math.exp %add3A_121 : vector<768x2048xf32>
      %sub3A_124 = arith.constant 1.000000e+00 : f32
      %sub3A_125 = vector.broadcast %sub3A_124 : f32 to vector<768x2048xf32>
      %sub3A_126 = arith.subf %exp3A, %sub3A_125 : vector<768x2048xf32>
      %select_n3A_127 = arith.select %gt3A_123, %add3A_121, %sub3A_126 : vector<768x2048xi1>, vector<768x2048xf32>
      %swap3A = arith.constant 0 : index
      %swap3A_128 = arith.constant 0 : index
      %swap3A_129 = vector.load %arg8[%swap3A, %swap3A_128] : memref<768x2048xf32, #tpu.memory_space<vmem>>, vector<768x2048xf32>
      tpu.vector_store %arg8[%swap3A, %swap3A_128], %select_n3A_127 {strides = array<i32>} : memref<768x2048xf32, #tpu.memory_space<vmem>>, vector<768x2048xf32>,
    } else {
    }
    %eq3A_76 = arith.constant 7 : i32
    %eq3A_77 = arith.cmpi eq, %arg0, %eq3A_76 : i32
    %convert_element_type3A_78 = arith.extui %eq3A_77 : i1 to i32
    %cond3A_79 = arith.constant 0 : i32
    %cond3A_80 = arith.cmpi ne, %convert_element_type3A_78, %cond3A_79 : i32
    scf.if %cond3A_80 {
      %get3A_91 = arith.constant 0 : index
      %get3A_92 = arith.constant 0 : index
      %get3A_93 = vector.load %arg9[%get3A_91, %get3A_92] : memref<768x2048xf32, #tpu.memory_space<vmem>>, vector<768x2048xf32>
      %reduce_sum3A = arith.constant dense<0.000000e+00> : vector<768xf32>
      %reduce_sum3A_94 = vector.multi_reduction <add>, %get3A_93, %reduce_sum3A [1] : vector<768x2048xf32> to vector<768xf32>
      %broadcast_in_dim3A_95 = vector.shape_cast %reduce_sum3A_94 : vector<768xf32> to vector<768x1xf32>
      %div3A = arith.constant 2.048000e+03 : f32
      %div3A_96 = vector.broadcast %div3A : f32 to vector<768x1xf32>
      %div3A_97 = arith.divf %broadcast_in_dim3A_95, %div3A_96 : vector<768x1xf32>
      %mul3A = arith.mulf %get3A_93, %get3A_93 : vector<768x2048xf32>
      %reduce_sum3A_98 = arith.constant dense<0.000000e+00> : vector<768xf32>
      %reduce_sum3A_99 = vector.multi_reduction <add>, %mul3A, %reduce_sum3A_98 [1] : vector<768x2048xf32> to vector<768xf32>
      %broadcast_in_dim3A_100 = vector.shape_cast %reduce_sum3A_99 : vector<768xf32> to vector<768x1xf32>
      %div3A_101 = arith.constant 2.048000e+03 : f32
      %div3A_102 = vector.broadcast %div3A_101 : f32 to vector<768x1xf32>
      %div3A_103 = arith.divf %broadcast_in_dim3A_100, %div3A_102 : vector<768x1xf32>
      %mul3A_104 = arith.mulf %div3A_97, %div3A_97 : vector<768x1xf32>
      %sub3A_105 = arith.subf %div3A_103, %mul3A_104 : vector<768x1xf32>
      %add3A_106 = arith.constant 9.99999974E-6 : f32
      %add3A_107 = vector.broadcast %add3A_106 : f32 to vector<768x1xf32>
      %add3A_108 = arith.addf %sub3A_105, %add3A_107 : vector<768x1xf32>
      %rsqrt3A = math.rsqrt %add3A_108 : vector<768x1xf32>
      %get3A_109 = arith.constant 0 : index
      %get3A_110 = arith.constant 0 : index
      %get3A_111 = vector.load %arg2[%get3A_109, %get3A_110] : memref<768x1xf32, #tpu.memory_space<vmem>>, vector<768x1xf32>
      %mul3A_112 = arith.mulf %rsqrt3A, %get3A_111 : vector<768x1xf32>
      %get3A_113 = arith.constant 0 : index
      %get3A_114 = arith.constant 0 : index
      %get3A_115 = vector.load %arg3[%get3A_113, %get3A_114] : memref<768x1xf32, #tpu.memory_space<vmem>>, vector<768x1xf32>
      %mul3A_116 = arith.mulf %div3A_97, %mul3A_112 : vector<768x1xf32>
      %sub3A_117 = arith.subf %get3A_115, %mul3A_116 : vector<768x1xf32>
      %mul3A_118 = vector.broadcast %mul3A_112 : vector<768x1xf32> to vector<768x2048xf32>
      %mul3A_119 = arith.mulf %get3A_93, %mul3A_118 : vector<768x2048xf32>
      %add3A_120 = vector.broadcast %sub3A_117 : vector<768x1xf32> to vector<768x2048xf32>
      %add3A_121 = arith.addf %mul3A_119, %add3A_120 : vector<768x2048xf32>
      %gt3A = arith.constant 0.000000e+00 : f32
      %gt3A_122 = vector.broadcast %gt3A : f32 to vector<768x2048xf32>
      %gt3A_123 = arith.cmpf ogt, %add3A_121, %gt3A_122 : vector<768x2048xf32>
      %exp3A = math.exp %add3A_121 : vector<768x2048xf32>
      %sub3A_124 = arith.constant 1.000000e+00 : f32
      %sub3A_125 = vector.broadcast %sub3A_124 : f32 to vector<768x2048xf32>
      %sub3A_126 = arith.subf %exp3A, %sub3A_125 : vector<768x2048xf32>
      %select_n3A_127 = arith.select %gt3A_123, %add3A_121, %sub3A_126 : vector<768x2048xi1>, vector<768x2048xf32>
      %get3A_128 = arith.constant 0 : index
      %get3A_129 = arith.constant 0 : index
      %get3A_130 = vector.load %arg4[%get3A_128, %get3A_129] : memref<2048x32xf32, #tpu.memory_space<vmem>>, vector<2048x32xf32>
      %dot_general3A_131 = arith.constant dense<0.000000e+00> : vector<768x32xf32>
      %dot_general3A_132 = tpu.matmul %select_n3A_127, %get3A_130, %dot_general3A_131 {dimension_numbers = #tpu.dot_dimension_numbers<[1], [0], [0], [1], [0, 0, 1, 1], [], []>, transpose_lhs_hint = false} : vector<768x2048xf32>, vector<2048x32xf32>, vector<768x32xf32> -> vector<768x32xf32>
      %swap3A = arith.constant 1 : index
      %swap3A_133 = arith.constant 0 : index
      %swap3A_134 = arith.constant 0 : index
      %swap3A_135 = vector.load %arg6[%swap3A, %swap3A_133, %swap3A_134] : memref<3x768x32xf32, #tpu.memory_space<vmem>>, vector<1x768x32xf32>
      %swap3A_136 = vector.shape_cast %swap3A_135 : vector<1x768x32xf32> to vector<768x32xf32>
      %swap3A_137 = vector.shape_cast %dot_general3A_132 : vector<768x32xf32> to vector<1x768x32xf32>
      tpu.vector_store %arg6[%swap3A, %swap3A_133, %swap3A_134], %swap3A_137 {strides = array<i32>} : memref<3x768x32xf32, #tpu.memory_space<vmem>>, vector<1x768x32xf32>,
      %slice3A = vector.extract_strided_slice %dot_general3A_132 {offsets = [0, 0], sizes = [64, 32], strides = [1, 1]} : vector<768x32xf32> to vector<64x32xf32>
      %slice3A_138 = vector.extract_strided_slice %dot_general3A_132 {offsets = [64, 0], sizes = [64, 32], strides = [1, 1]} : vector<768x32xf32> to vector<64x32xf32>
      %add3A_139 = arith.addf %slice3A, %slice3A_138 : vector<64x32xf32>
      %slice3A_140 = vector.extract_strided_slice %dot_general3A_132 {offsets = [128, 0], sizes = [64, 32], strides = [1, 1]} : vector<768x32xf32> to vector<64x32xf32>
      %add3A_141 = arith.addf %add3A_139, %slice3A_140 : vector<64x32xf32>
      %mul3A_142 = arith.constant 0.333333343 : f32
      %mul3A_143 = vector.broadcast %mul3A_142 : f32 to vector<64x32xf32>
      %mul3A_144 = arith.mulf %add3A_141, %mul3A_143 : vector<64x32xf32>
      %swap3A_145 = arith.constant 1 : index
      %swap3A_146 = arith.constant 0 : index
      %swap3A_147 = arith.constant 0 : index
      %swap3A_148 = vector.load %arg7[%swap3A_145, %swap3A_146, %swap3A_147] : memref<3x256x32xf32, #tpu.memory_space<vmem>>, vector<1x64x32xf32>
      %swap3A_149 = vector.shape_cast %swap3A_148 : vector<1x64x32xf32> to vector<64x32xf32>
      %swap3A_150 = vector.shape_cast %mul3A_144 : vector<64x32xf32> to vector<1x64x32xf32>
      tpu.vector_store %arg7[%swap3A_145, %swap3A_146, %swap3A_147], %swap3A_150 {strides = array<i32>} : memref<3x256x32xf32, #tpu.memory_space<vmem>>, vector<1x64x32xf32>,
      %slice3A_151 = vector.extract_strided_slice %dot_general3A_132 {offsets = [192, 0], sizes = [64, 32], strides = [1, 1]} : vector<768x32xf32> to vector<64x32xf32>
      %slice3A_152 = vector.extract_strided_slice %dot_general3A_132 {offsets = [256, 0], sizes = [64, 32], strides = [1, 1]} : vector<768x32xf32> to vector<64x32xf32>
      %add3A_153 = arith.addf %slice3A_151, %slice3A_152 : vector<64x32xf32>
      %slice3A_154 = vector.extract_strided_slice %dot_general3A_132 {offsets = [320, 0], sizes = [64, 32], strides = [1, 1]} : vector<768x32xf32> to vector<64x32xf32>
      %add3A_155 = arith.addf %add3A_153, %slice3A_154 : vector<64x32xf32>
      %mul3A_156 = arith.constant 0.333333343 : f32
      %mul3A_157 = vector.broadcast %mul3A_156 : f32 to vector<64x32xf32>
      %mul3A_158 = arith.mulf %add3A_155, %mul3A_157 : vector<64x32xf32>
      %swap3A_159 = arith.constant 1 : index
      %swap3A_160 = arith.constant 64 : index
      %swap3A_161 = arith.constant 0 : index
      %swap3A_162 = vector.load %arg7[%swap3A_159, %swap3A_160, %swap3A_161] : memref<3x256x32xf32, #tpu.memory_space<vmem>>, vector<1x64x32xf32>
      %swap3A_163 = vector.shape_cast %swap3A_162 : vector<1x64x32xf32> to vector<64x32xf32>
      %swap3A_164 = vector.shape_cast %mul3A_158 : vector<64x32xf32> to vector<1x64x32xf32>
      tpu.vector_store %arg7[%swap3A_159, %swap3A_160, %swap3A_161], %swap3A_164 {strides = array<i32>} : memref<3x256x32xf32, #tpu.memory_space<vmem>>, vector<1x64x32xf32>,
      %slice3A_165 = vector.extract_strided_slice %dot_general3A_132 {offsets = [384, 0], sizes = [64, 32], strides = [1, 1]} : vector<768x32xf32> to vector<64x32xf32>
      %slice3A_166 = vector.extract_strided_slice %dot_general3A_132 {offsets = [448, 0], sizes = [64, 32], strides = [1, 1]} : vector<768x32xf32> to vector<64x32xf32>
      %add3A_167 = arith.addf %slice3A_165, %slice3A_166 : vector<64x32xf32>
      %slice3A_168 = vector.extract_strided_slice %dot_general3A_132 {offsets = [512, 0], sizes = [64, 32], strides = [1, 1]} : vector<768x32xf32> to vector<64x32xf32>
      %add3A_169 = arith.addf %add3A_167, %slice3A_168 : vector<64x32xf32>
      %mul3A_170 = arith.constant 0.333333343 : f32
      %mul3A_171 = vector.broadcast %mul3A_170 : f32 to vector<64x32xf32>
      %mul3A_172 = arith.mulf %add3A_169, %mul3A_171 : vector<64x32xf32>
      %swap3A_173 = arith.constant 1 : index
      %swap3A_174 = arith.constant 128 : index
      %swap3A_175 = arith.constant 0 : index
      %swap3A_176 = vector.load %arg7[%swap3A_173, %swap3A_174, %swap3A_175] : memref<3x256x32xf32, #tpu.memory_space<vmem>>, vector<1x64x32xf32>
      %swap3A_177 = vector.shape_cast %swap3A_176 : vector<1x64x32xf32> to vector<64x32xf32>
      %swap3A_178 = vector.shape_cast %mul3A_172 : vector<64x32xf32> to vector<1x64x32xf32>
      tpu.vector_store %arg7[%swap3A_173, %swap3A_174, %swap3A_175], %swap3A_178 {strides = array<i32>} : memref<3x256x32xf32, #tpu.memory_space<vmem>>, vector<1x64x32xf32>,
      %slice3A_179 = vector.extract_strided_slice %dot_general3A_132 {offsets = [576, 0], sizes = [64, 32], strides = [1, 1]} : vector<768x32xf32> to vector<64x32xf32>
      %slice3A_180 = vector.extract_strided_slice %dot_general3A_132 {offsets = [640, 0], sizes = [64, 32], strides = [1, 1]} : vector<768x32xf32> to vector<64x32xf32>
      %add3A_181 = arith.addf %slice3A_179, %slice3A_180 : vector<64x32xf32>
      %slice3A_182 = vector.extract_strided_slice %dot_general3A_132 {offsets = [704, 0], sizes = [64, 32], strides = [1, 1]} : vector<768x32xf32> to vector<64x32xf32>
      %add3A_183 = arith.addf %add3A_181, %slice3A_182 : vector<64x32xf32>
      %mul3A_184 = arith.constant 0.333333343 : f32
      %mul3A_185 = vector.broadcast %mul3A_184 : f32 to vector<64x32xf32>
      %mul3A_186 = arith.mulf %add3A_183, %mul3A_185 : vector<64x32xf32>
      %swap3A_187 = arith.constant 1 : index
      %swap3A_188 = arith.constant 192 : index
      %swap3A_189 = arith.constant 0 : index
      %swap3A_190 = vector.load %arg7[%swap3A_187, %swap3A_188, %swap3A_189] : memref<3x256x32xf32, #tpu.memory_space<vmem>>, vector<1x64x32xf32>
      %swap3A_191 = vector.shape_cast %swap3A_190 : vector<1x64x32xf32> to vector<64x32xf32>
      %swap3A_192 = vector.shape_cast %mul3A_186 : vector<64x32xf32> to vector<1x64x32xf32>
      tpu.vector_store %arg7[%swap3A_187, %swap3A_188, %swap3A_189], %swap3A_192 {strides = array<i32>} : memref<3x256x32xf32, #tpu.memory_space<vmem>>, vector<1x64x32xf32>,
    } else {
    }
    %eq3A_81 = arith.constant 16 : i32
    %eq3A_82 = arith.cmpi eq, %arg0, %eq3A_81 : i32
    %convert_element_type3A_83 = arith.extui %eq3A_82 : i1 to i32
    %cond3A_84 = arith.constant 0 : i32
    %cond3A_85 = arith.cmpi ne, %convert_element_type3A_83, %cond3A_84 : i32
    scf.if %cond3A_85 {
      %get3A_91 = arith.constant 0 : index
      %get3A_92 = arith.constant 0 : index
      %get3A_93 = vector.load %arg9[%get3A_91, %get3A_92] : memref<768x2048xf32, #tpu.memory_space<vmem>>, vector<768x2048xf32>
      %reduce_sum3A = arith.constant dense<0.000000e+00> : vector<768xf32>
      %reduce_sum3A_94 = vector.multi_reduction <add>, %get3A_93, %reduce_sum3A [1] : vector<768x2048xf32> to vector<768xf32>
      %broadcast_in_dim3A_95 = vector.shape_cast %reduce_sum3A_94 : vector<768xf32> to vector<768x1xf32>
      %div3A = arith.constant 2.048000e+03 : f32
      %div3A_96 = vector.broadcast %div3A : f32 to vector<768x1xf32>
      %div3A_97 = arith.divf %broadcast_in_dim3A_95, %div3A_96 : vector<768x1xf32>
      %mul3A = arith.mulf %get3A_93, %get3A_93 : vector<768x2048xf32>
      %reduce_sum3A_98 = arith.constant dense<0.000000e+00> : vector<768xf32>
      %reduce_sum3A_99 = vector.multi_reduction <add>, %mul3A, %reduce_sum3A_98 [1] : vector<768x2048xf32> to vector<768xf32>
      %broadcast_in_dim3A_100 = vector.shape_cast %reduce_sum3A_99 : vector<768xf32> to vector<768x1xf32>
      %div3A_101 = arith.constant 2.048000e+03 : f32
      %div3A_102 = vector.broadcast %div3A_101 : f32 to vector<768x1xf32>
      %div3A_103 = arith.divf %broadcast_in_dim3A_100, %div3A_102 : vector<768x1xf32>
      %mul3A_104 = arith.mulf %div3A_97, %div3A_97 : vector<768x1xf32>
      %sub3A_105 = arith.subf %div3A_103, %mul3A_104 : vector<768x1xf32>
      %add3A_106 = arith.constant 9.99999974E-6 : f32
      %add3A_107 = vector.broadcast %add3A_106 : f32 to vector<768x1xf32>
      %add3A_108 = arith.addf %sub3A_105, %add3A_107 : vector<768x1xf32>
      %rsqrt3A = math.rsqrt %add3A_108 : vector<768x1xf32>
      %get3A_109 = arith.constant 0 : index
      %get3A_110 = arith.constant 0 : index
      %get3A_111 = vector.load %arg2[%get3A_109, %get3A_110] : memref<768x1xf32, #tpu.memory_space<vmem>>, vector<768x1xf32>
      %mul3A_112 = arith.mulf %rsqrt3A, %get3A_111 : vector<768x1xf32>
      %get3A_113 = arith.constant 0 : index
      %get3A_114 = arith.constant 0 : index
      %get3A_115 = vector.load %arg3[%get3A_113, %get3A_114] : memref<768x1xf32, #tpu.memory_space<vmem>>, vector<768x1xf32>
      %mul3A_116 = arith.mulf %div3A_97, %mul3A_112 : vector<768x1xf32>
      %sub3A_117 = arith.subf %get3A_115, %mul3A_116 : vector<768x1xf32>
      %mul3A_118 = vector.broadcast %mul3A_112 : vector<768x1xf32> to vector<768x2048xf32>
      %mul3A_119 = arith.mulf %get3A_93, %mul3A_118 : vector<768x2048xf32>
      %add3A_120 = vector.broadcast %sub3A_117 : vector<768x1xf32> to vector<768x2048xf32>
      %add3A_121 = arith.addf %mul3A_119, %add3A_120 : vector<768x2048xf32>
      %gt3A = arith.constant 0.000000e+00 : f32
      %gt3A_122 = vector.broadcast %gt3A : f32 to vector<768x2048xf32>
      %gt3A_123 = arith.cmpf ogt, %add3A_121, %gt3A_122 : vector<768x2048xf32>
      %exp3A = math.exp %add3A_121 : vector<768x2048xf32>
      %sub3A_124 = arith.constant 1.000000e+00 : f32
      %sub3A_125 = vector.broadcast %sub3A_124 : f32 to vector<768x2048xf32>
      %sub3A_126 = arith.subf %exp3A, %sub3A_125 : vector<768x2048xf32>
      %select_n3A_127 = arith.select %gt3A_123, %add3A_121, %sub3A_126 : vector<768x2048xi1>, vector<768x2048xf32>
      %swap3A = arith.constant 0 : index
      %swap3A_128 = arith.constant 0 : index
      %swap3A_129 = vector.load %arg8[%swap3A, %swap3A_128] : memref<768x2048xf32, #tpu.memory_space<vmem>>, vector<768x2048xf32>
      tpu.vector_store %arg8[%swap3A, %swap3A_128], %select_n3A_127 {strides = array<i32>} : memref<768x2048xf32, #tpu.memory_space<vmem>>, vector<768x2048xf32>,
    } else {
    }
    %eq3A_86 = arith.constant 25 : i32
    %eq3A_87 = arith.cmpi eq, %arg0, %eq3A_86 : i32
    %convert_element_type3A_88 = arith.extui %eq3A_87 : i1 to i32
    %cond3A_89 = arith.constant 0 : i32
    %cond3A_90 = arith.cmpi ne, %convert_element_type3A_88, %cond3A_89 : i32
    scf.if %cond3A_90 {
      %get3A_91 = arith.constant 0 : index
      %get3A_92 = arith.constant 0 : index
      %get3A_93 = vector.load %arg9[%get3A_91, %get3A_92] : memref<768x2048xf32, #tpu.memory_space<vmem>>, vector<768x2048xf32>
      %reduce_sum3A = arith.constant dense<0.000000e+00> : vector<768xf32>
      %reduce_sum3A_94 = vector.multi_reduction <add>, %get3A_93, %reduce_sum3A [1] : vector<768x2048xf32> to vector<768xf32>
      %broadcast_in_dim3A_95 = vector.shape_cast %reduce_sum3A_94 : vector<768xf32> to vector<768x1xf32>
      %div3A = arith.constant 2.048000e+03 : f32
      %div3A_96 = vector.broadcast %div3A : f32 to vector<768x1xf32>
      %div3A_97 = arith.divf %broadcast_in_dim3A_95, %div3A_96 : vector<768x1xf32>
      %mul3A = arith.mulf %get3A_93, %get3A_93 : vector<768x2048xf32>
      %reduce_sum3A_98 = arith.constant dense<0.000000e+00> : vector<768xf32>
      %reduce_sum3A_99 = vector.multi_reduction <add>, %mul3A, %reduce_sum3A_98 [1] : vector<768x2048xf32> to vector<768xf32>
      %broadcast_in_dim3A_100 = vector.shape_cast %reduce_sum3A_99 : vector<768xf32> to vector<768x1xf32>
      %div3A_101 = arith.constant 2.048000e+03 : f32
      %div3A_102 = vector.broadcast %div3A_101 : f32 to vector<768x1xf32>
      %div3A_103 = arith.divf %broadcast_in_dim3A_100, %div3A_102 : vector<768x1xf32>
      %mul3A_104 = arith.mulf %div3A_97, %div3A_97 : vector<768x1xf32>
      %sub3A_105 = arith.subf %div3A_103, %mul3A_104 : vector<768x1xf32>
      %add3A_106 = arith.constant 9.99999974E-6 : f32
      %add3A_107 = vector.broadcast %add3A_106 : f32 to vector<768x1xf32>
      %add3A_108 = arith.addf %sub3A_105, %add3A_107 : vector<768x1xf32>
      %rsqrt3A = math.rsqrt %add3A_108 : vector<768x1xf32>
      %get3A_109 = arith.constant 0 : index
      %get3A_110 = arith.constant 0 : index
      %get3A_111 = vector.load %arg2[%get3A_109, %get3A_110] : memref<768x1xf32, #tpu.memory_space<vmem>>, vector<768x1xf32>
      %mul3A_112 = arith.mulf %rsqrt3A, %get3A_111 : vector<768x1xf32>
      %get3A_113 = arith.constant 0 : index
      %get3A_114 = arith.constant 0 : index
      %get3A_115 = vector.load %arg3[%get3A_113, %get3A_114] : memref<768x1xf32, #tpu.memory_space<vmem>>, vector<768x1xf32>
      %mul3A_116 = arith.mulf %div3A_97, %mul3A_112 : vector<768x1xf32>
      %sub3A_117 = arith.subf %get3A_115, %mul3A_116 : vector<768x1xf32>
      %mul3A_118 = vector.broadcast %mul3A_112 : vector<768x1xf32> to vector<768x2048xf32>
      %mul3A_119 = arith.mulf %get3A_93, %mul3A_118 : vector<768x2048xf32>
      %add3A_120 = vector.broadcast %sub3A_117 : vector<768x1xf32> to vector<768x2048xf32>
      %add3A_121 = arith.addf %mul3A_119, %add3A_120 : vector<768x2048xf32>
      %gt3A = arith.constant 0.000000e+00 : f32
      %gt3A_122 = vector.broadcast %gt3A : f32 to vector<768x2048xf32>
      %gt3A_123 = arith.cmpf ogt, %add3A_121, %gt3A_122 : vector<768x2048xf32>
      %exp3A = math.exp %add3A_121 : vector<768x2048xf32>
      %sub3A_124 = arith.constant 1.000000e+00 : f32
      %sub3A_125 = vector.broadcast %sub3A_124 : f32 to vector<768x2048xf32>
      %sub3A_126 = arith.subf %exp3A, %sub3A_125 : vector<768x2048xf32>
      %select_n3A_127 = arith.select %gt3A_123, %add3A_121, %sub3A_126 : vector<768x2048xi1>, vector<768x2048xf32>
      %get3A_128 = arith.constant 0 : index
      %get3A_129 = arith.constant 0 : index
      %get3A_130 = vector.load %arg4[%get3A_128, %get3A_129] : memref<2048x32xf32, #tpu.memory_space<vmem>>, vector<2048x32xf32>
      %dot_general3A_131 = arith.constant dense<0.000000e+00> : vector<768x32xf32>
      %dot_general3A_132 = tpu.matmul %select_n3A_127, %get3A_130, %dot_general3A_131 {dimension_numbers = #tpu.dot_dimension_numbers<[1], [0], [0], [1], [0, 0, 1, 1], [], []>, transpose_lhs_hint = false} : vector<768x2048xf32>, vector<2048x32xf32>, vector<768x32xf32> -> vector<768x32xf32>
      %swap3A = arith.constant 2 : index
      %swap3A_133 = arith.constant 0 : index
      %swap3A_134 = arith.constant 0 : index
      %swap3A_135 = vector.load %arg6[%swap3A, %swap3A_133, %swap3A_134] : memref<3x768x32xf32, #tpu.memory_space<vmem>>, vector<1x768x32xf32>
      %swap3A_136 = vector.shape_cast %swap3A_135 : vector<1x768x32xf32> to vector<768x32xf32>
      %swap3A_137 = vector.shape_cast %dot_general3A_132 : vector<768x32xf32> to vector<1x768x32xf32>
      tpu.vector_store %arg6[%swap3A, %swap3A_133, %swap3A_134], %swap3A_137 {strides = array<i32>} : memref<3x768x32xf32, #tpu.memory_space<vmem>>, vector<1x768x32xf32>,
      %slice3A = vector.extract_strided_slice %dot_general3A_132 {offsets = [0, 0], sizes = [64, 32], strides = [1, 1]} : vector<768x32xf32> to vector<64x32xf32>
      %slice3A_138 = vector.extract_strided_slice %dot_general3A_132 {offsets = [64, 0], sizes = [64, 32], strides = [1, 1]} : vector<768x32xf32> to vector<64x32xf32>
      %add3A_139 = arith.addf %slice3A, %slice3A_138 : vector<64x32xf32>
      %slice3A_140 = vector.extract_strided_slice %dot_general3A_132 {offsets = [128, 0], sizes = [64, 32], strides = [1, 1]} : vector<768x32xf32> to vector<64x32xf32>
      %add3A_141 = arith.addf %add3A_139, %slice3A_140 : vector<64x32xf32>
      %mul3A_142 = arith.constant 0.333333343 : f32
      %mul3A_143 = vector.broadcast %mul3A_142 : f32 to vector<64x32xf32>
      %mul3A_144 = arith.mulf %add3A_141, %mul3A_143 : vector<64x32xf32>
      %swap3A_145 = arith.constant 2 : index
      %swap3A_146 = arith.constant 0 : index
      %swap3A_147 = arith.constant 0 : index
      %swap3A_148 = vector.load %arg7[%swap3A_145, %swap3A_146, %swap3A_147] : memref<3x256x32xf32, #tpu.memory_space<vmem>>, vector<1x64x32xf32>
      %swap3A_149 = vector.shape_cast %swap3A_148 : vector<1x64x32xf32> to vector<64x32xf32>
      %swap3A_150 = vector.shape_cast %mul3A_144 : vector<64x32xf32> to vector<1x64x32xf32>
      tpu.vector_store %arg7[%swap3A_145, %swap3A_146, %swap3A_147], %swap3A_150 {strides = array<i32>} : memref<3x256x32xf32, #tpu.memory_space<vmem>>, vector<1x64x32xf32>,
      %slice3A_151 = vector.extract_strided_slice %dot_general3A_132 {offsets = [192, 0], sizes = [64, 32], strides = [1, 1]} : vector<768x32xf32> to vector<64x32xf32>
      %slice3A_152 = vector.extract_strided_slice %dot_general3A_132 {offsets = [256, 0], sizes = [64, 32], strides = [1, 1]} : vector<768x32xf32> to vector<64x32xf32>
      %add3A_153 = arith.addf %slice3A_151, %slice3A_152 : vector<64x32xf32>
      %slice3A_154 = vector.extract_strided_slice %dot_general3A_132 {offsets = [320, 0], sizes = [64, 32], strides = [1, 1]} : vector<768x32xf32> to vector<64x32xf32>
      %add3A_155 = arith.addf %add3A_153, %slice3A_154 : vector<64x32xf32>
      %mul3A_156 = arith.constant 0.333333343 : f32
      %mul3A_157 = vector.broadcast %mul3A_156 : f32 to vector<64x32xf32>
      %mul3A_158 = arith.mulf %add3A_155, %mul3A_157 : vector<64x32xf32>
      %swap3A_159 = arith.constant 2 : index
      %swap3A_160 = arith.constant 64 : index
      %swap3A_161 = arith.constant 0 : index
      %swap3A_162 = vector.load %arg7[%swap3A_159, %swap3A_160, %swap3A_161] : memref<3x256x32xf32, #tpu.memory_space<vmem>>, vector<1x64x32xf32>
      %swap3A_163 = vector.shape_cast %swap3A_162 : vector<1x64x32xf32> to vector<64x32xf32>
      %swap3A_164 = vector.shape_cast %mul3A_158 : vector<64x32xf32> to vector<1x64x32xf32>
      tpu.vector_store %arg7[%swap3A_159, %swap3A_160, %swap3A_161], %swap3A_164 {strides = array<i32>} : memref<3x256x32xf32, #tpu.memory_space<vmem>>, vector<1x64x32xf32>,
      %slice3A_165 = vector.extract_strided_slice %dot_general3A_132 {offsets = [384, 0], sizes = [64, 32], strides = [1, 1]} : vector<768x32xf32> to vector<64x32xf32>
      %slice3A_166 = vector.extract_strided_slice %dot_general3A_132 {offsets = [448, 0], sizes = [64, 32], strides = [1, 1]} : vector<768x32xf32> to vector<64x32xf32>
      %add3A_167 = arith.addf %slice3A_165, %slice3A_166 : vector<64x32xf32>
      %slice3A_168 = vector.extract_strided_slice %dot_general3A_132 {offsets = [512, 0], sizes = [64, 32], strides = [1, 1]} : vector<768x32xf32> to vector<64x32xf32>
      %add3A_169 = arith.addf %add3A_167, %slice3A_168 : vector<64x32xf32>
      %mul3A_170 = arith.constant 0.333333343 : f32
      %mul3A_171 = vector.broadcast %mul3A_170 : f32 to vector<64x32xf32>
      %mul3A_172 = arith.mulf %add3A_169, %mul3A_171 : vector<64x32xf32>
      %swap3A_173 = arith.constant 2 : index
      %swap3A_174 = arith.constant 128 : index
      %swap3A_175 = arith.constant 0 : index
      %swap3A_176 = vector.load %arg7[%swap3A_173, %swap3A_174, %swap3A_175] : memref<3x256x32xf32, #tpu.memory_space<vmem>>, vector<1x64x32xf32>
      %swap3A_177 = vector.shape_cast %swap3A_176 : vector<1x64x32xf32> to vector<64x32xf32>
      %swap3A_178 = vector.shape_cast %mul3A_172 : vector<64x32xf32> to vector<1x64x32xf32>
      tpu.vector_store %arg7[%swap3A_173, %swap3A_174, %swap3A_175], %swap3A_178 {strides = array<i32>} : memref<3x256x32xf32, #tpu.memory_space<vmem>>, vector<1x64x32xf32>,
      %slice3A_179 = vector.extract_strided_slice %dot_general3A_132 {offsets = [576, 0], sizes = [64, 32], strides = [1, 1]} : vector<768x32xf32> to vector<64x32xf32>
      %slice3A_180 = vector.extract_strided_slice %dot_general3A_132 {offsets = [640, 0], sizes = [64, 32], strides = [1, 1]} : vector<768x32xf32> to vector<64x32xf32>
      %add3A_181 = arith.addf %slice3A_179, %slice3A_180 : vector<64x32xf32>
      %slice3A_182 = vector.extract_strided_slice %dot_general3A_132 {offsets = [704, 0], sizes = [64, 32], strides = [1, 1]} : vector<768x32xf32> to vector<64x32xf32>
      %add3A_183 = arith.addf %add3A_181, %slice3A_182 : vector<64x32xf32>
      %mul3A_184 = arith.constant 0.333333343 : f32
      %mul3A_185 = vector.broadcast %mul3A_184 : f32 to vector<64x32xf32>
      %mul3A_186 = arith.mulf %add3A_183, %mul3A_185 : vector<64x32xf32>
      %swap3A_187 = arith.constant 2 : index
      %swap3A_188 = arith.constant 192 : index
      %swap3A_189 = arith.constant 0 : index
      %swap3A_190 = vector.load %arg7[%swap3A_187, %swap3A_188, %swap3A_189] : memref<3x256x32xf32, #tpu.memory_space<vmem>>, vector<1x64x32xf32>
      %swap3A_191 = vector.shape_cast %swap3A_190 : vector<1x64x32xf32> to vector<64x32xf32>
      %swap3A_192 = vector.shape_cast %mul3A_186 : vector<64x32xf32> to vector<1x64x32xf32>
      tpu.vector_store %arg7[%swap3A_187, %swap3A_188, %swap3A_189], %swap3A_192 {strides = array<i32>} : memref<3x256x32xf32, #tpu.memory_space<vmem>>, vector<1x64x32xf32>,
    } else {
    }
    return
  }
  func.func @transform_0(%arg0: i32) -> (i32, i32) {
    %c0_i32 = arith.constant 0 : i32
    %c0_i32_0 = arith.constant 0 : i32
    %c0_i32_1 = arith.constant 0 : i32
    return %c0_i32, %c0_i32_0 : i32, i32
  }
  func.func @transform_1(%arg0: i32) -> (i32, i32) {
    %c0_i32 = arith.constant 0 : i32
    %c0_i32_0 = arith.constant 0 : i32
    %c0_i32_1 = arith.constant 0 : i32
    return %c0_i32, %c0_i32_0 : i32, i32
  }
  func.func @transform_2(%arg0: i32) -> (i32, i32) {
    %c0_i32 = arith.constant 0 : i32
    %c0_i32_0 = arith.constant 0 : i32
    %c0_i32_1 = arith.constant 0 : i32
    return %c0_i32, %c0_i32_0 : i32, i32
  }
  func.func @transform_3(%arg0: i32) -> (i32, i32) {
    %c0_i32 = arith.constant 0 : i32
    %c0_i32_0 = arith.constant 0 : i32
    %c0_i32_1 = arith.constant 0 : i32
    return %c0_i32, %c0_i32_0 : i32, i32
  }
  func.func @transform_4(%arg0: i32) -> (i32, i32, i32) {
    %c0_i32 = arith.constant 0 : i32
    %c0_i32_0 = arith.constant 0 : i32
    %c0_i32_1 = arith.constant 0 : i32
    return %arg0, %c0_i32, %c0_i32_0 : i32, i32, i32
  }
  func.func @transform_5(%arg0: i32) -> (i32, i32, i32) {
    %c0_i32 = arith.constant 0 : i32
    %c0_i32_0 = arith.constant 0 : i32
    %c0_i32_1 = arith.constant 0 : i32
    %c0_i32_2 = arith.constant 0 : i32
    return %c0_i32, %c0_i32_0, %c0_i32_1 : i32, i32, i32
  }
  func.func @transform_6(%arg0: i32) -> (i32, i32, i32) {
    %c0_i32 = arith.constant 0 : i32
    %c0_i32_0 = arith.constant 0 : i32
    %c0_i32_1 = arith.constant 0 : i32
    %c0_i32_2 = arith.constant 0 : i32
    return %c0_i32, %c0_i32_0, %c0_i32_1 : i32, i32, i32
  }
}

module attributes {stable_mosaic.version = 14 : i64} {
  func.func @_attn_body(%arg0: i32, %arg1: i32, %arg2: memref<1x256x1xf32, #tpu.memory_space<vmem>>, %arg3: memref<1x1x2048xf32, #tpu.memory_space<vmem>>, %arg4: memref<1x2048x64xf32, #tpu.memory_space<vmem>>, %arg5: memref<1x64xf32, #tpu.memory_space<vmem>>, %arg6: memref<1x64xf32, #tpu.memory_space<vmem>>, %arg7: memref<1x256x2048xf32, #tpu.memory_space<vmem>>, %arg8: memref<1x256x64xf32, #tpu.memory_space<vmem>>) attributes {dimension_semantics = [#tpu.dimension_semantics<arbitrary>, #tpu.dimension_semantics<arbitrary>], iteration_bounds = array<i64: 12, 8>, scalar_prefetch = 0 : i64, scratch_operands = 0 : i64, tpu.core_type = #tpu.core_type<tc>, window_params = [{transform_indices = @transform_0, window_bounds = array<i64: 1, 256, 1>}, {transform_indices = @transform_1, window_bounds = array<i64: 1, 1, 2048>}, {transform_indices = @transform_2, window_bounds = array<i64: 1, 2048, 64>}, {pipeline_mode = #tpu.pipeline_mode<synchronous>, transform_indices = @transform_3, window_bounds = array<i64: 1, 64>}, {pipeline_mode = #tpu.pipeline_mode<synchronous>, transform_indices = @transform_4, window_bounds = array<i64: 1, 64>}, {transform_indices = @transform_5, window_bounds = array<i64: 1, 256, 2048>}, {transform_indices = @transform_6, window_bounds = array<i64: 1, 256, 64>}]} {
    %get3A = arith.constant 0 : index
    %get3A_0 = arith.constant 0 : index
    %get3A_1 = vector.load %arg5[%get3A, %get3A_0] : memref<1x64xf32, #tpu.memory_space<vmem>>, vector<1x64xf32>
    %get3A_2 = arith.constant 0 : index
    %get3A_3 = arith.constant 0 : index
    %get3A_4 = vector.load %arg6[%get3A_2, %get3A_3] : memref<1x64xf32, #tpu.memory_space<vmem>>, vector<1x64xf32>
    %mul3A = arith.mulf %get3A_1, %get3A_4 : vector<1x64xf32>
    %reduce_sum3A = vector.shape_cast %mul3A : vector<1x64xf32> to vector<1x1x64xf32>
    %reduce_sum3A_5 = arith.constant dense<0.000000e+00> : vector<1xf32>
    %reduce_sum3A_6 = vector.multi_reduction <add>, %reduce_sum3A, %reduce_sum3A_5 [1, 2] : vector<1x1x64xf32> to vector<1xf32>
    %reduce_sum3A_7 = vector.shape_cast %reduce_sum3A_6 : vector<1xf32> to vector<1x1x1xf32>
    %reduce_sum3A_8 = vector.extract %reduce_sum3A_7[0, 0, 0] : f32 from vector<1x1x1xf32>
    %broadcast_in_dim3A = vector.broadcast %reduce_sum3A_8 : f32 to vector<1x1xf32>
    %mul3A_9 = arith.constant 1.250000e-01 : f32
    %mul3A_10 = vector.broadcast %mul3A_9 : f32 to vector<1x1xf32>
    %mul3A_11 = arith.mulf %broadcast_in_dim3A, %mul3A_10 : vector<1x1xf32>
    %get3A_12 = arith.constant 0 : index
    %get3A_13 = arith.constant 0 : index
    %get3A_14 = arith.constant 0 : index
    %get3A_15 = vector.load %arg2[%get3A_12, %get3A_13, %get3A_14] : memref<1x256x1xf32, #tpu.memory_space<vmem>>, vector<1x256x1xf32>
    %get3A_16 = vector.shape_cast %get3A_15 : vector<1x256x1xf32> to vector<256x1xf32>
    %mul3A_17 = vector.broadcast %mul3A_11 : vector<1x1xf32> to vector<256x1xf32>
    %mul3A_18 = arith.mulf %get3A_16, %mul3A_17 : vector<256x1xf32>
    %get3A_19 = arith.constant 0 : index
    %get3A_20 = arith.constant 0 : index
    %get3A_21 = arith.constant 0 : index
    %get3A_22 = vector.load %arg3[%get3A_19, %get3A_20, %get3A_21] : memref<1x1x2048xf32, #tpu.memory_space<vmem>>, vector<1x1x2048xf32>
    %get3A_23 = vector.shape_cast %get3A_22 : vector<1x1x2048xf32> to vector<1x2048xf32>
    %mul3A_24 = vector.broadcast %mul3A_18 : vector<256x1xf32> to vector<256x2048xf32>
    %mul3A_25 = vector.broadcast %get3A_23 : vector<1x2048xf32> to vector<256x2048xf32>
    %mul3A_26 = arith.mulf %mul3A_24, %mul3A_25 : vector<256x2048xf32>
    %reduce_max3A = arith.constant dense<0xFF800000> : vector<256xf32>
    %reduce_max3A_27 = vector.multi_reduction <maximumf>, %mul3A_26, %reduce_max3A [1] : vector<256x2048xf32> to vector<256xf32>
    %broadcast_in_dim3A_28 = vector.shape_cast %reduce_max3A_27 : vector<256xf32> to vector<256x1xf32>
    %sub3A = vector.broadcast %broadcast_in_dim3A_28 : vector<256x1xf32> to vector<256x2048xf32>
    %sub3A_29 = arith.subf %mul3A_26, %sub3A : vector<256x2048xf32>
    %exp3A = math.exp %sub3A_29 : vector<256x2048xf32>
    %reduce_sum3A_30 = arith.constant dense<0.000000e+00> : vector<256xf32>
    %reduce_sum3A_31 = vector.multi_reduction <add>, %exp3A, %reduce_sum3A_30 [1] : vector<256x2048xf32> to vector<256xf32>
    %broadcast_in_dim3A_32 = vector.shape_cast %reduce_sum3A_31 : vector<256xf32> to vector<256x1xf32>
    %div3A = vector.broadcast %broadcast_in_dim3A_32 : vector<256x1xf32> to vector<256x2048xf32>
    %div3A_33 = arith.divf %exp3A, %div3A : vector<256x2048xf32>
    %swap3A = arith.constant 0 : index
    %swap3A_34 = arith.constant 0 : index
    %swap3A_35 = arith.constant 0 : index
    %swap3A_36 = vector.load %arg7[%swap3A, %swap3A_34, %swap3A_35] : memref<1x256x2048xf32, #tpu.memory_space<vmem>>, vector<1x256x2048xf32>
    %swap3A_37 = vector.shape_cast %swap3A_36 : vector<1x256x2048xf32> to vector<256x2048xf32>
    %swap3A_38 = vector.shape_cast %div3A_33 : vector<256x2048xf32> to vector<1x256x2048xf32>
    tpu.vector_store %arg7[%swap3A, %swap3A_34, %swap3A_35], %swap3A_38 {strides = array<i32>} : memref<1x256x2048xf32, #tpu.memory_space<vmem>>, vector<1x256x2048xf32>,
    %get3A_39 = arith.constant 0 : index
    %get3A_40 = arith.constant 0 : index
    %get3A_41 = arith.constant 0 : index
    %get3A_42 = vector.load %arg4[%get3A_39, %get3A_40, %get3A_41] : memref<1x2048x64xf32, #tpu.memory_space<vmem>>, vector<1x2048x64xf32>
    %get3A_43 = vector.shape_cast %get3A_42 : vector<1x2048x64xf32> to vector<2048x64xf32>
    %dot_general3A = arith.constant dense<0.000000e+00> : vector<256x64xf32>
    %dot_general3A_44 = tpu.matmul %div3A_33, %get3A_43, %dot_general3A {dimension_numbers = #tpu.dot_dimension_numbers<[1], [0], [0], [1], [0, 0, 1, 1], [], []>, transpose_lhs_hint = false} : vector<256x2048xf32>, vector<2048x64xf32>, vector<256x64xf32> -> vector<256x64xf32>
    %swap3A_45 = arith.constant 0 : index
    %swap3A_46 = arith.constant 0 : index
    %swap3A_47 = arith.constant 0 : index
    %swap3A_48 = vector.load %arg8[%swap3A_45, %swap3A_46, %swap3A_47] : memref<1x256x64xf32, #tpu.memory_space<vmem>>, vector<1x256x64xf32>
    %swap3A_49 = vector.shape_cast %swap3A_48 : vector<1x256x64xf32> to vector<256x64xf32>
    %swap3A_50 = vector.shape_cast %dot_general3A_44 : vector<256x64xf32> to vector<1x256x64xf32>
    tpu.vector_store %arg8[%swap3A_45, %swap3A_46, %swap3A_47], %swap3A_50 {strides = array<i32>} : memref<1x256x64xf32, #tpu.memory_space<vmem>>, vector<1x256x64xf32>,
    return
  }
  func.func @transform_0(%arg0: i32, %arg1: i32) -> (i32, i32, i32) {
    %c0_i32 = arith.constant 0 : i32
    %c0_i32_0 = arith.constant 0 : i32
    return %arg0, %arg1, %c0_i32 : i32, i32, i32
  }
  func.func @transform_1(%arg0: i32, %arg1: i32) -> (i32, i32, i32) {
    %c0_i32 = arith.constant 0 : i32
    %c0_i32_0 = arith.constant 0 : i32
    %c0_i32_1 = arith.constant 0 : i32
    return %arg0, %c0_i32, %c0_i32_0 : i32, i32, i32
  }
  func.func @transform_2(%arg0: i32, %arg1: i32) -> (i32, i32, i32) {
    %c0_i32 = arith.constant 0 : i32
    %c0_i32_0 = arith.constant 0 : i32
    %c0_i32_1 = arith.constant 0 : i32
    return %arg0, %c0_i32, %c0_i32_0 : i32, i32, i32
  }
  func.func @transform_3(%arg0: i32, %arg1: i32) -> (i32, i32) {
    %c0_i32 = arith.constant 0 : i32
    %c0_i32_0 = arith.constant 0 : i32
    %c0_i32_1 = arith.constant 0 : i32
    return %c0_i32, %c0_i32_0 : i32, i32
  }
  func.func @transform_4(%arg0: i32, %arg1: i32) -> (i32, i32) {
    %c0_i32 = arith.constant 0 : i32
    %c0_i32_0 = arith.constant 0 : i32
    %c0_i32_1 = arith.constant 0 : i32
    return %c0_i32, %c0_i32_0 : i32, i32
  }
  func.func @transform_5(%arg0: i32, %arg1: i32) -> (i32, i32, i32) {
    %c0_i32 = arith.constant 0 : i32
    %c0_i32_0 = arith.constant 0 : i32
    return %arg0, %arg1, %c0_i32 : i32, i32, i32
  }
  func.func @transform_6(%arg0: i32, %arg1: i32) -> (i32, i32, i32) {
    %c0_i32 = arith.constant 0 : i32
    %c0_i32_0 = arith.constant 0 : i32
    return %arg0, %arg1, %c0_i32 : i32, i32, i32
  }
}

</mosaic_0001>

<sc_bundles>
// kernel: kernel.6.cloned.1.call-start
scs
__scs_entry_jumppad:
0x0: {  	(pc) =	sbr.rel $0x88, $3  }
0x1: {  	(tag) =	ssettag $0x0;
	lr =	simm.s32 $0x1  }
0x2: {  	[smem:$0x3F92] =	sst lr;
	_ =	strace $0xD0000000  }
0x3: {  	_ = 	snop  }
0x4: {  	_ = 	snop  }
0x5: {  	_ = 	snop  }
0x6: {  	_ = 	snop  }
0x7: {  	_ = 	snop  }
__scs_overlays_trampoline_lowered:
0x8: {  	[smem:$0x3FA1] =	sst s0  }
0x9: {  	[smem:$0x3FA2] =	sst s1  }
0xa: {  	[smem:$0x3FA3] =	sst s2  }
0xb: {  	[smem:$0x3FA4] =	sst s3  }
0xc: {  	[smem:$0x3FA5] =	sst s4  }
0xd: {  	[smem:$0x3FA6] =	sst s5  }
0xe: {  	[smem:$0x3FA7] =	sst s6  }
0xf: {  	[smem:$0x3FA8] =	sst s7  }
0x10: {  	[smem:$0x3FA9] =	sst s8  }
0x11: {  	[smem:$0x3FAA] =	sst s9;
	s0 =	simm.s32 @!p0 $0x0  }
0x12: {  	s1 =	sld [smem:$0x3F90];
	s0 =	simm.s32 @p0 $0x1  }
0x13: {  	[smem:$0x3FAB] =	sst s0;
	s0 =	simm.s32 @!p1 $0x0  }
0x14: {  	s2 =	sld [smem:$0x3F8F];
	s0 =	simm.s32 @p1 $0x1  }
0x15: {  	[smem:$0x3FAC] =	sst s0;
	s0 =	simm.s32 @!p2 $0x0  }
0x16: {  	s3 =	sld [smem:$0x3FDB];
	s0 =	simm.s32 @p2 $0x1  }
0x17: {  	s4 =	simm.s32 $0x1BF5;
	[smem:$0x3FAE] =	sst s0  }
0x18: {  	s0 =	sld [smem:$0x3F91];
	_ =	swait.ge [sflag:s4], $0x0  }
0x19: {  	s7 =	sld [smem:$0x3F92]  }
0x1a: {  	s8 =	sadd.s32 $0xFFFFE003, lr  }
0x1b: {  	s9 =	sadd.s32 $0xFFFFFEF7, lr;
	s5 =	simm.s32 $0xFFFFFFFF;
	p2 =	slt.u32 s8, $0xFFFFF086  }
0x1c: {  	p1 =	slt.u32 s9, $0xF7A;
	s5 =	simm.s32 @!p2 $0x0  }
0x1d: {  	s5 =	simm.s32 @p1 $0x1;
	p0 =	seq.s32 s7, s2  }
0x1e: {  	s7 =	smul.u32 @!p0 $0xF7A, s2;
	p2 =	seq.s32 @!p0 s5, $0x0  }
0x1f: {  	s9 =	smul.u32 $0xF7A, s1;
	s8 =	simm.s32 @!p0 $0x1BF5;
	p2 =	por !p2, p0  }
0x20: {  	[sflag:s8] =	ssyncset.s32 @!p0 $0xFFFFF086;
	s6 =	sadd.s32 @!p0 s3, s7;
	s7 =	simm.s32 @!p0 $0x108  }
0x21: {  	s3 =	sadd.s32 s3, s9;
	s6 =	sadd.s32 @!p0 $0x88, s6;
	s7 =	simm.s32 @p2 $0x1082  }
0x22: {  	[simem:s7], [sflag:s8] =	dma.local @!p0 [hbm:s6], $0xF7A  }
0x23: {  	s9 =	sor.u32 $0xD0000000, s2;
	s6 =	simm.s32 $0x108;
	_ =	swait.ge @!p0 [sflag:s8], $0x0  }
0x24: {  	s3 =	sadd.s32 $0x88, s3;
	s6 =	simm.s32 @!p1 $0x1082;
	[sflag:s4] =	ssyncset.s32 $0xFFFFF086  }
0x25: {  	[simem:s6], [sflag:s4] =	dma.local [hbm:s3], $0xF7A  }
0x26: {  	[smem:$0x3F92] =	sst s1;
	(tag) =	ssettag s2;
	_ =	strace s9  }
0x27: {  	s1 =	sld [smem:$0x3FA2]  }
0x28: {  	s2 =	sld [smem:$0x3FA3]  }
0x29: {  	s4 =	sld [smem:$0x3FA5]  }
0x2a: {  	p0 =	seq.s32 s5, $0x0;
	s5 =	sld [smem:$0x3FA6]  }
0x2b: {  	s6 =	sld [smem:$0x3FA7]  }
0x2c: {  	s7 =	sld [smem:$0x3FA8]  }
0x2d: {  	s3 =	simm.s32 $0x108;
	s8 =	sld [smem:$0x3FA9]  }
0x2e: {  	s3 =	simm.s32 @!p0 $0x1082;
	s9 =	sld [smem:$0x3FAA]  }
0x2f: {  	lr =	sadd.s32 s0, s3;
	s0 =	sld [smem:$0x3FA1]  }
0x30: {  	s3 =	sld [smem:$0x3FA4]  }
0x31: {  	[smem:$0x3FAD] =	sst s10  }
0x32: {  	s10 =	sld [smem:$0x3FAB];
	_ =	sdelay $0x3  }
0x33: {  	p0 =	seq.s32 s10, $0x1;
	s10 =	sld [smem:$0x3FAD];
	_ =	sdelay $0x3  }
0x34: {  	[smem:$0x3FAD] =	sst s10  }
0x35: {  	s10 =	sld [smem:$0x3FAC];
	_ =	sdelay $0x3  }
0x36: {  	p1 =	seq.s32 s10, $0x1;
	s10 =	sld [smem:$0x3FAD];
	_ =	sdelay $0x3  }
0x37: {  	[smem:$0x3FAD] =	sst s10  }
0x38: {  	s10 =	sld [smem:$0x3FAE]  }
0x39: {  	_ = 	snop;
	(pc) =	sbr.ind lr, $3  }
0x3a: {  	_ = 	snop  }
0x3b: {  	_ = 	snop  }
0x3c: {  	p2 =	seq.s32 s10, $0x1;
	s10 =	sld [smem:$0x3FAD]  }
0x3d: {  	_ =	shalt  }
0x3e: {  	_ =	shalt  }
0x3f: {  	_ =	shalt  }
0x40: {  	_ =	shalt  }
0x41: {  	_ =	shalt  }
0x42: {  	_ =	shalt  }
0x43: {  	_ =	shalt  }
0x44: {  	_ =	shalt  }
0x45: {  	_ =	shalt  }
0x46: {  	_ =	shalt  }
0x47: {  	_ =	shalt  }
0x48: {  	_ =	shalt  }
0x49: {  	_ =	shalt  }
0x4a: {  	_ =	shalt  }
0x4b: {  	_ =	shalt  }
0x4c: {  	_ =	shalt  }
0x4d: {  	_ =	shalt  }
0x4e: {  	_ =	shalt  }
0x4f: {  	_ =	shalt  }
0x50: {  	_ =	shalt  }
0x51: {  	_ =	shalt  }
0x52: {  	_ =	shalt  }
0x53: {  	_ =	shalt  }
0x54: {  	_ =	shalt  }
0x55: {  	_ =	shalt  }
0x56: {  	_ =	shalt  }
0x57: {  	_ =	shalt  }
0x58: {  	_ =	shalt  }
0x59: {  	_ =	shalt  }
0x5a: {  	_ =	shalt  }
0x5b: {  	_ =	shalt  }
0x5c: {  	_ =	shalt  }
0x5d: {  	_ =	shalt  }
0x5e: {  	_ =	shalt  }
0x5f: {  	_ =	shalt  }
0x60: {  	_ =	shalt  }
0x61: {  	_ =	shalt  }
0x62: {  	_ =	shalt  }
0x63: {  	_ =	shalt  }
0x64: {  	_ =	shalt  }
0x65: {  	_ =	shalt  }
0x66: {  	_ =	shalt  }
0x67: {  	_ =	shalt  }
0x68: {  	_ =	shalt  }
0x69: {  	_ =	shalt  }
0x6a: {  	_ =	shalt  }
0x6b: {  	_ =	shalt  }
0x6c: {  	_ =	shalt  }
0x6d: {  	_ =	shalt  }
0x6e: {  	_ =	shalt  }
0x6f: {  	_ =	shalt  }
0x70: {  	_ =	shalt  }
0x71: {  	_ =	shalt  }
0x72: {  	_ =	shalt  }
0x73: {  	_ =	shalt  }
0x74: {  	_ =	shalt  }
0x75: {  	_ =	shalt  }
0x76: {  	_ =	shalt  }
0x77: {  	_ =	shalt  }
0x78: {  	_ =	shalt  }
0x79: {  	_ =	shalt  }
0x7a: {  	_ =	shalt  }
0x7b: {  	_ =	shalt  }
0x7c: {  	_ =	shalt  }
0x7d: {  	_ =	shalt  }
0x7e: {  	_ =	shalt  }
0x7f: {  	_ =	shalt  }
0x80: {  	_ =	shalt  }
0x81: {  	_ =	shalt  }
0x82: {  	_ =	shalt  }
0x83: {  	_ =	shalt  }
0x84: {  	_ =	shalt  }
0x85: {  	_ =	shalt  }
0x86: {  	_ =	shalt  }
0x87: {  	_ =	shalt  }
.Lfunc_end0:
.L_simem_size_0:
called_computation_lowered:
.L_overlay_start_0:
0x88: {  	s2 =	sld [smem:$0x3FD9]  }
0x89: {  	s3 =	sld [smem:$0x3FFE];
	_ =	sdelay $0x1  }
0x8a: {  	s1 =	srdreg.scid  }
0x8b: {  	s0 =	sand.u32 $0x1, s1  }
0x8c: {  	s16 =	sshll.u32 s0, $0xA;
	s2 =	sadd.s32 s3, s2  }
0x8d: {  	s2 =	sadd.s32 s2, s16  }
0x8e: {  	[smem:$0x3FB9] =	sst s2  }
0x8f: {  	_ = 	snop  }
0x90: {  	(tm) =	ssettm $0x1  }
0x91: {  	s17 =	sld [smem:$0x3FFB];
	_ =	sdelay $0x3  }
0x92: {  	_ =	strace s17  }
0x93: {  	s2 =	sld [smem:$0x3FFC];
	_ =	sdelay $0x3  }
0x94: {  	_ =	strace s2  }
0x95: {  	s2 =	sld [smem:$0x3FFD];
	_ =	sdelay $0x3  }
0x96: {  	_ =	strace s2  }
0x97: {  	_ =	strace $0x8FFFFFFF  }
0x98: {  	s18 =	sld [smem:$0x3FDB];
	_ =	sdelay $0x1  }
0x99: {  	s19 =	simm.s32 $_scs_section_size  }
0x9a: {  	s4 =	simm.s32 $_size__tile_overlayer_lowered;
	s5 =	simm.s32 $_tile_overlayer_lowered  }
0x9b: {  	s22 =	simm.s32 $0x1BFF;
	s21 =	sshll.u32 s5, $0x1;
	s2 =	sadd.s32 s19, s18  }
0x9c: {  	s6 =	simm.s32 $0x0;
	s20 =	sshll.u32 s4, $0x1;
	s4 =	sadd.s32 s21, s2  }
0x9d: {  	[timem:s6], [sflag:s22] =	dma.local [hbm:s4], s20  }
0x9e: {  	_ =	swait.ge [sflag:s22], s20  }
0x9f: {  	s3 =	ssub.s32 $0x0, s20;
	[sflag:s22] =	ssyncset.done $0x0  }
0xa0: {  	[sflag:s22] =	ssyncadd.s32 s3;
	_ =	sdelay $0x1  }
0xa1: {  	s23 =	simm.s32 $0x1B8B  }
0xa2: {  	_ =	swait.ge [sflag:s23], $0x1  }
0xa3: {  	[sflag:s23] =	ssyncset.done $0x0  }
0xa4: {  	s25 =	simm.s32 $0x1B8E;
	s24 =	sld [smem:$0x3FFE];
	[sflag:s23] =	ssyncadd.s32 $0xFFFFFFFF  }
0xa5: {  	s26 =	simm.s32 $execute0_lowered;
	[smem:$0x3FD2] =	sst s25  }
0xa6: {  	s4 =	sshll.u32 s26, $0x1;
	_ =	strace $0x80000046;
	[dreg:$0x1] =	wrdreg $0xFFFFFFFF  }
0xa7: {  	s28 =	simm.s32 $_size_execute0_lowered;
	s2 =	sadd.s32 s2, s4;
	[dreg:$0x0] =	wrdreg $0x0  }
0xa8: {  	s4 =	sshll.u32 s28, $0x1;
	[dreg:$0x2] =	wrdreg s2  }
0xa9: {  	[dreg:$0x3] =	wrdreg s4  }
0xaa: {  	[dreg:$0x4] =	wrdreg $0xC0  }
0xab: {  	_ =	task [dreg:s6], $0x5FFFF  }
0xac: {  	[dreg:$0x1] =	wrdreg $0xFFFFFFFF  }
0xad: {  	[dreg:$0x0] =	wrdreg $0x60  }
0xae: {  	[dreg:$0x2] =	wrdreg s24  }
0xaf: {  	[dreg:$0x3] =	wrdreg $0x9  }
0xb0: {  	_ =	task.clear_ibuf [dreg:s6], $0x4FFFF;
	_ =	strace $0x90000046  }
0xb1: {  	s29 =	simm.s32 $0x9;
	_ =	strace $0x80000048  }
0xb2: {  	_ =	swait.ge [sflag:s29], $0x1  }
0xb3: {  	[sflag:s29] =	ssyncadd.s32 $0xFFFFFFFF  }
0xb4: {  	_ =	strace $0x90000048  }
0xb5: {  	_ =	sfence  }
0xb6: {  	s30 =	sld [smem:$0x0];
	_ =	sdelay $0x2  }
0xb7: {  	s31 =	sshll.u32 s1, $0xD;
	s1 =	sshrl.u32 s1, $0x2  }
0xb8: {  	s3 =	sand.u32 $0x4000, s31;
	s1 =	sadd.s32 s1, s30  }
0xb9: {  	s0 =	sor.u32 s3, s0;
	s1 =	sshll.u32 s1, $0x11  }
0xba: {  	s0 =	sor.u32 s1, s0  }
0xbb: {  	s0 =	sadd.s32 $0x8F2B, s0  }
0xbc: {  	[sflag:s0] =	ssyncadd.remote.s32 $0x1  }
0xbd: {  	_ =	sfence.sel $0xFFFF  }
0xbe: {  	[dreg:$0x0] =	wrdreg $0xFFFFFFFF;
	(pc) =	sbr.abs _section_cstart, $3  }
0xbf: {  	[dreg:$0x1] =	wrdreg $0xFFFFFFFF  }
0xc0: {  	_ =	task.clear_ibuf [dreg:s6], $0x2FFFF;
	_ =	strace $0x9FFFFFFF  }
0xc1: {  	(tm) =	ssettm $0x7FFFFFFF  }
tec
execute0_lowered:
.L_overlay_start_1:
0x0: {  	(tag) =	ssettag $0x1  }
0x1: {  	s1 =	stileid.u32  }
0x2: {  	p0 =	sgt.u32 s1, $0x5  }
.Ltmp0:
0x3: {  	_ = 	snop;
	(pc) =	sbr.rel @p0 .LBB2_183-.Ltmp0, $4  }
0x4: {  	_ = 	snop  }
0x5: {  	s3 =	rddreg [dreg:$0x0];
	s2 =	simm.s32 $0x0  }
0x6: {  	[smem:$0x7FF] =	sst s2  }
0x7: {  	s0 =	rddreg [dreg:$0x1];
	_ =	strace $0x80000047  }
0x8: {  	s4 =	srdreg.scid;
	s5 =	sshll.u32 s1, $0x8  }
0x9: {  	s6 =	sshrl.u32 s1, $0x2;
	s8 =	sadd.s32 $0x3200, s3;
	s4 =	sand.u32 $0x1, s4  }
0xa: {  	s9 =	simm.s32 $0x1;
	s5 =	sand.u32 $0x300, s5;
	s7 =	sshll.u32 s4, $0x7  }
0xb: {  	s29 =	sshll.u32 s6, $0xE;
	s6 =	smul.u32 $0xC000, s6;
	s5 =	sor.u32 s7, s5  }
0xc: {  	s10 =	simm.s32 $0x2000;
	s4 =	ssub.s32 $0x2, s4;
	s7 =	sor.u32 s29, s5  }
0xd: {  	v0 =	vlaneseq.u32;
	s31 =	sshrl.u32 s4, $0x1;
	s5 =	sor.u32 s6, s5;
	s7 =	sshrl.u32 s7, $0x3  }
0xe: {  	v1 =	vmul.u32 $0xFFFFFFFF, v0;
	s6 =	ssub.s32 s4, s31;
	s5 =	sshrl.u32 s5, $0x3;
	s30 =	sadd.s32 s7, s3  }
0xf: {  	v0 =	vimm.f32 $-3.000000010e+38;
	s4 =	sadd.s32 s8, s5;
	s5 =	smax.u32 s6, $0x1;
	s6 =	simm.s32 $0x80  }
0x10: {  	v1 =	vadd.s32 $0xF, v1;
	s7 =	simm.s32 $0x400;
	s8 =	simm.s32 $0x800;
	s3 =	sadd.s32 $0x6200, s30  }
.LBB2_2:
0x11: {  	s11 =	simm.s32 $0x40;
	s12 =	simm.s32 $0x0  }
.LBB2_3:
0x12: {  	p0 =	sne.s32 s11, $0x1FC0;
	[tilespmem:s12+$0x0] =	vst v0;
	s12 =	smov.u32 s11;
	s11 =	sadd.s32 $0x40, s11  }
.Ltmp1:
0x13: {  	(pc) =	sbr.rel @p0 .LBB2_3-.Ltmp1, $2  }
0x14: {  	_ =	sdelay $0x2  }
0x15: {  	s12 =	sshra.s32 s12, $0x2  }
0x16: {  	[tilespmem:s12+$0x0] =	vst v0  }
0x17: {  	[tilespmem:s8], [sflag:$0x1] =	stream.strided.gather [hbm4b:s4+s6], $0x1800, s7, s6, $0x38;
	[tilespmem:$0x2800] =	vst v63  }
0x18: {  	_ =	swait.ge [sflag:s9], $0x1800  }
0x19: {  	[sflag:s9] =	ssyncset.done $0x0  }
0x1a: {  	s11 =	simm.s32 $0x0;
	[sflag:s9] =	ssyncadd.s32 $0xFFFFE800  }
0x1b: {  	s13 =	simm.s32 $0x1;
	s14 =	simm.s32 $0x0;
	s12 =	simm.s32 $0x0;
	v2 =	vld [tilespmem:s11+$0x0]  }
.LBB2_5:
0x1c: {  	p0 =	sne.s32 s13, $0x1FF  }
0x1d: {  	s15 =	sand.u32 $0x1, s14;
	s14 =	smov.u32 s13  }
0x1e: {  	p1 =	seq.s32 s15, $0x1;
	s15 =	simm.f32 $-1.000000000e+00  }
0x1f: {  	s15 =	simm.s32 @!p1 $0x3F800000  }
0x20: {  	v2 =	vmul.f32 s15, v2;
	_ =	sdelay $0x1  }
0x21: {  	(xrf1) =	vsort.ascd.msk.f32 $0xffff, v2, v2;
	_ =	sdelay $0xd  }
.Ltmp2:
0x22: {  	v2, _, _ =	vpop (xrf1);
	(pc) =	sbr.rel @p0 .LBB2_5-.Ltmp2, $3  }
0x23: {  	v2 =	vmul.f32 s15, v2;
	_ =	sdelay $0x1  }
0x24: {  	[tilespmem:s12+$0x0] =	vst v2;
	s12 =	sadd.s32 $0x10, s12  }
0x25: {  	s13 =	sadd.s32 $0x1, s13;
	v2 =	vld [tilespmem:s12+$0x0]  }
0x26: {  	_ = 	snop  }
0x27: {  	s13 =	sand.u32 $0x1, s14  }
0x28: {  	p0 =	seq.s32 s13, $0x1;
	s13 =	simm.f32 $-1.000000000e+00  }
0x29: {  	s13 =	simm.s32 @!p0 $0x3F800000  }
0x2a: {  	v2 =	vmul.f32 s13, v2;
	_ =	sdelay $0x1  }
0x2b: {  	(xrf1) =	vsort.ascd.msk.f32 $0xffff, v2, v2;
	_ =	sdelay $0xd  }
0x2c: {  	v2, _, _ =	vpop (xrf1)  }
0x2d: {  	v2 =	vmul.f32 s13, v2;
	_ =	sdelay $0x1  }
0x2e: {  	s13 =	simm.s32 $0x10;
	[tilespmem:s12+$0x0] =	vst v2  }
0x2f: {  	v2 =	vld [tilespmem:s13+$0xFFFFFFF0]  }
0x30: {  	s14 =	simm.s32 $0x1;
	s12 =	simm.s32 $0x10;
	v3 =	vld [tilespmem:s13+$0x0]  }
.LBB2_7:
0x31: {  	p0 =	sne.s32 s14, $0xFF;
	_ =	sdelay $0x2  }
.Ltmp3:
0x32: {  	s15 =	sand.u32 $0x1, s11;
	s11 =	smov.u32 s14;
	(pc) =	sbr.rel @p0 .LBB2_7-.Ltmp3, $4  }
0x33: {  	p1 =	seq.s32 s15, $0x1;
	v4 =	vmin.f32 v2, v3;
	v2 =	vmax.f32 v2, v3  }
0x34: {  	s13 =	sadd.s32 $0x20, s13;
	v5 =	vpsel p1, v2, v4;
	v3 =	vpsel p1, v4, v2  }
0x35: {  	v2 =	vld [tilespmem:s13+$0xFFFFFFF0];
	[tilespmem:s12+$0x0] =	vst v3  }
0x36: {  	s14 =	sadd.s32 $0x1, s14;
	v3 =	vld [tilespmem:s13+$0x0];
	[tilespmem:s12+$0xFFFFFFF0] =	vst v5;
	s12 =	smov.u32 s13  }
0x37: {  	_ =	sdelay $0x2  }
0x38: {  	s11 =	sand.u32 $0x1, s11  }
0x39: {  	p0 =	seq.s32 s11, $0x1;
	v4 =	vmin.f32 v2, v3;
	v2 =	vmax.f32 v2, v3  }
0x3a: {  	v3 =	vpsel p0, v4, v2  }
0x3b: {  	v2 =	vpsel p0, v2, v4;
	[tilespmem:s12+$0x0] =	vst v3  }
0x3c: {  	s11 =	simm.s32 $0x0;
	[tilespmem:s12+$0xFFFFFFF0] =	vst v2  }
0x3d: {  	s13 =	simm.s32 $0x1;
	s14 =	simm.s32 $0x0;
	s12 =	simm.s32 $0x0;
	v2 =	vld [tilespmem:s11+$0x0]  }
.LBB2_9:
0x3e: {  	p0 =	sne.s32 s13, $0x1FF  }
0x3f: {  	s15 =	sand.u32 $0x2, s14;
	s14 =	smov.u32 s13  }
0x40: {  	p1 =	seq.s32 s15, $0x0;
	s15 =	simm.f32 $1.000000000e+00  }
0x41: {  	s15 =	simm.s32 @!p1 $0xBF800000  }
0x42: {  	v2 =	vmul.f32 s15, v2;
	_ =	sdelay $0x1  }
0x43: {  	(xrf1) =	vsort.ascd.msk.f32 $0xffff, v2, v2;
	_ =	sdelay $0xd  }
.Ltmp4:
0x44: {  	v2, _, _ =	vpop (xrf1);
	(pc) =	sbr.rel @p0 .LBB2_9-.Ltmp4, $3  }
0x45: {  	v2 =	vmul.f32 s15, v2;
	_ =	sdelay $0x1  }
0x46: {  	[tilespmem:s12+$0x0] =	vst v2;
	s12 =	sadd.s32 $0x10, s12  }
0x47: {  	s13 =	sadd.s32 $0x1, s13;
	v2 =	vld [tilespmem:s12+$0x0]  }
0x48: {  	_ = 	snop  }
0x49: {  	s13 =	sand.u32 $0x2, s14  }
0x4a: {  	p0 =	seq.s32 s13, $0x0;
	s13 =	simm.f32 $1.000000000e+00  }
0x4b: {  	s13 =	simm.s32 @!p0 $0xBF800000  }
0x4c: {  	v2 =	vmul.f32 s13, v2;
	_ =	sdelay $0x1  }
0x4d: {  	(xrf1) =	vsort.ascd.msk.f32 $0xffff, v2, v2;
	_ =	sdelay $0xd  }
0x4e: {  	v2, _, _ =	vpop (xrf1)  }
0x4f: {  	v2 =	vmul.f32 s13, v2  }
0x50: {  	s28 =	sand.u32 $0x10, s11;
	s29 =	sand.u32 $0x1FC0, s11  }
0x51: {  	[tilespmem:s12+$0x0] =	vst v2;
	s12 =	sor.u32 s28, s29  }
0x52: {  	v3 =	vld [tilespmem:s12+$0x0]  }
0x53: {  	v4 =	vld [tilespmem:s12+$0x20];
	_ =	sdelay $0x2  }
0x54: {  	s30 =	simm.s32 $0x10;
	s15 =	simm.s32 $0x2  }
0x55: {  	s31 =	sand.u32 $0x2, s11;
	s11 =	simm.s32 $0x20;
	s16 =	simm.s32 $0x20  }
0x56: {  	s14 =	sand.u32 $0x10, s30;
	p1 =	seq.s32 s31, $0x0;
	s13 =	simm.s32 $0x1;
	v2 =	vmin.f32 v3, v4;
	v3 =	vmax.f32 v3, v4  }
.LBB2_11:
0x57: {  	s17 =	sand.u32 $0x10, s11  }
0x58: {  	p0 =	sne.s32 s15, $0xFF;
	s18 =	sand.u32 $0x1FC0, s16;
	v4 =	vpsel p1, v2, v3;
	v2 =	vpsel p1, v3, v2;
	s19 =	smov.u32 s15  }
0x59: {  	s15 =	sadd.s32 $0x1, s15;
	s18 =	sor.u32 s14, s18;
	[tilespmem:s12+$0x0] =	vst v4;
	s14 =	smov.u32 s17  }
0x5a: {  	v3 =	vld [tilespmem:s18+$0x0];
	[tilespmem:s12+$0x20] =	vst v2;
	s12 =	smov.u32 s18  }
0x5b: {  	v4 =	vld [tilespmem:s12+$0x20]  }
.Ltmp5:
0x5c: {  	(pc) =	sbr.rel @p0 .LBB2_11-.Ltmp5, $4  }
0x5d: {  	_ = 	snop  }
0x5e: {  	s17 =	sand.u32 $0x2, s13;
	s13 =	smov.u32 s19  }
0x5f: {  	p1 =	seq.s32 s17, $0x0  }
0x60: {  	s11 =	sadd.s32 $0x10, s11;
	s16 =	sadd.s32 $0x20, s16;
	v2 =	vmin.f32 v3, v4;
	v3 =	vmax.f32 v3, v4  }
0x61: {  	s11 =	sand.u32 $0x1FC0, s16;
	v4 =	vpsel p1, v2, v3  }
0x62: {  	v2 =	vpsel p1, v3, v2;
	s11 =	sor.u32 s14, s11;
	[tilespmem:s12+$0x0] =	vst v4  }
0x63: {  	v3 =	vld [tilespmem:s11+$0x0];
	[tilespmem:s12+$0x20] =	vst v2  }
0x64: {  	v2 =	vld [tilespmem:s11+$0x20];
	_ =	sdelay $0x3  }
0x65: {  	s31 =	sand.u32 $0x2, s13  }
0x66: {  	p0 =	seq.s32 s31, $0x0;
	v4 =	vmin.f32 v3, v2;
	v2 =	vmax.f32 v3, v2  }
0x67: {  	v3 =	vpsel p0, v4, v2  }
0x68: {  	v2 =	vpsel p0, v2, v4;
	[tilespmem:s11+$0x0] =	vst v3  }
0x69: {  	s13 =	simm.s32 $0x10;
	[tilespmem:s11+$0x20] =	vst v2  }
0x6a: {  	s15 =	simm.s32 $0x0;
	v2 =	vld [tilespmem:s13+$0xFFFFFFF0]  }
0x6b: {  	s14 =	simm.s32 $0x1;
	s12 =	simm.s32 $0x10;
	s11 =	simm.s32 $0x0;
	v3 =	vld [tilespmem:s13+$0x0]  }
.LBB2_13:
0x6c: {  	p0 =	sne.s32 s14, $0xFF;
	_ =	sdelay $0x2  }
.Ltmp6:
0x6d: {  	s16 =	sand.u32 $0x2, s15;
	s15 =	smov.u32 s14;
	(pc) =	sbr.rel @p0 .LBB2_13-.Ltmp6, $4  }
0x6e: {  	p1 =	seq.s32 s16, $0x0;
	v4 =	vmin.f32 v2, v3;
	v2 =	vmax.f32 v2, v3  }
0x6f: {  	s13 =	sadd.s32 $0x20, s13;
	v5 =	vpsel p1, v4, v2;
	v3 =	vpsel p1, v2, v4  }
0x70: {  	v2 =	vld [tilespmem:s13+$0xFFFFFFF0];
	[tilespmem:s12+$0x0] =	vst v3  }
0x71: {  	s14 =	sadd.s32 $0x1, s14;
	v3 =	vld [tilespmem:s13+$0x0];
	[tilespmem:s12+$0xFFFFFFF0] =	vst v5;
	s12 =	smov.u32 s13  }
0x72: {  	_ =	sdelay $0x2  }
0x73: {  	s13 =	sand.u32 $0x2, s15  }
0x74: {  	p0 =	seq.s32 s13, $0x0;
	v4 =	vmin.f32 v2, v3;
	v2 =	vmax.f32 v2, v3  }
0x75: {  	v3 =	vpsel p0, v2, v4  }
0x76: {  	v2 =	vpsel p0, v4, v2;
	[tilespmem:s12+$0x0] =	vst v3  }
0x77: {  	[tilespmem:s12+$0xFFFFFFF0] =	vst v2  }
0x78: {  	s13 =	simm.s32 $0x0;
	s12 =	simm.s32 $0x1;
	v2 =	vld [tilespmem:s11+$0x0]  }
.LBB2_15:
0x79: {  	p0 =	sne.s32 s12, $0x1FF  }
0x7a: {  	s14 =	sand.u32 $0x4, s11;
	s11 =	smov.u32 s12  }
0x7b: {  	p1 =	seq.s32 s14, $0x0;
	s14 =	simm.f32 $1.000000000e+00  }
0x7c: {  	s14 =	simm.s32 @!p1 $0xBF800000  }
0x7d: {  	v2 =	vmul.f32 s14, v2;
	_ =	sdelay $0x1  }
0x7e: {  	(xrf1) =	vsort.ascd.msk.f32 $0xffff, v2, v2;
	_ =	sdelay $0xd  }
.Ltmp7:
0x7f: {  	v2, _, _ =	vpop (xrf1);
	(pc) =	sbr.rel @p0 .LBB2_15-.Ltmp7, $3  }
0x80: {  	v2 =	vmul.f32 s14, v2;
	_ =	sdelay $0x1  }
0x81: {  	[tilespmem:s13+$0x0] =	vst v2;
	s13 =	sadd.s32 $0x10, s13  }
0x82: {  	s12 =	sadd.s32 $0x1, s12;
	v2 =	vld [tilespmem:s13+$0x0]  }
0x83: {  	_ = 	snop  }
0x84: {  	s11 =	sand.u32 $0x4, s11  }
0x85: {  	p0 =	seq.s32 s11, $0x0;
	s11 =	simm.f32 $1.000000000e+00  }
0x86: {  	s11 =	simm.s32 @!p0 $0xBF800000  }
0x87: {  	v2 =	vmul.f32 s11, v2;
	_ =	sdelay $0x1  }
0x88: {  	(xrf1) =	vsort.ascd.msk.f32 $0xffff, v2, v2;
	_ =	sdelay $0xd  }
0x89: {  	v2, _, _ =	vpop (xrf1)  }
0x8a: {  	s12 =	simm.s32 $0x0;
	v2 =	vmul.f32 s11, v2  }
0x8b: {  	s31 =	sand.u32 $0x30, s12;
	s14 =	sand.u32 $0x1F80, s12  }
0x8c: {  	s15 =	sor.u32 s31, s14;
	[tilespmem:s13+$0x0] =	vst v2  }
0x8d: {  	v3 =	vld [tilespmem:s15+$0x0]  }
0x8e: {  	v4 =	vld [tilespmem:s15+$0x40];
	_ =	sdelay $0x2  }
0x8f: {  	s18 =	simm.s32 $0x2;
	s19 =	simm.s32 $0x20;
	s20 =	simm.s32 $0x20  }
0x90: {  	s17 =	simm.s32 $0x1;
	s14 =	simm.s32 $0x10;
	s13 =	sand.u32 $0x4, s12  }
0x91: {  	s16 =	sand.u32 $0x30, s14;
	s11 =	simm.s32 $0x1;
	p1 =	seq.s32 s13, $0x0;
	v2 =	vmin.f32 v3, v4;
	v3 =	vmax.f32 v3, v4  }
.LBB2_17:
0x92: {  	s21 =	sand.u32 $0x30, s19  }
0x93: {  	p0 =	sne.s32 s18, $0xFF;
	s22 =	sand.u32 $0x1F80, s20;
	v4 =	vpsel p1, v2, v3;
	v2 =	vpsel p1, v3, v2;
	s23 =	smov.u32 s18  }
0x94: {  	s18 =	sadd.s32 $0x1, s18;
	s22 =	sor.u32 s16, s22;
	[tilespmem:s15+$0x0] =	vst v4;
	s16 =	smov.u32 s21  }
0x95: {  	v3 =	vld [tilespmem:s22+$0x0];
	[tilespmem:s15+$0x40] =	vst v2;
	s15 =	smov.u32 s22  }
0x96: {  	v4 =	vld [tilespmem:s15+$0x40]  }
.Ltmp8:
0x97: {  	(pc) =	sbr.rel @p0 .LBB2_17-.Ltmp8, $4  }
0x98: {  	_ = 	snop  }
0x99: {  	s21 =	sand.u32 $0x4, s17;
	s17 =	smov.u32 s23  }
0x9a: {  	p1 =	seq.s32 s21, $0x0  }
0x9b: {  	s19 =	sadd.s32 $0x10, s19;
	s20 =	sadd.s32 $0x20, s20;
	v2 =	vmin.f32 v3, v4;
	v3 =	vmax.f32 v3, v4  }
0x9c: {  	s18 =	sand.u32 $0x1F80, s20;
	v4 =	vpsel p1, v2, v3  }
0x9d: {  	v2 =	vpsel p1, v3, v2;
	s16 =	sor.u32 s16, s18;
	[tilespmem:s15+$0x0] =	vst v4  }
0x9e: {  	[tilespmem:s15+$0x40] =	vst v2;
	v3 =	vld [tilespmem:s16+$0x0]  }
0x9f: {  	v2 =	vld [tilespmem:s16+$0x40];
	_ =	sdelay $0x3  }
0xa0: {  	s29 =	sand.u32 $0x4, s17  }
0xa1: {  	p0 =	seq.s32 s29, $0x0;
	v4 =	vmin.f32 v3, v2;
	v2 =	vmax.f32 v3, v2  }
0xa2: {  	v3 =	vpsel p0, v4, v2  }
0xa3: {  	s30 =	sand.u32 $0x10, s12;
	s31 =	sand.u32 $0x1FC0, s12;
	v2 =	vpsel p0, v2, v4;
	[tilespmem:s16+$0x0] =	vst v3  }
0xa4: {  	s12 =	sor.u32 s30, s31;
	[tilespmem:s16+$0x40] =	vst v2  }
0xa5: {  	v3 =	vld [tilespmem:s12+$0x0]  }
0xa6: {  	v4 =	vld [tilespmem:s12+$0x20];
	_ =	sdelay $0x3  }
0xa7: {  	s14 =	sand.u32 $0x10, s14;
	p1 =	seq.s32 s13, $0x0  }
0xa8: {  	s13 =	simm.s32 $0x20;
	s15 =	simm.s32 $0x2;
	s16 =	simm.s32 $0x20;
	v2 =	vmin.f32 v3, v4;
	v3 =	vmax.f32 v3, v4  }
.LBB2_19:
0xa9: {  	s17 =	sand.u32 $0x10, s13  }
0xaa: {  	p0 =	sne.s32 s15, $0xFF;
	s18 =	sand.u32 $0x1FC0, s16;
	v4 =	vpsel p1, v2, v3;
	v2 =	vpsel p1, v3, v2;
	s19 =	smov.u32 s15  }
0xab: {  	s15 =	sadd.s32 $0x1, s15;
	s18 =	sor.u32 s14, s18;
	[tilespmem:s12+$0x0] =	vst v4;
	s14 =	smov.u32 s17  }
0xac: {  	v3 =	vld [tilespmem:s18+$0x0];
	[tilespmem:s12+$0x20] =	vst v2;
	s12 =	smov.u32 s18  }
0xad: {  	v4 =	vld [tilespmem:s12+$0x20]  }
.Ltmp9:
0xae: {  	(pc) =	sbr.rel @p0 .LBB2_19-.Ltmp9, $4  }
0xaf: {  	_ = 	snop  }
0xb0: {  	s17 =	sand.u32 $0x4, s11;
	s11 =	smov.u32 s19  }
0xb1: {  	p1 =	seq.s32 s17, $0x0  }
0xb2: {  	s13 =	sadd.s32 $0x10, s13;
	s16 =	sadd.s32 $0x20, s16;
	v2 =	vmin.f32 v3, v4;
	v3 =	vmax.f32 v3, v4  }
0xb3: {  	s13 =	sand.u32 $0x1FC0, s16;
	v4 =	vpsel p1, v2, v3  }
0xb4: {  	v2 =	vpsel p1, v3, v2;
	s13 =	sor.u32 s14, s13;
	[tilespmem:s12+$0x0] =	vst v4  }
0xb5: {  	v3 =	vld [tilespmem:s13+$0x0];
	[tilespmem:s12+$0x20] =	vst v2  }
0xb6: {  	v2 =	vld [tilespmem:s13+$0x20];
	_ =	sdelay $0x3  }
0xb7: {  	s11 =	sand.u32 $0x4, s11  }
0xb8: {  	p0 =	seq.s32 s11, $0x0;
	v4 =	vmin.f32 v3, v2;
	v2 =	vmax.f32 v3, v2  }
0xb9: {  	v3 =	vpsel p0, v4, v2  }
0xba: {  	v2 =	vpsel p0, v2, v4;
	[tilespmem:s13+$0x0] =	vst v3  }
0xbb: {  	[tilespmem:s13+$0x20] =	vst v2;
	s13 =	simm.s32 $0x10  }
0xbc: {  	s15 =	simm.s32 $0x0;
	v2 =	vld [tilespmem:s13+$0xFFFFFFF0]  }
0xbd: {  	s11 =	simm.s32 $0x0;
	s14 =	simm.s32 $0x1;
	s12 =	simm.s32 $0x10;
	v3 =	vld [tilespmem:s13+$0x0]  }
.LBB2_21:
0xbe: {  	p0 =	sne.s32 s14, $0xFF;
	_ =	sdelay $0x2  }
.Ltmp10:
0xbf: {  	s16 =	sand.u32 $0x4, s15;
	s15 =	smov.u32 s14;
	(pc) =	sbr.rel @p0 .LBB2_21-.Ltmp10, $4  }
0xc0: {  	p1 =	seq.s32 s16, $0x0;
	v4 =	vmin.f32 v2, v3;
	v2 =	vmax.f32 v2, v3  }
0xc1: {  	s13 =	sadd.s32 $0x20, s13;
	v5 =	vpsel p1, v4, v2;
	v3 =	vpsel p1, v2, v4  }
0xc2: {  	v2 =	vld [tilespmem:s13+$0xFFFFFFF0];
	[tilespmem:s12+$0x0] =	vst v3  }
0xc3: {  	s14 =	sadd.s32 $0x1, s14;
	v3 =	vld [tilespmem:s13+$0x0];
	[tilespmem:s12+$0xFFFFFFF0] =	vst v5;
	s12 =	smov.u32 s13  }
0xc4: {  	_ =	sdelay $0x2  }
0xc5: {  	s13 =	sand.u32 $0x4, s15  }
0xc6: {  	p0 =	seq.s32 s13, $0x0;
	v4 =	vmin.f32 v2, v3;
	v2 =	vmax.f32 v2, v3  }
0xc7: {  	v3 =	vpsel p0, v2, v4  }
0xc8: {  	v2 =	vpsel p0, v4, v2;
	[tilespmem:s12+$0x0] =	vst v3  }
0xc9: {  	[tilespmem:s12+$0xFFFFFFF0] =	vst v2  }
0xca: {  	s13 =	simm.s32 $0x0;
	s12 =	simm.s32 $0x1;
	v2 =	vld [tilespmem:s11+$0x0]  }
.LBB2_23:
0xcb: {  	p0 =	sne.s32 s12, $0x1FF  }
0xcc: {  	s14 =	sand.u32 $0x8, s11;
	s11 =	smov.u32 s12  }
0xcd: {  	p1 =	seq.s32 s14, $0x0;
	s14 =	simm.f32 $1.000000000e+00  }
0xce: {  	s14 =	simm.s32 @!p1 $0xBF800000  }
0xcf: {  	v2 =	vmul.f32 s14, v2;
	_ =	sdelay $0x1  }
0xd0: {  	(xrf1) =	vsort.ascd.msk.f32 $0xffff, v2, v2;
	_ =	sdelay $0xd  }
.Ltmp11:
0xd1: {  	v2, _, _ =	vpop (xrf1);
	(pc) =	sbr.rel @p0 .LBB2_23-.Ltmp11, $3  }
0xd2: {  	v2 =	vmul.f32 s14, v2;
	_ =	sdelay $0x1  }
0xd3: {  	[tilespmem:s13+$0x0] =	vst v2;
	s13 =	sadd.s32 $0x10, s13  }
0xd4: {  	s12 =	sadd.s32 $0x1, s12;
	v2 =	vld [tilespmem:s13+$0x0]  }
0xd5: {  	_ = 	snop  }
0xd6: {  	s11 =	sand.u32 $0x8, s11  }
0xd7: {  	p0 =	seq.s32 s11, $0x0;
	s11 =	simm.f32 $1.000000000e+00  }
0xd8: {  	s11 =	simm.s32 @!p0 $0xBF800000  }
0xd9: {  	v2 =	vmul.f32 s11, v2;
	_ =	sdelay $0x1  }
0xda: {  	(xrf1) =	vsort.ascd.msk.f32 $0xffff, v2, v2;
	_ =	sdelay $0xd  }
0xdb: {  	v2, _, _ =	vpop (xrf1)  }
0xdc: {  	s12 =	simm.s32 $0x0;
	v2 =	vmul.f32 s11, v2  }
0xdd: {  	s30 =	sand.u32 $0x70, s12;
	s14 =	sand.u32 $0x7C00, s12;
	s15 =	sand.u32 $0x1F00, s12  }
0xde: {  	s31 =	sshrl.u32 s14, $0x2;
	s14 =	sor.u32 s30, s15;
	[tilespmem:s13+$0x0] =	vst v2  }
0xdf: {  	s13 =	sor.u32 s30, s31;
	v2 =	vld [tilespmem:s14+$0x80]  }
0xe0: {  	v3 =	vld [tilespmem:s13+$0x0];
	_ =	sdelay $0x2  }
0xe1: {  	s16 =	simm.s32 $0x10;
	s17 =	simm.s32 $0x80  }
0xe2: {  	s19 =	simm.s32 $0x2;
	s18 =	sand.u32 $0x8, s12;
	s20 =	sand.u32 $0x70, s16  }
0xe3: {  	s22 =	sand.u32 $0x7C00, s17;
	s15 =	simm.s32 $0x20;
	p0 =	seq.s32 s18, $0x0;
	v4 =	vmin.f32 v3, v2;
	v3 =	vmax.f32 v3, v2  }
0xe4: {  	s18 =	simm.s32 $0x1;
	s21 =	sand.u32 $0x1F00, s15;
	s11 =	simm.s32 $0x1;
	v2 =	vpsel p0, v4, v3;
	v3 =	vpsel p0, v3, v4  }
.LBB2_25:
0xe5: {  	p1 =	sne.s32 s19, $0xFF;
	s22 =	sshrl.u32 s22, $0x2;
	[tilespmem:s14+$0x80] =	vst v3;
	s14 =	sor.u32 s20, s21  }
0xe6: {  	v3 =	vld [tilespmem:s14+$0x80];
	[tilespmem:s13+$0x0] =	vst v2;
	s13 =	sor.u32 s20, s22;
	s20 =	smov.u32 s18;
	s18 =	smov.u32 s19  }
0xe7: {  	v2 =	vld [tilespmem:s13+$0x0];
	_ =	sdelay $0x1  }
.Ltmp12:
0xe8: {  	(pc) =	sbr.rel @p1 .LBB2_25-.Ltmp12, $4  }
0xe9: {  	_ = 	snop  }
0xea: {  	s15 =	sadd.s32 $0x20, s15;
	s16 =	sadd.s32 $0x10, s16;
	s21 =	sand.u32 $0x8, s20  }
0xeb: {  	s17 =	sadd.s32 $0x80, s17;
	s20 =	sand.u32 $0x70, s16;
	p2 =	seq.s32 s21, $0x0;
	v4 =	vmin.f32 v2, v3;
	v3 =	vmax.f32 v2, v3  }
0xec: {  	s22 =	sand.u32 $0x7C00, s17;
	s19 =	sadd.s32 $0x1, s19;
	s21 =	sand.u32 $0x1F00, s15;
	v2 =	vpsel p2, v4, v3;
	v3 =	vpsel p2, v3, v4  }
0xed: {  	s15 =	sshrl.u32 s22, $0x2;
	s16 =	sor.u32 s20, s21;
	[tilespmem:s14+$0x80] =	vst v3  }
0xee: {  	[tilespmem:s13+$0x0] =	vst v2;
	s26 =	sor.u32 s20, s15;
	v3 =	vld [tilespmem:s16+$0x80]  }
0xef: {  	v2 =	vld [tilespmem:s26+$0x0];
	_ =	sdelay $0x3  }
0xf0: {  	s28 =	sand.u32 $0x8, s18  }
0xf1: {  	p1 =	seq.s32 s28, $0x0;
	v4 =	vmin.f32 v2, v3;
	v2 =	vmax.f32 v2, v3  }
0xf2: {  	v3 =	vpsel p1, v2, v4  }
0xf3: {  	s29 =	sand.u32 $0x30, s12;
	s30 =	sand.u32 $0x1F80, s12;
	v2 =	vpsel p1, v4, v2;
	[tilespmem:s16+$0x80] =	vst v3  }
0xf4: {  	s12 =	sor.u32 s29, s30;
	[tilespmem:s26+$0x0] =	vst v2  }
0xf5: {  	v3 =	vld [tilespmem:s12+$0x0]  }
0xf6: {  	v4 =	vld [tilespmem:s12+$0x40];
	_ =	sdelay $0x3  }
0xf7: {  	s31 =	simm.s32 $0x10;
	s14 =	simm.s32 $0x2  }
0xf8: {  	s13 =	sand.u32 $0x30, s31;
	s15 =	simm.s32 $0x20;
	s16 =	simm.s32 $0x20;
	v2 =	vmin.f32 v3, v4;
	v3 =	vmax.f32 v3, v4  }
.LBB2_27:
0xf9: {  	s17 =	sand.u32 $0x30, s15  }
0xfa: {  	p1 =	sne.s32 s14, $0xFF;
	s18 =	sand.u32 $0x1F80, s16;
	v4 =	vpsel p0, v2, v3;
	v2 =	vpsel p0, v3, v2;
	s19 =	smov.u32 s14  }
0xfb: {  	s14 =	sadd.s32 $0x1, s14;
	s18 =	sor.u32 s13, s18;
	[tilespmem:s12+$0x0] =	vst v4;
	s13 =	smov.u32 s17  }
0xfc: {  	v3 =	vld [tilespmem:s18+$0x0];
	[tilespmem:s12+$0x40] =	vst v2;
	s12 =	smov.u32 s18  }
0xfd: {  	v4 =	vld [tilespmem:s12+$0x40]  }
.Ltmp13:
0xfe: {  	(pc) =	sbr.rel @p1 .LBB2_27-.Ltmp13, $4  }
0xff: {  	_ = 	snop  }
0x100: {  	s17 =	sand.u32 $0x8, s11;
	s11 =	smov.u32 s19  }
0x101: {  	p0 =	seq.s32 s17, $0x0  }
0x102: {  	s15 =	sadd.s32 $0x10, s15;
	s16 =	sadd.s32 $0x20, s16;
	v2 =	vmin.f32 v3, v4;
	v3 =	vmax.f32 v3, v4  }
0x103: {  	s14 =	sand.u32 $0x1F80, s16;
	v4 =	vpsel p0, v2, v3  }
0x104: {  	v2 =	vpsel p0, v3, v2;
	s13 =	sor.u32 s13, s14;
	[tilespmem:s12+$0x0] =	vst v4  }
0x105: {  	[tilespmem:s12+$0x40] =	vst v2;
	v3 =	vld [tilespmem:s13+$0x0]  }
0x106: {  	v2 =	vld [tilespmem:s13+$0x40];
	_ =	sdelay $0x2  }
0x107: {  	p0 =	por $0x1, $0x1  }
.Ltmp14:
0x108: {  	s11 =	sand.u32 $0x8, s11;
	(pc) =	sbr.rel @!p0 .LBB2_29-.Ltmp14, $4  }
0x109: {  	p6 =	seq.s32 s11, $0x0;
	v63 =	vmin.f32 v3, v2;
	v2 =	vmax.f32 v3, v2  }
0x10a: {  	v3 =	vpsel p6, v63, v2  }
0x10b: {  	p1 =	por $0x0, $0x0;
	s11 =	simm.s32 $0x0;
	v2 =	vpsel p6, v2, v63;
	[tilespmem:s13+$0x0] =	vst v3  }
0x10c: {  	s12 =	simm.s32 $0x1;
	s14 =	simm.s32 $0x10;
	s16 =	sand.u32 $0x10, s11;
	[tilespmem:s13+$0x40] =	vst v2  }
0x10d: {  	s13 =	sand.u32 $0x1FC0, s11  }
0x10e: {  	s13 =	sor.u32 s16, s13  }
0x10f: {  	v3 =	vld [tilespmem:s13+$0x0]  }
0x110: {  	p3 =	por $0x1, $0x1;
	v4 =	vld [tilespmem:s13+$0x20]  }
.Ltmp15:
0x111: {  	_ = 	snop;
	(pc) =	sbr.rel @!p3 .LBB2_31-.Ltmp15, $4  }
0x112: {  	_ = 	snop  }
0x113: {  	s31 =	sand.u32 $0x8, s11;
	s17 =	simm.s32 $0x2  }
0x114: {  	s18 =	simm.s32 $0x20;
	p1 =	por $0x1, $0x1;
	s15 =	simm.s32 $0x1  }
0x115: {  	s16 =	sand.u32 $0x10, s14;
	p2 =	seq.s32 s31, $0x0;
	s14 =	simm.s32 $0x20;
	v2 =	vmin.f32 v3, v4;
	v3 =	vmax.f32 v3, v4  }
.LBB2_32:
0x116: {  	s19 =	sand.u32 $0x10, s18  }
0x117: {  	p3 =	sne.s32 s17, $0xFF;
	s20 =	sand.u32 $0x1FC0, s14;
	v4 =	vpsel p2, v2, v3;
	v2 =	vpsel p2, v3, v2;
	s21 =	smov.u32 s17  }
0x118: {  	s17 =	sadd.s32 $0x1, s17;
	s20 =	sor.u32 s16, s20;
	[tilespmem:s13+$0x0] =	vst v4;
	s16 =	smov.u32 s19  }
0x119: {  	v3 =	vld [tilespmem:s20+$0x0];
	[tilespmem:s13+$0x20] =	vst v2;
	s13 =	smov.u32 s20  }
0x11a: {  	v4 =	vld [tilespmem:s13+$0x20]  }
.Ltmp16:
0x11b: {  	(pc) =	sbr.rel @p3 .LBB2_32-.Ltmp16, $4  }
0x11c: {  	_ = 	snop  }
0x11d: {  	s19 =	sand.u32 $0x8, s15;
	s15 =	smov.u32 s21  }
0x11e: {  	p2 =	seq.s32 s19, $0x0  }
0x11f: {  	s18 =	sadd.s32 $0x10, s18;
	s14 =	sadd.s32 $0x20, s14;
	v2 =	vmin.f32 v3, v4;
	v3 =	vmax.f32 v3, v4  }
.LBB2_33:
0x120: {  	p2 =	por !p2, !p1  }
0x121: {  	s14 =	sand.u32 $0x1FC0, s14;
	v4 =	vpsel p2, v3, v2  }
0x122: {  	s14 =	sor.u32 s16, s14;
	v2 =	vpsel p2, v2, v3;
	[tilespmem:s13+$0x0] =	vst @p1 v4  }
0x123: {  	v3 =	vld [tilespmem:s14+$0x0];
	[tilespmem:s13+$0x20] =	vst @p1 v2  }
0x124: {  	v2 =	vld [tilespmem:s14+$0x20];
	_ =	sdelay $0x3  }
0x125: {  	s31 =	sand.u32 $0x8, s15  }
0x126: {  	p6 =	seq.s32 s31, $0x0;
	v4 =	vmin.f32 v3, v2;
	v2 =	vmax.f32 v3, v2  }
.Ltmp17:
0x127: {  	v3 =	vpsel p6, v4, v2;
	(pc) =	sbr.rel @!p0 .LBB2_35-.Ltmp17, $4  }
0x128: {  	v2 =	vpsel p6, v2, v4;
	[tilespmem:s14+$0x0] =	vst v3  }
0x129: {  	s13 =	simm.s32 $0x10;
	[tilespmem:s14+$0x20] =	vst v2  }
0x12a: {  	v2 =	vld [tilespmem:s13+$0xFFFFFFF0]  }
0x12b: {  	s14 =	simm.s32 $0x10;
	v3 =	vld [tilespmem:s13+$0x0]  }
.LBB2_34:
0x12c: {  	p0 =	sne.s32 s12, $0xFF;
	_ =	sdelay $0x2  }
.Ltmp18:
0x12d: {  	s15 =	sand.u32 $0x8, s11;
	s11 =	smov.u32 s12;
	(pc) =	sbr.rel @p0 .LBB2_34-.Ltmp18, $4  }
0x12e: {  	p1 =	seq.s32 s15, $0x0;
	v4 =	vmin.f32 v2, v3;
	v2 =	vmax.f32 v2, v3  }
0x12f: {  	s14 =	sadd.s32 $0x20, s14;
	v5 =	vpsel p1, v4, v2;
	v3 =	vpsel p1, v2, v4  }
0x130: {  	v2 =	vld [tilespmem:s14+$0xFFFFFFF0];
	[tilespmem:s13+$0x0] =	vst v3  }
0x131: {  	s12 =	sadd.s32 $0x1, s12;
	v3 =	vld [tilespmem:s14+$0x0];
	[tilespmem:s13+$0xFFFFFFF0] =	vst v5;
	s13 =	smov.u32 s14  }
.LBB2_35:
0x132: {  	_ =	sdelay $0x2  }
0x133: {  	s11 =	sand.u32 $0x8, s11  }
0x134: {  	p0 =	seq.s32 s11, $0x0;
	v4 =	vmin.f32 v2, v3;
	v2 =	vmax.f32 v2, v3  }
0x135: {  	v3 =	vpsel p0, v2, v4  }
0x136: {  	v2 =	vpsel p0, v4, v2;
	[tilespmem:s13+$0x0] =	vst v3  }
0x137: {  	s11 =	simm.s32 $0x0;
	[tilespmem:s13+$0xFFFFFFF0] =	vst v2  }
0x138: {  	s14 =	simm.s32 $0x0;
	s12 =	simm.s32 $0x0;
	s13 =	simm.s32 $0x1;
	v2 =	vld [tilespmem:s11+$0x0]  }
.LBB2_36:
0x139: {  	p0 =	sne.s32 s13, $0x1FF  }
0x13a: {  	s15 =	sand.u32 $0x10, s14;
	s14 =	smov.u32 s13  }
0x13b: {  	p1 =	seq.s32 s15, $0x0;
	s15 =	simm.f32 $1.000000000e+00  }
0x13c: {  	s15 =	simm.s32 @!p1 $0xBF800000  }
0x13d: {  	v2 =	vmul.f32 s15, v2;
	_ =	sdelay $0x1  }
0x13e: {  	(xrf1) =	vsort.ascd.msk.f32 $0xffff, v2, v2;
	_ =	sdelay $0xd  }
.Ltmp19:
0x13f: {  	v2, _, _ =	vpop (xrf1);
	(pc) =	sbr.rel @p0 .LBB2_36-.Ltmp19, $3  }
0x140: {  	v2 =	vmul.f32 s15, v2;
	_ =	sdelay $0x1  }
0x141: {  	[tilespmem:s12+$0x0] =	vst v2;
	s12 =	sadd.s32 $0x10, s12  }
0x142: {  	s13 =	sadd.s32 $0x1, s13;
	v2 =	vld [tilespmem:s12+$0x0]  }
0x143: {  	_ = 	snop  }
0x144: {  	s13 =	sand.u32 $0x10, s14  }
0x145: {  	p0 =	seq.s32 s13, $0x0;
	s13 =	simm.f32 $1.000000000e+00  }
0x146: {  	s13 =	simm.s32 @!p0 $0xBF800000  }
0x147: {  	v2 =	vmul.f32 s13, v2;
	_ =	sdelay $0x1  }
0x148: {  	(xrf1) =	vsort.ascd.msk.f32 $0xffff, v2, v2;
	_ =	sdelay $0xd  }
0x149: {  	v2, _, _ =	vpop (xrf1)  }
0x14a: {  	s30 =	sand.u32 $0xF, s11;
	s31 =	sand.u32 $0x1E0, s11;
	v2 =	vmul.f32 s13, v2  }
0x14b: {  	s13 =	sor.u32 s30, s31  }
0x14c: {  	[tilespmem:s12+$0x0] =	vst v2;
	s12 =	sshll.u32 s13, $0x4  }
0x14d: {  	v3 =	vld [tilespmem:s12+$0x0]  }
0x14e: {  	v4 =	vld [tilespmem:s12+$0x100];
	_ =	sdelay $0x2  }
0x14f: {  	s14 =	simm.s32 $0x2  }
0x150: {  	s15 =	sand.u32 $0x10, s11;
	s11 =	simm.s32 $0x2;
	s13 =	simm.s32 $0x1  }
0x151: {  	p1 =	seq.s32 s15, $0x0;
	s16 =	sand.u32 $0x1E0, s11;
	s15 =	sand.u32 $0xF, s13;
	v2 =	vmin.f32 v3, v4;
	v3 =	vmax.f32 v3, v4  }
.LBB2_38:
0x152: {  	p0 =	sne.s32 s14, $0xFF  }
0x153: {  	s15 =	sor.u32 s15, s16;
	v4 =	vpsel p1, v2, v3;
	v2 =	vpsel p1, v3, v2;
	s16 =	smov.u32 s14;
	s14 =	sadd.s32 $0x1, s14  }
0x154: {  	s15 =	sshll.u32 s15, $0x4;
	[tilespmem:s12+$0x0] =	vst v4  }
0x155: {  	v3 =	vld [tilespmem:s15+$0x0];
	[tilespmem:s12+$0x100] =	vst v2;
	s12 =	smov.u32 s15  }
0x156: {  	v4 =	vld [tilespmem:s12+$0x100]  }
.Ltmp20:
0x157: {  	(pc) =	sbr.rel @p0 .LBB2_38-.Ltmp20, $4  }
0x158: {  	_ = 	snop  }
0x159: {  	s15 =	sand.u32 $0x10, s13;
	s13 =	smov.u32 s16  }
0x15a: {  	s11 =	sadd.s32 $0x2, s11;
	p1 =	seq.s32 s15, $0x0  }
0x15b: {  	s16 =	sand.u32 $0x1E0, s11;
	s15 =	sand.u32 $0xF, s13;
	v2 =	vmin.f32 v3, v4;
	v3 =	vmax.f32 v3, v4  }
0x15c: {  	s11 =	sor.u32 s15, s16;
	v4 =	vpsel p1, v2, v3  }
0x15d: {  	v2 =	vpsel p1, v3, v2;
	s14 =	sshll.u32 s11, $0x4;
	[tilespmem:s12+$0x0] =	vst v4  }
0x15e: {  	[tilespmem:s12+$0x100] =	vst v2;
	v3 =	vld [tilespmem:s14+$0x0]  }
0x15f: {  	v2 =	vld [tilespmem:s14+$0x100];
	_ =	sdelay $0x2  }
0x160: {  	p1 =	por $0x1, $0x1  }
.Ltmp21:
0x161: {  	s31 =	sand.u32 $0x10, s13;
	(pc) =	sbr.rel @!p1 .LBB2_40-.Ltmp21, $4  }
0x162: {  	p0 =	seq.s32 s31, $0x0;
	v63 =	vmin.f32 v3, v2;
	v2 =	vmax.f32 v3, v2  }
0x163: {  	s11 =	simm.s32 $0x0;
	v3 =	vpsel p0, v63, v2  }
0x164: {  	s12 =	simm.s32 $0x1;
	s15 =	sand.u32 $0x70, s11;
	v2 =	vpsel p0, v2, v63;
	[tilespmem:s14+$0x0] =	vst v3  }
0x165: {  	s21 =	sand.u32 $0x7C00, s11;
	s22 =	sand.u32 $0x1F00, s11;
	p0 =	por $0x0, $0x0;
	[tilespmem:s14+$0x100] =	vst v2  }
0x166: {  	s14 =	sshrl.u32 s21, $0x2;
	s13 =	sor.u32 s15, s22  }
0x167: {  	s14 =	sor.u32 s15, s14;
	v2 =	vld [tilespmem:s13+$0x80]  }
0x168: {  	v3 =	vld [tilespmem:s14+$0x0]  }
0x169: {  	p3 =	por $0x1, $0x1  }
.Ltmp22:
0x16a: {  	_ = 	snop;
	(pc) =	sbr.rel @!p3 .LBB2_42-.Ltmp22, $4  }
0x16b: {  	s17 =	sand.u32 $0x10, s11;
	s16 =	simm.s32 $0x10  }
0x16c: {  	s18 =	simm.s32 $0x20;
	s19 =	simm.s32 $0x80;
	s20 =	simm.s32 $0x2  }
0x16d: {  	s15 =	sand.u32 $0x70, s16;
	p2 =	seq.s32 s17, $0x0;
	s21 =	sand.u32 $0x7C00, s19;
	v4 =	vmin.f32 v3, v2;
	v3 =	vmax.f32 v3, v2  }
0x16e: {  	s22 =	sand.u32 $0x1F00, s18;
	s17 =	simm.s32 $0x1;
	v2 =	vpsel p2, v4, v3;
	v3 =	vpsel p2, v3, v4;
	p2 =	por $0x1, $0x1  }
.LBB2_43:
0x16f: {  	p3 =	sne.s32 s20, $0xFF;
	s21 =	sshrl.u32 s21, $0x2;
	[tilespmem:s13+$0x80] =	vst v3;
	s13 =	sor.u32 s15, s22  }
0x170: {  	v3 =	vld [tilespmem:s13+$0x80];
	[tilespmem:s14+$0x0] =	vst v2;
	s14 =	sor.u32 s15, s21;
	s15 =	smov.u32 s17;
	s17 =	smov.u32 s20  }
0x171: {  	v2 =	vld [tilespmem:s14+$0x0];
	_ =	sdelay $0x1  }
.Ltmp23:
0x172: {  	(pc) =	sbr.rel @p3 .LBB2_43-.Ltmp23, $4  }
0x173: {  	_ = 	snop  }
0x174: {  	s18 =	sadd.s32 $0x20, s18;
	s16 =	sadd.s32 $0x10, s16;
	s21 =	sand.u32 $0x10, s15  }
0x175: {  	s19 =	sadd.s32 $0x80, s19;
	s15 =	sand.u32 $0x70, s16;
	p4 =	seq.s32 s21, $0x0;
	v4 =	vmin.f32 v2, v3;
	v3 =	vmax.f32 v2, v3  }
0x176: {  	s22 =	sand.u32 $0x1F00, s18;
	s20 =	sadd.s32 $0x1, s20;
	s21 =	sand.u32 $0x7C00, s19;
	v2 =	vpsel p4, v4, v3;
	v3 =	vpsel p4, v3, v4  }
.LBB2_44:
0x177: {  	s16 =	sshrl.u32 s21, $0x2;
	s18 =	sor.u32 s15, s22;
	[tilespmem:s13+$0x80] =	vst @p2 v3  }
0x178: {  	[tilespmem:s14+$0x0] =	vst @p2 v2;
	s30 =	sor.u32 s15, s16;
	v3 =	vld [tilespmem:s18+$0x80]  }
0x179: {  	v2 =	vld [tilespmem:s30+$0x0];
	_ =	sdelay $0x3  }
.Ltmp24:
0x17a: {  	s31 =	sand.u32 $0x10, s17;
	(pc) =	sbr.rel @!p1 .LBB2_45-.Ltmp24, $4  }
0x17b: {  	p6 =	seq.s32 s31, $0x0;
	v4 =	vmin.f32 v2, v3;
	v2 =	vmax.f32 v2, v3  }
0x17c: {  	v3 =	vpsel p6, v2, v4  }
0x17d: {  	v2 =	vpsel p6, v4, v2;
	[tilespmem:s18+$0x80] =	vst v3  }
0x17e: {  	s14 =	sand.u32 $0x30, s11;
	s15 =	simm.s32 $0x10;
	[tilespmem:s30+$0x0] =	vst v2  }
0x17f: {  	s13 =	sand.u32 $0x1F80, s11  }
0x180: {  	s13 =	sor.u32 s14, s13  }
0x181: {  	v3 =	vld [tilespmem:s13+$0x0]  }
0x182: {  	p2 =	por $0x1, $0x1;
	v4 =	vld [tilespmem:s13+$0x40]  }
.Ltmp25:
0x183: {  	_ = 	snop;
	(pc) =	sbr.rel @!p2 .LBB2_48-.Ltmp25, $4  }
0x184: {  	_ = 	snop  }
0x185: {  	s31 =	sand.u32 $0x10, s11  }
0x186: {  	s16 =	simm.s32 $0x20;
	s11 =	simm.s32 $0x20;
	p0 =	por $0x1, $0x1  }
0x187: {  	s14 =	sand.u32 $0x30, s15;
	s15 =	simm.s32 $0x2;
	p1 =	seq.s32 s31, $0x0;
	v2 =	vmin.f32 v3, v4;
	v3 =	vmax.f32 v3, v4  }
.LBB2_47:
0x188: {  	s17 =	sand.u32 $0x30, s16  }
0x189: {  	p2 =	sne.s32 s15, $0xFF;
	s18 =	sand.u32 $0x1F80, s11;
	v4 =	vpsel p1, v2, v3;
	v2 =	vpsel p1, v3, v2;
	s19 =	smov.u32 s15  }
0x18a: {  	s15 =	sadd.s32 $0x1, s15;
	s18 =	sor.u32 s14, s18;
	[tilespmem:s13+$0x0] =	vst v4;
	s14 =	smov.u32 s17  }
0x18b: {  	v3 =	vld [tilespmem:s18+$0x0];
	[tilespmem:s13+$0x40] =	vst v2;
	s13 =	smov.u32 s18  }
0x18c: {  	v4 =	vld [tilespmem:s13+$0x40]  }
.Ltmp26:
0x18d: {  	(pc) =	sbr.rel @p2 .LBB2_47-.Ltmp26, $4  }
0x18e: {  	_ = 	snop  }
0x18f: {  	s17 =	sand.u32 $0x10, s12;
	s12 =	smov.u32 s19  }
0x190: {  	p1 =	seq.s32 s17, $0x0  }
0x191: {  	s16 =	sadd.s32 $0x10, s16;
	s11 =	sadd.s32 $0x20, s11;
	v2 =	vmin.f32 v3, v4;
	v3 =	vmax.f32 v3, v4  }
.LBB2_48:
0x192: {  	p1 =	por !p1, !p0  }
0x193: {  	s11 =	sand.u32 $0x1F80, s11;
	v4 =	vpsel p1, v3, v2  }
0x194: {  	v2 =	vpsel p1, v2, v3;
	s14 =	sor.u32 s14, s11;
	[tilespmem:s13+$0x0] =	vst @p0 v4  }
0x195: {  	[tilespmem:s13+$0x40] =	vst @p0 v2;
	v3 =	vld [tilespmem:s14+$0x0]  }
0x196: {  	v2 =	vld [tilespmem:s14+$0x40];
	_ =	sdelay $0x2  }
0x197: {  	p0 =	por $0x1, $0x1  }
.Ltmp27:
0x198: {  	s31 =	sand.u32 $0x10, s12;
	(pc) =	sbr.rel @!p0 .LBB2_49-.Ltmp27, $4  }
0x199: {  	p6 =	seq.s32 s31, $0x0;
	v63 =	vmin.f32 v3, v2;
	v2 =	vmax.f32 v3, v2  }
0x19a: {  	v3 =	vpsel p6, v63, v2  }
0x19b: {  	s12 =	simm.s32 $0x1;
	s11 =	simm.s32 $0x0;
	v2 =	vpsel p6, v2, v63;
	[tilespmem:s14+$0x0] =	vst v3  }
0x19c: {  	p1 =	por $0x0, $0x0;
	s16 =	sand.u32 $0x10, s11;
	[tilespmem:s14+$0x40] =	vst v2;
	s14 =	simm.s32 $0x10  }
0x19d: {  	s13 =	sand.u32 $0x1FC0, s11  }
0x19e: {  	s13 =	sor.u32 s16, s13  }
0x19f: {  	v3 =	vld [tilespmem:s13+$0x0]  }
0x1a0: {  	p3 =	por $0x1, $0x1;
	v4 =	vld [tilespmem:s13+$0x20]  }
.Ltmp28:
0x1a1: {  	_ = 	snop;
	(pc) =	sbr.rel @!p3 .LBB2_51-.Ltmp28, $4  }
0x1a2: {  	_ = 	snop  }
0x1a3: {  	s31 =	sand.u32 $0x10, s11;
	s17 =	simm.s32 $0x2  }
0x1a4: {  	s18 =	simm.s32 $0x20;
	p1 =	por $0x1, $0x1;
	s15 =	simm.s32 $0x1  }
0x1a5: {  	s16 =	sand.u32 $0x10, s14;
	p2 =	seq.s32 s31, $0x0;
	s14 =	simm.s32 $0x20;
	v2 =	vmin.f32 v3, v4;
	v3 =	vmax.f32 v3, v4  }
.LBB2_52:
0x1a6: {  	s19 =	sand.u32 $0x10, s18  }
0x1a7: {  	p3 =	sne.s32 s17, $0xFF;
	s20 =	sand.u32 $0x1FC0, s14;
	v4 =	vpsel p2, v2, v3;
	v2 =	vpsel p2, v3, v2;
	s21 =	smov.u32 s17  }
0x1a8: {  	s17 =	sadd.s32 $0x1, s17;
	s20 =	sor.u32 s16, s20;
	[tilespmem:s13+$0x0] =	vst v4;
	s16 =	smov.u32 s19  }
0x1a9: {  	v3 =	vld [tilespmem:s20+$0x0];
	[tilespmem:s13+$0x20] =	vst v2;
	s13 =	smov.u32 s20  }
0x1aa: {  	v4 =	vld [tilespmem:s13+$0x20]  }
.Ltmp29:
0x1ab: {  	(pc) =	sbr.rel @p3 .LBB2_52-.Ltmp29, $4  }
0x1ac: {  	_ = 	snop  }
0x1ad: {  	s19 =	sand.u32 $0x10, s15;
	s15 =	smov.u32 s21  }
0x1ae: {  	p2 =	seq.s32 s19, $0x0  }
0x1af: {  	s18 =	sadd.s32 $0x10, s18;
	s14 =	sadd.s32 $0x20, s14;
	v2 =	vmin.f32 v3, v4;
	v3 =	vmax.f32 v3, v4  }
.LBB2_53:
0x1b0: {  	p2 =	por !p2, !p1  }
0x1b1: {  	s14 =	sand.u32 $0x1FC0, s14;
	v4 =	vpsel p2, v3, v2  }
0x1b2: {  	s14 =	sor.u32 s16, s14;
	v2 =	vpsel p2, v2, v3;
	[tilespmem:s13+$0x0] =	vst @p1 v4  }
0x1b3: {  	v3 =	vld [tilespmem:s14+$0x0];
	[tilespmem:s13+$0x20] =	vst @p1 v2  }
0x1b4: {  	v2 =	vld [tilespmem:s14+$0x20];
	_ =	sdelay $0x3  }
0x1b5: {  	s31 =	sand.u32 $0x10, s15  }
0x1b6: {  	p6 =	seq.s32 s31, $0x0;
	v4 =	vmin.f32 v3, v2;
	v2 =	vmax.f32 v3, v2  }
.Ltmp30:
0x1b7: {  	v3 =	vpsel p6, v4, v2;
	(pc) =	sbr.rel @!p0 .LBB2_55-.Ltmp30, $4  }
0x1b8: {  	v2 =	vpsel p6, v2, v4;
	[tilespmem:s14+$0x0] =	vst v3  }
0x1b9: {  	s13 =	simm.s32 $0x10;
	[tilespmem:s14+$0x20] =	vst v2  }
0x1ba: {  	v2 =	vld [tilespmem:s13+$0xFFFFFFF0]  }
0x1bb: {  	s14 =	simm.s32 $0x10;
	v3 =	vld [tilespmem:s13+$0x0]  }
.LBB2_54:
0x1bc: {  	p0 =	sne.s32 s12, $0xFF;
	_ =	sdelay $0x2  }
.Ltmp31:
0x1bd: {  	s15 =	sand.u32 $0x10, s11;
	s11 =	smov.u32 s12;
	(pc) =	sbr.rel @p0 .LBB2_54-.Ltmp31, $4  }
0x1be: {  	p1 =	seq.s32 s15, $0x0;
	v4 =	vmin.f32 v2, v3;
	v2 =	vmax.f32 v2, v3  }
0x1bf: {  	s14 =	sadd.s32 $0x20, s14;
	v5 =	vpsel p1, v4, v2;
	v3 =	vpsel p1, v2, v4  }
0x1c0: {  	v2 =	vld [tilespmem:s14+$0xFFFFFFF0];
	[tilespmem:s13+$0x0] =	vst v3  }
0x1c1: {  	s12 =	sadd.s32 $0x1, s12;
	v3 =	vld [tilespmem:s14+$0x0];
	[tilespmem:s13+$0xFFFFFFF0] =	vst v5;
	s13 =	smov.u32 s14  }
.LBB2_55:
0x1c2: {  	_ =	sdelay $0x2  }
0x1c3: {  	s11 =	sand.u32 $0x10, s11  }
0x1c4: {  	p0 =	seq.s32 s11, $0x0;
	v4 =	vmin.f32 v2, v3;
	v2 =	vmax.f32 v2, v3  }
0x1c5: {  	v3 =	vpsel p0, v2, v4  }
0x1c6: {  	v2 =	vpsel p0, v4, v2;
	[tilespmem:s13+$0x0] =	vst v3  }
0x1c7: {  	s11 =	simm.s32 $0x0;
	[tilespmem:s13+$0xFFFFFFF0] =	vst v2  }
0x1c8: {  	s14 =	simm.s32 $0x0;
	s12 =	simm.s32 $0x0;
	s13 =	simm.s32 $0x1;
	v2 =	vld [tilespmem:s11+$0x0]  }
.LBB2_56:
0x1c9: {  	p0 =	sne.s32 s13, $0x1FF  }
0x1ca: {  	s15 =	sand.u32 $0x20, s14;
	s14 =	smov.u32 s13  }
0x1cb: {  	p1 =	seq.s32 s15, $0x0;
	s15 =	simm.f32 $1.000000000e+00  }
0x1cc: {  	s15 =	simm.s32 @!p1 $0xBF800000  }
0x1cd: {  	v2 =	vmul.f32 s15, v2;
	_ =	sdelay $0x1  }
0x1ce: {  	(xrf1) =	vsort.ascd.msk.f32 $0xffff, v2, v2;
	_ =	sdelay $0xd  }
.Ltmp32:
0x1cf: {  	v2, _, _ =	vpop (xrf1);
	(pc) =	sbr.rel @p0 .LBB2_56-.Ltmp32, $3  }
0x1d0: {  	v2 =	vmul.f32 s15, v2;
	_ =	sdelay $0x1  }
0x1d1: {  	[tilespmem:s12+$0x0] =	vst v2;
	s12 =	sadd.s32 $0x10, s12  }
0x1d2: {  	s13 =	sadd.s32 $0x1, s13;
	v2 =	vld [tilespmem:s12+$0x0]  }
0x1d3: {  	_ = 	snop  }
0x1d4: {  	s13 =	sand.u32 $0x20, s14  }
0x1d5: {  	p0 =	seq.s32 s13, $0x0;
	s13 =	simm.f32 $1.000000000e+00  }
0x1d6: {  	s13 =	simm.s32 @!p0 $0xBF800000  }
0x1d7: {  	v2 =	vmul.f32 s13, v2;
	_ =	sdelay $0x1  }
0x1d8: {  	(xrf1) =	vsort.ascd.msk.f32 $0xffff, v2, v2;
	_ =	sdelay $0xd  }
0x1d9: {  	v2, _, _ =	vpop (xrf1)  }
0x1da: {  	s30 =	sand.u32 $0x1F, s11;
	s31 =	sand.u32 $0x1C0, s11;
	v2 =	vmul.f32 s13, v2  }
0x1db: {  	s13 =	sor.u32 s30, s31  }
0x1dc: {  	[tilespmem:s12+$0x0] =	vst v2;
	s12 =	sshll.u32 s13, $0x4  }
0x1dd: {  	v3 =	vld [tilespmem:s12+$0x0]  }
0x1de: {  	v4 =	vld [tilespmem:s12+$0x200];
	_ =	sdelay $0x2  }
0x1df: {  	s14 =	simm.s32 $0x2  }
0x1e0: {  	s15 =	sand.u32 $0x20, s11;
	s11 =	simm.s32 $0x2;
	s13 =	simm.s32 $0x1  }
0x1e1: {  	p1 =	seq.s32 s15, $0x0;
	s16 =	sand.u32 $0x1C0, s11;
	s15 =	sand.u32 $0x1F, s13;
	v2 =	vmin.f32 v3, v4;
	v3 =	vmax.f32 v3, v4  }
.LBB2_58:
0x1e2: {  	p0 =	sne.s32 s14, $0xFF  }
0x1e3: {  	s15 =	sor.u32 s15, s16;
	v4 =	vpsel p1, v2, v3;
	v2 =	vpsel p1, v3, v2;
	s16 =	smov.u32 s14;
	s14 =	sadd.s32 $0x1, s14  }
0x1e4: {  	s15 =	sshll.u32 s15, $0x4;
	[tilespmem:s12+$0x0] =	vst v4  }
0x1e5: {  	v3 =	vld [tilespmem:s15+$0x0];
	[tilespmem:s12+$0x200] =	vst v2;
	s12 =	smov.u32 s15  }
0x1e6: {  	v4 =	vld [tilespmem:s12+$0x200]  }
.Ltmp33:
0x1e7: {  	(pc) =	sbr.rel @p0 .LBB2_58-.Ltmp33, $4  }
0x1e8: {  	_ = 	snop  }
0x1e9: {  	s15 =	sand.u32 $0x20, s13;
	s13 =	smov.u32 s16  }
0x1ea: {  	s11 =	sadd.s32 $0x2, s11;
	p1 =	seq.s32 s15, $0x0  }
0x1eb: {  	s16 =	sand.u32 $0x1C0, s11;
	s15 =	sand.u32 $0x1F, s13;
	v2 =	vmin.f32 v3, v4;
	v3 =	vmax.f32 v3, v4  }
0x1ec: {  	s11 =	sor.u32 s15, s16;
	v4 =	vpsel p1, v2, v3  }
0x1ed: {  	v2 =	vpsel p1, v3, v2;
	s14 =	sshll.u32 s11, $0x4;
	[tilespmem:s12+$0x0] =	vst v4  }
0x1ee: {  	[tilespmem:s12+$0x200] =	vst v2;
	v3 =	vld [tilespmem:s14+$0x0]  }
0x1ef: {  	v2 =	vld [tilespmem:s14+$0x200];
	_ =	sdelay $0x2  }
0x1f0: {  	p1 =	por $0x1, $0x1  }
.Ltmp34:
0x1f1: {  	s31 =	sand.u32 $0x20, s13;
	(pc) =	sbr.rel @!p1 .LBB2_60-.Ltmp34, $4  }
0x1f2: {  	p0 =	seq.s32 s31, $0x0;
	v63 =	vmin.f32 v3, v2;
	v2 =	vmax.f32 v3, v2  }
0x1f3: {  	v3 =	vpsel p0, v63, v2  }
0x1f4: {  	s12 =	simm.s32 $0x0;
	s11 =	simm.s32 $0x1;
	v2 =	vpsel p0, v2, v63;
	[tilespmem:s14+$0x0] =	vst v3  }
0x1f5: {  	s17 =	sand.u32 $0xF, s12;
	s18 =	sand.u32 $0x1E0, s12;
	p0 =	por $0x0, $0x0;
	[tilespmem:s14+$0x200] =	vst v2  }
0x1f6: {  	s13 =	sor.u32 s17, s18  }
0x1f7: {  	s13 =	sshll.u32 s13, $0x4  }
0x1f8: {  	v3 =	vld [tilespmem:s13+$0x0]  }
0x1f9: {  	p4 =	por $0x1, $0x1;
	v4 =	vld [tilespmem:s13+$0x100]  }
.Ltmp35:
0x1fa: {  	_ = 	snop;
	(pc) =	sbr.rel @!p4 .LBB2_62-.Ltmp35, $4  }
0x1fb: {  	_ = 	snop  }
0x1fc: {  	s15 =	simm.s32 $0x2;
	s14 =	sand.u32 $0x20, s12  }
0x1fd: {  	s16 =	simm.s32 $0x2;
	s17 =	sand.u32 $0xF, s11;
	p2 =	por $0x1, $0x1  }
0x1fe: {  	p3 =	seq.s32 s14, $0x0;
	s18 =	sand.u32 $0x1E0, s16;
	s14 =	simm.s32 $0x1;
	v2 =	vmin.f32 v3, v4;
	v3 =	vmax.f32 v3, v4  }
.LBB2_63:
0x1ff: {  	p4 =	sne.s32 s15, $0xFF  }
0x200: {  	s17 =	sor.u32 s17, s18;
	v4 =	vpsel p3, v2, v3;
	v2 =	vpsel p3, v3, v2;
	s18 =	smov.u32 s15;
	s15 =	sadd.s32 $0x1, s15  }
0x201: {  	s17 =	sshll.u32 s17, $0x4;
	[tilespmem:s13+$0x0] =	vst v4  }
0x202: {  	v3 =	vld [tilespmem:s17+$0x0];
	[tilespmem:s13+$0x100] =	vst v2;
	s13 =	smov.u32 s17  }
0x203: {  	v4 =	vld [tilespmem:s13+$0x100]  }
.Ltmp36:
0x204: {  	(pc) =	sbr.rel @p4 .LBB2_63-.Ltmp36, $4  }
0x205: {  	_ = 	snop  }
0x206: {  	s17 =	sand.u32 $0x20, s14;
	s14 =	smov.u32 s18  }
0x207: {  	s16 =	sadd.s32 $0x2, s16;
	p3 =	seq.s32 s17, $0x0  }
0x208: {  	s18 =	sand.u32 $0x1E0, s16;
	s17 =	sand.u32 $0xF, s14;
	v2 =	vmin.f32 v3, v4;
	v3 =	vmax.f32 v3, v4  }
.LBB2_64:
0x209: {  	p3 =	por !p3, !p2  }
0x20a: {  	s15 =	sor.u32 s17, s18;
	v4 =	vpsel p3, v3, v2  }
0x20b: {  	v2 =	vpsel p3, v2, v3;
	s15 =	sshll.u32 s15, $0x4;
	[tilespmem:s13+$0x0] =	vst @p2 v4  }
0x20c: {  	[tilespmem:s13+$0x100] =	vst @p2 v2;
	v3 =	vld [tilespmem:s15+$0x0]  }
0x20d: {  	v2 =	vld [tilespmem:s15+$0x100];
	_ =	sdelay $0x3  }
.Ltmp37:
0x20e: {  	s31 =	sand.u32 $0x20, s14;
	(pc) =	sbr.rel @!p1 .LBB2_65-.Ltmp37, $4  }
0x20f: {  	p6 =	seq.s32 s31, $0x0;
	v63 =	vmin.f32 v3, v2;
	v2 =	vmax.f32 v3, v2  }
0x210: {  	v3 =	vpsel p6, v63, v2  }
0x211: {  	v2 =	vpsel p6, v2, v63;
	[tilespmem:s15+$0x0] =	vst v3  }
0x212: {  	s20 =	sand.u32 $0x7C00, s12;
	s19 =	sand.u32 $0x1F00, s12;
	[tilespmem:s15+$0x100] =	vst v2;
	s15 =	sand.u32 $0x70, s12  }
0x213: {  	s14 =	sshrl.u32 s20, $0x2;
	s13 =	sor.u32 s15, s19  }
0x214: {  	s14 =	sor.u32 s15, s14;
	v2 =	vld [tilespmem:s13+$0x80]  }
0x215: {  	v3 =	vld [tilespmem:s14+$0x0]  }
0x216: {  	p1 =	por $0x1, $0x1  }
.Ltmp38:
0x217: {  	_ = 	snop;
	(pc) =	sbr.rel @!p1 .LBB2_67-.Ltmp38, $4  }
0x218: {  	s18 =	sand.u32 $0x20, s12  }
0x219: {  	s12 =	simm.s32 $0x20;
	s16 =	simm.s32 $0x10;
	s17 =	simm.s32 $0x80  }
0x21a: {  	s15 =	sand.u32 $0x70, s16;
	p0 =	seq.s32 s18, $0x0;
	s20 =	sand.u32 $0x7C00, s17;
	v4 =	vmin.f32 v3, v2;
	v3 =	vmax.f32 v3, v2  }
0x21b: {  	s19 =	sand.u32 $0x1F00, s12;
	s18 =	simm.s32 $0x2;
	v2 =	vpsel p0, v4, v3;
	v3 =	vpsel p0, v3, v4;
	p0 =	por $0x1, $0x1  }
.LBB2_68:
0x21c: {  	p1 =	sne.s32 s18, $0xFF;
	s20 =	sshrl.u32 s20, $0x2;
	[tilespmem:s13+$0x80] =	vst v3;
	s13 =	sor.u32 s15, s19  }
0x21d: {  	v3 =	vld [tilespmem:s13+$0x80];
	[tilespmem:s14+$0x0] =	vst v2;
	s14 =	sor.u32 s15, s20;
	s15 =	smov.u32 s11;
	s11 =	smov.u32 s18  }
0x21e: {  	v2 =	vld [tilespmem:s14+$0x0];
	_ =	sdelay $0x1  }
.Ltmp39:
0x21f: {  	(pc) =	sbr.rel @p1 .LBB2_68-.Ltmp39, $4  }
0x220: {  	_ = 	snop  }
0x221: {  	s12 =	sadd.s32 $0x20, s12;
	s16 =	sadd.s32 $0x10, s16;
	s19 =	sand.u32 $0x20, s15  }
0x222: {  	s17 =	sadd.s32 $0x80, s17;
	s15 =	sand.u32 $0x70, s16;
	p2 =	seq.s32 s19, $0x0;
	v4 =	vmin.f32 v2, v3;
	v3 =	vmax.f32 v2, v3  }
0x223: {  	s20 =	sand.u32 $0x7C00, s17;
	s18 =	sadd.s32 $0x1, s18;
	s19 =	sand.u32 $0x1F00, s12;
	v2 =	vpsel p2, v4, v3;
	v3 =	vpsel p2, v3, v4  }
0x224: {  	s12 =	smov.u32 s11  }
.LBB2_70:
0x225: {  	s11 =	sshrl.u32 s20, $0x2;
	s16 =	sor.u32 s15, s19;
	[tilespmem:s13+$0x80] =	vst @p0 v3  }
0x226: {  	[tilespmem:s14+$0x0] =	vst @p0 v2;
	s11 =	sor.u32 s15, s11;
	v3 =	vld [tilespmem:s16+$0x80]  }
0x227: {  	v2 =	vld [tilespmem:s11+$0x0];
	_ =	sdelay $0x2  }
0x228: {  	p1 =	por $0x1, $0x1  }
.Ltmp40:
0x229: {  	s12 =	sand.u32 $0x20, s12;
	(pc) =	sbr.rel @!p1 .LBB2_71-.Ltmp40, $4  }
0x22a: {  	p6 =	seq.s32 s12, $0x0;
	v4 =	vmin.f32 v2, v3;
	v2 =	vmax.f32 v2, v3  }
0x22b: {  	v3 =	vpsel p6, v2, v4  }
0x22c: {  	s13 =	simm.s32 $0x10;
	s12 =	simm.s32 $0x0;
	v2 =	vpsel p6, v4, v2;
	[tilespmem:s16+$0x80] =	vst v3  }
0x22d: {  	p0 =	por $0x0, $0x0;
	s17 =	sand.u32 $0x30, s12;
	[tilespmem:s11+$0x0] =	vst v2;
	s11 =	simm.s32 $0x1  }
0x22e: {  	s14 =	sand.u32 $0x1F80, s12  }
0x22f: {  	s14 =	sor.u32 s17, s14  }
0x230: {  	v3 =	vld [tilespmem:s14+$0x0]  }
0x231: {  	p4 =	por $0x1, $0x1;
	v4 =	vld [tilespmem:s14+$0x40]  }
.Ltmp41:
0x232: {  	_ = 	snop;
	(pc) =	sbr.rel @!p4 .LBB2_73-.Ltmp41, $4  }
0x233: {  	_ = 	snop  }
0x234: {  	s15 =	sand.u32 $0x20, s12;
	s18 =	simm.s32 $0x2  }
0x235: {  	s19 =	simm.s32 $0x20;
	p2 =	por $0x1, $0x1;
	s16 =	simm.s32 $0x1  }
0x236: {  	s17 =	sand.u32 $0x30, s13;
	p3 =	seq.s32 s15, $0x0;
	s15 =	simm.s32 $0x20;
	v2 =	vmin.f32 v3, v4;
	v3 =	vmax.f32 v3, v4  }
.LBB2_74:
0x237: {  	s20 =	sand.u32 $0x30, s19  }
0x238: {  	p4 =	sne.s32 s18, $0xFF;
	s21 =	sand.u32 $0x1F80, s15;
	v4 =	vpsel p3, v2, v3;
	v2 =	vpsel p3, v3, v2;
	s22 =	smov.u32 s18  }
0x239: {  	s18 =	sadd.s32 $0x1, s18;
	s21 =	sor.u32 s17, s21;
	[tilespmem:s14+$0x0] =	vst v4;
	s17 =	smov.u32 s20  }
0x23a: {  	v3 =	vld [tilespmem:s21+$0x0];
	[tilespmem:s14+$0x40] =	vst v2;
	s14 =	smov.u32 s21  }
0x23b: {  	v4 =	vld [tilespmem:s14+$0x40]  }
.Ltmp42:
0x23c: {  	(pc) =	sbr.rel @p4 .LBB2_74-.Ltmp42, $4  }
0x23d: {  	_ = 	snop  }
0x23e: {  	s20 =	sand.u32 $0x20, s16;
	s16 =	smov.u32 s22  }
0x23f: {  	p3 =	seq.s32 s20, $0x0  }
0x240: {  	s19 =	sadd.s32 $0x10, s19;
	s15 =	sadd.s32 $0x20, s15;
	v2 =	vmin.f32 v3, v4;
	v3 =	vmax.f32 v3, v4  }
.LBB2_75:
0x241: {  	p3 =	por !p3, !p2  }
0x242: {  	s15 =	sand.u32 $0x1F80, s15;
	v4 =	vpsel p3, v3, v2  }
0x243: {  	v2 =	vpsel p3, v2, v3;
	s15 =	sor.u32 s17, s15;
	[tilespmem:s14+$0x0] =	vst @p2 v4  }
0x244: {  	[tilespmem:s14+$0x40] =	vst @p2 v2;
	v3 =	vld [tilespmem:s15+$0x0]  }
0x245: {  	v2 =	vld [tilespmem:s15+$0x40];
	_ =	sdelay $0x3  }
.Ltmp43:
0x246: {  	s31 =	sand.u32 $0x20, s16;
	(pc) =	sbr.rel @!p1 .LBB2_76-.Ltmp43, $4  }
0x247: {  	p6 =	seq.s32 s31, $0x0;
	v63 =	vmin.f32 v3, v2;
	v2 =	vmax.f32 v3, v2  }
0x248: {  	v3 =	vpsel p6, v63, v2  }
0x249: {  	v2 =	vpsel p6, v2, v63;
	[tilespmem:s15+$0x0] =	vst v3  }
0x24a: {  	[tilespmem:s15+$0x40] =	vst v2;
	s15 =	sand.u32 $0x10, s12  }
0x24b: {  	s14 =	sand.u32 $0x1FC0, s12  }
0x24c: {  	s14 =	sor.u32 s15, s14  }
0x24d: {  	v3 =	vld [tilespmem:s14+$0x0]  }
0x24e: {  	p2 =	por $0x1, $0x1;
	v4 =	vld [tilespmem:s14+$0x20]  }
.Ltmp44:
0x24f: {  	_ = 	snop;
	(pc) =	sbr.rel @!p2 .LBB2_78-.Ltmp44, $4  }
0x250: {  	_ = 	snop  }
0x251: {  	s13 =	sand.u32 $0x10, s13  }
0x252: {  	s31 =	sand.u32 $0x20, s12;
	s16 =	simm.s32 $0x20;
	s12 =	simm.s32 $0x20  }
0x253: {  	p0 =	por $0x1, $0x1;
	s15 =	simm.s32 $0x2;
	p1 =	seq.s32 s31, $0x0;
	v2 =	vmin.f32 v3, v4;
	v3 =	vmax.f32 v3, v4  }
.LBB2_79:
0x254: {  	s17 =	sand.u32 $0x10, s16  }
0x255: {  	p2 =	sne.s32 s15, $0xFF;
	s18 =	sand.u32 $0x1FC0, s12;
	v4 =	vpsel p1, v2, v3;
	v2 =	vpsel p1, v3, v2;
	s19 =	smov.u32 s15  }
0x256: {  	s15 =	sadd.s32 $0x1, s15;
	s18 =	sor.u32 s13, s18;
	[tilespmem:s14+$0x0] =	vst v4;
	s13 =	smov.u32 s17  }
0x257: {  	v3 =	vld [tilespmem:s18+$0x0];
	[tilespmem:s14+$0x20] =	vst v2;
	s14 =	smov.u32 s18  }
0x258: {  	v4 =	vld [tilespmem:s14+$0x20]  }
.Ltmp45:
0x259: {  	(pc) =	sbr.rel @p2 .LBB2_79-.Ltmp45, $4  }
0x25a: {  	_ = 	snop  }
0x25b: {  	s17 =	sand.u32 $0x20, s11;
	s11 =	smov.u32 s19  }
0x25c: {  	p1 =	seq.s32 s17, $0x0  }
0x25d: {  	s16 =	sadd.s32 $0x10, s16;
	s12 =	sadd.s32 $0x20, s12;
	v2 =	vmin.f32 v3, v4;
	v3 =	vmax.f32 v3, v4  }
0x25e: {  	s15 =	smov.u32 s13  }
.LBB2_81:
0x25f: {  	p1 =	por !p1, !p0  }
0x260: {  	s12 =	sand.u32 $0x1FC0, s12;
	v4 =	vpsel p1, v3, v2  }
0x261: {  	s12 =	sor.u32 s15, s12;
	v2 =	vpsel p1, v2, v3;
	[tilespmem:s14+$0x0] =	vst @p0 v4  }
0x262: {  	v3 =	vld [tilespmem:s12+$0x0];
	[tilespmem:s14+$0x20] =	vst @p0 v2  }
0x263: {  	v2 =	vld [tilespmem:s12+$0x20];
	_ =	sdelay $0x3  }
0x264: {  	s11 =	sand.u32 $0x20, s11  }
0x265: {  	p6 =	seq.s32 s11, $0x0;
	v4 =	vmin.f32 v3, v2;
	v2 =	vmax.f32 v3, v2  }
0x266: {  	v3 =	vpsel p6, v4, v2  }
0x267: {  	v2 =	vpsel p6, v2, v4;
	[tilespmem:s12+$0x0] =	vst v3  }
0x268: {  	s13 =	simm.s32 $0x10;
	[tilespmem:s12+$0x20] =	vst v2  }
0x269: {  	s11 =	simm.s32 $0x0;
	v2 =	vld [tilespmem:s13+$0xFFFFFFF0]  }
0x26a: {  	s15 =	simm.s32 $0x0;
	s14 =	simm.s32 $0x1;
	s12 =	simm.s32 $0x10;
	v3 =	vld [tilespmem:s13+$0x0]  }
.LBB2_82:
0x26b: {  	p0 =	sne.s32 s14, $0xFF;
	_ =	sdelay $0x2  }
.Ltmp46:
0x26c: {  	s16 =	sand.u32 $0x20, s15;
	s15 =	smov.u32 s14;
	(pc) =	sbr.rel @p0 .LBB2_82-.Ltmp46, $4  }
0x26d: {  	p1 =	seq.s32 s16, $0x0;
	v4 =	vmin.f32 v2, v3;
	v2 =	vmax.f32 v2, v3  }
0x26e: {  	s13 =	sadd.s32 $0x20, s13;
	v5 =	vpsel p1, v4, v2;
	v3 =	vpsel p1, v2, v4  }
0x26f: {  	v2 =	vld [tilespmem:s13+$0xFFFFFFF0];
	[tilespmem:s12+$0x0] =	vst v3  }
0x270: {  	s14 =	sadd.s32 $0x1, s14;
	v3 =	vld [tilespmem:s13+$0x0];
	[tilespmem:s12+$0xFFFFFFF0] =	vst v5;
	s12 =	smov.u32 s13  }
0x271: {  	_ =	sdelay $0x2  }
0x272: {  	s13 =	sand.u32 $0x20, s15  }
0x273: {  	p0 =	seq.s32 s13, $0x0;
	v4 =	vmin.f32 v2, v3;
	v2 =	vmax.f32 v2, v3  }
0x274: {  	v3 =	vpsel p0, v2, v4  }
0x275: {  	v2 =	vpsel p0, v4, v2;
	[tilespmem:s12+$0x0] =	vst v3  }
0x276: {  	[tilespmem:s12+$0xFFFFFFF0] =	vst v2  }
0x277: {  	s13 =	simm.s32 $0x0;
	s12 =	simm.s32 $0x1;
	v2 =	vld [tilespmem:s11+$0x0]  }
.LBB2_84:
0x278: {  	p0 =	sne.s32 s12, $0x1FF  }
0x279: {  	s14 =	sand.u32 $0x40, s11;
	s11 =	smov.u32 s12  }
0x27a: {  	p1 =	seq.s32 s14, $0x0;
	s14 =	simm.f32 $1.000000000e+00  }
0x27b: {  	s14 =	simm.s32 @!p1 $0xBF800000  }
0x27c: {  	v2 =	vmul.f32 s14, v2;
	_ =	sdelay $0x1  }
0x27d: {  	(xrf1) =	vsort.ascd.msk.f32 $0xffff, v2, v2;
	_ =	sdelay $0xd  }
.Ltmp47:
0x27e: {  	v2, _, _ =	vpop (xrf1);
	(pc) =	sbr.rel @p0 .LBB2_84-.Ltmp47, $3  }
0x27f: {  	v2 =	vmul.f32 s14, v2;
	_ =	sdelay $0x1  }
0x280: {  	[tilespmem:s13+$0x0] =	vst v2;
	s13 =	sadd.s32 $0x10, s13  }
0x281: {  	s12 =	sadd.s32 $0x1, s12;
	v2 =	vld [tilespmem:s13+$0x0]  }
0x282: {  	_ = 	snop  }
0x283: {  	s11 =	sand.u32 $0x40, s11  }
0x284: {  	p0 =	seq.s32 s11, $0x0;
	s11 =	simm.f32 $1.000000000e+00  }
0x285: {  	s11 =	simm.s32 @!p0 $0xBF800000  }
0x286: {  	v2 =	vmul.f32 s11, v2;
	_ =	sdelay $0x1  }
0x287: {  	(xrf1) =	vsort.ascd.msk.f32 $0xffff, v2, v2;
	_ =	sdelay $0xd  }
0x288: {  	s12 =	simm.s32 $0x0;
	v2, _, _ =	vpop (xrf1)  }
0x289: {  	s31 =	sand.u32 $0x3F, s12;
	s14 =	sand.u32 $0x180, s12;
	v2 =	vmul.f32 s11, v2  }
0x28a: {  	s11 =	sor.u32 s31, s14  }
0x28b: {  	s14 =	sshll.u32 s11, $0x4;
	[tilespmem:s13+$0x0] =	vst v2  }
0x28c: {  	v3 =	vld [tilespmem:s14+$0x0]  }
0x28d: {  	v4 =	vld [tilespmem:s14+$0x400];
	_ =	sdelay $0x2  }
0x28e: {  	s16 =	simm.s32 $0x2;
	s17 =	simm.s32 $0x2  }
0x28f: {  	s15 =	simm.s32 $0x1;
	s11 =	simm.s32 $0x1;
	s13 =	sand.u32 $0x40, s12  }
0x290: {  	s19 =	sand.u32 $0x180, s17;
	s18 =	sand.u32 $0x3F, s11;
	p1 =	seq.s32 s13, $0x0;
	v2 =	vmin.f32 v3, v4;
	v3 =	vmax.f32 v3, v4  }
.LBB2_86:
0x291: {  	p0 =	sne.s32 s16, $0xFF  }
0x292: {  	s18 =	sor.u32 s18, s19;
	v4 =	vpsel p1, v2, v3;
	v2 =	vpsel p1, v3, v2;
	s19 =	smov.u32 s16;
	s16 =	sadd.s32 $0x1, s16  }
0x293: {  	s18 =	sshll.u32 s18, $0x4;
	[tilespmem:s14+$0x0] =	vst v4  }
0x294: {  	v3 =	vld [tilespmem:s18+$0x0];
	[tilespmem:s14+$0x400] =	vst v2;
	s14 =	smov.u32 s18  }
0x295: {  	v4 =	vld [tilespmem:s14+$0x400]  }
.Ltmp48:
0x296: {  	(pc) =	sbr.rel @p0 .LBB2_86-.Ltmp48, $4  }
0x297: {  	_ = 	snop  }
0x298: {  	s18 =	sand.u32 $0x40, s15;
	s15 =	smov.u32 s19  }
0x299: {  	s17 =	sadd.s32 $0x2, s17;
	p1 =	seq.s32 s18, $0x0  }
0x29a: {  	s19 =	sand.u32 $0x180, s17;
	s18 =	sand.u32 $0x3F, s15;
	v2 =	vmin.f32 v3, v4;
	v3 =	vmax.f32 v3, v4  }
0x29b: {  	s16 =	sor.u32 s18, s19;
	v4 =	vpsel p1, v2, v3  }
0x29c: {  	v2 =	vpsel p1, v3, v2;
	s16 =	sshll.u32 s16, $0x4;
	[tilespmem:s14+$0x0] =	vst v4  }
0x29d: {  	[tilespmem:s14+$0x400] =	vst v2;
	v3 =	vld [tilespmem:s16+$0x0]  }
0x29e: {  	v2 =	vld [tilespmem:s16+$0x400];
	_ =	sdelay $0x3  }
0x29f: {  	s29 =	sand.u32 $0x40, s15  }
0x2a0: {  	p0 =	seq.s32 s29, $0x0;
	v4 =	vmin.f32 v3, v2;
	v2 =	vmax.f32 v3, v2  }
0x2a1: {  	s30 =	sand.u32 $0x1F, s12;
	s31 =	sand.u32 $0x1C0, s12;
	v3 =	vpsel p0, v4, v2  }
0x2a2: {  	s12 =	sor.u32 s30, s31;
	v2 =	vpsel p0, v2, v4;
	[tilespmem:s16+$0x0] =	vst v3  }
0x2a3: {  	s12 =	sshll.u32 s12, $0x4;
	[tilespmem:s16+$0x400] =	vst v2  }
0x2a4: {  	v3 =	vld [tilespmem:s12+$0x0]  }
0x2a5: {  	v4 =	vld [tilespmem:s12+$0x200];
	_ =	sdelay $0x3  }
0x2a6: {  	s15 =	simm.s32 $0x2;
	p1 =	seq.s32 s13, $0x0  }
0x2a7: {  	s13 =	sand.u32 $0x1F, s11;
	s14 =	simm.s32 $0x2;
	s16 =	sand.u32 $0x1C0, s15;
	v2 =	vmin.f32 v3, v4;
	v3 =	vmax.f32 v3, v4  }
.LBB2_88:
0x2a8: {  	p0 =	sne.s32 s14, $0xFF  }
0x2a9: {  	s13 =	sor.u32 s13, s16;
	v4 =	vpsel p1, v2, v3;
	v2 =	vpsel p1, v3, v2;
	s16 =	smov.u32 s14;
	s14 =	sadd.s32 $0x1, s14  }
0x2aa: {  	s13 =	sshll.u32 s13, $0x4;
	[tilespmem:s12+$0x0] =	vst v4  }
0x2ab: {  	v3 =	vld [tilespmem:s13+$0x0];
	[tilespmem:s12+$0x200] =	vst v2;
	s12 =	smov.u32 s13  }
0x2ac: {  	v4 =	vld [tilespmem:s12+$0x200]  }
.Ltmp49:
0x2ad: {  	(pc) =	sbr.rel @p0 .LBB2_88-.Ltmp49, $4  }
0x2ae: {  	_ = 	snop  }
0x2af: {  	s13 =	sand.u32 $0x40, s11;
	s11 =	smov.u32 s16  }
0x2b0: {  	s15 =	sadd.s32 $0x2, s15;
	p1 =	seq.s32 s13, $0x0  }
0x2b1: {  	s16 =	sand.u32 $0x1C0, s15;
	s13 =	sand.u32 $0x1F, s11;
	v2 =	vmin.f32 v3, v4;
	v3 =	vmax.f32 v3, v4  }
0x2b2: {  	s13 =	sor.u32 s13, s16;
	v4 =	vpsel p1, v2, v3  }
0x2b3: {  	v2 =	vpsel p1, v3, v2;
	s13 =	sshll.u32 s13, $0x4;
	[tilespmem:s12+$0x0] =	vst v4  }
0x2b4: {  	[tilespmem:s12+$0x200] =	vst v2;
	v3 =	vld [tilespmem:s13+$0x0]  }
0x2b5: {  	v2 =	vld [tilespmem:s13+$0x200];
	_ =	sdelay $0x2  }
0x2b6: {  	p1 =	por $0x1, $0x1  }
.Ltmp50:
0x2b7: {  	s11 =	sand.u32 $0x40, s11;
	(pc) =	sbr.rel @!p1 .LBB2_90-.Ltmp50, $4  }
0x2b8: {  	p0 =	seq.s32 s11, $0x0;
	v63 =	vmin.f32 v3, v2;
	v2 =	vmax.f32 v3, v2  }
0x2b9: {  	v3 =	vpsel p0, v63, v2  }
0x2ba: {  	s12 =	simm.s32 $0x0;
	s11 =	simm.s32 $0x1;
	v2 =	vpsel p0, v2, v63;
	[tilespmem:s13+$0x0] =	vst v3  }
0x2bb: {  	s17 =	sand.u32 $0xF, s12;
	s18 =	sand.u32 $0x1E0, s12;
	p0 =	por $0x0, $0x0;
	[tilespmem:s13+$0x200] =	vst v2  }
0x2bc: {  	s13 =	sor.u32 s17, s18  }
0x2bd: {  	s13 =	sshll.u32 s13, $0x4  }
0x2be: {  	v3 =	vld [tilespmem:s13+$0x0]  }
0x2bf: {  	p4 =	por $0x1, $0x1;
	v4 =	vld [tilespmem:s13+$0x100]  }
.Ltmp51:
0x2c0: {  	_ = 	snop;
	(pc) =	sbr.rel @!p4 .LBB2_92-.Ltmp51, $4  }
0x2c1: {  	_ = 	snop  }
0x2c2: {  	s15 =	simm.s32 $0x2;
	s14 =	sand.u32 $0x40, s12  }
0x2c3: {  	s16 =	simm.s32 $0x2;
	s17 =	sand.u32 $0xF, s11;
	p2 =	por $0x1, $0x1  }
0x2c4: {  	p3 =	seq.s32 s14, $0x0;
	s18 =	sand.u32 $0x1E0, s16;
	s14 =	simm.s32 $0x1;
	v2 =	vmin.f32 v3, v4;
	v3 =	vmax.f32 v3, v4  }
.LBB2_93:
0x2c5: {  	p4 =	sne.s32 s15, $0xFF  }
0x2c6: {  	s17 =	sor.u32 s17, s18;
	v4 =	vpsel p3, v2, v3;
	v2 =	vpsel p3, v3, v2;
	s18 =	smov.u32 s15;
	s15 =	sadd.s32 $0x1, s15  }
0x2c7: {  	s17 =	sshll.u32 s17, $0x4;
	[tilespmem:s13+$0x0] =	vst v4  }
0x2c8: {  	v3 =	vld [tilespmem:s17+$0x0];
	[tilespmem:s13+$0x100] =	vst v2;
	s13 =	smov.u32 s17  }
0x2c9: {  	v4 =	vld [tilespmem:s13+$0x100]  }
.Ltmp52:
0x2ca: {  	(pc) =	sbr.rel @p4 .LBB2_93-.Ltmp52, $4  }
0x2cb: {  	_ = 	snop  }
0x2cc: {  	s17 =	sand.u32 $0x40, s14;
	s14 =	smov.u32 s18  }
0x2cd: {  	s16 =	sadd.s32 $0x2, s16;
	p3 =	seq.s32 s17, $0x0  }
0x2ce: {  	s18 =	sand.u32 $0x1E0, s16;
	s17 =	sand.u32 $0xF, s14;
	v2 =	vmin.f32 v3, v4;
	v3 =	vmax.f32 v3, v4  }
.LBB2_94:
0x2cf: {  	p3 =	por !p3, !p2  }
0x2d0: {  	s15 =	sor.u32 s17, s18;
	v4 =	vpsel p3, v3, v2  }
0x2d1: {  	v2 =	vpsel p3, v2, v3;
	s15 =	sshll.u32 s15, $0x4;
	[tilespmem:s13+$0x0] =	vst @p2 v4  }
0x2d2: {  	[tilespmem:s13+$0x100] =	vst @p2 v2;
	v3 =	vld [tilespmem:s15+$0x0]  }
0x2d3: {  	v2 =	vld [tilespmem:s15+$0x100];
	_ =	sdelay $0x3  }
.Ltmp53:
0x2d4: {  	s31 =	sand.u32 $0x40, s14;
	(pc) =	sbr.rel @!p1 .LBB2_95-.Ltmp53, $4  }
0x2d5: {  	p6 =	seq.s32 s31, $0x0;
	v63 =	vmin.f32 v3, v2;
	v2 =	vmax.f32 v3, v2  }
0x2d6: {  	v3 =	vpsel p6, v63, v2  }
0x2d7: {  	v2 =	vpsel p6, v2, v63;
	[tilespmem:s15+$0x0] =	vst v3  }
0x2d8: {  	s20 =	sand.u32 $0x7C00, s12;
	s19 =	sand.u32 $0x1F00, s12;
	[tilespmem:s15+$0x100] =	vst v2;
	s15 =	sand.u32 $0x70, s12  }
0x2d9: {  	s14 =	sshrl.u32 s20, $0x2;
	s13 =	sor.u32 s15, s19  }
0x2da: {  	s14 =	sor.u32 s15, s14;
	v2 =	vld [tilespmem:s13+$0x80]  }
0x2db: {  	v3 =	vld [tilespmem:s14+$0x0]  }
0x2dc: {  	p1 =	por $0x1, $0x1  }
.Ltmp54:
0x2dd: {  	_ = 	snop;
	(pc) =	sbr.rel @!p1 .LBB2_97-.Ltmp54, $4  }
0x2de: {  	s18 =	sand.u32 $0x40, s12  }
0x2df: {  	s12 =	simm.s32 $0x20;
	s16 =	simm.s32 $0x10;
	s17 =	simm.s32 $0x80  }
0x2e0: {  	s15 =	sand.u32 $0x70, s16;
	p0 =	seq.s32 s18, $0x0;
	s20 =	sand.u32 $0x7C00, s17;
	v4 =	vmin.f32 v3, v2;
	v3 =	vmax.f32 v3, v2  }
0x2e1: {  	s19 =	sand.u32 $0x1F00, s12;
	s18 =	simm.s32 $0x2;
	v2 =	vpsel p0, v4, v3;
	v3 =	vpsel p0, v3, v4;
	p0 =	por $0x1, $0x1  }
.LBB2_98:
0x2e2: {  	p1 =	sne.s32 s18, $0xFF;
	s20 =	sshrl.u32 s20, $0x2;
	[tilespmem:s13+$0x80] =	vst v3;
	s13 =	sor.u32 s15, s19  }
0x2e3: {  	v3 =	vld [tilespmem:s13+$0x80];
	[tilespmem:s14+$0x0] =	vst v2;
	s14 =	sor.u32 s15, s20;
	s15 =	smov.u32 s11;
	s11 =	smov.u32 s18  }
0x2e4: {  	v2 =	vld [tilespmem:s14+$0x0];
	_ =	sdelay $0x1  }
.Ltmp55:
0x2e5: {  	(pc) =	sbr.rel @p1 .LBB2_98-.Ltmp55, $4  }
0x2e6: {  	_ = 	snop  }
0x2e7: {  	s12 =	sadd.s32 $0x20, s12;
	s16 =	sadd.s32 $0x10, s16;
	s19 =	sand.u32 $0x40, s15  }
0x2e8: {  	s17 =	sadd.s32 $0x80, s17;
	s15 =	sand.u32 $0x70, s16;
	p2 =	seq.s32 s19, $0x0;
	v4 =	vmin.f32 v2, v3;
	v3 =	vmax.f32 v2, v3  }
0x2e9: {  	s20 =	sand.u32 $0x7C00, s17;
	s18 =	sadd.s32 $0x1, s18;
	s19 =	sand.u32 $0x1F00, s12;
	v2 =	vpsel p2, v4, v3;
	v3 =	vpsel p2, v3, v4  }
0x2ea: {  	s12 =	smov.u32 s11  }
.LBB2_100:
0x2eb: {  	s11 =	sshrl.u32 s20, $0x2;
	s16 =	sor.u32 s15, s19;
	[tilespmem:s13+$0x80] =	vst @p0 v3  }
0x2ec: {  	[tilespmem:s14+$0x0] =	vst @p0 v2;
	s11 =	sor.u32 s15, s11;
	v3 =	vld [tilespmem:s16+$0x80]  }
0x2ed: {  	v2 =	vld [tilespmem:s11+$0x0];
	_ =	sdelay $0x2  }
0x2ee: {  	p1 =	por $0x1, $0x1  }
.Ltmp56:
0x2ef: {  	s12 =	sand.u32 $0x40, s12;
	(pc) =	sbr.rel @!p1 .LBB2_101-.Ltmp56, $4  }
0x2f0: {  	p6 =	seq.s32 s12, $0x0;
	v4 =	vmin.f32 v2, v3;
	v2 =	vmax.f32 v2, v3  }
0x2f1: {  	v3 =	vpsel p6, v2, v4  }
0x2f2: {  	s13 =	simm.s32 $0x10;
	s12 =	simm.s32 $0x0;
	v2 =	vpsel p6, v4, v2;
	[tilespmem:s16+$0x80] =	vst v3  }
0x2f3: {  	p0 =	por $0x0, $0x0;
	s17 =	sand.u32 $0x30, s12;
	[tilespmem:s11+$0x0] =	vst v2;
	s11 =	simm.s32 $0x1  }
0x2f4: {  	s14 =	sand.u32 $0x1F80, s12  }
0x2f5: {  	s14 =	sor.u32 s17, s14  }
0x2f6: {  	v3 =	vld [tilespmem:s14+$0x0]  }
0x2f7: {  	p4 =	por $0x1, $0x1;
	v4 =	vld [tilespmem:s14+$0x40]  }
.Ltmp57:
0x2f8: {  	_ = 	snop;
	(pc) =	sbr.rel @!p4 .LBB2_103-.Ltmp57, $4  }
0x2f9: {  	_ = 	snop  }
0x2fa: {  	s15 =	sand.u32 $0x40, s12;
	s18 =	simm.s32 $0x2  }
0x2fb: {  	s19 =	simm.s32 $0x20;
	p2 =	por $0x1, $0x1;
	s16 =	simm.s32 $0x1  }
0x2fc: {  	s17 =	sand.u32 $0x30, s13;
	p3 =	seq.s32 s15, $0x0;
	s15 =	simm.s32 $0x20;
	v2 =	vmin.f32 v3, v4;
	v3 =	vmax.f32 v3, v4  }
.LBB2_104:
0x2fd: {  	s20 =	sand.u32 $0x30, s19  }
0x2fe: {  	p4 =	sne.s32 s18, $0xFF;
	s21 =	sand.u32 $0x1F80, s15;
	v4 =	vpsel p3, v2, v3;
	v2 =	vpsel p3, v3, v2;
	s22 =	smov.u32 s18  }
0x2ff: {  	s18 =	sadd.s32 $0x1, s18;
	s21 =	sor.u32 s17, s21;
	[tilespmem:s14+$0x0] =	vst v4;
	s17 =	smov.u32 s20  }
0x300: {  	v3 =	vld [tilespmem:s21+$0x0];
	[tilespmem:s14+$0x40] =	vst v2;
	s14 =	smov.u32 s21  }
0x301: {  	v4 =	vld [tilespmem:s14+$0x40]  }
.Ltmp58:
0x302: {  	(pc) =	sbr.rel @p4 .LBB2_104-.Ltmp58, $4  }
0x303: {  	_ = 	snop  }
0x304: {  	s20 =	sand.u32 $0x40, s16;
	s16 =	smov.u32 s22  }
0x305: {  	p3 =	seq.s32 s20, $0x0  }
0x306: {  	s19 =	sadd.s32 $0x10, s19;
	s15 =	sadd.s32 $0x20, s15;
	v2 =	vmin.f32 v3, v4;
	v3 =	vmax.f32 v3, v4  }
.LBB2_105:
0x307: {  	p3 =	por !p3, !p2  }
0x308: {  	s15 =	sand.u32 $0x1F80, s15;
	v4 =	vpsel p3, v3, v2  }
0x309: {  	v2 =	vpsel p3, v2, v3;
	s15 =	sor.u32 s17, s15;
	[tilespmem:s14+$0x0] =	vst @p2 v4  }
0x30a: {  	[tilespmem:s14+$0x40] =	vst @p2 v2;
	v3 =	vld [tilespmem:s15+$0x0]  }
0x30b: {  	v2 =	vld [tilespmem:s15+$0x40];
	_ =	sdelay $0x3  }
.Ltmp59:
0x30c: {  	s31 =	sand.u32 $0x40, s16;
	(pc) =	sbr.rel @!p1 .LBB2_106-.Ltmp59, $4  }
0x30d: {  	p6 =	seq.s32 s31, $0x0;
	v63 =	vmin.f32 v3, v2;
	v2 =	vmax.f32 v3, v2  }
0x30e: {  	v3 =	vpsel p6, v63, v2  }
0x30f: {  	v2 =	vpsel p6, v2, v63;
	[tilespmem:s15+$0x0] =	vst v3  }
0x310: {  	[tilespmem:s15+$0x40] =	vst v2;
	s15 =	sand.u32 $0x10, s12  }
0x311: {  	s14 =	sand.u32 $0x1FC0, s12  }
0x312: {  	s14 =	sor.u32 s15, s14  }
0x313: {  	v3 =	vld [tilespmem:s14+$0x0]  }
0x314: {  	p2 =	por $0x1, $0x1;
	v4 =	vld [tilespmem:s14+$0x20]  }
.Ltmp60:
0x315: {  	_ = 	snop;
	(pc) =	sbr.rel @!p2 .LBB2_108-.Ltmp60, $4  }
0x316: {  	_ = 	snop  }
0x317: {  	s13 =	sand.u32 $0x10, s13  }
0x318: {  	s31 =	sand.u32 $0x40, s12;
	s16 =	simm.s32 $0x20;
	s12 =	simm.s32 $0x20  }
0x319: {  	p0 =	por $0x1, $0x1;
	s15 =	simm.s32 $0x2;
	p1 =	seq.s32 s31, $0x0;
	v2 =	vmin.f32 v3, v4;
	v3 =	vmax.f32 v3, v4  }
.LBB2_109:
0x31a: {  	s17 =	sand.u32 $0x10, s16  }
0x31b: {  	p2 =	sne.s32 s15, $0xFF;
	s18 =	sand.u32 $0x1FC0, s12;
	v4 =	vpsel p1, v2, v3;
	v2 =	vpsel p1, v3, v2;
	s19 =	smov.u32 s15  }
0x31c: {  	s15 =	sadd.s32 $0x1, s15;
	s18 =	sor.u32 s13, s18;
	[tilespmem:s14+$0x0] =	vst v4;
	s13 =	smov.u32 s17  }
0x31d: {  	v3 =	vld [tilespmem:s18+$0x0];
	[tilespmem:s14+$0x20] =	vst v2;
	s14 =	smov.u32 s18  }
0x31e: {  	v4 =	vld [tilespmem:s14+$0x20]  }
.Ltmp61:
0x31f: {  	(pc) =	sbr.rel @p2 .LBB2_109-.Ltmp61, $4  }
0x320: {  	_ = 	snop  }
0x321: {  	s17 =	sand.u32 $0x40, s11;
	s11 =	smov.u32 s19  }
0x322: {  	p1 =	seq.s32 s17, $0x0  }
0x323: {  	s16 =	sadd.s32 $0x10, s16;
	s12 =	sadd.s32 $0x20, s12;
	v2 =	vmin.f32 v3, v4;
	v3 =	vmax.f32 v3, v4  }
0x324: {  	s15 =	smov.u32 s13  }
.LBB2_111:
0x325: {  	p1 =	por !p1, !p0  }
0x326: {  	s12 =	sand.u32 $0x1FC0, s12;
	v4 =	vpsel p1, v3, v2  }
0x327: {  	s12 =	sor.u32 s15, s12;
	v2 =	vpsel p1, v2, v3;
	[tilespmem:s14+$0x0] =	vst @p0 v4  }
0x328: {  	v3 =	vld [tilespmem:s12+$0x0];
	[tilespmem:s14+$0x20] =	vst @p0 v2  }
0x329: {  	v2 =	vld [tilespmem:s12+$0x20];
	_ =	sdelay $0x3  }
0x32a: {  	s11 =	sand.u32 $0x40, s11  }
0x32b: {  	p6 =	seq.s32 s11, $0x0;
	v4 =	vmin.f32 v3, v2;
	v2 =	vmax.f32 v3, v2  }
0x32c: {  	v3 =	vpsel p6, v4, v2  }
0x32d: {  	v2 =	vpsel p6, v2, v4;
	[tilespmem:s12+$0x0] =	vst v3  }
0x32e: {  	s13 =	simm.s32 $0x10;
	[tilespmem:s12+$0x20] =	vst v2  }
0x32f: {  	s11 =	simm.s32 $0x0;
	v2 =	vld [tilespmem:s13+$0xFFFFFFF0]  }
0x330: {  	s15 =	simm.s32 $0x0;
	s14 =	simm.s32 $0x1;
	s12 =	simm.s32 $0x10;
	v3 =	vld [tilespmem:s13+$0x0]  }
.LBB2_112:
0x331: {  	p0 =	sne.s32 s14, $0xFF;
	_ =	sdelay $0x2  }
.Ltmp62:
0x332: {  	s16 =	sand.u32 $0x40, s15;
	s15 =	smov.u32 s14;
	(pc) =	sbr.rel @p0 .LBB2_112-.Ltmp62, $4  }
0x333: {  	p1 =	seq.s32 s16, $0x0;
	v4 =	vmin.f32 v2, v3;
	v2 =	vmax.f32 v2, v3  }
0x334: {  	s13 =	sadd.s32 $0x20, s13;
	v5 =	vpsel p1, v4, v2;
	v3 =	vpsel p1, v2, v4  }
0x335: {  	v2 =	vld [tilespmem:s13+$0xFFFFFFF0];
	[tilespmem:s12+$0x0] =	vst v3  }
0x336: {  	s14 =	sadd.s32 $0x1, s14;
	v3 =	vld [tilespmem:s13+$0x0];
	[tilespmem:s12+$0xFFFFFFF0] =	vst v5;
	s12 =	smov.u32 s13  }
0x337: {  	_ =	sdelay $0x2  }
0x338: {  	s13 =	sand.u32 $0x40, s15  }
0x339: {  	p0 =	seq.s32 s13, $0x0;
	v4 =	vmin.f32 v2, v3;
	v2 =	vmax.f32 v2, v3  }
0x33a: {  	v3 =	vpsel p0, v2, v4  }
0x33b: {  	v2 =	vpsel p0, v4, v2;
	[tilespmem:s12+$0x0] =	vst v3  }
0x33c: {  	[tilespmem:s12+$0xFFFFFFF0] =	vst v2  }
0x33d: {  	s13 =	simm.s32 $0x0;
	s12 =	simm.s32 $0x1;
	v2 =	vld [tilespmem:s11+$0x0]  }
.LBB2_114:
0x33e: {  	p0 =	sne.s32 s12, $0x1FF  }
0x33f: {  	s14 =	sand.u32 $0x80, s11;
	s11 =	smov.u32 s12  }
0x340: {  	p1 =	seq.s32 s14, $0x0;
	s14 =	simm.f32 $1.000000000e+00  }
0x341: {  	s14 =	simm.s32 @!p1 $0xBF800000  }
0x342: {  	v2 =	vmul.f32 s14, v2;
	_ =	sdelay $0x1  }
0x343: {  	(xrf1) =	vsort.ascd.msk.f32 $0xffff, v2, v2;
	_ =	sdelay $0xd  }
.Ltmp63:
0x344: {  	v2, _, _ =	vpop (xrf1);
	(pc) =	sbr.rel @p0 .LBB2_114-.Ltmp63, $3  }
0x345: {  	v2 =	vmul.f32 s14, v2;
	_ =	sdelay $0x1  }
0x346: {  	[tilespmem:s13+$0x0] =	vst v2;
	s13 =	sadd.s32 $0x10, s13  }
0x347: {  	s12 =	sadd.s32 $0x1, s12;
	v2 =	vld [tilespmem:s13+$0x0]  }
0x348: {  	_ = 	snop  }
0x349: {  	s11 =	sand.u32 $0x80, s11  }
0x34a: {  	p0 =	seq.s32 s11, $0x0;
	s11 =	simm.f32 $1.000000000e+00  }
0x34b: {  	s11 =	simm.s32 @!p0 $0xBF800000  }
0x34c: {  	v2 =	vmul.f32 s11, v2;
	_ =	sdelay $0x1  }
0x34d: {  	(xrf1) =	vsort.ascd.msk.f32 $0xffff, v2, v2;
	_ =	sdelay $0xd  }
0x34e: {  	s12 =	simm.s32 $0x0;
	v2, _, _ =	vpop (xrf1)  }
0x34f: {  	s31 =	sand.u32 $0x7F, s12;
	s14 =	sand.u32 $0x100, s12;
	v2 =	vmul.f32 s11, v2  }
0x350: {  	s11 =	sor.u32 s31, s14  }
0x351: {  	[tilespmem:s13+$0x0] =	vst v2;
	s13 =	sshll.u32 s11, $0x4  }
0x352: {  	v3 =	vld [tilespmem:s13+$0x0]  }
0x353: {  	v4 =	vld [tilespmem:s13+$0x800];
	_ =	sdelay $0x2  }
0x354: {  	s15 =	simm.s32 $0x2  }
0x355: {  	p1 =	por $0x1, $0x1;
	s16 =	simm.s32 $0x2;
	s11 =	simm.s32 $0x1  }
0x356: {  	s18 =	sand.u32 $0x100, s16;
	s14 =	simm.s32 $0x1;
	s17 =	sand.u32 $0x7F, s11;
	v2 =	vmin.f32 v3, v4;
	v3 =	vmax.f32 v3, v4  }
.LBB2_116:
0x357: {  	p0 =	sne.s32 s15, $0xFF  }
0x358: {  	s17 =	sor.u32 s17, s18;
	v4 =	vpsel p1, v2, v3;
	v2 =	vpsel p1, v3, v2;
	s18 =	smov.u32 s15;
	s15 =	sadd.s32 $0x1, s15  }
0x359: {  	s17 =	sshll.u32 s17, $0x4;
	[tilespmem:s13+$0x0] =	vst v4  }
0x35a: {  	v3 =	vld [tilespmem:s17+$0x0];
	[tilespmem:s13+$0x800] =	vst v2;
	s13 =	smov.u32 s17  }
0x35b: {  	v4 =	vld [tilespmem:s13+$0x800]  }
.Ltmp64:
0x35c: {  	(pc) =	sbr.rel @p0 .LBB2_116-.Ltmp64, $3  }
0x35d: {  	_ =	sdelay $0x1  }
0x35e: {  	p1 =	slt.u32 s14, $0x80;
	s16 =	sadd.s32 $0x2, s16;
	s14 =	smov.u32 s18  }
0x35f: {  	s18 =	sand.u32 $0x100, s16;
	s17 =	sand.u32 $0x7F, s14;
	v2 =	vmin.f32 v3, v4;
	v3 =	vmax.f32 v3, v4  }
0x360: {  	s15 =	sor.u32 s17, s18;
	v4 =	vpsel p1, v2, v3  }
0x361: {  	v2 =	vpsel p1, v3, v2;
	s15 =	sshll.u32 s15, $0x4;
	[tilespmem:s13+$0x0] =	vst v4  }
0x362: {  	[tilespmem:s13+$0x800] =	vst v2;
	v3 =	vld [tilespmem:s15+$0x0]  }
0x363: {  	v2 =	vld [tilespmem:s15+$0x800];
	_ =	sdelay $0x4  }
0x364: {  	p0 =	slt.u32 s14, $0x80;
	v4 =	vmin.f32 v3, v2;
	v2 =	vmax.f32 v3, v2  }
0x365: {  	s30 =	sand.u32 $0x3F, s12;
	s31 =	sand.u32 $0x180, s12;
	v3 =	vpsel p0, v4, v2  }
0x366: {  	s12 =	sor.u32 s30, s31;
	v2 =	vpsel p0, v2, v4;
	[tilespmem:s15+$0x0] =	vst v3  }
0x367: {  	s12 =	sshll.u32 s12, $0x4;
	[tilespmem:s15+$0x800] =	vst v2  }
0x368: {  	v3 =	vld [tilespmem:s12+$0x0]  }
0x369: {  	v4 =	vld [tilespmem:s12+$0x400];
	_ =	sdelay $0x3  }
0x36a: {  	s14 =	simm.s32 $0x2;
	p1 =	por $0x1, $0x1  }
0x36b: {  	s13 =	simm.s32 $0x2;
	s16 =	sand.u32 $0x180, s14;
	s15 =	sand.u32 $0x3F, s11;
	v2 =	vmin.f32 v3, v4;
	v3 =	vmax.f32 v3, v4  }
.LBB2_118:
0x36c: {  	p0 =	sne.s32 s13, $0xFF  }
0x36d: {  	s15 =	sor.u32 s15, s16;
	v4 =	vpsel p1, v2, v3;
	v2 =	vpsel p1, v3, v2;
	s16 =	smov.u32 s13;
	s13 =	sadd.s32 $0x1, s13  }
0x36e: {  	s15 =	sshll.u32 s15, $0x4;
	[tilespmem:s12+$0x0] =	vst v4  }
0x36f: {  	v3 =	vld [tilespmem:s15+$0x0];
	[tilespmem:s12+$0x400] =	vst v2;
	s12 =	smov.u32 s15  }
0x370: {  	v4 =	vld [tilespmem:s12+$0x400]  }
.Ltmp65:
0x371: {  	(pc) =	sbr.rel @p0 .LBB2_118-.Ltmp65, $3  }
0x372: {  	_ =	sdelay $0x1  }
0x373: {  	p1 =	slt.u32 s11, $0x80;
	s14 =	sadd.s32 $0x2, s14;
	s11 =	smov.u32 s16  }
0x374: {  	s16 =	sand.u32 $0x180, s14;
	s15 =	sand.u32 $0x3F, s11;
	v2 =	vmin.f32 v3, v4;
	v3 =	vmax.f32 v3, v4  }
0x375: {  	s13 =	sor.u32 s15, s16;
	v4 =	vpsel p1, v2, v3  }
0x376: {  	v2 =	vpsel p1, v3, v2;
	s13 =	sshll.u32 s13, $0x4;
	[tilespmem:s12+$0x0] =	vst v4  }
0x377: {  	[tilespmem:s12+$0x400] =	vst v2;
	v3 =	vld [tilespmem:s13+$0x0]  }
0x378: {  	v2 =	vld [tilespmem:s13+$0x400];
	_ =	sdelay $0x2  }
0x379: {  	p1 =	por $0x1, $0x1  }
.Ltmp66:
0x37a: {  	_ = 	snop;
	(pc) =	sbr.rel @!p1 .LBB2_120-.Ltmp66, $4  }
0x37b: {  	p0 =	slt.u32 s11, $0x80;
	v63 =	vmin.f32 v3, v2;
	v2 =	vmax.f32 v3, v2  }
0x37c: {  	v3 =	vpsel p0, v63, v2  }
0x37d: {  	s11 =	simm.s32 $0x1;
	s12 =	simm.s32 $0x0;
	v2 =	vpsel p0, v2, v63;
	[tilespmem:s13+$0x0] =	vst v3  }
0x37e: {  	s17 =	sand.u32 $0x1F, s12;
	s18 =	sand.u32 $0x1C0, s12;
	p0 =	por $0x0, $0x0;
	[tilespmem:s13+$0x400] =	vst v2  }
0x37f: {  	s13 =	sor.u32 s17, s18  }
0x380: {  	s13 =	sshll.u32 s13, $0x4  }
0x381: {  	v3 =	vld [tilespmem:s13+$0x0]  }
0x382: {  	p4 =	por $0x1, $0x1;
	v4 =	vld [tilespmem:s13+$0x200]  }
.Ltmp67:
0x383: {  	_ = 	snop;
	(pc) =	sbr.rel @!p4 .LBB2_122-.Ltmp67, $4  }
0x384: {  	_ = 	snop  }
0x385: {  	s15 =	simm.s32 $0x2  }
0x386: {  	p3 =	por $0x1, $0x1;
	s16 =	simm.s32 $0x2;
	s17 =	sand.u32 $0x1F, s11  }
0x387: {  	p2 =	por $0x1, $0x1;
	s14 =	simm.s32 $0x1;
	s18 =	sand.u32 $0x1C0, s16;
	v2 =	vmin.f32 v3, v4;
	v3 =	vmax.f32 v3, v4  }
.LBB2_123:
0x388: {  	p4 =	sne.s32 s15, $0xFF  }
0x389: {  	s17 =	sor.u32 s17, s18;
	v4 =	vpsel p3, v2, v3;
	v2 =	vpsel p3, v3, v2;
	s18 =	smov.u32 s15;
	s15 =	sadd.s32 $0x1, s15  }
0x38a: {  	s17 =	sshll.u32 s17, $0x4;
	[tilespmem:s13+$0x0] =	vst v4  }
0x38b: {  	v3 =	vld [tilespmem:s17+$0x0];
	[tilespmem:s13+$0x200] =	vst v2;
	s13 =	smov.u32 s17  }
0x38c: {  	v4 =	vld [tilespmem:s13+$0x200]  }
.Ltmp68:
0x38d: {  	(pc) =	sbr.rel @p4 .LBB2_123-.Ltmp68, $3  }
0x38e: {  	_ =	sdelay $0x1  }
0x38f: {  	p3 =	slt.u32 s14, $0x80;
	s16 =	sadd.s32 $0x2, s16;
	s14 =	smov.u32 s18  }
0x390: {  	s18 =	sand.u32 $0x1C0, s16;
	s17 =	sand.u32 $0x1F, s14;
	v2 =	vmin.f32 v3, v4;
	v3 =	vmax.f32 v3, v4  }
.LBB2_124:
0x391: {  	p3 =	por !p3, !p2  }
0x392: {  	s15 =	sor.u32 s17, s18;
	v4 =	vpsel p3, v3, v2  }
0x393: {  	v2 =	vpsel p3, v2, v3;
	s15 =	sshll.u32 s15, $0x4;
	[tilespmem:s13+$0x0] =	vst @p2 v4  }
0x394: {  	[tilespmem:s13+$0x200] =	vst @p2 v2;
	v3 =	vld [tilespmem:s15+$0x0]  }
0x395: {  	v2 =	vld [tilespmem:s15+$0x200];
	_ =	sdelay $0x3  }
.Ltmp69:
0x396: {  	_ = 	snop;
	(pc) =	sbr.rel @!p1 .LBB2_125-.Ltmp69, $4  }
0x397: {  	p6 =	slt.u32 s14, $0x80;
	v63 =	vmin.f32 v3, v2;
	v2 =	vmax.f32 v3, v2  }
0x398: {  	v3 =	vpsel p6, v63, v2  }
0x399: {  	v2 =	vpsel p6, v2, v63;
	[tilespmem:s15+$0x0] =	vst v3  }
0x39a: {  	s16 =	sand.u32 $0x1E0, s12;
	[tilespmem:s15+$0x200] =	vst v2;
	s15 =	sand.u32 $0xF, s12  }
0x39b: {  	s12 =	sor.u32 s15, s16  }
0x39c: {  	s13 =	sshll.u32 s12, $0x4  }
0x39d: {  	v3 =	vld [tilespmem:s13+$0x0]  }
0x39e: {  	p2 =	por $0x1, $0x1;
	v4 =	vld [tilespmem:s13+$0x100]  }
.Ltmp70:
0x39f: {  	_ = 	snop;
	(pc) =	sbr.rel @!p2 .LBB2_127-.Ltmp70, $3  }
0x3a0: {  	_ =	sdelay $0x1  }
0x3a1: {  	p1 =	por $0x1, $0x1;
	s14 =	simm.s32 $0x2;
	s15 =	sand.u32 $0xF, s11  }
0x3a2: {  	p0 =	por $0x1, $0x1;
	s12 =	simm.s32 $0x2;
	s16 =	sand.u32 $0x1E0, s14;
	v2 =	vmin.f32 v3, v4;
	v3 =	vmax.f32 v3, v4  }
.LBB2_128:
0x3a3: {  	p2 =	sne.s32 s12, $0xFF  }
0x3a4: {  	s15 =	sor.u32 s15, s16;
	v4 =	vpsel p1, v2, v3;
	v2 =	vpsel p1, v3, v2;
	s16 =	smov.u32 s12;
	s12 =	sadd.s32 $0x1, s12  }
0x3a5: {  	s15 =	sshll.u32 s15, $0x4;
	[tilespmem:s13+$0x0] =	vst v4  }
0x3a6: {  	v3 =	vld [tilespmem:s15+$0x0];
	[tilespmem:s13+$0x100] =	vst v2;
	s13 =	smov.u32 s15  }
0x3a7: {  	v4 =	vld [tilespmem:s13+$0x100]  }
.Ltmp71:
0x3a8: {  	(pc) =	sbr.rel @p2 .LBB2_128-.Ltmp71, $3  }
0x3a9: {  	_ =	sdelay $0x1  }
0x3aa: {  	p1 =	slt.u32 s11, $0x80;
	s14 =	sadd.s32 $0x2, s14;
	s11 =	smov.u32 s16  }
0x3ab: {  	s16 =	sand.u32 $0x1E0, s14;
	s15 =	sand.u32 $0xF, s11;
	v2 =	vmin.f32 v3, v4;
	v3 =	vmax.f32 v3, v4  }
0x3ac: {  	s12 =	smov.u32 s11  }
.LBB2_130:
0x3ad: {  	p1 =	por !p1, !p0  }
0x3ae: {  	s11 =	sor.u32 s15, s16;
	v4 =	vpsel p1, v3, v2  }
0x3af: {  	v2 =	vpsel p1, v2, v3;
	s11 =	sshll.u32 s11, $0x4;
	[tilespmem:s13+$0x0] =	vst @p0 v4  }
0x3b0: {  	[tilespmem:s13+$0x100] =	vst @p0 v2;
	v3 =	vld [tilespmem:s11+$0x0]  }
0x3b1: {  	v2 =	vld [tilespmem:s11+$0x100];
	_ =	sdelay $0x2  }
0x3b2: {  	p1 =	por $0x1, $0x1  }
.Ltmp72:
0x3b3: {  	_ = 	snop;
	(pc) =	sbr.rel @!p1 .LBB2_131-.Ltmp72, $4  }
0x3b4: {  	p6 =	slt.u32 s12, $0x80;
	v63 =	vmin.f32 v3, v2;
	v2 =	vmax.f32 v3, v2  }
0x3b5: {  	s12 =	simm.s32 $0x0;
	v3 =	vpsel p6, v63, v2  }
0x3b6: {  	s15 =	sand.u32 $0x70, s12;
	s21 =	sand.u32 $0x7C00, s12;
	v2 =	vpsel p6, v2, v63;
	[tilespmem:s11+$0x0] =	vst v3  }
0x3b7: {  	s22 =	sand.u32 $0x1F00, s12;
	p0 =	por $0x0, $0x0;
	[tilespmem:s11+$0x100] =	vst v2;
	s11 =	simm.s32 $0x1  }
0x3b8: {  	s14 =	sshrl.u32 s21, $0x2;
	s13 =	sor.u32 s15, s22  }
0x3b9: {  	s14 =	sor.u32 s15, s14;
	v2 =	vld [tilespmem:s13+$0x80]  }
0x3ba: {  	v3 =	vld [tilespmem:s14+$0x0]  }
0x3bb: {  	p3 =	por $0x1, $0x1  }
.Ltmp73:
0x3bc: {  	_ = 	snop;
	(pc) =	sbr.rel @!p3 .LBB2_133-.Ltmp73, $4  }
0x3bd: {  	s16 =	simm.s32 $0x10  }
0x3be: {  	s18 =	simm.s32 $0x20;
	s19 =	simm.s32 $0x80;
	p2 =	por $0x1, $0x1  }
0x3bf: {  	s20 =	simm.s32 $0x2;
	s17 =	simm.s32 $0x1;
	s15 =	sand.u32 $0x70, s16;
	v4 =	vmin.f32 v3, v2;
	v3 =	vmax.f32 v3, v2  }
0x3c0: {  	s21 =	sand.u32 $0x7C00, s19;
	s22 =	sand.u32 $0x1F00, s18;
	v2 =	vpsel p2, v4, v3;
	v3 =	vpsel p2, v3, v4;
	p2 =	por $0x1, $0x1  }
.LBB2_134:
0x3c1: {  	p3 =	sne.s32 s20, $0xFF;
	s21 =	sshrl.u32 s21, $0x2;
	[tilespmem:s13+$0x80] =	vst v3;
	s13 =	sor.u32 s15, s22  }
0x3c2: {  	v3 =	vld [tilespmem:s13+$0x80];
	[tilespmem:s14+$0x0] =	vst v2;
	s14 =	sor.u32 s15, s21;
	s21 =	smov.u32 s17;
	s17 =	smov.u32 s20  }
0x3c3: {  	v2 =	vld [tilespmem:s14+$0x0];
	_ =	sdelay $0x1  }
.Ltmp74:
0x3c4: {  	(pc) =	sbr.rel @p3 .LBB2_134-.Ltmp74, $4  }
0x3c5: {  	_ = 	snop  }
0x3c6: {  	s18 =	sadd.s32 $0x20, s18;
	s16 =	sadd.s32 $0x10, s16  }
0x3c7: {  	s19 =	sadd.s32 $0x80, s19;
	s15 =	sand.u32 $0x70, s16;
	p4 =	slt.u32 s21, $0x80;
	v4 =	vmin.f32 v2, v3;
	v3 =	vmax.f32 v2, v3  }
0x3c8: {  	s22 =	sand.u32 $0x1F00, s18;
	s20 =	sadd.s32 $0x1, s20;
	s21 =	sand.u32 $0x7C00, s19;
	v2 =	vpsel p4, v4, v3;
	v3 =	vpsel p4, v3, v4  }
.LBB2_135:
0x3c9: {  	s16 =	sshrl.u32 s21, $0x2;
	s18 =	sor.u32 s15, s22;
	[tilespmem:s13+$0x80] =	vst @p2 v3  }
0x3ca: {  	[tilespmem:s14+$0x0] =	vst @p2 v2;
	s31 =	sor.u32 s15, s16;
	v3 =	vld [tilespmem:s18+$0x80]  }
0x3cb: {  	v2 =	vld [tilespmem:s31+$0x0];
	_ =	sdelay $0x3  }
.Ltmp75:
0x3cc: {  	_ = 	snop;
	(pc) =	sbr.rel @!p1 .LBB2_136-.Ltmp75, $4  }
0x3cd: {  	p6 =	slt.u32 s17, $0x80;
	v4 =	vmin.f32 v2, v3;
	v2 =	vmax.f32 v2, v3  }
0x3ce: {  	v3 =	vpsel p6, v2, v4  }
0x3cf: {  	v2 =	vpsel p6, v4, v2;
	[tilespmem:s18+$0x80] =	vst v3  }
0x3d0: {  	s14 =	sand.u32 $0x30, s12;
	s15 =	simm.s32 $0x10;
	[tilespmem:s31+$0x0] =	vst v2  }
0x3d1: {  	s12 =	sand.u32 $0x1F80, s12  }
0x3d2: {  	s13 =	sor.u32 s14, s12  }
0x3d3: {  	v3 =	vld [tilespmem:s13+$0x0]  }
0x3d4: {  	p2 =	por $0x1, $0x1;
	v4 =	vld [tilespmem:s13+$0x40]  }
.Ltmp76:
0x3d5: {  	_ = 	snop;
	(pc) =	sbr.rel @!p2 .LBB2_139-.Ltmp76, $3  }
0x3d6: {  	_ =	sdelay $0x1  }
0x3d7: {  	p1 =	por $0x1, $0x1;
	s16 =	simm.s32 $0x20;
	p0 =	por $0x1, $0x1  }
0x3d8: {  	s14 =	sand.u32 $0x30, s15;
	s15 =	simm.s32 $0x2;
	s12 =	simm.s32 $0x20;
	v2 =	vmin.f32 v3, v4;
	v3 =	vmax.f32 v3, v4  }
.LBB2_138:
0x3d9: {  	s17 =	sand.u32 $0x30, s16  }
0x3da: {  	p2 =	sne.s32 s15, $0xFF;
	s18 =	sand.u32 $0x1F80, s12;
	v4 =	vpsel p1, v2, v3;
	v2 =	vpsel p1, v3, v2;
	s19 =	smov.u32 s15  }
0x3db: {  	s15 =	sadd.s32 $0x1, s15;
	s18 =	sor.u32 s14, s18;
	[tilespmem:s13+$0x0] =	vst v4;
	s14 =	smov.u32 s17  }
0x3dc: {  	v3 =	vld [tilespmem:s18+$0x0];
	[tilespmem:s13+$0x40] =	vst v2;
	s13 =	smov.u32 s18  }
0x3dd: {  	v4 =	vld [tilespmem:s13+$0x40]  }
.Ltmp77:
0x3de: {  	(pc) =	sbr.rel @p2 .LBB2_138-.Ltmp77, $3  }
0x3df: {  	_ =	sdelay $0x1  }
0x3e0: {  	p1 =	slt.u32 s11, $0x80;
	s11 =	smov.u32 s19  }
0x3e1: {  	s16 =	sadd.s32 $0x10, s16;
	s12 =	sadd.s32 $0x20, s12;
	v2 =	vmin.f32 v3, v4;
	v3 =	vmax.f32 v3, v4  }
.LBB2_139:
0x3e2: {  	p1 =	por !p1, !p0  }
0x3e3: {  	s12 =	sand.u32 $0x1F80, s12;
	v4 =	vpsel p1, v3, v2  }
0x3e4: {  	v2 =	vpsel p1, v2, v3;
	s12 =	sor.u32 s14, s12;
	[tilespmem:s13+$0x0] =	vst @p0 v4  }
0x3e5: {  	[tilespmem:s13+$0x40] =	vst @p0 v2;
	v3 =	vld [tilespmem:s12+$0x0]  }
0x3e6: {  	v2 =	vld [tilespmem:s12+$0x40];
	_ =	sdelay $0x2  }
0x3e7: {  	p0 =	por $0x1, $0x1  }
.Ltmp78:
0x3e8: {  	_ = 	snop;
	(pc) =	sbr.rel @!p0 .LBB2_140-.Ltmp78, $4  }
0x3e9: {  	p6 =	slt.u32 s11, $0x80;
	v63 =	vmin.f32 v3, v2;
	v2 =	vmax.f32 v3, v2  }
0x3ea: {  	s11 =	simm.s32 $0x0;
	v3 =	vpsel p6, v63, v2  }
0x3eb: {  	s16 =	sand.u32 $0x10, s11;
	v2 =	vpsel p6, v2, v63;
	[tilespmem:s12+$0x0] =	vst v3  }
0x3ec: {  	s14 =	simm.s32 $0x10;
	p1 =	por $0x0, $0x0;
	[tilespmem:s12+$0x40] =	vst v2;
	s12 =	simm.s32 $0x1  }
0x3ed: {  	s13 =	sand.u32 $0x1FC0, s11  }
0x3ee: {  	s13 =	sor.u32 s16, s13  }
0x3ef: {  	v3 =	vld [tilespmem:s13+$0x0]  }
0x3f0: {  	p3 =	por $0x1, $0x1;
	v4 =	vld [tilespmem:s13+$0x20]  }
.Ltmp79:
0x3f1: {  	_ = 	snop;
	(pc) =	sbr.rel @!p3 .LBB2_142-.Ltmp79, $4  }
0x3f2: {  	_ = 	snop  }
0x3f3: {  	s17 =	simm.s32 $0x2  }
0x3f4: {  	p2 =	por $0x1, $0x1;
	s18 =	simm.s32 $0x20;
	p1 =	por $0x1, $0x1  }
0x3f5: {  	s15 =	simm.s32 $0x1;
	s16 =	sand.u32 $0x10, s14;
	s14 =	simm.s32 $0x20;
	v2 =	vmin.f32 v3, v4;
	v3 =	vmax.f32 v3, v4  }
.LBB2_143:
0x3f6: {  	s19 =	sand.u32 $0x10, s18  }
0x3f7: {  	p3 =	sne.s32 s17, $0xFF;
	s20 =	sand.u32 $0x1FC0, s14;
	v4 =	vpsel p2, v2, v3;
	v2 =	vpsel p2, v3, v2;
	s21 =	smov.u32 s17  }
0x3f8: {  	s17 =	sadd.s32 $0x1, s17;
	s20 =	sor.u32 s16, s20;
	[tilespmem:s13+$0x0] =	vst v4;
	s16 =	smov.u32 s19  }
0x3f9: {  	v3 =	vld [tilespmem:s20+$0x0];
	[tilespmem:s13+$0x20] =	vst v2;
	s13 =	smov.u32 s20  }
0x3fa: {  	v4 =	vld [tilespmem:s13+$0x20]  }
.Ltmp80:
0x3fb: {  	(pc) =	sbr.rel @p3 .LBB2_143-.Ltmp80, $3  }
0x3fc: {  	_ =	sdelay $0x1  }
0x3fd: {  	p2 =	slt.u32 s15, $0x80;
	s15 =	smov.u32 s21  }
0x3fe: {  	s18 =	sadd.s32 $0x10, s18;
	s14 =	sadd.s32 $0x20, s14;
	v2 =	vmin.f32 v3, v4;
	v3 =	vmax.f32 v3, v4  }
.LBB2_144:
0x3ff: {  	p2 =	por !p2, !p1  }
0x400: {  	s14 =	sand.u32 $0x1FC0, s14;
	v4 =	vpsel p2, v3, v2  }
0x401: {  	s14 =	sor.u32 s16, s14;
	v2 =	vpsel p2, v2, v3;
	[tilespmem:s13+$0x0] =	vst @p1 v4  }
0x402: {  	v3 =	vld [tilespmem:s14+$0x0];
	[tilespmem:s13+$0x20] =	vst @p1 v2  }
0x403: {  	v2 =	vld [tilespmem:s14+$0x20];
	_ =	sdelay $0x4  }
0x404: {  	p6 =	slt.u32 s15, $0x80;
	v4 =	vmin.f32 v3, v2;
	v2 =	vmax.f32 v3, v2  }
.Ltmp81:
0x405: {  	v3 =	vpsel p6, v4, v2;
	(pc) =	sbr.rel @!p0 .LBB2_146-.Ltmp81, $4  }
0x406: {  	v2 =	vpsel p6, v2, v4;
	[tilespmem:s14+$0x0] =	vst v3  }
0x407: {  	s13 =	simm.s32 $0x10;
	[tilespmem:s14+$0x20] =	vst v2  }
0x408: {  	v2 =	vld [tilespmem:s13+$0xFFFFFFF0]  }
0x409: {  	s14 =	simm.s32 $0x10;
	v3 =	vld [tilespmem:s13+$0x0]  }
.LBB2_145:
0x40a: {  	p0 =	sne.s32 s12, $0xFF;
	_ =	sdelay $0x2  }
.Ltmp82:
0x40b: {  	(pc) =	sbr.rel @p0 .LBB2_145-.Ltmp82, $4  }
0x40c: {  	p1 =	slt.u32 s11, $0x80;
	s11 =	smov.u32 s12;
	v4 =	vmin.f32 v2, v3;
	v2 =	vmax.f32 v2, v3  }
0x40d: {  	s14 =	sadd.s32 $0x20, s14;
	v5 =	vpsel p1, v4, v2;
	v3 =	vpsel p1, v2, v4  }
0x40e: {  	v2 =	vld [tilespmem:s14+$0xFFFFFFF0];
	[tilespmem:s13+$0x0] =	vst v3  }
0x40f: {  	s12 =	sadd.s32 $0x1, s12;
	v3 =	vld [tilespmem:s14+$0x0];
	[tilespmem:s13+$0xFFFFFFF0] =	vst v5;
	s13 =	smov.u32 s14  }
.LBB2_146:
0x410: {  	_ =	sdelay $0x3  }
0x411: {  	p0 =	slt.u32 s11, $0x80;
	v4 =	vmin.f32 v2, v3;
	v2 =	vmax.f32 v2, v3  }
0x412: {  	v3 =	vpsel p0, v2, v4  }
0x413: {  	v2 =	vpsel p0, v4, v2;
	[tilespmem:s13+$0x0] =	vst v3  }
0x414: {  	s11 =	simm.s32 $0x0;
	[tilespmem:s13+$0xFFFFFFF0] =	vst v2  }
0x415: {  	s14 =	simm.s32 $0x0;
	s12 =	simm.s32 $0x0;
	s13 =	simm.s32 $0x1;
	v2 =	vld [tilespmem:s11+$0x0]  }
.LBB2_147:
0x416: {  	p0 =	sne.s32 s13, $0x1FF;
	_ =	sdelay $0x1  }
0x417: {  	p1 =	slt.u32 s14, $0x100;
	s14 =	smov.u32 s13;
	s15 =	simm.f32 $1.000000000e+00  }
0x418: {  	s15 =	simm.s32 @!p1 $0xBF800000  }
0x419: {  	v2 =	vmul.f32 s15, v2;
	_ =	sdelay $0x1  }
0x41a: {  	(xrf1) =	vsort.ascd.msk.f32 $0xffff, v2, v2;
	_ =	sdelay $0xd  }
.Ltmp83:
0x41b: {  	v2, _, _ =	vpop (xrf1);
	(pc) =	sbr.rel @p0 .LBB2_147-.Ltmp83, $3  }
0x41c: {  	v2 =	vmul.f32 s15, v2;
	_ =	sdelay $0x1  }
0x41d: {  	[tilespmem:s12+$0x0] =	vst v2;
	s12 =	sadd.s32 $0x10, s12  }
0x41e: {  	s13 =	sadd.s32 $0x1, s13;
	v2 =	vld [tilespmem:s12+$0x0]  }
0x41f: {  	_ =	sdelay $0x1  }
0x420: {  	p0 =	slt.u32 s14, $0x100;
	s13 =	simm.f32 $1.000000000e+00  }
0x421: {  	s13 =	simm.s32 @!p0 $0xBF800000  }
0x422: {  	v2 =	vmul.f32 s13, v2;
	_ =	sdelay $0x1  }
0x423: {  	(xrf1) =	vsort.ascd.msk.f32 $0xffff, v2, v2;
	_ =	sdelay $0xd  }
0x424: {  	v2, _, _ =	vpop (xrf1)  }
0x425: {  	v2 =	vmul.f32 s13, v2;
	_ =	sdelay $0x1  }
0x426: {  	s11 =	sand.u32 $0xFF0, s11;
	[tilespmem:s12+$0x0] =	vst v2  }
0x427: {  	v2 =	vld [tilespmem:s11+$0x0]  }
0x428: {  	s12 =	simm.s32 $0x10;
	v3 =	vld [tilespmem:s11+$0x1000]  }
.LBB2_149:
0x429: {  	_ =	sdelay $0x1  }
0x42a: {  	p0 =	sne.s32 s12, $0xFF0  }
.Ltmp84:
0x42b: {  	_ = 	snop;
	(pc) =	sbr.rel @p0 .LBB2_149-.Ltmp84, $4  }
0x42c: {  	s13 =	smov.u32 s12;
	v4 =	vmin.f32 v2, v3  }
0x42d: {  	s13 =	sand.u32 $0xFF0, s13;
	v3 =	vmax.f32 v2, v3;
	[tilespmem:s11+$0x0] =	vst v4  }
0x42e: {  	[tilespmem:s11+$0x1000] =	vst v3;
	s11 =	smov.u32 s13;
	v2 =	vld [tilespmem:s13+$0x0]  }
0x42f: {  	s12 =	sadd.s32 $0x10, s12;
	v3 =	vld [tilespmem:s11+$0x1000]  }
0x430: {  	_ =	sdelay $0x2  }
0x431: {  	s12 =	simm.s32 $0x0  }
0x432: {  	s13 =	sand.u32 $0x7F, s12;
	s14 =	sand.u32 $0x100, s12;
	v4 =	vmin.f32 v2, v3  }
0x433: {  	s13 =	sor.u32 s13, s14;
	v2 =	vmax.f32 v2, v3;
	[tilespmem:s11+$0x0] =	vst v4  }
0x434: {  	s13 =	sshll.u32 s13, $0x4;
	[tilespmem:s11+$0x1000] =	vst v2  }
0x435: {  	v2 =	vld [tilespmem:s13+$0x0]  }
0x436: {  	v3 =	vld [tilespmem:s13+$0x800];
	_ =	sdelay $0x1  }
0x437: {  	s14 =	simm.s32 $0x2;
	s11 =	simm.s32 $0x1  }
0x438: {  	s15 =	simm.s32 $0x2;
	s17 =	sand.u32 $0x100, s14;
	s16 =	sand.u32 $0x7F, s11  }
.LBB2_151:
0x439: {  	p0 =	sne.s32 s15, $0xFF  }
0x43a: {  	s16 =	sor.u32 s16, s17;
	v4 =	vmin.f32 v2, v3;
	v3 =	vmax.f32 v2, v3;
	s17 =	smov.u32 s15;
	s15 =	sadd.s32 $0x1, s15  }
0x43b: {  	s16 =	sshll.u32 s16, $0x4;
	[tilespmem:s13+$0x0] =	vst v4  }
0x43c: {  	v2 =	vld [tilespmem:s16+$0x0];
	[tilespmem:s13+$0x800] =	vst v3;
	s13 =	smov.u32 s16  }
.Ltmp85:
0x43d: {  	v3 =	vld [tilespmem:s13+$0x800];
	(pc) =	sbr.rel @p0 .LBB2_151-.Ltmp85, $3  }
0x43e: {  	_ =	sdelay $0x1  }
0x43f: {  	s14 =	sadd.s32 $0x2, s14  }
0x440: {  	s16 =	sand.u32 $0x7F, s17;
	s17 =	sand.u32 $0x100, s14  }
0x441: {  	s14 =	sor.u32 s16, s17;
	v4 =	vmin.f32 v2, v3  }
0x442: {  	v2 =	vmax.f32 v2, v3;
	s14 =	sshll.u32 s14, $0x4;
	[tilespmem:s13+$0x0] =	vst v4  }
0x443: {  	[tilespmem:s13+$0x800] =	vst v2;
	v3 =	vld [tilespmem:s14+$0x0]  }
0x444: {  	v2 =	vld [tilespmem:s14+$0x800];
	_ =	sdelay $0x4  }
0x445: {  	s30 =	sand.u32 $0x3F, s12;
	s31 =	sand.u32 $0x180, s12;
	v4 =	vmin.f32 v3, v2  }
0x446: {  	s12 =	sor.u32 s30, s31;
	v2 =	vmax.f32 v3, v2;
	[tilespmem:s14+$0x0] =	vst v4  }
0x447: {  	s12 =	sshll.u32 s12, $0x4;
	[tilespmem:s14+$0x800] =	vst v2  }
0x448: {  	v2 =	vld [tilespmem:s12+$0x0]  }
0x449: {  	v3 =	vld [tilespmem:s12+$0x400];
	_ =	sdelay $0x1  }
0x44a: {  	s13 =	simm.s32 $0x2  }
0x44b: {  	s11 =	sand.u32 $0x3F, s11;
	s15 =	sand.u32 $0x180, s13;
	s14 =	simm.s32 $0x2  }
.LBB2_153:
0x44c: {  	p0 =	sne.s32 s14, $0xFF  }
0x44d: {  	s11 =	sor.u32 s11, s15;
	v4 =	vmin.f32 v2, v3;
	v3 =	vmax.f32 v2, v3;
	s15 =	smov.u32 s14;
	s14 =	sadd.s32 $0x1, s14  }
0x44e: {  	s11 =	sshll.u32 s11, $0x4;
	[tilespmem:s12+$0x0] =	vst v4  }
0x44f: {  	v2 =	vld [tilespmem:s11+$0x0];
	[tilespmem:s12+$0x400] =	vst v3;
	s12 =	smov.u32 s11  }
.Ltmp86:
0x450: {  	v3 =	vld [tilespmem:s12+$0x400];
	(pc) =	sbr.rel @p0 .LBB2_153-.Ltmp86, $3  }
0x451: {  	_ =	sdelay $0x1  }
0x452: {  	s13 =	sadd.s32 $0x2, s13  }
0x453: {  	s11 =	sand.u32 $0x3F, s15;
	s15 =	sand.u32 $0x180, s13  }
0x454: {  	s11 =	sor.u32 s11, s15;
	v4 =	vmin.f32 v2, v3  }
0x455: {  	v2 =	vmax.f32 v2, v3;
	s13 =	sshll.u32 s11, $0x4;
	[tilespmem:s12+$0x0] =	vst v4  }
0x456: {  	[tilespmem:s12+$0x400] =	vst v2;
	v3 =	vld [tilespmem:s13+$0x0]  }
0x457: {  	v2 =	vld [tilespmem:s13+$0x400];
	_ =	sdelay $0x1  }
0x458: {  	p1 =	por $0x1, $0x1  }
.Ltmp87:
0x459: {  	_ = 	snop;
	(pc) =	sbr.rel @!p1 .LBB2_155-.Ltmp87, $4  }
0x45a: {  	_ = 	snop  }
0x45b: {  	v63 =	vmin.f32 v3, v2  }
0x45c: {  	p0 =	por $0x0, $0x0;
	s12 =	simm.s32 $0x0;
	v2 =	vmax.f32 v3, v2;
	[tilespmem:s13+$0x0] =	vst v63  }
0x45d: {  	s11 =	simm.s32 $0x1;
	s16 =	sand.u32 $0x1F, s12;
	s17 =	sand.u32 $0x1C0, s12;
	[tilespmem:s13+$0x400] =	vst v2  }
0x45e: {  	s13 =	sor.u32 s16, s17  }
0x45f: {  	p3 =	por $0x1, $0x1;
	s13 =	sshll.u32 s13, $0x4  }
.Ltmp88:
0x460: {  	v2 =	vld [tilespmem:s13+$0x0];
	(pc) =	sbr.rel @!p3 .LBB2_158-.Ltmp88, $3  }
0x461: {  	v3 =	vld [tilespmem:s13+$0x200];
	_ =	sdelay $0x1  }
0x462: {  	s14 =	simm.s32 $0x2;
	s15 =	simm.s32 $0x2  }
0x463: {  	s16 =	sand.u32 $0x1F, s11;
	p2 =	por $0x1, $0x1;
	s17 =	sand.u32 $0x1C0, s15  }
.LBB2_157:
0x464: {  	p3 =	sne.s32 s14, $0xFF  }
0x465: {  	s16 =	sor.u32 s16, s17;
	v4 =	vmin.f32 v2, v3;
	v3 =	vmax.f32 v2, v3;
	s17 =	smov.u32 s14;
	s14 =	sadd.s32 $0x1, s14  }
0x466: {  	s16 =	sshll.u32 s16, $0x4;
	[tilespmem:s13+$0x0] =	vst v4  }
0x467: {  	v2 =	vld [tilespmem:s16+$0x0];
	[tilespmem:s13+$0x200] =	vst v3;
	s13 =	smov.u32 s16  }
.Ltmp89:
0x468: {  	v3 =	vld [tilespmem:s13+$0x200];
	(pc) =	sbr.rel @p3 .LBB2_157-.Ltmp89, $3  }
0x469: {  	_ =	sdelay $0x1  }
0x46a: {  	s15 =	sadd.s32 $0x2, s15  }
0x46b: {  	s16 =	sand.u32 $0x1F, s17;
	s17 =	sand.u32 $0x1C0, s15  }
.LBB2_158:
0x46c: {  	_ = 	snop  }
0x46d: {  	s14 =	sor.u32 s16, s17;
	v4 =	vmin.f32 @p2 v2, v3  }
0x46e: {  	v2 =	vmax.f32 @p2 v2, v3;
	s14 =	sshll.u32 s14, $0x4;
	[tilespmem:s13+$0x0] =	vst @p2 v4  }
0x46f: {  	[tilespmem:s13+$0x200] =	vst @p2 v2;
	v3 =	vld [tilespmem:s14+$0x0]  }
0x470: {  	v2 =	vld [tilespmem:s14+$0x200];
	_ =	sdelay $0x2  }
.Ltmp90:
0x471: {  	_ = 	snop;
	(pc) =	sbr.rel @!p1 .LBB2_159-.Ltmp90, $4  }
0x472: {  	_ = 	snop  }
0x473: {  	v63 =	vmin.f32 v3, v2  }
0x474: {  	v2 =	vmax.f32 v3, v2;
	[tilespmem:s14+$0x0] =	vst v63  }
0x475: {  	s15 =	sand.u32 $0xF, s12;
	s16 =	sand.u32 $0x1E0, s12;
	[tilespmem:s14+$0x200] =	vst v2  }
0x476: {  	s12 =	sor.u32 s15, s16  }
0x477: {  	p1 =	por $0x1, $0x1;
	s12 =	sshll.u32 s12, $0x4  }
.Ltmp91:
0x478: {  	v2 =	vld [tilespmem:s12+$0x0];
	(pc) =	sbr.rel @!p1 .LBB2_162-.Ltmp91, $3  }
0x479: {  	v3 =	vld [tilespmem:s12+$0x100];
	_ =	sdelay $0x1  }
0x47a: {  	s13 =	simm.s32 $0x2;
	s14 =	simm.s32 $0x2  }
0x47b: {  	s15 =	sand.u32 $0xF, s11;
	p0 =	por $0x1, $0x1;
	s16 =	sand.u32 $0x1E0, s14  }
.LBB2_161:
0x47c: {  	p1 =	sne.s32 s13, $0xFF  }
0x47d: {  	s11 =	sor.u32 s15, s16;
	v4 =	vmin.f32 v2, v3;
	v3 =	vmax.f32 v2, v3;
	s15 =	smov.u32 s13;
	s13 =	sadd.s32 $0x1, s13  }
0x47e: {  	s11 =	sshll.u32 s11, $0x4;
	[tilespmem:s12+$0x0] =	vst v4  }
0x47f: {  	v2 =	vld [tilespmem:s11+$0x0];
	[tilespmem:s12+$0x100] =	vst v3;
	s12 =	smov.u32 s11  }
.Ltmp92:
0x480: {  	v3 =	vld [tilespmem:s12+$0x100];
	(pc) =	sbr.rel @p1 .LBB2_161-.Ltmp92, $3  }
0x481: {  	_ =	sdelay $0x1  }
0x482: {  	s14 =	sadd.s32 $0x2, s14  }
0x483: {  	s15 =	sand.u32 $0xF, s15;
	s16 =	sand.u32 $0x1E0, s14  }
.LBB2_162:
0x484: {  	_ = 	snop  }
0x485: {  	s11 =	sor.u32 s15, s16;
	v4 =	vmin.f32 @p0 v2, v3  }
0x486: {  	v2 =	vmax.f32 @p0 v2, v3;
	s14 =	sshll.u32 s11, $0x4;
	[tilespmem:s12+$0x0] =	vst @p0 v4  }
0x487: {  	[tilespmem:s12+$0x100] =	vst @p0 v2;
	v3 =	vld [tilespmem:s14+$0x0]  }
0x488: {  	v2 =	vld [tilespmem:s14+$0x100];
	_ =	sdelay $0x1  }
0x489: {  	p1 =	por $0x1, $0x1  }
.Ltmp93:
0x48a: {  	_ = 	snop;
	(pc) =	sbr.rel @!p1 .LBB2_163-.Ltmp93, $4  }
0x48b: {  	_ = 	snop  }
0x48c: {  	s11 =	simm.s32 $0x0;
	v63 =	vmin.f32 v3, v2  }
0x48d: {  	s13 =	sand.u32 $0x70, s11;
	s17 =	sand.u32 $0x7C00, s11;
	v2 =	vmax.f32 v3, v2;
	[tilespmem:s14+$0x0] =	vst v63  }
0x48e: {  	s18 =	sand.u32 $0x1F00, s11;
	s12 =	simm.s32 $0x10;
	p0 =	por $0x0, $0x0;
	[tilespmem:s14+$0x100] =	vst v2  }
0x48f: {  	s15 =	sshrl.u32 s17, $0x2;
	s14 =	sor.u32 s13, s18  }
0x490: {  	s15 =	sor.u32 s13, s15;
	v3 =	vld [tilespmem:s14+$0x80]  }
0x491: {  	p3 =	por $0x1, $0x1;
	v4 =	vld [tilespmem:s15+$0x0]  }
.Ltmp94:
0x492: {  	_ = 	snop;
	(pc) =	sbr.rel @!p3 .LBB2_166-.Ltmp94, $4  }
0x493: {  	_ = 	snop  }
0x494: {  	s16 =	simm.s32 $0x80  }
0x495: {  	s19 =	simm.s32 $0x20;
	s20 =	simm.s32 $0x20;
	p2 =	por $0x1, $0x1  }
0x496: {  	s13 =	sand.u32 $0x70, s12;
	s17 =	sand.u32 $0x7C00, s16;
	s18 =	sand.u32 $0x1F00, s19;
	v2 =	vmin.f32 v4, v3;
	v3 =	vmax.f32 v4, v3  }
.LBB2_165:
0x497: {  	p3 =	sne.s32 s20, $0xFF0;
	s17 =	sshrl.u32 s17, $0x2;
	[tilespmem:s14+$0x80] =	vst v3;
	s14 =	sor.u32 s13, s18  }
0x498: {  	v3 =	vld [tilespmem:s14+$0x80];
	[tilespmem:s15+$0x0] =	vst v2;
	s15 =	sor.u32 s13, s17  }
0x499: {  	v4 =	vld [tilespmem:s15+$0x0]  }
.Ltmp95:
0x49a: {  	(pc) =	sbr.rel @p3 .LBB2_165-.Ltmp95, $3  }
0x49b: {  	_ =	sdelay $0x1  }
0x49c: {  	s19 =	sadd.s32 $0x20, s19;
	s16 =	sadd.s32 $0x80, s16;
	s13 =	sand.u32 $0x70, s20  }
0x49d: {  	s17 =	sand.u32 $0x7C00, s16;
	s18 =	sand.u32 $0x1F00, s19;
	s20 =	sadd.s32 $0x10, s20;
	v2 =	vmin.f32 v4, v3;
	v3 =	vmax.f32 v4, v3  }
.LBB2_166:
0x49e: {  	s16 =	sshrl.u32 s17, $0x2;
	s30 =	sor.u32 s13, s18;
	[tilespmem:s14+$0x80] =	vst @p2 v3  }
0x49f: {  	[tilespmem:s15+$0x0] =	vst @p2 v2;
	s31 =	sor.u32 s13, s16;
	v3 =	vld [tilespmem:s30+$0x80]  }
0x4a0: {  	v2 =	vld [tilespmem:s31+$0x0];
	_ =	sdelay $0x2  }
.Ltmp96:
0x4a1: {  	_ = 	snop;
	(pc) =	sbr.rel @!p1 .LBB2_167-.Ltmp96, $4  }
0x4a2: {  	_ = 	snop  }
0x4a3: {  	v4 =	vmax.f32 v2, v3  }
0x4a4: {  	v2 =	vmin.f32 v2, v3;
	[tilespmem:s30+$0x80] =	vst v4  }
0x4a5: {  	s14 =	sand.u32 $0x30, s11;
	[tilespmem:s31+$0x0] =	vst v2  }
0x4a6: {  	s11 =	sand.u32 $0x1F80, s11  }
0x4a7: {  	p1 =	por $0x1, $0x1;
	s13 =	sor.u32 s14, s11  }
.Ltmp97:
0x4a8: {  	v2 =	vld [tilespmem:s13+$0x0];
	(pc) =	sbr.rel @!p1 .LBB2_169-.Ltmp97, $3  }
0x4a9: {  	v3 =	vld [tilespmem:s13+$0x40];
	_ =	sdelay $0x1  }
0x4aa: {  	s12 =	sand.u32 $0x30, s12  }
0x4ab: {  	p0 =	por $0x1, $0x1;
	s14 =	simm.s32 $0x20;
	s11 =	simm.s32 $0x20  }
.LBB2_170:
0x4ac: {  	s17 =	smov.u32 s14  }
0x4ad: {  	s15 =	sand.u32 $0x30, s14;
	s16 =	sand.u32 $0x1F80, s11;
	v4 =	vmin.f32 v2, v3;
	v3 =	vmax.f32 v2, v3;
	s17 =	sadd.s32 $0x10, s14  }
0x4ae: {  	p1 =	sne.s32 s14, $0xFF0;
	s14 =	sor.u32 s12, s16;
	s12 =	smov.u32 s15;
	[tilespmem:s13+$0x0] =	vst v4  }
0x4af: {  	v2 =	vld [tilespmem:s14+$0x0];
	[tilespmem:s13+$0x40] =	vst v3;
	s13 =	smov.u32 s14  }
.Ltmp98:
0x4b0: {  	v3 =	vld [tilespmem:s13+$0x40];
	(pc) =	sbr.rel @p1 .LBB2_170-.Ltmp98, $2  }
0x4b1: {  	_ =	sdelay $0x2  }
0x4b2: {  	s11 =	sadd.s32 $0x20, s11;
	s14 =	smov.u32 s17  }
0x4b3: {  	s14 =	smov.u32 s12  }
.LBB2_172:
0x4b4: {  	s11 =	sand.u32 $0x1F80, s11;
	v4 =	vmin.f32 @p0 v2, v3  }
0x4b5: {  	v2 =	vmax.f32 @p0 v2, v3;
	s12 =	sor.u32 s14, s11;
	[tilespmem:s13+$0x0] =	vst @p0 v4  }
0x4b6: {  	[tilespmem:s13+$0x40] =	vst @p0 v2;
	v3 =	vld [tilespmem:s12+$0x0]  }
0x4b7: {  	v2 =	vld [tilespmem:s12+$0x40];
	_ =	sdelay $0x1  }
0x4b8: {  	p1 =	por $0x1, $0x1  }
.Ltmp99:
0x4b9: {  	_ = 	snop;
	(pc) =	sbr.rel @!p1 .LBB2_173-.Ltmp99, $4  }
0x4ba: {  	_ = 	snop  }
0x4bb: {  	v63 =	vmin.f32 v3, v2  }
0x4bc: {  	s11 =	simm.s32 $0x0;
	v2 =	vmax.f32 v3, v2;
	[tilespmem:s12+$0x0] =	vst v63  }
0x4bd: {  	s14 =	simm.s32 $0x10;
	p0 =	por $0x0, $0x0;
	s13 =	sand.u32 $0x10, s11;
	[tilespmem:s12+$0x40] =	vst v2  }
0x4be: {  	s11 =	sand.u32 $0x1FC0, s11  }
0x4bf: {  	p1 =	por $0x1, $0x1;
	s12 =	sor.u32 s13, s11  }
.Ltmp100:
0x4c0: {  	v2 =	vld [tilespmem:s12+$0x0];
	(pc) =	sbr.rel @!p1 .LBB2_176-.Ltmp100, $3  }
0x4c1: {  	v3 =	vld [tilespmem:s12+$0x20];
	_ =	sdelay $0x1  }
0x4c2: {  	p0 =	por $0x1, $0x1  }
0x4c3: {  	s13 =	sand.u32 $0x10, s14;
	s14 =	simm.s32 $0x20;
	s11 =	simm.s32 $0x20  }
.LBB2_175:
0x4c4: {  	s17 =	smov.u32 s14  }
0x4c5: {  	s15 =	sand.u32 $0x10, s14;
	s16 =	sand.u32 $0x1FC0, s11;
	v4 =	vmin.f32 v2, v3;
	v3 =	vmax.f32 v2, v3;
	s17 =	sadd.s32 $0x10, s14  }
0x4c6: {  	p1 =	sne.s32 s14, $0xFF0;
	s14 =	sor.u32 s13, s16;
	s13 =	smov.u32 s15;
	[tilespmem:s12+$0x0] =	vst v4  }
0x4c7: {  	v2 =	vld [tilespmem:s14+$0x0];
	[tilespmem:s12+$0x20] =	vst v3;
	s12 =	smov.u32 s14  }
.Ltmp101:
0x4c8: {  	v3 =	vld [tilespmem:s12+$0x20];
	(pc) =	sbr.rel @p1 .LBB2_175-.Ltmp101, $2  }
0x4c9: {  	_ =	sdelay $0x2  }
0x4ca: {  	s11 =	sadd.s32 $0x20, s11;
	s14 =	smov.u32 s17  }
.LBB2_176:
0x4cb: {  	_ = 	snop  }
0x4cc: {  	s11 =	sand.u32 $0x1FC0, s11;
	v4 =	vmin.f32 @p0 v2, v3  }
0x4cd: {  	s11 =	sor.u32 s13, s11;
	v2 =	vmax.f32 @p0 v2, v3;
	[tilespmem:s12+$0x0] =	vst @p0 v4  }
0x4ce: {  	v3 =	vld [tilespmem:s11+$0x0];
	[tilespmem:s12+$0x20] =	vst @p0 v2  }
0x4cf: {  	v2 =	vld [tilespmem:s11+$0x20];
	_ =	sdelay $0x3  }
0x4d0: {  	p0 =	por $0x1, $0x1  }
.Ltmp102:
0x4d1: {  	v4 =	vmin.f32 v3, v2;
	(pc) =	sbr.rel @!p0 .LBB2_178-.Ltmp102, $4  }
0x4d2: {  	v2 =	vmax.f32 v3, v2;
	[tilespmem:s11+$0x0] =	vst v4  }
0x4d3: {  	s12 =	simm.s32 $0x0;
	[tilespmem:s11+$0x20] =	vst v2  }
0x4d4: {  	v2 =	vld [tilespmem:s12+$0x0]  }
0x4d5: {  	s11 =	simm.s32 $0x80;
	v3 =	vld [tilespmem:s12+$0x10]  }
.LBB2_177:
0x4d6: {  	_ =	sdelay $0x1  }
0x4d7: {  	p0 =	sne.s32 s11, $0x7F80  }
.Ltmp103:
0x4d8: {  	_ = 	snop;
	(pc) =	sbr.rel @p0 .LBB2_177-.Ltmp103, $4  }
0x4d9: {  	s13 =	smov.u32 s11;
	v4 =	vmin.f32 v2, v3  }
0x4da: {  	s13 =	sshra.s32 s13, $0x2;
	v3 =	vmax.f32 v2, v3;
	[tilespmem:s12+$0x0] =	vst v4  }
0x4db: {  	v2 =	vld [tilespmem:s13+$0x0];
	[tilespmem:s12+$0x10] =	vst v3;
	s12 =	smov.u32 s13  }
0x4dc: {  	s11 =	sadd.s32 $0x80, s11;
	v3 =	vld [tilespmem:s12+$0x10]  }
.LBB2_178:
0x4dd: {  	_ =	sdelay $0x3  }
0x4de: {  	v4 =	vmin.f32 v2, v3  }
0x4df: {  	v2 =	vmax.f32 v2, v3;
	[tilespmem:s12+$0x0] =	vst v4  }
0x4e0: {  	s11 =	simm.s32 $0x0;
	s13 =	simm.s32 $0x40;
	[tilespmem:s12+$0x10] =	vst v2;
	s12 =	simm.s32 $0x0  }
.LBB2_179:
0x4e1: {  	p0 =	sne.s32 s13, $0x7FC0;
	v2 =	vld [tilespmem:s12+$0x0];
	_ =	sdelay $0x4  }
0x4e2: {  	(xrf1) =	vsort.ascd.msk.f32 $0xffff, v2, v2;
	_ =	sdelay $0xa  }
.Ltmp104:
0x4e3: {  	(pc) =	sbr.rel @p0 .LBB2_179-.Ltmp104, $3  }
0x4e4: {  	_ =	sdelay $0x1  }
0x4e5: {  	v2, _, _ =	vpop (xrf1)  }
0x4e6: {  	[tilespmem:s12+$0x0] =	vst v2;
	s12 =	sshra.s32 s13, $0x2;
	s13 =	sadd.s32 $0x40, s13  }
0x4e7: {  	v2 =	vld [tilespmem:s12+$0x0];
	_ =	sdelay $0x4  }
0x4e8: {  	(xrf1) =	vsort.ascd.msk.f32 $0xffff, v2, v2;
	_ =	sdelay $0xd  }
0x4e9: {  	v2, _, _ =	vpop (xrf1)  }
0x4ea: {  	[tilespmem:s12+$0x0] =	vst v2;
	s12 =	simm.s32 $0x1FF0  }
0x4eb: {  	s13 =	simm.s32 $0x40;
	v2 =	vld [tilespmem:s12+$0x0]  }
.LBB2_181:
0x4ec: {  	p0 =	sne.s32 s13, $0x1FC0;
	_ =	sdelay $0x2  }
.Ltmp105:
0x4ed: {  	(pc) =	sbr.rel @p0 .LBB2_181-.Ltmp105, $4  }
0x4ee: {  	v2 =	vperm.xlane v2, v1  }
0x4ef: {  	s14 =	sshra.s32 s11, $0x2;
	s11 =	smov.u32 s13  }
0x4f0: {  	s12 =	sadd.s32 $0xFFFFFFF0, s12;
	[tilespmem:s14+$0x2000] =	vst v2  }
0x4f1: {  	s13 =	sadd.s32 $0x40, s13;
	v2 =	vld [tilespmem:s12+$0x0]  }
0x4f2: {  	_ =	sdelay $0x3  }
0x4f3: {  	v2 =	vperm.xlane v2, v1  }
0x4f4: {  	s11 =	sshra.s32 s11, $0x2;
	s2 =	sadd.s32 $0x1, s2  }
0x4f5: {  	p0 =	sne.s32 s2, s5;
	[tilespmem:s11+$0x2000] =	vst v2  }
0x4f6: {  	[hbm4b:s3+s6] =	stream.strided.scatter [tilespmem:s10], [sflag:$0x1], $0x800, s7, s6, $0x38;
	[tilespmem:$0x2800] =	vst v63  }
.Ltmp106:
0x4f7: {  	_ = 	snop;
	(pc) =	sbr.rel @p0 .LBB2_2-.Ltmp106, $4  }
.Ltmp107:
0x4f8: {  	_ = 	snop;
	(pc) =	sbr.rel @!p0 .LBB2_183-.Ltmp107, $4  }
0x4f9: {  	_ =	swait.ge [sflag:s9], $0x800  }
0x4fa: {  	[sflag:s9] =	ssyncset.done $0x0  }
0x4fb: {  	[sflag:s9] =	ssyncadd.s32 $0xFFFFF800  }
0x4fc: {  	_ = 	snop  }
.LBB2_29:
.Ltmp108:
0x4fd: {  	(pc) =	sbr.rel .LBB2_33-.Ltmp108, $2  }
0x4fe: {  	_ =	sdelay $0x2  }
0x4ff: {  	s14 =	simm.s32 $0x0;
	s15 =	simm.s32 $0x0  }
.LBB2_40:
.Ltmp109:
0x500: {  	(pc) =	sbr.rel .LBB2_44-.Ltmp109, $2  }
0x501: {  	_ =	sdelay $0x2  }
0x502: {  	s17 =	simm.s32 $0x0;
	p2 =	por $0x0, $0x0  }
.LBB2_45:
.Ltmp110:
0x503: {  	(pc) =	sbr.rel .LBB2_48-.Ltmp110, $2  }
0x504: {  	_ =	sdelay $0x2  }
0x505: {  	s12 =	simm.s32 $0x0  }
.LBB2_49:
.Ltmp111:
0x506: {  	(pc) =	sbr.rel .LBB2_53-.Ltmp111, $2  }
0x507: {  	_ =	sdelay $0x2  }
0x508: {  	s14 =	simm.s32 $0x0;
	s15 =	simm.s32 $0x0  }
.LBB2_60:
.Ltmp112:
0x509: {  	(pc) =	sbr.rel .LBB2_64-.Ltmp112, $2  }
0x50a: {  	_ =	sdelay $0x2  }
0x50b: {  	s14 =	simm.s32 $0x0;
	p2 =	por $0x0, $0x0  }
.LBB2_65:
.Ltmp113:
0x50c: {  	(pc) =	sbr.rel .LBB2_70-.Ltmp113, $2  }
0x50d: {  	_ =	sdelay $0x2  }
0x50e: {  	_ = 	snop  }
.LBB2_71:
.Ltmp114:
0x50f: {  	(pc) =	sbr.rel .LBB2_75-.Ltmp114, $2  }
0x510: {  	_ =	sdelay $0x2  }
0x511: {  	s15 =	simm.s32 $0x0;
	s16 =	simm.s32 $0x0;
	p2 =	por $0x0, $0x0  }
.LBB2_76:
.Ltmp115:
0x512: {  	(pc) =	sbr.rel .LBB2_81-.Ltmp115, $2  }
0x513: {  	_ =	sdelay $0x2  }
0x514: {  	s11 =	simm.s32 $0x0  }
.LBB2_90:
.Ltmp116:
0x515: {  	(pc) =	sbr.rel .LBB2_94-.Ltmp116, $2  }
0x516: {  	_ =	sdelay $0x2  }
0x517: {  	s14 =	simm.s32 $0x0;
	p2 =	por $0x0, $0x0  }
.LBB2_95:
.Ltmp117:
0x518: {  	(pc) =	sbr.rel .LBB2_100-.Ltmp117, $2  }
0x519: {  	_ =	sdelay $0x2  }
0x51a: {  	_ = 	snop  }
.LBB2_101:
.Ltmp118:
0x51b: {  	(pc) =	sbr.rel .LBB2_105-.Ltmp118, $2  }
0x51c: {  	_ =	sdelay $0x2  }
0x51d: {  	s15 =	simm.s32 $0x0;
	s16 =	simm.s32 $0x0;
	p2 =	por $0x0, $0x0  }
.LBB2_106:
.Ltmp119:
0x51e: {  	(pc) =	sbr.rel .LBB2_111-.Ltmp119, $2  }
0x51f: {  	_ =	sdelay $0x2  }
0x520: {  	s11 =	simm.s32 $0x0  }
.LBB2_120:
.Ltmp120:
0x521: {  	(pc) =	sbr.rel .LBB2_124-.Ltmp120, $2  }
0x522: {  	_ =	sdelay $0x2  }
0x523: {  	s14 =	simm.s32 $0x0;
	p2 =	por $0x0, $0x0  }
.LBB2_125:
.Ltmp121:
0x524: {  	(pc) =	sbr.rel .LBB2_130-.Ltmp121, $2  }
0x525: {  	_ =	sdelay $0x2  }
0x526: {  	_ = 	snop  }
.LBB2_131:
.Ltmp122:
0x527: {  	(pc) =	sbr.rel .LBB2_135-.Ltmp122, $2  }
0x528: {  	_ =	sdelay $0x2  }
0x529: {  	s17 =	simm.s32 $0x0;
	p2 =	por $0x0, $0x0  }
.LBB2_136:
.Ltmp123:
0x52a: {  	(pc) =	sbr.rel .LBB2_139-.Ltmp123, $2  }
0x52b: {  	_ =	sdelay $0x2  }
0x52c: {  	s11 =	simm.s32 $0x0  }
.LBB2_140:
.Ltmp124:
0x52d: {  	(pc) =	sbr.rel .LBB2_144-.Ltmp124, $2  }
0x52e: {  	_ =	sdelay $0x2  }
0x52f: {  	s14 =	simm.s32 $0x0;
	s15 =	simm.s32 $0x0  }
.LBB2_155:
.Ltmp125:
0x530: {  	(pc) =	sbr.rel .LBB2_158-.Ltmp125, $2  }
0x531: {  	_ =	sdelay $0x2  }
0x532: {  	p2 =	por $0x0, $0x0  }
.LBB2_159:
.Ltmp126:
0x533: {  	(pc) =	sbr.rel .LBB2_162-.Ltmp126, $2  }
0x534: {  	_ =	sdelay $0x2  }
0x535: {  	_ = 	snop  }
.LBB2_163:
.Ltmp127:
0x536: {  	(pc) =	sbr.rel .LBB2_166-.Ltmp127, $2  }
0x537: {  	_ =	sdelay $0x2  }
0x538: {  	p2 =	por $0x0, $0x0  }
.LBB2_167:
.Ltmp128:
0x539: {  	(pc) =	sbr.rel .LBB2_172-.Ltmp128, $2  }
0x53a: {  	_ =	sdelay $0x2  }
0x53b: {  	_ = 	snop  }
.LBB2_173:
.Ltmp129:
0x53c: {  	(pc) =	sbr.rel .LBB2_176-.Ltmp129, $2  }
0x53d: {  	_ =	sdelay $0x2  }
0x53e: {  	_ = 	snop  }
.LBB2_31:
.Ltmp130:
0x53f: {  	(pc) =	sbr.rel .LBB2_33-.Ltmp130, $2  }
0x540: {  	_ =	sdelay $0x2  }
0x541: {  	s15 =	simm.s32 $0x1  }
.LBB2_42:
.Ltmp131:
0x542: {  	(pc) =	sbr.rel .LBB2_44-.Ltmp131, $2  }
0x543: {  	_ =	sdelay $0x2  }
0x544: {  	s17 =	simm.s32 $0x1  }
.LBB2_51:
.Ltmp132:
0x545: {  	(pc) =	sbr.rel .LBB2_53-.Ltmp132, $2  }
0x546: {  	_ =	sdelay $0x2  }
0x547: {  	s15 =	simm.s32 $0x1  }
.LBB2_62:
.Ltmp133:
0x548: {  	(pc) =	sbr.rel .LBB2_64-.Ltmp133, $2  }
0x549: {  	_ =	sdelay $0x2  }
0x54a: {  	s14 =	simm.s32 $0x1  }
.LBB2_67:
.Ltmp134:
0x54b: {  	(pc) =	sbr.rel .LBB2_70-.Ltmp134, $2  }
0x54c: {  	_ =	sdelay $0x2  }
0x54d: {  	s12 =	simm.s32 $0x1  }
.LBB2_73:
.Ltmp135:
0x54e: {  	(pc) =	sbr.rel .LBB2_75-.Ltmp135, $2  }
0x54f: {  	_ =	sdelay $0x2  }
0x550: {  	s16 =	simm.s32 $0x1  }
.LBB2_78:
.Ltmp136:
0x551: {  	(pc) =	sbr.rel .LBB2_81-.Ltmp136, $2  }
0x552: {  	_ =	sdelay $0x2  }
0x553: {  	s15 =	smov.u32 s13  }
.LBB2_92:
.Ltmp137:
0x554: {  	(pc) =	sbr.rel .LBB2_94-.Ltmp137, $2  }
0x555: {  	_ =	sdelay $0x2  }
0x556: {  	s14 =	simm.s32 $0x1  }
.LBB2_97:
.Ltmp138:
0x557: {  	(pc) =	sbr.rel .LBB2_100-.Ltmp138, $2  }
0x558: {  	_ =	sdelay $0x2  }
0x559: {  	s12 =	simm.s32 $0x1  }
.LBB2_103:
.Ltmp139:
0x55a: {  	(pc) =	sbr.rel .LBB2_105-.Ltmp139, $2  }
0x55b: {  	_ =	sdelay $0x2  }
0x55c: {  	s16 =	simm.s32 $0x1  }
.LBB2_108:
.Ltmp140:
0x55d: {  	(pc) =	sbr.rel .LBB2_111-.Ltmp140, $2  }
0x55e: {  	_ =	sdelay $0x2  }
0x55f: {  	s15 =	smov.u32 s13  }
.LBB2_122:
.Ltmp141:
0x560: {  	(pc) =	sbr.rel .LBB2_124-.Ltmp141, $2  }
0x561: {  	_ =	sdelay $0x2  }
0x562: {  	s14 =	simm.s32 $0x1  }
.LBB2_127:
.Ltmp142:
0x563: {  	(pc) =	sbr.rel .LBB2_130-.Ltmp142, $2  }
0x564: {  	_ =	sdelay $0x2  }
0x565: {  	s12 =	simm.s32 $0x1  }
.LBB2_133:
.Ltmp143:
0x566: {  	(pc) =	sbr.rel .LBB2_135-.Ltmp143, $2  }
0x567: {  	_ =	sdelay $0x2  }
0x568: {  	s17 =	simm.s32 $0x1  }
.LBB2_142:
.Ltmp144:
0x569: {  	(pc) =	sbr.rel .LBB2_144-.Ltmp144, $2  }
0x56a: {  	_ =	sdelay $0x2  }
0x56b: {  	s15 =	simm.s32 $0x1  }
.LBB2_169:
.Ltmp145:
0x56c: {  	(pc) =	sbr.rel .LBB2_172-.Ltmp145, $2  }
0x56d: {  	_ =	sdelay $0x2  }
0x56e: {  	s14 =	smov.u32 s12  }
.LBB2_183:
0x56f: {  	_ =	sfence.sel $0x180000  }
0x570: {  	[bflag:$0x0] =	sbarrier.arrive $0xFFFF  }
0x571: {  	p0 =	sne.s32 s1, $0x0;
	_ =	strace $0x90000047  }
0x572: {  	s0 =	sadd.s32 @!p0 $0x100000, s0;
	[bflag:$0x2] =	sbarrier.arrive $0xFFFF  }
0x573: {  	[sflag:s0] =	ssyncadd.tile.s32 @!p0 $0x1;
	_ =	shalt  }
.Lfunc_end2:
_tile_overlayer_lowered:
.L_overlay_start_2:
0x574: {  	(tag) =	ssettag $0x2  }
0x575: {  	s0 =	rddreg [dreg:$0x0];
	s2 =	stileid.u32  }
0x576: {  	s1 =	rddreg [dreg:$0x1];
	p0 =	sne.s32 s2, $0x0  }
0x577: {  	s3 =	rddreg [dreg:$0x2];
	[bflag:$0x3] =	sbarrier.arrive $0xFFFF;
	s2 =	simm.s32 @!p0 $0x1C01  }
0x578: {  	[timem:s3], [sflag:s2] =	dma.local @!p0 [hbm:s0], s1  }
0x579: {  	s0 =	simm.s32 @!p0 $0x1  }
0x57a: {  	_ =	swait.ge @!p0 [sflag:s0], s1  }
0x57b: {  	s1 =	ssub.s32 @!p0 $0x0, s1;
	[sflag:s0] =	ssyncset.done @!p0 $0x0  }
0x57c: {  	[sflag:s0] =	ssyncadd.s32 @!p0 s1  }
0x57d: {  	[bflag:$0x3] =	sbarrier.arrive $0xFFFF  }
0x57e: {  	_ =	shalt  }

</sc_bundles>
